<compile_context>
chip_gen: v7x
topology: tpu7x:2x2x1
jax: 0.10.2.dev20260603
libtpu: 0.0.44.dev20260713+nightly
codegen_flags: <defaults>
</compile_context>

<pallas_src>
import functools

import jax
import jax.numpy as jnp
from jax import lax
from jax.experimental import pallas as pl
from jax.experimental.pallas import tpu as pltpu
from jax.experimental.pallas import tpu_sc as plsc

N_NODES = 10000
D = 128
E = 320000
DE = 16

S = 2
EH = E // S

NC = 2
NS = 16
NW = NC * NS
PER_W = EH // NW
CHUNK = 100
FE = 2 * CHUNK
FILLS = PER_W // FE
OUTER = (FILLS - 1) // 2
LANES = 16
ROW_UNROLL = 2

BN = 2000
NBLK_P = N_NODES // BN
BE = 3200
NBLK_H = EH // BE


def _pre_body(x_ref, w1a_ref, w1b_ref, out_ref):
    out_ref[0] = jnp.dot(x_ref[...], w1a_ref[...],
                         preferred_element_type=jnp.float32)
    out_ref[1] = jnp.dot(x_ref[...], w1b_ref[...],
                         preferred_element_type=jnp.float32)


def _precompute(x, W1a, W1b):
    return pl.pallas_call(
        _pre_body,
        grid=(NBLK_P,),
        in_specs=[
            pl.BlockSpec((BN, D), lambda i: (i, 0)),
            pl.BlockSpec((D, D), lambda i: (0, 0)),
            pl.BlockSpec((D, D), lambda i: (0, 0)),
        ],
        out_specs=pl.BlockSpec((2, BN, D), lambda i: (0, i, 0)),
        out_shape=jax.ShapeDtypeStruct((2, N_NODES, D), jnp.float32),
    )(x, W1a, W1b)


def _sc_gather_body(p_hbm, idx_hbm, out_hbm, idx_v, rows_v, gs0, gs1, ws0, ws1):
    c = lax.axis_index("c")
    s = lax.axis_index("s")
    wid = s * NC + c
    base = wid * PER_W
    pltpu.sync_copy(idx_hbm.at[wid], idx_v)
    g_sems = (gs0, gs1)
    w_sems = (ws0, ws1)

    def gather(q, b, half, sub):
        return (p_hbm.at[idx_v.at[q, half, sub]],
                rows_v.at[b, pl.ds((2 * half + sub) * CHUNK, CHUNK)],
                g_sems[b])

    def write(q, b):
        return (rows_v.at[b, pl.ds(0, FE)],
                out_hbm.at[pl.ds(base + q * FE, FE)],
                w_sems[b])

    def add_rows(b):
        def row_body(r, carry):
            for u in range(ROW_UNROLL):
                for l in range(D // LANES):
                    sl = pl.ds(l * LANES, LANES)
                    ri = r * ROW_UNROLL + u
                    rows_v[b, ri, sl] = (
                        rows_v[b, ri, sl] + rows_v[b, FE + ri, sl])
            return carry

        lax.fori_loop(0, FE // ROW_UNROLL, row_body, 0)

    def start_fill(q, b):
        for half in (0, 1):
            for sub in (0, 1):
                pltpu.async_copy(*gather(q, b, half, sub))

    def finish_fill(q, b):
        for half in (0, 1):
            for sub in (0, 1):
                pltpu.make_async_copy(*gather(q, b, half, sub)).wait()
        add_rows(b)
        pltpu.async_copy(*write(q, b))

    def outer(t, carry):
        for b in (0, 1):
            q = 2 * t + b

            @pl.when(t > 0)
            def _(b=b, q=q):
                pltpu.make_async_copy(*write(q - 2, b)).wait()

            start_fill(q, b)
        for b in (0, 1):
            finish_fill(2 * t + b, b)
        return carry

    lax.fori_loop(0, OUTER, outer, 0)
    q_tail = 2 * OUTER
    pltpu.make_async_copy(*write(q_tail - 2, 0)).wait()
    start_fill(q_tail, 0)
    finish_fill(q_tail, 0)
    pltpu.make_async_copy(*write(q_tail - 1, 1)).wait()
    pltpu.make_async_copy(*write(q_tail, 0)).wait()


@functools.cache
def _sc_gather():
    return functools.partial(
        pl.kernel,
        out_type=jax.ShapeDtypeStruct((EH, D), jnp.float32),
        mesh=plsc.VectorSubcoreMesh(core_axis_name="c", subcore_axis_name="s"),
        scratch_types=[
            pltpu.VMEM((FILLS, 2, 2, CHUNK), jnp.int32),
            pltpu.VMEM((2, 2 * FE, D), jnp.float32),
            pltpu.SemaphoreType.DMA,
            pltpu.SemaphoreType.DMA,
            pltpu.SemaphoreType.DMA,
            pltpu.SemaphoreType.DMA,
        ],
    )(_sc_gather_body)


def _mlp_compute(g_ref, ea_ref, w1c_ref, b1_ref, w2_ref, b2_ref, out_ref):
    z = g_ref[...] + lax.dot_general(
        ea_ref[...], w1c_ref[...], (((0,), (0,)), ((), ())),
        preferred_element_type=jnp.float32) + b1_ref[...]
    h = 0.5 * z * (1.0 + lax.erf(z * 0.7071067811865476))
    out_ref[...] = (
        jnp.dot(h, w2_ref[...], preferred_element_type=jnp.float32) + b2_ref[...]
    )


def _mlp_body_first(*refs):
    _mlp_compute(*refs)


def _mlp_body_second(prev_ref, *refs):
    del prev_ref
    _mlp_compute(*refs)


_W_SPECS = [
    pl.BlockSpec((DE, D), lambda i: (0, 0)),
    pl.BlockSpec((1, D), lambda i: (0, 0)),
    pl.BlockSpec((D, D), lambda i: (0, 0)),
    pl.BlockSpec((1, D), lambda i: (0, 0)),
]


def _mlp_slice(h, g, edge_attr_t, weights, prev_out=None):
    off = h * NBLK_H
    in_specs = [
        pl.BlockSpec((BE, D), lambda i: (i, 0)),
        pl.BlockSpec((DE, BE), lambda i, off=off: (0, i + off)),
    ] + _W_SPECS
    out_spec = pl.BlockSpec((BE, D), lambda i, off=off: (i + off, 0))
    args = (g, edge_attr_t) + weights
    if prev_out is None:
        return pl.pallas_call(
            _mlp_body_first,
            grid=(NBLK_H,),
            in_specs=in_specs,
            out_specs=out_spec,
            out_shape=jax.ShapeDtypeStruct((E, D), jnp.float32),
        )(*args)
    return pl.pallas_call(
        _mlp_body_second,
        grid=(NBLK_H,),
        in_specs=[pl.BlockSpec(memory_space=pl.ANY)] + in_specs,
        out_specs=out_spec,
        out_shape=jax.ShapeDtypeStruct((E, D), jnp.float32),
        input_output_aliases={0: 0},
    )(prev_out, *args)


def kernel(x, edge_index, edge_attr, W1, b1, W2, b2):
    src = edge_index[0].astype(jnp.int32)
    dst = edge_index[1].astype(jnp.int32)
    edge_attr_t = jnp.swapaxes(edge_attr, 0, 1)
    weights = (W1[2 * D:], b1.reshape(1, D), W2, b2.reshape(1, D))
    P = _precompute(x, W1[:D], W1[D:2 * D]).reshape(2 * N_NODES, D)
    sc = _sc_gather()
    g = []
    for h in range(S):
        s_h = src[h * EH:(h + 1) * EH].reshape(NW, FILLS, 1, 2, CHUNK)
        d_h = dst[h * EH:(h + 1) * EH].reshape(NW, FILLS, 1, 2, CHUNK) + N_NODES
        idx = jnp.concatenate([s_h, d_h], axis=2)
        g.append(sc(P, idx))
    out = _mlp_slice(0, g[0], edge_attr_t, weights)
    for h in range(1, S):
        out = _mlp_slice(h, g[h], edge_attr_t, weights, prev_out=out)
    return out

# --- scband reference (transcript-rebuilt; emitter-appended) ---
"""Pipeline reference for scband-edge-update-38628935860831 (READ-ONLY COPY).

The authoritative reference and input builder live on the scoring server;
editing this copy changes nothing except your own understanding.
"""

import jax, jax.numpy as jnp
import numpy as np

N_NODES = 10000
N_EDGES = 320000
D = 128
D_EDGE = 16
IN_DIM = 2 * D + D_EDGE  # 272


def setup_inputs(seed: int = 0) -> dict:
    key = jax.random.key(seed)
    k_x, k_ei, k_ea, k_w1, k_b1, k_w2, k_b2 = jax.random.split(key, 7)
    x = jax.random.normal(k_x, (N_NODES, D), dtype=jnp.float32)
    edge_index = jax.random.randint(k_ei, (2, N_EDGES), 0, N_NODES, dtype=jnp.int64)
    edge_attr = jax.random.normal(k_ea, (N_EDGES, D_EDGE), dtype=jnp.float32)
    # Linear layers (torch nn.Linear default init: U(-1/sqrt(fan_in), 1/sqrt(fan_in)))
    lim1 = 1.0 / np.sqrt(IN_DIM)
    W1 = jax.random.uniform(k_w1, (IN_DIM, D), minval=-lim1, maxval=lim1, dtype=jnp.float32)
    b1 = jax.random.uniform(k_b1, (D,), minval=-lim1, maxval=lim1, dtype=jnp.float32)
    lim2 = 1.0 / np.sqrt(D)
    W2 = jax.random.uniform(k_w2, (D, D), minval=-lim2, maxval=lim2, dtype=jnp.float32)
    b2 = jax.random.uniform(k_b2, (D,), minval=-lim2, maxval=lim2, dtype=jnp.float32)
    return {"x": x, "edge_index": edge_index, "edge_attr": edge_attr,
            "W1": W1, "b1": b1, "W2": W2, "b2": b2}


def reference(x, edge_index, edge_attr, W1, b1, W2, b2):
    src = edge_index[0]
    dst = edge_index[1]
    x_src = jnp.take(x, src, axis=0)   # gather [E, D]
    x_dst = jnp.take(x, dst, axis=0)   # gather [E, D]
    inp = jnp.concatenate([x_src, x_dst, edge_attr], axis=-1)  # [E, 2D+De]
    h = jnp.dot(inp, W1) + b1
    h = jax.nn.gelu(h, approximate=False)  # torch nn.GELU default is exact erf
    # dropout p=0.0 -> identity
    out = jnp.dot(h, W2) + b2
    return out

if __name__ == "__main__":
    import jax
    _d = setup_inputs()
    print(jax.jit(kernel)(*tuple(_d.values())))

</pallas_src>

<mosaic_0001>
#map = affine_map<(d0, d1) -> (0, 0)>
#map1 = affine_map<(d0, d1) -> (0, 0, 0, 0, 0)>
module attributes {stable_mosaic.version = 14 : i64} {
  func.func @_sc_gather_body(%arg0: i32, %arg1: i32, %arg2: memref<20000x128xf32, #tpu.memory_space<hbm>>, %arg3: memref<32x25x2x2x100xi32, #tpu.memory_space<hbm>>, %arg4: memref<160000x128xf32, #tpu.memory_space<hbm>>, %arg5: memref<25x2x2x100xi32, #tpu.memory_space<vmem>>, %arg6: memref<2x400x128xf32, #tpu.memory_space<vmem>>, %arg7: memref<!tpu.dma_semaphore, #tpu.memory_space<semaphore_mem>>, %arg8: memref<!tpu.dma_semaphore, #tpu.memory_space<semaphore_mem>>, %arg9: memref<!tpu.dma_semaphore, #tpu.memory_space<semaphore_mem>>, %arg10: memref<!tpu.dma_semaphore, #tpu.memory_space<semaphore_mem>>) attributes {dimension_semantics = [#tpu.dimension_semantics<core_parallel>, #tpu.dimension_semantics<subcore_parallel>], iteration_bounds = array<i64: 2, 16>, scalar_prefetch = 0 : i64, scratch_operands = 6 : i64, tpu.core_type = #tpu.core_type<sc_vector_subcore>, window_params = [{transform_indices = #map}, {transform_indices = #map1}, {transform_indices = #map}]} {
    %mul3A = arith.constant 2 : i32
    %mul3A_0 = arith.muli %arg1, %mul3A : i32
    %add3A = arith.addi %mul3A_0, %arg0 : i32
    %mul3A_1 = arith.constant 5000 : i32
    %mul3A_2 = arith.muli %add3A, %mul3A_1 : i32
    "tpu.region"() ({
      %run_scoped3A = tpu.sem_alloc : memref<!tpu.dma_semaphore, #tpu.memory_space<semaphore_mem>>
      %dma_start3A_184 = arith.constant 0 : i32
      %dma_start3A_185 = arith.constant 0 : i32
      %dma_start3A_186 = arith.constant 0 : i32
      %dma_start3A_187 = arith.constant 0 : i32
      %dma_start3A_188 = tpu.memref_slice %arg3[%add3A, %dma_start3A_184, %dma_start3A_185, %dma_start3A_186, %dma_start3A_187] : memref<32x25x2x2x100xi32, #tpu.memory_space<hbm>> -> memref<1x25x2x2x100xi32, #tpu.memory_space<hbm>>
      %dma_start3A_189 = tpu.memref_squeeze %dma_start3A_188 : memref<1x25x2x2x100xi32, #tpu.memory_space<hbm>> -> memref<25x2x2x100xi32, #tpu.memory_space<hbm>>
      %dma_start3A_190 = arith.constant 0 : i32
      %dma_start3A_191 = arith.constant 0 : i32
      %dma_start3A_192 = arith.constant 0 : i32
      %dma_start3A_193 = arith.constant 0 : i32
      %dma_start3A_194 = tpu.memref_slice %arg3[%add3A, %dma_start3A_190, %dma_start3A_191, %dma_start3A_192, %dma_start3A_193] : memref<32x25x2x2x100xi32, #tpu.memory_space<hbm>> -> memref<1x25x2x2x100xi32, #tpu.memory_space<hbm>>
      %dma_start3A_195 = tpu.memref_squeeze %dma_start3A_194 : memref<1x25x2x2x100xi32, #tpu.memory_space<hbm>> -> memref<25x2x2x100xi32, #tpu.memory_space<hbm>>
      tpu.enqueue_dma source(%dma_start3A_195 : memref<25x2x2x100xi32, #tpu.memory_space<hbm>>) target(%arg5 : memref<25x2x2x100xi32, #tpu.memory_space<vmem>>) target_semaphore(%run_scoped3A : memref<!tpu.dma_semaphore, #tpu.memory_space<semaphore_mem>>)
      %dma_wait3A_196 = arith.constant 0 : i32
      %dma_wait3A_197 = arith.constant 0 : i32
      %dma_wait3A_198 = arith.constant 0 : i32
      %dma_wait3A_199 = arith.constant 0 : i32
      %dma_wait3A_200 = tpu.memref_slice %arg3[%add3A, %dma_wait3A_196, %dma_wait3A_197, %dma_wait3A_198, %dma_wait3A_199] : memref<32x25x2x2x100xi32, #tpu.memory_space<hbm>> -> memref<1x25x2x2x100xi32, #tpu.memory_space<hbm>>
      %dma_wait3A_201 = tpu.memref_squeeze %dma_wait3A_200 : memref<1x25x2x2x100xi32, #tpu.memory_space<hbm>> -> memref<25x2x2x100xi32, #tpu.memory_space<hbm>>
      %dma_wait3A_202 = arith.constant 0 : i32
      %dma_wait3A_203 = arith.constant 0 : i32
      %dma_wait3A_204 = arith.constant 0 : i32
      %dma_wait3A_205 = arith.constant 0 : i32
      %dma_wait3A_206 = tpu.memref_slice %arg3[%add3A, %dma_wait3A_202, %dma_wait3A_203, %dma_wait3A_204, %dma_wait3A_205] : memref<32x25x2x2x100xi32, #tpu.memory_space<hbm>> -> memref<1x25x2x2x100xi32, #tpu.memory_space<hbm>>
      %dma_wait3A_207 = tpu.memref_squeeze %dma_wait3A_206 : memref<1x25x2x2x100xi32, #tpu.memory_space<hbm>> -> memref<25x2x2x100xi32, #tpu.memory_space<hbm>>
      tpu.wait_dma2 semaphore(%run_scoped3A : memref<!tpu.dma_semaphore, #tpu.memory_space<semaphore_mem>>) src(%dma_wait3A_207 : memref<25x2x2x100xi32, #tpu.memory_space<hbm>>) dst(%arg5 : memref<25x2x2x100xi32, #tpu.memory_space<vmem>>)
      tpu.yield
    }) : () -> ()
    %scan3A = arith.constant 0 : i32
    %scan3A_3 = arith.constant 0 : i32
    %scan3A_4 = arith.constant 12 : i32
    %scan3A_5 = arith.addi %scan3A_3, %scan3A_4 : i32
    %scan3A_6 = arith.constant 1 : i32
    scf.for %scan3A_184 = %scan3A_3 to %scan3A_5 step %scan3A_6  : i32 {
      %mul3A_185 = arith.constant 2 : i32
      %mul3A_186 = arith.muli %mul3A_185, %scan3A_184 : i32
      %add3A_187 = arith.constant 0 : i32
      %add3A_188 = arith.addi %mul3A_186, %add3A_187 : i32
      %gt3A = arith.constant 0 : i32
      %gt3A_189 = arith.cmpi sgt, %scan3A_184, %gt3A : i32
      %convert_element_type3A = arith.extui %gt3A_189 : i1 to i32
      %cond3A = arith.constant 0 : i32
      %cond3A_190 = arith.cmpi ne, %convert_element_type3A, %cond3A : i32
      scf.if %cond3A_190 {
        %sub3A = arith.constant 2 : i32
        %sub3A_460 = arith.subi %add3A_188, %sub3A : i32
        %mul3A_461 = arith.constant 200 : i32
        %mul3A_462 = arith.muli %sub3A_460, %mul3A_461 : i32
        %add3A_463 = arith.addi %mul3A_2, %mul3A_462 : i32
        %dma_wait3A_464 = arith.constant 0 : i32
        %dma_wait3A_465 = arith.constant 0 : i32
        %dma_wait3A_466 = arith.constant 0 : i32
        %dma_wait3A_467 = tpu.memref_slice %arg6[%dma_wait3A_464, %dma_wait3A_465, %dma_wait3A_466] : memref<2x400x128xf32, #tpu.memory_space<vmem>> -> memref<1x200x128xf32, #tpu.memory_space<vmem>>
        %dma_wait3A_468 = tpu.memref_squeeze %dma_wait3A_467 : memref<1x200x128xf32, #tpu.memory_space<vmem>> -> memref<200x128xf32, #tpu.memory_space<vmem>>
        %dma_wait3A_469 = arith.constant 0 : i32
        %dma_wait3A_470 = tpu.memref_slice %arg4[%add3A_463, %dma_wait3A_469] : memref<160000x128xf32, #tpu.memory_space<hbm>> -> memref<200x128xf32, #tpu.memory_space<hbm>>
        %dma_wait3A_471 = arith.constant 0 : i32
        %dma_wait3A_472 = tpu.memref_slice %arg4[%add3A_463, %dma_wait3A_471] : memref<160000x128xf32, #tpu.memory_space<hbm>> -> memref<200x128xf32, #tpu.memory_space<hbm>>
        %dma_wait3A_473 = arith.constant 0 : i32
        %dma_wait3A_474 = arith.constant 0 : i32
        %dma_wait3A_475 = tpu.memref_slice %arg6[%dma_wait3A_464, %dma_wait3A_473, %dma_wait3A_474] : memref<2x400x128xf32, #tpu.memory_space<vmem>> -> memref<1x200x128xf32, #tpu.memory_space<vmem>>
        %dma_wait3A_476 = tpu.memref_squeeze %dma_wait3A_475 : memref<1x200x128xf32, #tpu.memory_space<vmem>> -> memref<200x128xf32, #tpu.memory_space<vmem>>
        tpu.wait_dma2 semaphore(%arg9 : memref<!tpu.dma_semaphore, #tpu.memory_space<semaphore_mem>>) src(%dma_wait3A_476 : memref<200x128xf32, #tpu.memory_space<vmem>>) dst(%dma_wait3A_472 : memref<200x128xf32, #tpu.memory_space<hbm>>)
      } else {
      }
      %dma_start3A_191 = arith.constant 0 : i32
      %dma_start3A_192 = arith.constant 0 : i32
      %dma_start3A_193 = arith.constant 0 : i32
      %dma_start3A_194 = arith.constant 0 : i32
      %dma_start3A_195 = arith.constant 0 : i32
      %dma_start3A_196 = tpu.memref_slice %arg6[%dma_start3A_193, %dma_start3A_194, %dma_start3A_195] : memref<2x400x128xf32, #tpu.memory_space<vmem>> -> memref<1x100x128xf32, #tpu.memory_space<vmem>>
      %dma_start3A_197 = tpu.memref_squeeze %dma_start3A_196 : memref<1x100x128xf32, #tpu.memory_space<vmem>> -> memref<100x128xf32, #tpu.memory_space<vmem>>
      %dma_start3A_198 = arith.constant 0 : i32
      %dma_start3A_199 = tpu.memref_slice %arg5[%add3A_188, %dma_start3A_191, %dma_start3A_192, %dma_start3A_198] : memref<25x2x2x100xi32, #tpu.memory_space<vmem>> -> memref<1x1x1x100xi32, #tpu.memory_space<vmem>>
      %dma_start3A_200 = tpu.memref_squeeze %dma_start3A_199 : memref<1x1x1x100xi32, #tpu.memory_space<vmem>> -> memref<100xi32, #tpu.memory_space<vmem>>
      %dma_start3A_201 = arith.constant 0 : i32
      %dma_start3A_202 = arith.constant 0 : i32
      %dma_start3A_203 = tpu.memref_slice %arg2[%dma_start3A_201, %dma_start3A_202] : memref<20000x128xf32, #tpu.memory_space<hbm>> -> memref<20000x128xf32, #tpu.memory_space<hbm>>
      tpu.enqueue_indirect_dma source(%dma_start3A_203 : memref<20000x128xf32, #tpu.memory_space<hbm>>) target(%dma_start3A_197 : memref<100x128xf32, #tpu.memory_space<vmem>>) offsets(%dma_start3A_200 : memref<100xi32, #tpu.memory_space<vmem>>) semaphore(%arg7 : memref<!tpu.dma_semaphore, #tpu.memory_space<semaphore_mem>>)
      %dma_start3A_204 = arith.constant 0 : i32
      %dma_start3A_205 = arith.constant 1 : i32
      %dma_start3A_206 = arith.constant 0 : i32
      %dma_start3A_207 = arith.constant 100 : i32
      %dma_start3A_208 = arith.constant 0 : i32
      %dma_start3A_209 = tpu.memref_slice %arg6[%dma_start3A_206, %dma_start3A_207, %dma_start3A_208] : memref<2x400x128xf32, #tpu.memory_space<vmem>> -> memref<1x100x128xf32, #tpu.memory_space<vmem>>
      %dma_start3A_210 = tpu.memref_squeeze %dma_start3A_209 : memref<1x100x128xf32, #tpu.memory_space<vmem>> -> memref<100x128xf32, #tpu.memory_space<vmem>>
      %dma_start3A_211 = arith.constant 0 : i32
      %dma_start3A_212 = tpu.memref_slice %arg5[%add3A_188, %dma_start3A_204, %dma_start3A_205, %dma_start3A_211] : memref<25x2x2x100xi32, #tpu.memory_space<vmem>> -> memref<1x1x1x100xi32, #tpu.memory_space<vmem>>
      %dma_start3A_213 = tpu.memref_squeeze %dma_start3A_212 : memref<1x1x1x100xi32, #tpu.memory_space<vmem>> -> memref<100xi32, #tpu.memory_space<vmem>>
      %dma_start3A_214 = arith.constant 0 : i32
      %dma_start3A_215 = arith.constant 0 : i32
      %dma_start3A_216 = tpu.memref_slice %arg2[%dma_start3A_214, %dma_start3A_215] : memref<20000x128xf32, #tpu.memory_space<hbm>> -> memref<20000x128xf32, #tpu.memory_space<hbm>>
      tpu.enqueue_indirect_dma source(%dma_start3A_216 : memref<20000x128xf32, #tpu.memory_space<hbm>>) target(%dma_start3A_210 : memref<100x128xf32, #tpu.memory_space<vmem>>) offsets(%dma_start3A_213 : memref<100xi32, #tpu.memory_space<vmem>>) semaphore(%arg7 : memref<!tpu.dma_semaphore, #tpu.memory_space<semaphore_mem>>)
      %dma_start3A_217 = arith.constant 1 : i32
      %dma_start3A_218 = arith.constant 0 : i32
      %dma_start3A_219 = arith.constant 0 : i32
      %dma_start3A_220 = arith.constant 200 : i32
      %dma_start3A_221 = arith.constant 0 : i32
      %dma_start3A_222 = tpu.memref_slice %arg6[%dma_start3A_219, %dma_start3A_220, %dma_start3A_221] : memref<2x400x128xf32, #tpu.memory_space<vmem>> -> memref<1x100x128xf32, #tpu.memory_space<vmem>>
      %dma_start3A_223 = tpu.memref_squeeze %dma_start3A_222 : memref<1x100x128xf32, #tpu.memory_space<vmem>> -> memref<100x128xf32, #tpu.memory_space<vmem>>
      %dma_start3A_224 = arith.constant 0 : i32
      %dma_start3A_225 = tpu.memref_slice %arg5[%add3A_188, %dma_start3A_217, %dma_start3A_218, %dma_start3A_224] : memref<25x2x2x100xi32, #tpu.memory_space<vmem>> -> memref<1x1x1x100xi32, #tpu.memory_space<vmem>>
      %dma_start3A_226 = tpu.memref_squeeze %dma_start3A_225 : memref<1x1x1x100xi32, #tpu.memory_space<vmem>> -> memref<100xi32, #tpu.memory_space<vmem>>
      %dma_start3A_227 = arith.constant 0 : i32
      %dma_start3A_228 = arith.constant 0 : i32
      %dma_start3A_229 = tpu.memref_slice %arg2[%dma_start3A_227, %dma_start3A_228] : memref<20000x128xf32, #tpu.memory_space<hbm>> -> memref<20000x128xf32, #tpu.memory_space<hbm>>
      tpu.enqueue_indirect_dma source(%dma_start3A_229 : memref<20000x128xf32, #tpu.memory_space<hbm>>) target(%dma_start3A_223 : memref<100x128xf32, #tpu.memory_space<vmem>>) offsets(%dma_start3A_226 : memref<100xi32, #tpu.memory_space<vmem>>) semaphore(%arg7 : memref<!tpu.dma_semaphore, #tpu.memory_space<semaphore_mem>>)
      %dma_start3A_230 = arith.constant 1 : i32
      %dma_start3A_231 = arith.constant 1 : i32
      %dma_start3A_232 = arith.constant 0 : i32
      %dma_start3A_233 = arith.constant 300 : i32
      %dma_start3A_234 = arith.constant 0 : i32
      %dma_start3A_235 = tpu.memref_slice %arg6[%dma_start3A_232, %dma_start3A_233, %dma_start3A_234] : memref<2x400x128xf32, #tpu.memory_space<vmem>> -> memref<1x100x128xf32, #tpu.memory_space<vmem>>
      %dma_start3A_236 = tpu.memref_squeeze %dma_start3A_235 : memref<1x100x128xf32, #tpu.memory_space<vmem>> -> memref<100x128xf32, #tpu.memory_space<vmem>>
      %dma_start3A_237 = arith.constant 0 : i32
      %dma_start3A_238 = tpu.memref_slice %arg5[%add3A_188, %dma_start3A_230, %dma_start3A_231, %dma_start3A_237] : memref<25x2x2x100xi32, #tpu.memory_space<vmem>> -> memref<1x1x1x100xi32, #tpu.memory_space<vmem>>
      %dma_start3A_239 = tpu.memref_squeeze %dma_start3A_238 : memref<1x1x1x100xi32, #tpu.memory_space<vmem>> -> memref<100xi32, #tpu.memory_space<vmem>>
      %dma_start3A_240 = arith.constant 0 : i32
      %dma_start3A_241 = arith.constant 0 : i32
      %dma_start3A_242 = tpu.memref_slice %arg2[%dma_start3A_240, %dma_start3A_241] : memref<20000x128xf32, #tpu.memory_space<hbm>> -> memref<20000x128xf32, #tpu.memory_space<hbm>>
      tpu.enqueue_indirect_dma source(%dma_start3A_242 : memref<20000x128xf32, #tpu.memory_space<hbm>>) target(%dma_start3A_236 : memref<100x128xf32, #tpu.memory_space<vmem>>) offsets(%dma_start3A_239 : memref<100xi32, #tpu.memory_space<vmem>>) semaphore(%arg7 : memref<!tpu.dma_semaphore, #tpu.memory_space<semaphore_mem>>)
      %mul3A_243 = arith.constant 2 : i32
      %mul3A_244 = arith.muli %mul3A_243, %scan3A_184 : i32
      %add3A_245 = arith.constant 1 : i32
      %add3A_246 = arith.addi %mul3A_244, %add3A_245 : i32
      %gt3A_247 = arith.constant 0 : i32
      %gt3A_248 = arith.cmpi sgt, %scan3A_184, %gt3A_247 : i32
      %convert_element_type3A_249 = arith.extui %gt3A_248 : i1 to i32
      %cond3A_250 = arith.constant 0 : i32
      %cond3A_251 = arith.cmpi ne, %convert_element_type3A_249, %cond3A_250 : i32
      scf.if %cond3A_251 {
        %sub3A = arith.constant 2 : i32
        %sub3A_460 = arith.subi %add3A_246, %sub3A : i32
        %mul3A_461 = arith.constant 200 : i32
        %mul3A_462 = arith.muli %sub3A_460, %mul3A_461 : i32
        %add3A_463 = arith.addi %mul3A_2, %mul3A_462 : i32
        %dma_wait3A_464 = arith.constant 1 : i32
        %dma_wait3A_465 = arith.constant 0 : i32
        %dma_wait3A_466 = arith.constant 0 : i32
        %dma_wait3A_467 = tpu.memref_slice %arg6[%dma_wait3A_464, %dma_wait3A_465, %dma_wait3A_466] : memref<2x400x128xf32, #tpu.memory_space<vmem>> -> memref<1x200x128xf32, #tpu.memory_space<vmem>>
        %dma_wait3A_468 = tpu.memref_squeeze %dma_wait3A_467 : memref<1x200x128xf32, #tpu.memory_space<vmem>> -> memref<200x128xf32, #tpu.memory_space<vmem>>
        %dma_wait3A_469 = arith.constant 0 : i32
        %dma_wait3A_470 = tpu.memref_slice %arg4[%add3A_463, %dma_wait3A_469] : memref<160000x128xf32, #tpu.memory_space<hbm>> -> memref<200x128xf32, #tpu.memory_space<hbm>>
        %dma_wait3A_471 = arith.constant 0 : i32
        %dma_wait3A_472 = tpu.memref_slice %arg4[%add3A_463, %dma_wait3A_471] : memref<160000x128xf32, #tpu.memory_space<hbm>> -> memref<200x128xf32, #tpu.memory_space<hbm>>
        %dma_wait3A_473 = arith.constant 0 : i32
        %dma_wait3A_474 = arith.constant 0 : i32
        %dma_wait3A_475 = tpu.memref_slice %arg6[%dma_wait3A_464, %dma_wait3A_473, %dma_wait3A_474] : memref<2x400x128xf32, #tpu.memory_space<vmem>> -> memref<1x200x128xf32, #tpu.memory_space<vmem>>
        %dma_wait3A_476 = tpu.memref_squeeze %dma_wait3A_475 : memref<1x200x128xf32, #tpu.memory_space<vmem>> -> memref<200x128xf32, #tpu.memory_space<vmem>>
        tpu.wait_dma2 semaphore(%arg10 : memref<!tpu.dma_semaphore, #tpu.memory_space<semaphore_mem>>) src(%dma_wait3A_476 : memref<200x128xf32, #tpu.memory_space<vmem>>) dst(%dma_wait3A_472 : memref<200x128xf32, #tpu.memory_space<hbm>>)
      } else {
      }
      %dma_start3A_252 = arith.constant 0 : i32
      %dma_start3A_253 = arith.constant 0 : i32
      %dma_start3A_254 = arith.constant 1 : i32
      %dma_start3A_255 = arith.constant 0 : i32
      %dma_start3A_256 = arith.constant 0 : i32
      %dma_start3A_257 = tpu.memref_slice %arg6[%dma_start3A_254, %dma_start3A_255, %dma_start3A_256] : memref<2x400x128xf32, #tpu.memory_space<vmem>> -> memref<1x100x128xf32, #tpu.memory_space<vmem>>
      %dma_start3A_258 = tpu.memref_squeeze %dma_start3A_257 : memref<1x100x128xf32, #tpu.memory_space<vmem>> -> memref<100x128xf32, #tpu.memory_space<vmem>>
      %dma_start3A_259 = arith.constant 0 : i32
      %dma_start3A_260 = tpu.memref_slice %arg5[%add3A_246, %dma_start3A_252, %dma_start3A_253, %dma_start3A_259] : memref<25x2x2x100xi32, #tpu.memory_space<vmem>> -> memref<1x1x1x100xi32, #tpu.memory_space<vmem>>
      %dma_start3A_261 = tpu.memref_squeeze %dma_start3A_260 : memref<1x1x1x100xi32, #tpu.memory_space<vmem>> -> memref<100xi32, #tpu.memory_space<vmem>>
      %dma_start3A_262 = arith.constant 0 : i32
      %dma_start3A_263 = arith.constant 0 : i32
      %dma_start3A_264 = tpu.memref_slice %arg2[%dma_start3A_262, %dma_start3A_263] : memref<20000x128xf32, #tpu.memory_space<hbm>> -> memref<20000x128xf32, #tpu.memory_space<hbm>>
      tpu.enqueue_indirect_dma source(%dma_start3A_264 : memref<20000x128xf32, #tpu.memory_space<hbm>>) target(%dma_start3A_258 : memref<100x128xf32, #tpu.memory_space<vmem>>) offsets(%dma_start3A_261 : memref<100xi32, #tpu.memory_space<vmem>>) semaphore(%arg8 : memref<!tpu.dma_semaphore, #tpu.memory_space<semaphore_mem>>)
      %dma_start3A_265 = arith.constant 0 : i32
      %dma_start3A_266 = arith.constant 1 : i32
      %dma_start3A_267 = arith.constant 1 : i32
      %dma_start3A_268 = arith.constant 100 : i32
      %dma_start3A_269 = arith.constant 0 : i32
      %dma_start3A_270 = tpu.memref_slice %arg6[%dma_start3A_267, %dma_start3A_268, %dma_start3A_269] : memref<2x400x128xf32, #tpu.memory_space<vmem>> -> memref<1x100x128xf32, #tpu.memory_space<vmem>>
      %dma_start3A_271 = tpu.memref_squeeze %dma_start3A_270 : memref<1x100x128xf32, #tpu.memory_space<vmem>> -> memref<100x128xf32, #tpu.memory_space<vmem>>
      %dma_start3A_272 = arith.constant 0 : i32
      %dma_start3A_273 = tpu.memref_slice %arg5[%add3A_246, %dma_start3A_265, %dma_start3A_266, %dma_start3A_272] : memref<25x2x2x100xi32, #tpu.memory_space<vmem>> -> memref<1x1x1x100xi32, #tpu.memory_space<vmem>>
      %dma_start3A_274 = tpu.memref_squeeze %dma_start3A_273 : memref<1x1x1x100xi32, #tpu.memory_space<vmem>> -> memref<100xi32, #tpu.memory_space<vmem>>
      %dma_start3A_275 = arith.constant 0 : i32
      %dma_start3A_276 = arith.constant 0 : i32
      %dma_start3A_277 = tpu.memref_slice %arg2[%dma_start3A_275, %dma_start3A_276] : memref<20000x128xf32, #tpu.memory_space<hbm>> -> memref<20000x128xf32, #tpu.memory_space<hbm>>
      tpu.enqueue_indirect_dma source(%dma_start3A_277 : memref<20000x128xf32, #tpu.memory_space<hbm>>) target(%dma_start3A_271 : memref<100x128xf32, #tpu.memory_space<vmem>>) offsets(%dma_start3A_274 : memref<100xi32, #tpu.memory_space<vmem>>) semaphore(%arg8 : memref<!tpu.dma_semaphore, #tpu.memory_space<semaphore_mem>>)
      %dma_start3A_278 = arith.constant 1 : i32
      %dma_start3A_279 = arith.constant 0 : i32
      %dma_start3A_280 = arith.constant 1 : i32
      %dma_start3A_281 = arith.constant 200 : i32
      %dma_start3A_282 = arith.constant 0 : i32
      %dma_start3A_283 = tpu.memref_slice %arg6[%dma_start3A_280, %dma_start3A_281, %dma_start3A_282] : memref<2x400x128xf32, #tpu.memory_space<vmem>> -> memref<1x100x128xf32, #tpu.memory_space<vmem>>
      %dma_start3A_284 = tpu.memref_squeeze %dma_start3A_283 : memref<1x100x128xf32, #tpu.memory_space<vmem>> -> memref<100x128xf32, #tpu.memory_space<vmem>>
      %dma_start3A_285 = arith.constant 0 : i32
      %dma_start3A_286 = tpu.memref_slice %arg5[%add3A_246, %dma_start3A_278, %dma_start3A_279, %dma_start3A_285] : memref<25x2x2x100xi32, #tpu.memory_space<vmem>> -> memref<1x1x1x100xi32, #tpu.memory_space<vmem>>
      %dma_start3A_287 = tpu.memref_squeeze %dma_start3A_286 : memref<1x1x1x100xi32, #tpu.memory_space<vmem>> -> memref<100xi32, #tpu.memory_space<vmem>>
      %dma_start3A_288 = arith.constant 0 : i32
      %dma_start3A_289 = arith.constant 0 : i32
      %dma_start3A_290 = tpu.memref_slice %arg2[%dma_start3A_288, %dma_start3A_289] : memref<20000x128xf32, #tpu.memory_space<hbm>> -> memref<20000x128xf32, #tpu.memory_space<hbm>>
      tpu.enqueue_indirect_dma source(%dma_start3A_290 : memref<20000x128xf32, #tpu.memory_space<hbm>>) target(%dma_start3A_284 : memref<100x128xf32, #tpu.memory_space<vmem>>) offsets(%dma_start3A_287 : memref<100xi32, #tpu.memory_space<vmem>>) semaphore(%arg8 : memref<!tpu.dma_semaphore, #tpu.memory_space<semaphore_mem>>)
      %dma_start3A_291 = arith.constant 1 : i32
      %dma_start3A_292 = arith.constant 1 : i32
      %dma_start3A_293 = arith.constant 1 : i32
      %dma_start3A_294 = arith.constant 300 : i32
      %dma_start3A_295 = arith.constant 0 : i32
      %dma_start3A_296 = tpu.memref_slice %arg6[%dma_start3A_293, %dma_start3A_294, %dma_start3A_295] : memref<2x400x128xf32, #tpu.memory_space<vmem>> -> memref<1x100x128xf32, #tpu.memory_space<vmem>>
      %dma_start3A_297 = tpu.memref_squeeze %dma_start3A_296 : memref<1x100x128xf32, #tpu.memory_space<vmem>> -> memref<100x128xf32, #tpu.memory_space<vmem>>
      %dma_start3A_298 = arith.constant 0 : i32
      %dma_start3A_299 = tpu.memref_slice %arg5[%add3A_246, %dma_start3A_291, %dma_start3A_292, %dma_start3A_298] : memref<25x2x2x100xi32, #tpu.memory_space<vmem>> -> memref<1x1x1x100xi32, #tpu.memory_space<vmem>>
      %dma_start3A_300 = tpu.memref_squeeze %dma_start3A_299 : memref<1x1x1x100xi32, #tpu.memory_space<vmem>> -> memref<100xi32, #tpu.memory_space<vmem>>
      %dma_start3A_301 = arith.constant 0 : i32
      %dma_start3A_302 = arith.constant 0 : i32
      %dma_start3A_303 = tpu.memref_slice %arg2[%dma_start3A_301, %dma_start3A_302] : memref<20000x128xf32, #tpu.memory_space<hbm>> -> memref<20000x128xf32, #tpu.memory_space<hbm>>
      tpu.enqueue_indirect_dma source(%dma_start3A_303 : memref<20000x128xf32, #tpu.memory_space<hbm>>) target(%dma_start3A_297 : memref<100x128xf32, #tpu.memory_space<vmem>>) offsets(%dma_start3A_300 : memref<100xi32, #tpu.memory_space<vmem>>) semaphore(%arg8 : memref<!tpu.dma_semaphore, #tpu.memory_space<semaphore_mem>>)
      %mul3A_304 = arith.constant 2 : i32
      %mul3A_305 = arith.muli %mul3A_304, %scan3A_184 : i32
      %add3A_306 = arith.constant 0 : i32
      %add3A_307 = arith.addi %mul3A_305, %add3A_306 : i32
      %dma_wait3A_308 = arith.constant 0 : i32
      %dma_wait3A_309 = arith.constant 0 : i32
      %dma_wait3A_310 = arith.constant 0 : i32
      %dma_wait3A_311 = arith.constant 0 : i32
      %dma_wait3A_312 = arith.constant 0 : i32
      %dma_wait3A_313 = tpu.memref_slice %arg6[%dma_wait3A_310, %dma_wait3A_311, %dma_wait3A_312] : memref<2x400x128xf32, #tpu.memory_space<vmem>> -> memref<1x100x128xf32, #tpu.memory_space<vmem>>
      %dma_wait3A_314 = tpu.memref_squeeze %dma_wait3A_313 : memref<1x100x128xf32, #tpu.memory_space<vmem>> -> memref<100x128xf32, #tpu.memory_space<vmem>>
      %dma_wait3A_315 = arith.constant 0 : i32
      %dma_wait3A_316 = tpu.memref_slice %arg5[%add3A_307, %dma_wait3A_308, %dma_wait3A_309, %dma_wait3A_315] : memref<25x2x2x100xi32, #tpu.memory_space<vmem>> -> memref<1x1x1x100xi32, #tpu.memory_space<vmem>>
      %dma_wait3A_317 = tpu.memref_squeeze %dma_wait3A_316 : memref<1x1x1x100xi32, #tpu.memory_space<vmem>> -> memref<100xi32, #tpu.memory_space<vmem>>
      %dma_wait3A_318 = arith.constant 0 : i32
      %dma_wait3A_319 = arith.constant 0 : i32
      %dma_wait3A_320 = tpu.memref_slice %arg2[%dma_wait3A_318, %dma_wait3A_319] : memref<20000x128xf32, #tpu.memory_space<hbm>> -> memref<20000x128xf32, #tpu.memory_space<hbm>>
      tpu.wait_indirect_dma semaphore(%arg7 : memref<!tpu.dma_semaphore, #tpu.memory_space<semaphore_mem>>) src(%dma_wait3A_320 : memref<20000x128xf32, #tpu.memory_space<hbm>>) dst(%dma_wait3A_314 : memref<100x128xf32, #tpu.memory_space<vmem>>)
      %dma_wait3A_321 = arith.constant 0 : i32
      %dma_wait3A_322 = arith.constant 1 : i32
      %dma_wait3A_323 = arith.constant 0 : i32
      %dma_wait3A_324 = arith.constant 100 : i32
      %dma_wait3A_325 = arith.constant 0 : i32
      %dma_wait3A_326 = tpu.memref_slice %arg6[%dma_wait3A_323, %dma_wait3A_324, %dma_wait3A_325] : memref<2x400x128xf32, #tpu.memory_space<vmem>> -> memref<1x100x128xf32, #tpu.memory_space<vmem>>
      %dma_wait3A_327 = tpu.memref_squeeze %dma_wait3A_326 : memref<1x100x128xf32, #tpu.memory_space<vmem>> -> memref<100x128xf32, #tpu.memory_space<vmem>>
      %dma_wait3A_328 = arith.constant 0 : i32
      %dma_wait3A_329 = tpu.memref_slice %arg5[%add3A_307, %dma_wait3A_321, %dma_wait3A_322, %dma_wait3A_328] : memref<25x2x2x100xi32, #tpu.memory_space<vmem>> -> memref<1x1x1x100xi32, #tpu.memory_space<vmem>>
      %dma_wait3A_330 = tpu.memref_squeeze %dma_wait3A_329 : memref<1x1x1x100xi32, #tpu.memory_space<vmem>> -> memref<100xi32, #tpu.memory_space<vmem>>
      %dma_wait3A_331 = arith.constant 0 : i32
      %dma_wait3A_332 = arith.constant 0 : i32
      %dma_wait3A_333 = tpu.memref_slice %arg2[%dma_wait3A_331, %dma_wait3A_332] : memref<20000x128xf32, #tpu.memory_space<hbm>> -> memref<20000x128xf32, #tpu.memory_space<hbm>>
      tpu.wait_indirect_dma semaphore(%arg7 : memref<!tpu.dma_semaphore, #tpu.memory_space<semaphore_mem>>) src(%dma_wait3A_333 : memref<20000x128xf32, #tpu.memory_space<hbm>>) dst(%dma_wait3A_327 : memref<100x128xf32, #tpu.memory_space<vmem>>)
      %dma_wait3A_334 = arith.constant 1 : i32
      %dma_wait3A_335 = arith.constant 0 : i32
      %dma_wait3A_336 = arith.constant 0 : i32
      %dma_wait3A_337 = arith.constant 200 : i32
      %dma_wait3A_338 = arith.constant 0 : i32
      %dma_wait3A_339 = tpu.memref_slice %arg6[%dma_wait3A_336, %dma_wait3A_337, %dma_wait3A_338] : memref<2x400x128xf32, #tpu.memory_space<vmem>> -> memref<1x100x128xf32, #tpu.memory_space<vmem>>
      %dma_wait3A_340 = tpu.memref_squeeze %dma_wait3A_339 : memref<1x100x128xf32, #tpu.memory_space<vmem>> -> memref<100x128xf32, #tpu.memory_space<vmem>>
      %dma_wait3A_341 = arith.constant 0 : i32
      %dma_wait3A_342 = tpu.memref_slice %arg5[%add3A_307, %dma_wait3A_334, %dma_wait3A_335, %dma_wait3A_341] : memref<25x2x2x100xi32, #tpu.memory_space<vmem>> -> memref<1x1x1x100xi32, #tpu.memory_space<vmem>>
      %dma_wait3A_343 = tpu.memref_squeeze %dma_wait3A_342 : memref<1x1x1x100xi32, #tpu.memory_space<vmem>> -> memref<100xi32, #tpu.memory_space<vmem>>
      %dma_wait3A_344 = arith.constant 0 : i32
      %dma_wait3A_345 = arith.constant 0 : i32
      %dma_wait3A_346 = tpu.memref_slice %arg2[%dma_wait3A_344, %dma_wait3A_345] : memref<20000x128xf32, #tpu.memory_space<hbm>> -> memref<20000x128xf32, #tpu.memory_space<hbm>>
      tpu.wait_indirect_dma semaphore(%arg7 : memref<!tpu.dma_semaphore, #tpu.memory_space<semaphore_mem>>) src(%dma_wait3A_346 : memref<20000x128xf32, #tpu.memory_space<hbm>>) dst(%dma_wait3A_340 : memref<100x128xf32, #tpu.memory_space<vmem>>)
      %dma_wait3A_347 = arith.constant 1 : i32
      %dma_wait3A_348 = arith.constant 1 : i32
      %dma_wait3A_349 = arith.constant 0 : i32
      %dma_wait3A_350 = arith.constant 300 : i32
      %dma_wait3A_351 = arith.constant 0 : i32
      %dma_wait3A_352 = tpu.memref_slice %arg6[%dma_wait3A_349, %dma_wait3A_350, %dma_wait3A_351] : memref<2x400x128xf32, #tpu.memory_space<vmem>> -> memref<1x100x128xf32, #tpu.memory_space<vmem>>
      %dma_wait3A_353 = tpu.memref_squeeze %dma_wait3A_352 : memref<1x100x128xf32, #tpu.memory_space<vmem>> -> memref<100x128xf32, #tpu.memory_space<vmem>>
      %dma_wait3A_354 = arith.constant 0 : i32
      %dma_wait3A_355 = tpu.memref_slice %arg5[%add3A_307, %dma_wait3A_347, %dma_wait3A_348, %dma_wait3A_354] : memref<25x2x2x100xi32, #tpu.memory_space<vmem>> -> memref<1x1x1x100xi32, #tpu.memory_space<vmem>>
      %dma_wait3A_356 = tpu.memref_squeeze %dma_wait3A_355 : memref<1x1x1x100xi32, #tpu.memory_space<vmem>> -> memref<100xi32, #tpu.memory_space<vmem>>
      %dma_wait3A_357 = arith.constant 0 : i32
      %dma_wait3A_358 = arith.constant 0 : i32
      %dma_wait3A_359 = tpu.memref_slice %arg2[%dma_wait3A_357, %dma_wait3A_358] : memref<20000x128xf32, #tpu.memory_space<hbm>> -> memref<20000x128xf32, #tpu.memory_space<hbm>>
      tpu.wait_indirect_dma semaphore(%arg7 : memref<!tpu.dma_semaphore, #tpu.memory_space<semaphore_mem>>) src(%dma_wait3A_359 : memref<20000x128xf32, #tpu.memory_space<hbm>>) dst(%dma_wait3A_353 : memref<100x128xf32, #tpu.memory_space<vmem>>)
      %scan3A_360 = arith.constant 0 : i32
      %scan3A_361 = arith.constant 0 : i32
      %scan3A_362 = arith.constant 100 : i32
      %scan3A_363 = arith.addi %scan3A_361, %scan3A_362 : i32
      %scan3A_364 = arith.constant 1 : i32
      scf.for %scan3A_460 = %scan3A_361 to %scan3A_363 step %scan3A_364  : i32 {
        %mul3A_461 = arith.constant 2 : i32
        %mul3A_462 = arith.muli %scan3A_460, %mul3A_461 : i32
        %add3A_463 = arith.constant 0 : i32
        %add3A_464 = arith.addi %mul3A_462, %add3A_463 : i32
        %get3A = arith.constant 0 : i32
        %get3A_465 = arith.index_cast %get3A : i32 to index
        %get3A_466 = arith.index_cast %add3A_464 : i32 to index
        %get3A_467 = arith.constant 0 : index
        %get3A_468 = tpu.vector_load %arg6[%get3A_465, %get3A_466, %get3A_467] {strides = array<i32>} : memref<2x400x128xf32, #tpu.memory_space<vmem>>, vector<1x1x16xf32>,
        %get3A_469 = vector.shape_cast %get3A_468 : vector<1x1x16xf32> to vector<16xf32>
        %add3A_470 = arith.constant 200 : i32
        %add3A_471 = arith.addi %add3A_470, %add3A_464 : i32
        %get3A_472 = arith.constant 0 : i32
        %get3A_473 = arith.index_cast %get3A_472 : i32 to index
        %get3A_474 = arith.index_cast %add3A_471 : i32 to index
        %get3A_475 = arith.constant 0 : index
        %get3A_476 = tpu.vector_load %arg6[%get3A_473, %get3A_474, %get3A_475] {strides = array<i32>} : memref<2x400x128xf32, #tpu.memory_space<vmem>>, vector<1x1x16xf32>,
        %get3A_477 = vector.shape_cast %get3A_476 : vector<1x1x16xf32> to vector<16xf32>
        %add3A_478 = arith.addf %get3A_469, %get3A_477 : vector<16xf32>
        %swap3A = arith.constant 0 : i32
        %swap3A_479 = arith.index_cast %swap3A : i32 to index
        %swap3A_480 = arith.index_cast %add3A_464 : i32 to index
        %swap3A_481 = arith.constant 0 : index
        %swap3A_482 = tpu.vector_load %arg6[%swap3A_479, %swap3A_480, %swap3A_481] {strides = array<i32>} : memref<2x400x128xf32, #tpu.memory_space<vmem>>, vector<1x1x16xf32>,
        %swap3A_483 = vector.shape_cast %swap3A_482 : vector<1x1x16xf32> to vector<16xf32>
        %swap3A_484 = vector.shape_cast %add3A_478 : vector<16xf32> to vector<1x1x16xf32>
        tpu.vector_store %arg6[%swap3A_479, %swap3A_480, %swap3A_481], %swap3A_484 {strides = array<i32>} : memref<2x400x128xf32, #tpu.memory_space<vmem>>, vector<1x1x16xf32>,
        %mul3A_485 = arith.constant 2 : i32
        %mul3A_486 = arith.muli %scan3A_460, %mul3A_485 : i32
        %add3A_487 = arith.constant 0 : i32
        %add3A_488 = arith.addi %mul3A_486, %add3A_487 : i32
        %get3A_489 = arith.constant 0 : i32
        %get3A_490 = arith.index_cast %get3A_489 : i32 to index
        %get3A_491 = arith.index_cast %add3A_488 : i32 to index
        %get3A_492 = arith.constant 16 : index
        %get3A_493 = tpu.vector_load %arg6[%get3A_490, %get3A_491, %get3A_492] {strides = array<i32>} : memref<2x400x128xf32, #tpu.memory_space<vmem>>, vector<1x1x16xf32>,
        %get3A_494 = vector.shape_cast %get3A_493 : vector<1x1x16xf32> to vector<16xf32>
        %add3A_495 = arith.constant 200 : i32
        %add3A_496 = arith.addi %add3A_495, %add3A_488 : i32
        %get3A_497 = arith.constant 0 : i32
        %get3A_498 = arith.index_cast %get3A_497 : i32 to index
        %get3A_499 = arith.index_cast %add3A_496 : i32 to index
        %get3A_500 = arith.constant 16 : index
        %get3A_501 = tpu.vector_load %arg6[%get3A_498, %get3A_499, %get3A_500] {strides = array<i32>} : memref<2x400x128xf32, #tpu.memory_space<vmem>>, vector<1x1x16xf32>,
        %get3A_502 = vector.shape_cast %get3A_501 : vector<1x1x16xf32> to vector<16xf32>
        %add3A_503 = arith.addf %get3A_494, %get3A_502 : vector<16xf32>
        %swap3A_504 = arith.constant 0 : i32
        %swap3A_505 = arith.index_cast %swap3A_504 : i32 to index
        %swap3A_506 = arith.index_cast %add3A_488 : i32 to index
        %swap3A_507 = arith.constant 16 : index
        %swap3A_508 = tpu.vector_load %arg6[%swap3A_505, %swap3A_506, %swap3A_507] {strides = array<i32>} : memref<2x400x128xf32, #tpu.memory_space<vmem>>, vector<1x1x16xf32>,
        %swap3A_509 = vector.shape_cast %swap3A_508 : vector<1x1x16xf32> to vector<16xf32>
        %swap3A_510 = vector.shape_cast %add3A_503 : vector<16xf32> to vector<1x1x16xf32>
        tpu.vector_store %arg6[%swap3A_505, %swap3A_506, %swap3A_507], %swap3A_510 {strides = array<i32>} : memref<2x400x128xf32, #tpu.memory_space<vmem>>, vector<1x1x16xf32>,
        %mul3A_511 = arith.constant 2 : i32
        %mul3A_512 = arith.muli %scan3A_460, %mul3A_511 : i32
        %add3A_513 = arith.constant 0 : i32
        %add3A_514 = arith.addi %mul3A_512, %add3A_513 : i32
        %get3A_515 = arith.constant 0 : i32
        %get3A_516 = arith.index_cast %get3A_515 : i32 to index
        %get3A_517 = arith.index_cast %add3A_514 : i32 to index
        %get3A_518 = arith.constant 32 : index
        %get3A_519 = tpu.vector_load %arg6[%get3A_516, %get3A_517, %get3A_518] {strides = array<i32>} : memref<2x400x128xf32, #tpu.memory_space<vmem>>, vector<1x1x16xf32>,
        %get3A_520 = vector.shape_cast %get3A_519 : vector<1x1x16xf32> to vector<16xf32>
        %add3A_521 = arith.constant 200 : i32
        %add3A_522 = arith.addi %add3A_521, %add3A_514 : i32
        %get3A_523 = arith.constant 0 : i32
        %get3A_524 = arith.index_cast %get3A_523 : i32 to index
        %get3A_525 = arith.index_cast %add3A_522 : i32 to index
        %get3A_526 = arith.constant 32 : index
        %get3A_527 = tpu.vector_load %arg6[%get3A_524, %get3A_525, %get3A_526] {strides = array<i32>} : memref<2x400x128xf32, #tpu.memory_space<vmem>>, vector<1x1x16xf32>,
        %get3A_528 = vector.shape_cast %get3A_527 : vector<1x1x16xf32> to vector<16xf32>
        %add3A_529 = arith.addf %get3A_520, %get3A_528 : vector<16xf32>
        %swap3A_530 = arith.constant 0 : i32
        %swap3A_531 = arith.index_cast %swap3A_530 : i32 to index
        %swap3A_532 = arith.index_cast %add3A_514 : i32 to index
        %swap3A_533 = arith.constant 32 : index
        %swap3A_534 = tpu.vector_load %arg6[%swap3A_531, %swap3A_532, %swap3A_533] {strides = array<i32>} : memref<2x400x128xf32, #tpu.memory_space<vmem>>, vector<1x1x16xf32>,
        %swap3A_535 = vector.shape_cast %swap3A_534 : vector<1x1x16xf32> to vector<16xf32>
        %swap3A_536 = vector.shape_cast %add3A_529 : vector<16xf32> to vector<1x1x16xf32>
        tpu.vector_store %arg6[%swap3A_531, %swap3A_532, %swap3A_533], %swap3A_536 {strides = array<i32>} : memref<2x400x128xf32, #tpu.memory_space<vmem>>, vector<1x1x16xf32>,
        %mul3A_537 = arith.constant 2 : i32
        %mul3A_538 = arith.muli %scan3A_460, %mul3A_537 : i32
        %add3A_539 = arith.constant 0 : i32
        %add3A_540 = arith.addi %mul3A_538, %add3A_539 : i32
        %get3A_541 = arith.constant 0 : i32
        %get3A_542 = arith.index_cast %get3A_541 : i32 to index
        %get3A_543 = arith.index_cast %add3A_540 : i32 to index
        %get3A_544 = arith.constant 48 : index
        %get3A_545 = tpu.vector_load %arg6[%get3A_542, %get3A_543, %get3A_544] {strides = array<i32>} : memref<2x400x128xf32, #tpu.memory_space<vmem>>, vector<1x1x16xf32>,
        %get3A_546 = vector.shape_cast %get3A_545 : vector<1x1x16xf32> to vector<16xf32>
        %add3A_547 = arith.constant 200 : i32
        %add3A_548 = arith.addi %add3A_547, %add3A_540 : i32
        %get3A_549 = arith.constant 0 : i32
        %get3A_550 = arith.index_cast %get3A_549 : i32 to index
        %get3A_551 = arith.index_cast %add3A_548 : i32 to index
        %get3A_552 = arith.constant 48 : index
        %get3A_553 = tpu.vector_load %arg6[%get3A_550, %get3A_551, %get3A_552] {strides = array<i32>} : memref<2x400x128xf32, #tpu.memory_space<vmem>>, vector<1x1x16xf32>,
        %get3A_554 = vector.shape_cast %get3A_553 : vector<1x1x16xf32> to vector<16xf32>
        %add3A_555 = arith.addf %get3A_546, %get3A_554 : vector<16xf32>
        %swap3A_556 = arith.constant 0 : i32
        %swap3A_557 = arith.index_cast %swap3A_556 : i32 to index
        %swap3A_558 = arith.index_cast %add3A_540 : i32 to index
        %swap3A_559 = arith.constant 48 : index
        %swap3A_560 = tpu.vector_load %arg6[%swap3A_557, %swap3A_558, %swap3A_559] {strides = array<i32>} : memref<2x400x128xf32, #tpu.memory_space<vmem>>, vector<1x1x16xf32>,
        %swap3A_561 = vector.shape_cast %swap3A_560 : vector<1x1x16xf32> to vector<16xf32>
        %swap3A_562 = vector.shape_cast %add3A_555 : vector<16xf32> to vector<1x1x16xf32>
        tpu.vector_store %arg6[%swap3A_557, %swap3A_558, %swap3A_559], %swap3A_562 {strides = array<i32>} : memref<2x400x128xf32, #tpu.memory_space<vmem>>, vector<1x1x16xf32>,
        %mul3A_563 = arith.constant 2 : i32
        %mul3A_564 = arith.muli %scan3A_460, %mul3A_563 : i32
        %add3A_565 = arith.constant 0 : i32
        %add3A_566 = arith.addi %mul3A_564, %add3A_565 : i32
        %get3A_567 = arith.constant 0 : i32
        %get3A_568 = arith.index_cast %get3A_567 : i32 to index
        %get3A_569 = arith.index_cast %add3A_566 : i32 to index
        %get3A_570 = arith.constant 64 : index
        %get3A_571 = tpu.vector_load %arg6[%get3A_568, %get3A_569, %get3A_570] {strides = array<i32>} : memref<2x400x128xf32, #tpu.memory_space<vmem>>, vector<1x1x16xf32>,
        %get3A_572 = vector.shape_cast %get3A_571 : vector<1x1x16xf32> to vector<16xf32>
        %add3A_573 = arith.constant 200 : i32
        %add3A_574 = arith.addi %add3A_573, %add3A_566 : i32
        %get3A_575 = arith.constant 0 : i32
        %get3A_576 = arith.index_cast %get3A_575 : i32 to index
        %get3A_577 = arith.index_cast %add3A_574 : i32 to index
        %get3A_578 = arith.constant 64 : index
        %get3A_579 = tpu.vector_load %arg6[%get3A_576, %get3A_577, %get3A_578] {strides = array<i32>} : memref<2x400x128xf32, #tpu.memory_space<vmem>>, vector<1x1x16xf32>,
        %get3A_580 = vector.shape_cast %get3A_579 : vector<1x1x16xf32> to vector<16xf32>
        %add3A_581 = arith.addf %get3A_572, %get3A_580 : vector<16xf32>
        %swap3A_582 = arith.constant 0 : i32
        %swap3A_583 = arith.index_cast %swap3A_582 : i32 to index
        %swap3A_584 = arith.index_cast %add3A_566 : i32 to index
        %swap3A_585 = arith.constant 64 : index
        %swap3A_586 = tpu.vector_load %arg6[%swap3A_583, %swap3A_584, %swap3A_585] {strides = array<i32>} : memref<2x400x128xf32, #tpu.memory_space<vmem>>, vector<1x1x16xf32>,
        %swap3A_587 = vector.shape_cast %swap3A_586 : vector<1x1x16xf32> to vector<16xf32>
        %swap3A_588 = vector.shape_cast %add3A_581 : vector<16xf32> to vector<1x1x16xf32>
        tpu.vector_store %arg6[%swap3A_583, %swap3A_584, %swap3A_585], %swap3A_588 {strides = array<i32>} : memref<2x400x128xf32, #tpu.memory_space<vmem>>, vector<1x1x16xf32>,
        %mul3A_589 = arith.constant 2 : i32
        %mul3A_590 = arith.muli %scan3A_460, %mul3A_589 : i32
        %add3A_591 = arith.constant 0 : i32
        %add3A_592 = arith.addi %mul3A_590, %add3A_591 : i32
        %get3A_593 = arith.constant 0 : i32
        %get3A_594 = arith.index_cast %get3A_593 : i32 to index
        %get3A_595 = arith.index_cast %add3A_592 : i32 to index
        %get3A_596 = arith.constant 80 : index
        %get3A_597 = tpu.vector_load %arg6[%get3A_594, %get3A_595, %get3A_596] {strides = array<i32>} : memref<2x400x128xf32, #tpu.memory_space<vmem>>, vector<1x1x16xf32>,
        %get3A_598 = vector.shape_cast %get3A_597 : vector<1x1x16xf32> to vector<16xf32>
        %add3A_599 = arith.constant 200 : i32
        %add3A_600 = arith.addi %add3A_599, %add3A_592 : i32
        %get3A_601 = arith.constant 0 : i32
        %get3A_602 = arith.index_cast %get3A_601 : i32 to index
        %get3A_603 = arith.index_cast %add3A_600 : i32 to index
        %get3A_604 = arith.constant 80 : index
        %get3A_605 = tpu.vector_load %arg6[%get3A_602, %get3A_603, %get3A_604] {strides = array<i32>} : memref<2x400x128xf32, #tpu.memory_space<vmem>>, vector<1x1x16xf32>,
        %get3A_606 = vector.shape_cast %get3A_605 : vector<1x1x16xf32> to vector<16xf32>
        %add3A_607 = arith.addf %get3A_598, %get3A_606 : vector<16xf32>
        %swap3A_608 = arith.constant 0 : i32
        %swap3A_609 = arith.index_cast %swap3A_608 : i32 to index
        %swap3A_610 = arith.index_cast %add3A_592 : i32 to index
        %swap3A_611 = arith.constant 80 : index
        %swap3A_612 = tpu.vector_load %arg6[%swap3A_609, %swap3A_610, %swap3A_611] {strides = array<i32>} : memref<2x400x128xf32, #tpu.memory_space<vmem>>, vector<1x1x16xf32>,
        %swap3A_613 = vector.shape_cast %swap3A_612 : vector<1x1x16xf32> to vector<16xf32>
        %swap3A_614 = vector.shape_cast %add3A_607 : vector<16xf32> to vector<1x1x16xf32>
        tpu.vector_store %arg6[%swap3A_609, %swap3A_610, %swap3A_611], %swap3A_614 {strides = array<i32>} : memref<2x400x128xf32, #tpu.memory_space<vmem>>, vector<1x1x16xf32>,
        %mul3A_615 = arith.constant 2 : i32
        %mul3A_616 = arith.muli %scan3A_460, %mul3A_615 : i32
        %add3A_617 = arith.constant 0 : i32
        %add3A_618 = arith.addi %mul3A_616, %add3A_617 : i32
        %get3A_619 = arith.constant 0 : i32
        %get3A_620 = arith.index_cast %get3A_619 : i32 to index
        %get3A_621 = arith.index_cast %add3A_618 : i32 to index
        %get3A_622 = arith.constant 96 : index
        %get3A_623 = tpu.vector_load %arg6[%get3A_620, %get3A_621, %get3A_622] {strides = array<i32>} : memref<2x400x128xf32, #tpu.memory_space<vmem>>, vector<1x1x16xf32>,
        %get3A_624 = vector.shape_cast %get3A_623 : vector<1x1x16xf32> to vector<16xf32>
        %add3A_625 = arith.constant 200 : i32
        %add3A_626 = arith.addi %add3A_625, %add3A_618 : i32
        %get3A_627 = arith.constant 0 : i32
        %get3A_628 = arith.index_cast %get3A_627 : i32 to index
        %get3A_629 = arith.index_cast %add3A_626 : i32 to index
        %get3A_630 = arith.constant 96 : index
        %get3A_631 = tpu.vector_load %arg6[%get3A_628, %get3A_629, %get3A_630] {strides = array<i32>} : memref<2x400x128xf32, #tpu.memory_space<vmem>>, vector<1x1x16xf32>,
        %get3A_632 = vector.shape_cast %get3A_631 : vector<1x1x16xf32> to vector<16xf32>
        %add3A_633 = arith.addf %get3A_624, %get3A_632 : vector<16xf32>
        %swap3A_634 = arith.constant 0 : i32
        %swap3A_635 = arith.index_cast %swap3A_634 : i32 to index
        %swap3A_636 = arith.index_cast %add3A_618 : i32 to index
        %swap3A_637 = arith.constant 96 : index
        %swap3A_638 = tpu.vector_load %arg6[%swap3A_635, %swap3A_636, %swap3A_637] {strides = array<i32>} : memref<2x400x128xf32, #tpu.memory_space<vmem>>, vector<1x1x16xf32>,
        %swap3A_639 = vector.shape_cast %swap3A_638 : vector<1x1x16xf32> to vector<16xf32>
        %swap3A_640 = vector.shape_cast %add3A_633 : vector<16xf32> to vector<1x1x16xf32>
        tpu.vector_store %arg6[%swap3A_635, %swap3A_636, %swap3A_637], %swap3A_640 {strides = array<i32>} : memref<2x400x128xf32, #tpu.memory_space<vmem>>, vector<1x1x16xf32>,
        %mul3A_641 = arith.constant 2 : i32
        %mul3A_642 = arith.muli %scan3A_460, %mul3A_641 : i32
        %add3A_643 = arith.constant 0 : i32
        %add3A_644 = arith.addi %mul3A_642, %add3A_643 : i32
        %get3A_645 = arith.constant 0 : i32
        %get3A_646 = arith.index_cast %get3A_645 : i32 to index
        %get3A_647 = arith.index_cast %add3A_644 : i32 to index
        %get3A_648 = arith.constant 112 : index
        %get3A_649 = tpu.vector_load %arg6[%get3A_646, %get3A_647, %get3A_648] {strides = array<i32>} : memref<2x400x128xf32, #tpu.memory_space<vmem>>, vector<1x1x16xf32>,
        %get3A_650 = vector.shape_cast %get3A_649 : vector<1x1x16xf32> to vector<16xf32>
        %add3A_651 = arith.constant 200 : i32
        %add3A_652 = arith.addi %add3A_651, %add3A_644 : i32
        %get3A_653 = arith.constant 0 : i32
        %get3A_654 = arith.index_cast %get3A_653 : i32 to index
        %get3A_655 = arith.index_cast %add3A_652 : i32 to index
        %get3A_656 = arith.constant 112 : index
        %get3A_657 = tpu.vector_load %arg6[%get3A_654, %get3A_655, %get3A_656] {strides = array<i32>} : memref<2x400x128xf32, #tpu.memory_space<vmem>>, vector<1x1x16xf32>,
        %get3A_658 = vector.shape_cast %get3A_657 : vector<1x1x16xf32> to vector<16xf32>
        %add3A_659 = arith.addf %get3A_650, %get3A_658 : vector<16xf32>
        %swap3A_660 = arith.constant 0 : i32
        %swap3A_661 = arith.index_cast %swap3A_660 : i32 to index
        %swap3A_662 = arith.index_cast %add3A_644 : i32 to index
        %swap3A_663 = arith.constant 112 : index
        %swap3A_664 = tpu.vector_load %arg6[%swap3A_661, %swap3A_662, %swap3A_663] {strides = array<i32>} : memref<2x400x128xf32, #tpu.memory_space<vmem>>, vector<1x1x16xf32>,
        %swap3A_665 = vector.shape_cast %swap3A_664 : vector<1x1x16xf32> to vector<16xf32>
        %swap3A_666 = vector.shape_cast %add3A_659 : vector<16xf32> to vector<1x1x16xf32>
        tpu.vector_store %arg6[%swap3A_661, %swap3A_662, %swap3A_663], %swap3A_666 {strides = array<i32>} : memref<2x400x128xf32, #tpu.memory_space<vmem>>, vector<1x1x16xf32>,
        %mul3A_667 = arith.constant 2 : i32
        %mul3A_668 = arith.muli %scan3A_460, %mul3A_667 : i32
        %add3A_669 = arith.constant 1 : i32
        %add3A_670 = arith.addi %mul3A_668, %add3A_669 : i32
        %get3A_671 = arith.constant 0 : i32
        %get3A_672 = arith.index_cast %get3A_671 : i32 to index
        %get3A_673 = arith.index_cast %add3A_670 : i32 to index
        %get3A_674 = arith.constant 0 : index
        %get3A_675 = tpu.vector_load %arg6[%get3A_672, %get3A_673, %get3A_674] {strides = array<i32>} : memref<2x400x128xf32, #tpu.memory_space<vmem>>, vector<1x1x16xf32>,
        %get3A_676 = vector.shape_cast %get3A_675 : vector<1x1x16xf32> to vector<16xf32>
        %add3A_677 = arith.constant 200 : i32
        %add3A_678 = arith.addi %add3A_677, %add3A_670 : i32
        %get3A_679 = arith.constant 0 : i32
        %get3A_680 = arith.index_cast %get3A_679 : i32 to index
        %get3A_681 = arith.index_cast %add3A_678 : i32 to index
        %get3A_682 = arith.constant 0 : index
        %get3A_683 = tpu.vector_load %arg6[%get3A_680, %get3A_681, %get3A_682] {strides = array<i32>} : memref<2x400x128xf32, #tpu.memory_space<vmem>>, vector<1x1x16xf32>,
        %get3A_684 = vector.shape_cast %get3A_683 : vector<1x1x16xf32> to vector<16xf32>
        %add3A_685 = arith.addf %get3A_676, %get3A_684 : vector<16xf32>
        %swap3A_686 = arith.constant 0 : i32
        %swap3A_687 = arith.index_cast %swap3A_686 : i32 to index
        %swap3A_688 = arith.index_cast %add3A_670 : i32 to index
        %swap3A_689 = arith.constant 0 : index
        %swap3A_690 = tpu.vector_load %arg6[%swap3A_687, %swap3A_688, %swap3A_689] {strides = array<i32>} : memref<2x400x128xf32, #tpu.memory_space<vmem>>, vector<1x1x16xf32>,
        %swap3A_691 = vector.shape_cast %swap3A_690 : vector<1x1x16xf32> to vector<16xf32>
        %swap3A_692 = vector.shape_cast %add3A_685 : vector<16xf32> to vector<1x1x16xf32>
        tpu.vector_store %arg6[%swap3A_687, %swap3A_688, %swap3A_689], %swap3A_692 {strides = array<i32>} : memref<2x400x128xf32, #tpu.memory_space<vmem>>, vector<1x1x16xf32>,
        %mul3A_693 = arith.constant 2 : i32
        %mul3A_694 = arith.muli %scan3A_460, %mul3A_693 : i32
        %add3A_695 = arith.constant 1 : i32
        %add3A_696 = arith.addi %mul3A_694, %add3A_695 : i32
        %get3A_697 = arith.constant 0 : i32
        %get3A_698 = arith.index_cast %get3A_697 : i32 to index
        %get3A_699 = arith.index_cast %add3A_696 : i32 to index
        %get3A_700 = arith.constant 16 : index
        %get3A_701 = tpu.vector_load %arg6[%get3A_698, %get3A_699, %get3A_700] {strides = array<i32>} : memref<2x400x128xf32, #tpu.memory_space<vmem>>, vector<1x1x16xf32>,
        %get3A_702 = vector.shape_cast %get3A_701 : vector<1x1x16xf32> to vector<16xf32>
        %add3A_703 = arith.constant 200 : i32
        %add3A_704 = arith.addi %add3A_703, %add3A_696 : i32
        %get3A_705 = arith.constant 0 : i32
        %get3A_706 = arith.index_cast %get3A_705 : i32 to index
        %get3A_707 = arith.index_cast %add3A_704 : i32 to index
        %get3A_708 = arith.constant 16 : index
        %get3A_709 = tpu.vector_load %arg6[%get3A_706, %get3A_707, %get3A_708] {strides = array<i32>} : memref<2x400x128xf32, #tpu.memory_space<vmem>>, vector<1x1x16xf32>,
        %get3A_710 = vector.shape_cast %get3A_709 : vector<1x1x16xf32> to vector<16xf32>
        %add3A_711 = arith.addf %get3A_702, %get3A_710 : vector<16xf32>
        %swap3A_712 = arith.constant 0 : i32
        %swap3A_713 = arith.index_cast %swap3A_712 : i32 to index
        %swap3A_714 = arith.index_cast %add3A_696 : i32 to index
        %swap3A_715 = arith.constant 16 : index
        %swap3A_716 = tpu.vector_load %arg6[%swap3A_713, %swap3A_714, %swap3A_715] {strides = array<i32>} : memref<2x400x128xf32, #tpu.memory_space<vmem>>, vector<1x1x16xf32>,
        %swap3A_717 = vector.shape_cast %swap3A_716 : vector<1x1x16xf32> to vector<16xf32>
        %swap3A_718 = vector.shape_cast %add3A_711 : vector<16xf32> to vector<1x1x16xf32>
        tpu.vector_store %arg6[%swap3A_713, %swap3A_714, %swap3A_715], %swap3A_718 {strides = array<i32>} : memref<2x400x128xf32, #tpu.memory_space<vmem>>, vector<1x1x16xf32>,
        %mul3A_719 = arith.constant 2 : i32
        %mul3A_720 = arith.muli %scan3A_460, %mul3A_719 : i32
        %add3A_721 = arith.constant 1 : i32
        %add3A_722 = arith.addi %mul3A_720, %add3A_721 : i32
        %get3A_723 = arith.constant 0 : i32
        %get3A_724 = arith.index_cast %get3A_723 : i32 to index
        %get3A_725 = arith.index_cast %add3A_722 : i32 to index
        %get3A_726 = arith.constant 32 : index
        %get3A_727 = tpu.vector_load %arg6[%get3A_724, %get3A_725, %get3A_726] {strides = array<i32>} : memref<2x400x128xf32, #tpu.memory_space<vmem>>, vector<1x1x16xf32>,
        %get3A_728 = vector.shape_cast %get3A_727 : vector<1x1x16xf32> to vector<16xf32>
        %add3A_729 = arith.constant 200 : i32
        %add3A_730 = arith.addi %add3A_729, %add3A_722 : i32
        %get3A_731 = arith.constant 0 : i32
        %get3A_732 = arith.index_cast %get3A_731 : i32 to index
        %get3A_733 = arith.index_cast %add3A_730 : i32 to index
        %get3A_734 = arith.constant 32 : index
        %get3A_735 = tpu.vector_load %arg6[%get3A_732, %get3A_733, %get3A_734] {strides = array<i32>} : memref<2x400x128xf32, #tpu.memory_space<vmem>>, vector<1x1x16xf32>,
        %get3A_736 = vector.shape_cast %get3A_735 : vector<1x1x16xf32> to vector<16xf32>
        %add3A_737 = arith.addf %get3A_728, %get3A_736 : vector<16xf32>
        %swap3A_738 = arith.constant 0 : i32
        %swap3A_739 = arith.index_cast %swap3A_738 : i32 to index
        %swap3A_740 = arith.index_cast %add3A_722 : i32 to index
        %swap3A_741 = arith.constant 32 : index
        %swap3A_742 = tpu.vector_load %arg6[%swap3A_739, %swap3A_740, %swap3A_741] {strides = array<i32>} : memref<2x400x128xf32, #tpu.memory_space<vmem>>, vector<1x1x16xf32>,
        %swap3A_743 = vector.shape_cast %swap3A_742 : vector<1x1x16xf32> to vector<16xf32>
        %swap3A_744 = vector.shape_cast %add3A_737 : vector<16xf32> to vector<1x1x16xf32>
        tpu.vector_store %arg6[%swap3A_739, %swap3A_740, %swap3A_741], %swap3A_744 {strides = array<i32>} : memref<2x400x128xf32, #tpu.memory_space<vmem>>, vector<1x1x16xf32>,
        %mul3A_745 = arith.constant 2 : i32
        %mul3A_746 = arith.muli %scan3A_460, %mul3A_745 : i32
        %add3A_747 = arith.constant 1 : i32
        %add3A_748 = arith.addi %mul3A_746, %add3A_747 : i32
        %get3A_749 = arith.constant 0 : i32
        %get3A_750 = arith.index_cast %get3A_749 : i32 to index
        %get3A_751 = arith.index_cast %add3A_748 : i32 to index
        %get3A_752 = arith.constant 48 : index
        %get3A_753 = tpu.vector_load %arg6[%get3A_750, %get3A_751, %get3A_752] {strides = array<i32>} : memref<2x400x128xf32, #tpu.memory_space<vmem>>, vector<1x1x16xf32>,
        %get3A_754 = vector.shape_cast %get3A_753 : vector<1x1x16xf32> to vector<16xf32>
        %add3A_755 = arith.constant 200 : i32
        %add3A_756 = arith.addi %add3A_755, %add3A_748 : i32
        %get3A_757 = arith.constant 0 : i32
        %get3A_758 = arith.index_cast %get3A_757 : i32 to index
        %get3A_759 = arith.index_cast %add3A_756 : i32 to index
        %get3A_760 = arith.constant 48 : index
        %get3A_761 = tpu.vector_load %arg6[%get3A_758, %get3A_759, %get3A_760] {strides = array<i32>} : memref<2x400x128xf32, #tpu.memory_space<vmem>>, vector<1x1x16xf32>,
        %get3A_762 = vector.shape_cast %get3A_761 : vector<1x1x16xf32> to vector<16xf32>
        %add3A_763 = arith.addf %get3A_754, %get3A_762 : vector<16xf32>
        %swap3A_764 = arith.constant 0 : i32
        %swap3A_765 = arith.index_cast %swap3A_764 : i32 to index
        %swap3A_766 = arith.index_cast %add3A_748 : i32 to index
        %swap3A_767 = arith.constant 48 : index
        %swap3A_768 = tpu.vector_load %arg6[%swap3A_765, %swap3A_766, %swap3A_767] {strides = array<i32>} : memref<2x400x128xf32, #tpu.memory_space<vmem>>, vector<1x1x16xf32>,
        %swap3A_769 = vector.shape_cast %swap3A_768 : vector<1x1x16xf32> to vector<16xf32>
        %swap3A_770 = vector.shape_cast %add3A_763 : vector<16xf32> to vector<1x1x16xf32>
        tpu.vector_store %arg6[%swap3A_765, %swap3A_766, %swap3A_767], %swap3A_770 {strides = array<i32>} : memref<2x400x128xf32, #tpu.memory_space<vmem>>, vector<1x1x16xf32>,
        %mul3A_771 = arith.constant 2 : i32
        %mul3A_772 = arith.muli %scan3A_460, %mul3A_771 : i32
        %add3A_773 = arith.constant 1 : i32
        %add3A_774 = arith.addi %mul3A_772, %add3A_773 : i32
        %get3A_775 = arith.constant 0 : i32
        %get3A_776 = arith.index_cast %get3A_775 : i32 to index
        %get3A_777 = arith.index_cast %add3A_774 : i32 to index
        %get3A_778 = arith.constant 64 : index
        %get3A_779 = tpu.vector_load %arg6[%get3A_776, %get3A_777, %get3A_778] {strides = array<i32>} : memref<2x400x128xf32, #tpu.memory_space<vmem>>, vector<1x1x16xf32>,
        %get3A_780 = vector.shape_cast %get3A_779 : vector<1x1x16xf32> to vector<16xf32>
        %add3A_781 = arith.constant 200 : i32
        %add3A_782 = arith.addi %add3A_781, %add3A_774 : i32
        %get3A_783 = arith.constant 0 : i32
        %get3A_784 = arith.index_cast %get3A_783 : i32 to index
        %get3A_785 = arith.index_cast %add3A_782 : i32 to index
        %get3A_786 = arith.constant 64 : index
        %get3A_787 = tpu.vector_load %arg6[%get3A_784, %get3A_785, %get3A_786] {strides = array<i32>} : memref<2x400x128xf32, #tpu.memory_space<vmem>>, vector<1x1x16xf32>,
        %get3A_788 = vector.shape_cast %get3A_787 : vector<1x1x16xf32> to vector<16xf32>
        %add3A_789 = arith.addf %get3A_780, %get3A_788 : vector<16xf32>
        %swap3A_790 = arith.constant 0 : i32
        %swap3A_791 = arith.index_cast %swap3A_790 : i32 to index
        %swap3A_792 = arith.index_cast %add3A_774 : i32 to index
        %swap3A_793 = arith.constant 64 : index
        %swap3A_794 = tpu.vector_load %arg6[%swap3A_791, %swap3A_792, %swap3A_793] {strides = array<i32>} : memref<2x400x128xf32, #tpu.memory_space<vmem>>, vector<1x1x16xf32>,
        %swap3A_795 = vector.shape_cast %swap3A_794 : vector<1x1x16xf32> to vector<16xf32>
        %swap3A_796 = vector.shape_cast %add3A_789 : vector<16xf32> to vector<1x1x16xf32>
        tpu.vector_store %arg6[%swap3A_791, %swap3A_792, %swap3A_793], %swap3A_796 {strides = array<i32>} : memref<2x400x128xf32, #tpu.memory_space<vmem>>, vector<1x1x16xf32>,
        %mul3A_797 = arith.constant 2 : i32
        %mul3A_798 = arith.muli %scan3A_460, %mul3A_797 : i32
        %add3A_799 = arith.constant 1 : i32
        %add3A_800 = arith.addi %mul3A_798, %add3A_799 : i32
        %get3A_801 = arith.constant 0 : i32
        %get3A_802 = arith.index_cast %get3A_801 : i32 to index
        %get3A_803 = arith.index_cast %add3A_800 : i32 to index
        %get3A_804 = arith.constant 80 : index
        %get3A_805 = tpu.vector_load %arg6[%get3A_802, %get3A_803, %get3A_804] {strides = array<i32>} : memref<2x400x128xf32, #tpu.memory_space<vmem>>, vector<1x1x16xf32>,
        %get3A_806 = vector.shape_cast %get3A_805 : vector<1x1x16xf32> to vector<16xf32>
        %add3A_807 = arith.constant 200 : i32
        %add3A_808 = arith.addi %add3A_807, %add3A_800 : i32
        %get3A_809 = arith.constant 0 : i32
        %get3A_810 = arith.index_cast %get3A_809 : i32 to index
        %get3A_811 = arith.index_cast %add3A_808 : i32 to index
        %get3A_812 = arith.constant 80 : index
        %get3A_813 = tpu.vector_load %arg6[%get3A_810, %get3A_811, %get3A_812] {strides = array<i32>} : memref<2x400x128xf32, #tpu.memory_space<vmem>>, vector<1x1x16xf32>,
        %get3A_814 = vector.shape_cast %get3A_813 : vector<1x1x16xf32> to vector<16xf32>
        %add3A_815 = arith.addf %get3A_806, %get3A_814 : vector<16xf32>
        %swap3A_816 = arith.constant 0 : i32
        %swap3A_817 = arith.index_cast %swap3A_816 : i32 to index
        %swap3A_818 = arith.index_cast %add3A_800 : i32 to index
        %swap3A_819 = arith.constant 80 : index
        %swap3A_820 = tpu.vector_load %arg6[%swap3A_817, %swap3A_818, %swap3A_819] {strides = array<i32>} : memref<2x400x128xf32, #tpu.memory_space<vmem>>, vector<1x1x16xf32>,
        %swap3A_821 = vector.shape_cast %swap3A_820 : vector<1x1x16xf32> to vector<16xf32>
        %swap3A_822 = vector.shape_cast %add3A_815 : vector<16xf32> to vector<1x1x16xf32>
        tpu.vector_store %arg6[%swap3A_817, %swap3A_818, %swap3A_819], %swap3A_822 {strides = array<i32>} : memref<2x400x128xf32, #tpu.memory_space<vmem>>, vector<1x1x16xf32>,
        %mul3A_823 = arith.constant 2 : i32
        %mul3A_824 = arith.muli %scan3A_460, %mul3A_823 : i32
        %add3A_825 = arith.constant 1 : i32
        %add3A_826 = arith.addi %mul3A_824, %add3A_825 : i32
        %get3A_827 = arith.constant 0 : i32
        %get3A_828 = arith.index_cast %get3A_827 : i32 to index
        %get3A_829 = arith.index_cast %add3A_826 : i32 to index
        %get3A_830 = arith.constant 96 : index
        %get3A_831 = tpu.vector_load %arg6[%get3A_828, %get3A_829, %get3A_830] {strides = array<i32>} : memref<2x400x128xf32, #tpu.memory_space<vmem>>, vector<1x1x16xf32>,
        %get3A_832 = vector.shape_cast %get3A_831 : vector<1x1x16xf32> to vector<16xf32>
        %add3A_833 = arith.constant 200 : i32
        %add3A_834 = arith.addi %add3A_833, %add3A_826 : i32
        %get3A_835 = arith.constant 0 : i32
        %get3A_836 = arith.index_cast %get3A_835 : i32 to index
        %get3A_837 = arith.index_cast %add3A_834 : i32 to index
        %get3A_838 = arith.constant 96 : index
        %get3A_839 = tpu.vector_load %arg6[%get3A_836, %get3A_837, %get3A_838] {strides = array<i32>} : memref<2x400x128xf32, #tpu.memory_space<vmem>>, vector<1x1x16xf32>,
        %get3A_840 = vector.shape_cast %get3A_839 : vector<1x1x16xf32> to vector<16xf32>
        %add3A_841 = arith.addf %get3A_832, %get3A_840 : vector<16xf32>
        %swap3A_842 = arith.constant 0 : i32
        %swap3A_843 = arith.index_cast %swap3A_842 : i32 to index
        %swap3A_844 = arith.index_cast %add3A_826 : i32 to index
        %swap3A_845 = arith.constant 96 : index
        %swap3A_846 = tpu.vector_load %arg6[%swap3A_843, %swap3A_844, %swap3A_845] {strides = array<i32>} : memref<2x400x128xf32, #tpu.memory_space<vmem>>, vector<1x1x16xf32>,
        %swap3A_847 = vector.shape_cast %swap3A_846 : vector<1x1x16xf32> to vector<16xf32>
        %swap3A_848 = vector.shape_cast %add3A_841 : vector<16xf32> to vector<1x1x16xf32>
        tpu.vector_store %arg6[%swap3A_843, %swap3A_844, %swap3A_845], %swap3A_848 {strides = array<i32>} : memref<2x400x128xf32, #tpu.memory_space<vmem>>, vector<1x1x16xf32>,
        %mul3A_849 = arith.constant 2 : i32
        %mul3A_850 = arith.muli %scan3A_460, %mul3A_849 : i32
        %add3A_851 = arith.constant 1 : i32
        %add3A_852 = arith.addi %mul3A_850, %add3A_851 : i32
        %get3A_853 = arith.constant 0 : i32
        %get3A_854 = arith.index_cast %get3A_853 : i32 to index
        %get3A_855 = arith.index_cast %add3A_852 : i32 to index
        %get3A_856 = arith.constant 112 : index
        %get3A_857 = tpu.vector_load %arg6[%get3A_854, %get3A_855, %get3A_856] {strides = array<i32>} : memref<2x400x128xf32, #tpu.memory_space<vmem>>, vector<1x1x16xf32>,
        %get3A_858 = vector.shape_cast %get3A_857 : vector<1x1x16xf32> to vector<16xf32>
        %add3A_859 = arith.constant 200 : i32
        %add3A_860 = arith.addi %add3A_859, %add3A_852 : i32
        %get3A_861 = arith.constant 0 : i32
        %get3A_862 = arith.index_cast %get3A_861 : i32 to index
        %get3A_863 = arith.index_cast %add3A_860 : i32 to index
        %get3A_864 = arith.constant 112 : index
        %get3A_865 = tpu.vector_load %arg6[%get3A_862, %get3A_863, %get3A_864] {strides = array<i32>} : memref<2x400x128xf32, #tpu.memory_space<vmem>>, vector<1x1x16xf32>,
        %get3A_866 = vector.shape_cast %get3A_865 : vector<1x1x16xf32> to vector<16xf32>
        %add3A_867 = arith.addf %get3A_858, %get3A_866 : vector<16xf32>
        %swap3A_868 = arith.constant 0 : i32
        %swap3A_869 = arith.index_cast %swap3A_868 : i32 to index
        %swap3A_870 = arith.index_cast %add3A_852 : i32 to index
        %swap3A_871 = arith.constant 112 : index
        %swap3A_872 = tpu.vector_load %arg6[%swap3A_869, %swap3A_870, %swap3A_871] {strides = array<i32>} : memref<2x400x128xf32, #tpu.memory_space<vmem>>, vector<1x1x16xf32>,
        %swap3A_873 = vector.shape_cast %swap3A_872 : vector<1x1x16xf32> to vector<16xf32>
        %swap3A_874 = vector.shape_cast %add3A_867 : vector<16xf32> to vector<1x1x16xf32>
        tpu.vector_store %arg6[%swap3A_869, %swap3A_870, %swap3A_871], %swap3A_874 {strides = array<i32>} : memref<2x400x128xf32, #tpu.memory_space<vmem>>, vector<1x1x16xf32>,
      }
      %scan3A_365 = arith.constant 100 : i32
      %mul3A_366 = arith.constant 200 : i32
      %mul3A_367 = arith.muli %add3A_307, %mul3A_366 : i32
      %add3A_368 = arith.addi %mul3A_2, %mul3A_367 : i32
      %dma_start3A_369 = arith.constant 0 : i32
      %dma_start3A_370 = arith.constant 0 : i32
      %dma_start3A_371 = arith.constant 0 : i32
      %dma_start3A_372 = tpu.memref_slice %arg6[%dma_start3A_369, %dma_start3A_370, %dma_start3A_371] : memref<2x400x128xf32, #tpu.memory_space<vmem>> -> memref<1x200x128xf32, #tpu.memory_space<vmem>>
      %dma_start3A_373 = tpu.memref_squeeze %dma_start3A_372 : memref<1x200x128xf32, #tpu.memory_space<vmem>> -> memref<200x128xf32, #tpu.memory_space<vmem>>
      %dma_start3A_374 = arith.constant 0 : i32
      %dma_start3A_375 = tpu.memref_slice %arg4[%add3A_368, %dma_start3A_374] : memref<160000x128xf32, #tpu.memory_space<hbm>> -> memref<200x128xf32, #tpu.memory_space<hbm>>
      %dma_start3A_376 = arith.constant 0 : i32
      %dma_start3A_377 = tpu.memref_slice %arg4[%add3A_368, %dma_start3A_376] : memref<160000x128xf32, #tpu.memory_space<hbm>> -> memref<200x128xf32, #tpu.memory_space<hbm>>
      %dma_start3A_378 = arith.constant 0 : i32
      %dma_start3A_379 = arith.constant 0 : i32
      %dma_start3A_380 = tpu.memref_slice %arg6[%dma_start3A_369, %dma_start3A_378, %dma_start3A_379] : memref<2x400x128xf32, #tpu.memory_space<vmem>> -> memref<1x200x128xf32, #tpu.memory_space<vmem>>
      %dma_start3A_381 = tpu.memref_squeeze %dma_start3A_380 : memref<1x200x128xf32, #tpu.memory_space<vmem>> -> memref<200x128xf32, #tpu.memory_space<vmem>>
      tpu.enqueue_dma source(%dma_start3A_381 : memref<200x128xf32, #tpu.memory_space<vmem>>) target(%dma_start3A_377 : memref<200x128xf32, #tpu.memory_space<hbm>>) target_semaphore(%arg9 : memref<!tpu.dma_semaphore, #tpu.memory_space<semaphore_mem>>)
      %mul3A_382 = arith.constant 2 : i32
      %mul3A_383 = arith.muli %mul3A_382, %scan3A_184 : i32
      %add3A_384 = arith.constant 1 : i32
      %add3A_385 = arith.addi %mul3A_383, %add3A_384 : i32
      %dma_wait3A_386 = arith.constant 0 : i32
      %dma_wait3A_387 = arith.constant 0 : i32
      %dma_wait3A_388 = arith.constant 1 : i32
      %dma_wait3A_389 = arith.constant 0 : i32
      %dma_wait3A_390 = arith.constant 0 : i32
      %dma_wait3A_391 = tpu.memref_slice %arg6[%dma_wait3A_388, %dma_wait3A_389, %dma_wait3A_390] : memref<2x400x128xf32, #tpu.memory_space<vmem>> -> memref<1x100x128xf32, #tpu.memory_space<vmem>>
      %dma_wait3A_392 = tpu.memref_squeeze %dma_wait3A_391 : memref<1x100x128xf32, #tpu.memory_space<vmem>> -> memref<100x128xf32, #tpu.memory_space<vmem>>
      %dma_wait3A_393 = arith.constant 0 : i32
      %dma_wait3A_394 = tpu.memref_slice %arg5[%add3A_385, %dma_wait3A_386, %dma_wait3A_387, %dma_wait3A_393] : memref<25x2x2x100xi32, #tpu.memory_space<vmem>> -> memref<1x1x1x100xi32, #tpu.memory_space<vmem>>
      %dma_wait3A_395 = tpu.memref_squeeze %dma_wait3A_394 : memref<1x1x1x100xi32, #tpu.memory_space<vmem>> -> memref<100xi32, #tpu.memory_space<vmem>>
      %dma_wait3A_396 = arith.constant 0 : i32
      %dma_wait3A_397 = arith.constant 0 : i32
      %dma_wait3A_398 = tpu.memref_slice %arg2[%dma_wait3A_396, %dma_wait3A_397] : memref<20000x128xf32, #tpu.memory_space<hbm>> -> memref<20000x128xf32, #tpu.memory_space<hbm>>
      tpu.wait_indirect_dma semaphore(%arg8 : memref<!tpu.dma_semaphore, #tpu.memory_space<semaphore_mem>>) src(%dma_wait3A_398 : memref<20000x128xf32, #tpu.memory_space<hbm>>) dst(%dma_wait3A_392 : memref<100x128xf32, #tpu.memory_space<vmem>>)
      %dma_wait3A_399 = arith.constant 0 : i32
      %dma_wait3A_400 = arith.constant 1 : i32
      %dma_wait3A_401 = arith.constant 1 : i32
      %dma_wait3A_402 = arith.constant 100 : i32
      %dma_wait3A_403 = arith.constant 0 : i32
      %dma_wait3A_404 = tpu.memref_slice %arg6[%dma_wait3A_401, %dma_wait3A_402, %dma_wait3A_403] : memref<2x400x128xf32, #tpu.memory_space<vmem>> -> memref<1x100x128xf32, #tpu.memory_space<vmem>>
      %dma_wait3A_405 = tpu.memref_squeeze %dma_wait3A_404 : memref<1x100x128xf32, #tpu.memory_space<vmem>> -> memref<100x128xf32, #tpu.memory_space<vmem>>
      %dma_wait3A_406 = arith.constant 0 : i32
      %dma_wait3A_407 = tpu.memref_slice %arg5[%add3A_385, %dma_wait3A_399, %dma_wait3A_400, %dma_wait3A_406] : memref<25x2x2x100xi32, #tpu.memory_space<vmem>> -> memref<1x1x1x100xi32, #tpu.memory_space<vmem>>
      %dma_wait3A_408 = tpu.memref_squeeze %dma_wait3A_407 : memref<1x1x1x100xi32, #tpu.memory_space<vmem>> -> memref<100xi32, #tpu.memory_space<vmem>>
      %dma_wait3A_409 = arith.constant 0 : i32
      %dma_wait3A_410 = arith.constant 0 : i32
      %dma_wait3A_411 = tpu.memref_slice %arg2[%dma_wait3A_409, %dma_wait3A_410] : memref<20000x128xf32, #tpu.memory_space<hbm>> -> memref<20000x128xf32, #tpu.memory_space<hbm>>
      tpu.wait_indirect_dma semaphore(%arg8 : memref<!tpu.dma_semaphore, #tpu.memory_space<semaphore_mem>>) src(%dma_wait3A_411 : memref<20000x128xf32, #tpu.memory_space<hbm>>) dst(%dma_wait3A_405 : memref<100x128xf32, #tpu.memory_space<vmem>>)
      %dma_wait3A_412 = arith.constant 1 : i32
      %dma_wait3A_413 = arith.constant 0 : i32
      %dma_wait3A_414 = arith.constant 1 : i32
      %dma_wait3A_415 = arith.constant 200 : i32
      %dma_wait3A_416 = arith.constant 0 : i32
      %dma_wait3A_417 = tpu.memref_slice %arg6[%dma_wait3A_414, %dma_wait3A_415, %dma_wait3A_416] : memref<2x400x128xf32, #tpu.memory_space<vmem>> -> memref<1x100x128xf32, #tpu.memory_space<vmem>>
      %dma_wait3A_418 = tpu.memref_squeeze %dma_wait3A_417 : memref<1x100x128xf32, #tpu.memory_space<vmem>> -> memref<100x128xf32, #tpu.memory_space<vmem>>
      %dma_wait3A_419 = arith.constant 0 : i32
      %dma_wait3A_420 = tpu.memref_slice %arg5[%add3A_385, %dma_wait3A_412, %dma_wait3A_413, %dma_wait3A_419] : memref<25x2x2x100xi32, #tpu.memory_space<vmem>> -> memref<1x1x1x100xi32, #tpu.memory_space<vmem>>
      %dma_wait3A_421 = tpu.memref_squeeze %dma_wait3A_420 : memref<1x1x1x100xi32, #tpu.memory_space<vmem>> -> memref<100xi32, #tpu.memory_space<vmem>>
      %dma_wait3A_422 = arith.constant 0 : i32
      %dma_wait3A_423 = arith.constant 0 : i32
      %dma_wait3A_424 = tpu.memref_slice %arg2[%dma_wait3A_422, %dma_wait3A_423] : memref<20000x128xf32, #tpu.memory_space<hbm>> -> memref<20000x128xf32, #tpu.memory_space<hbm>>
      tpu.wait_indirect_dma semaphore(%arg8 : memref<!tpu.dma_semaphore, #tpu.memory_space<semaphore_mem>>) src(%dma_wait3A_424 : memref<20000x128xf32, #tpu.memory_space<hbm>>) dst(%dma_wait3A_418 : memref<100x128xf32, #tpu.memory_space<vmem>>)
      %dma_wait3A_425 = arith.constant 1 : i32
      %dma_wait3A_426 = arith.constant 1 : i32
      %dma_wait3A_427 = arith.constant 1 : i32
      %dma_wait3A_428 = arith.constant 300 : i32
      %dma_wait3A_429 = arith.constant 0 : i32
      %dma_wait3A_430 = tpu.memref_slice %arg6[%dma_wait3A_427, %dma_wait3A_428, %dma_wait3A_429] : memref<2x400x128xf32, #tpu.memory_space<vmem>> -> memref<1x100x128xf32, #tpu.memory_space<vmem>>
      %dma_wait3A_431 = tpu.memref_squeeze %dma_wait3A_430 : memref<1x100x128xf32, #tpu.memory_space<vmem>> -> memref<100x128xf32, #tpu.memory_space<vmem>>
      %dma_wait3A_432 = arith.constant 0 : i32
      %dma_wait3A_433 = tpu.memref_slice %arg5[%add3A_385, %dma_wait3A_425, %dma_wait3A_426, %dma_wait3A_432] : memref<25x2x2x100xi32, #tpu.memory_space<vmem>> -> memref<1x1x1x100xi32, #tpu.memory_space<vmem>>
      %dma_wait3A_434 = tpu.memref_squeeze %dma_wait3A_433 : memref<1x1x1x100xi32, #tpu.memory_space<vmem>> -> memref<100xi32, #tpu.memory_space<vmem>>
      %dma_wait3A_435 = arith.constant 0 : i32
      %dma_wait3A_436 = arith.constant 0 : i32
      %dma_wait3A_437 = tpu.memref_slice %arg2[%dma_wait3A_435, %dma_wait3A_436] : memref<20000x128xf32, #tpu.memory_space<hbm>> -> memref<20000x128xf32, #tpu.memory_space<hbm>>
      tpu.wait_indirect_dma semaphore(%arg8 : memref<!tpu.dma_semaphore, #tpu.memory_space<semaphore_mem>>) src(%dma_wait3A_437 : memref<20000x128xf32, #tpu.memory_space<hbm>>) dst(%dma_wait3A_431 : memref<100x128xf32, #tpu.memory_space<vmem>>)
      %scan3A_438 = arith.constant 0 : i32
      %scan3A_439 = arith.constant 0 : i32
      %scan3A_440 = arith.constant 100 : i32
      %scan3A_441 = arith.addi %scan3A_439, %scan3A_440 : i32
      %scan3A_442 = arith.constant 1 : i32
      scf.for %scan3A_460 = %scan3A_439 to %scan3A_441 step %scan3A_442  : i32 {
        %mul3A_461 = arith.constant 2 : i32
        %mul3A_462 = arith.muli %scan3A_460, %mul3A_461 : i32
        %add3A_463 = arith.constant 0 : i32
        %add3A_464 = arith.addi %mul3A_462, %add3A_463 : i32
        %get3A = arith.constant 1 : i32
        %get3A_465 = arith.index_cast %get3A : i32 to index
        %get3A_466 = arith.index_cast %add3A_464 : i32 to index
        %get3A_467 = arith.constant 0 : index
        %get3A_468 = tpu.vector_load %arg6[%get3A_465, %get3A_466, %get3A_467] {strides = array<i32>} : memref<2x400x128xf32, #tpu.memory_space<vmem>>, vector<1x1x16xf32>,
        %get3A_469 = vector.shape_cast %get3A_468 : vector<1x1x16xf32> to vector<16xf32>
        %add3A_470 = arith.constant 200 : i32
        %add3A_471 = arith.addi %add3A_470, %add3A_464 : i32
        %get3A_472 = arith.constant 1 : i32
        %get3A_473 = arith.index_cast %get3A_472 : i32 to index
        %get3A_474 = arith.index_cast %add3A_471 : i32 to index
        %get3A_475 = arith.constant 0 : index
        %get3A_476 = tpu.vector_load %arg6[%get3A_473, %get3A_474, %get3A_475] {strides = array<i32>} : memref<2x400x128xf32, #tpu.memory_space<vmem>>, vector<1x1x16xf32>,
        %get3A_477 = vector.shape_cast %get3A_476 : vector<1x1x16xf32> to vector<16xf32>
        %add3A_478 = arith.addf %get3A_469, %get3A_477 : vector<16xf32>
        %swap3A = arith.constant 1 : i32
        %swap3A_479 = arith.index_cast %swap3A : i32 to index
        %swap3A_480 = arith.index_cast %add3A_464 : i32 to index
        %swap3A_481 = arith.constant 0 : index
        %swap3A_482 = tpu.vector_load %arg6[%swap3A_479, %swap3A_480, %swap3A_481] {strides = array<i32>} : memref<2x400x128xf32, #tpu.memory_space<vmem>>, vector<1x1x16xf32>,
        %swap3A_483 = vector.shape_cast %swap3A_482 : vector<1x1x16xf32> to vector<16xf32>
        %swap3A_484 = vector.shape_cast %add3A_478 : vector<16xf32> to vector<1x1x16xf32>
        tpu.vector_store %arg6[%swap3A_479, %swap3A_480, %swap3A_481], %swap3A_484 {strides = array<i32>} : memref<2x400x128xf32, #tpu.memory_space<vmem>>, vector<1x1x16xf32>,
        %mul3A_485 = arith.constant 2 : i32
        %mul3A_486 = arith.muli %scan3A_460, %mul3A_485 : i32
        %add3A_487 = arith.constant 0 : i32
        %add3A_488 = arith.addi %mul3A_486, %add3A_487 : i32
        %get3A_489 = arith.constant 1 : i32
        %get3A_490 = arith.index_cast %get3A_489 : i32 to index
        %get3A_491 = arith.index_cast %add3A_488 : i32 to index
        %get3A_492 = arith.constant 16 : index
        %get3A_493 = tpu.vector_load %arg6[%get3A_490, %get3A_491, %get3A_492] {strides = array<i32>} : memref<2x400x128xf32, #tpu.memory_space<vmem>>, vector<1x1x16xf32>,
        %get3A_494 = vector.shape_cast %get3A_493 : vector<1x1x16xf32> to vector<16xf32>
        %add3A_495 = arith.constant 200 : i32
        %add3A_496 = arith.addi %add3A_495, %add3A_488 : i32
        %get3A_497 = arith.constant 1 : i32
        %get3A_498 = arith.index_cast %get3A_497 : i32 to index
        %get3A_499 = arith.index_cast %add3A_496 : i32 to index
        %get3A_500 = arith.constant 16 : index
        %get3A_501 = tpu.vector_load %arg6[%get3A_498, %get3A_499, %get3A_500] {strides = array<i32>} : memref<2x400x128xf32, #tpu.memory_space<vmem>>, vector<1x1x16xf32>,
        %get3A_502 = vector.shape_cast %get3A_501 : vector<1x1x16xf32> to vector<16xf32>
        %add3A_503 = arith.addf %get3A_494, %get3A_502 : vector<16xf32>
        %swap3A_504 = arith.constant 1 : i32
        %swap3A_505 = arith.index_cast %swap3A_504 : i32 to index
        %swap3A_506 = arith.index_cast %add3A_488 : i32 to index
        %swap3A_507 = arith.constant 16 : index
        %swap3A_508 = tpu.vector_load %arg6[%swap3A_505, %swap3A_506, %swap3A_507] {strides = array<i32>} : memref<2x400x128xf32, #tpu.memory_space<vmem>>, vector<1x1x16xf32>,
        %swap3A_509 = vector.shape_cast %swap3A_508 : vector<1x1x16xf32> to vector<16xf32>
        %swap3A_510 = vector.shape_cast %add3A_503 : vector<16xf32> to vector<1x1x16xf32>
        tpu.vector_store %arg6[%swap3A_505, %swap3A_506, %swap3A_507], %swap3A_510 {strides = array<i32>} : memref<2x400x128xf32, #tpu.memory_space<vmem>>, vector<1x1x16xf32>,
        %mul3A_511 = arith.constant 2 : i32
        %mul3A_512 = arith.muli %scan3A_460, %mul3A_511 : i32
        %add3A_513 = arith.constant 0 : i32
        %add3A_514 = arith.addi %mul3A_512, %add3A_513 : i32
        %get3A_515 = arith.constant 1 : i32
        %get3A_516 = arith.index_cast %get3A_515 : i32 to index
        %get3A_517 = arith.index_cast %add3A_514 : i32 to index
        %get3A_518 = arith.constant 32 : index
        %get3A_519 = tpu.vector_load %arg6[%get3A_516, %get3A_517, %get3A_518] {strides = array<i32>} : memref<2x400x128xf32, #tpu.memory_space<vmem>>, vector<1x1x16xf32>,
        %get3A_520 = vector.shape_cast %get3A_519 : vector<1x1x16xf32> to vector<16xf32>
        %add3A_521 = arith.constant 200 : i32
        %add3A_522 = arith.addi %add3A_521, %add3A_514 : i32
        %get3A_523 = arith.constant 1 : i32
        %get3A_524 = arith.index_cast %get3A_523 : i32 to index
        %get3A_525 = arith.index_cast %add3A_522 : i32 to index
        %get3A_526 = arith.constant 32 : index
        %get3A_527 = tpu.vector_load %arg6[%get3A_524, %get3A_525, %get3A_526] {strides = array<i32>} : memref<2x400x128xf32, #tpu.memory_space<vmem>>, vector<1x1x16xf32>,
        %get3A_528 = vector.shape_cast %get3A_527 : vector<1x1x16xf32> to vector<16xf32>
        %add3A_529 = arith.addf %get3A_520, %get3A_528 : vector<16xf32>
        %swap3A_530 = arith.constant 1 : i32
        %swap3A_531 = arith.index_cast %swap3A_530 : i32 to index
        %swap3A_532 = arith.index_cast %add3A_514 : i32 to index
        %swap3A_533 = arith.constant 32 : index
        %swap3A_534 = tpu.vector_load %arg6[%swap3A_531, %swap3A_532, %swap3A_533] {strides = array<i32>} : memref<2x400x128xf32, #tpu.memory_space<vmem>>, vector<1x1x16xf32>,
        %swap3A_535 = vector.shape_cast %swap3A_534 : vector<1x1x16xf32> to vector<16xf32>
        %swap3A_536 = vector.shape_cast %add3A_529 : vector<16xf32> to vector<1x1x16xf32>
        tpu.vector_store %arg6[%swap3A_531, %swap3A_532, %swap3A_533], %swap3A_536 {strides = array<i32>} : memref<2x400x128xf32, #tpu.memory_space<vmem>>, vector<1x1x16xf32>,
        %mul3A_537 = arith.constant 2 : i32
        %mul3A_538 = arith.muli %scan3A_460, %mul3A_537 : i32
        %add3A_539 = arith.constant 0 : i32
        %add3A_540 = arith.addi %mul3A_538, %add3A_539 : i32
        %get3A_541 = arith.constant 1 : i32
        %get3A_542 = arith.index_cast %get3A_541 : i32 to index
        %get3A_543 = arith.index_cast %add3A_540 : i32 to index
        %get3A_544 = arith.constant 48 : index
        %get3A_545 = tpu.vector_load %arg6[%get3A_542, %get3A_543, %get3A_544] {strides = array<i32>} : memref<2x400x128xf32, #tpu.memory_space<vmem>>, vector<1x1x16xf32>,
        %get3A_546 = vector.shape_cast %get3A_545 : vector<1x1x16xf32> to vector<16xf32>
        %add3A_547 = arith.constant 200 : i32
        %add3A_548 = arith.addi %add3A_547, %add3A_540 : i32
        %get3A_549 = arith.constant 1 : i32
        %get3A_550 = arith.index_cast %get3A_549 : i32 to index
        %get3A_551 = arith.index_cast %add3A_548 : i32 to index
        %get3A_552 = arith.constant 48 : index
        %get3A_553 = tpu.vector_load %arg6[%get3A_550, %get3A_551, %get3A_552] {strides = array<i32>} : memref<2x400x128xf32, #tpu.memory_space<vmem>>, vector<1x1x16xf32>,
        %get3A_554 = vector.shape_cast %get3A_553 : vector<1x1x16xf32> to vector<16xf32>
        %add3A_555 = arith.addf %get3A_546, %get3A_554 : vector<16xf32>
        %swap3A_556 = arith.constant 1 : i32
        %swap3A_557 = arith.index_cast %swap3A_556 : i32 to index
        %swap3A_558 = arith.index_cast %add3A_540 : i32 to index
        %swap3A_559 = arith.constant 48 : index
        %swap3A_560 = tpu.vector_load %arg6[%swap3A_557, %swap3A_558, %swap3A_559] {strides = array<i32>} : memref<2x400x128xf32, #tpu.memory_space<vmem>>, vector<1x1x16xf32>,
        %swap3A_561 = vector.shape_cast %swap3A_560 : vector<1x1x16xf32> to vector<16xf32>
        %swap3A_562 = vector.shape_cast %add3A_555 : vector<16xf32> to vector<1x1x16xf32>
        tpu.vector_store %arg6[%swap3A_557, %swap3A_558, %swap3A_559], %swap3A_562 {strides = array<i32>} : memref<2x400x128xf32, #tpu.memory_space<vmem>>, vector<1x1x16xf32>,
        %mul3A_563 = arith.constant 2 : i32
        %mul3A_564 = arith.muli %scan3A_460, %mul3A_563 : i32
        %add3A_565 = arith.constant 0 : i32
        %add3A_566 = arith.addi %mul3A_564, %add3A_565 : i32
        %get3A_567 = arith.constant 1 : i32
        %get3A_568 = arith.index_cast %get3A_567 : i32 to index
        %get3A_569 = arith.index_cast %add3A_566 : i32 to index
        %get3A_570 = arith.constant 64 : index
        %get3A_571 = tpu.vector_load %arg6[%get3A_568, %get3A_569, %get3A_570] {strides = array<i32>} : memref<2x400x128xf32, #tpu.memory_space<vmem>>, vector<1x1x16xf32>,
        %get3A_572 = vector.shape_cast %get3A_571 : vector<1x1x16xf32> to vector<16xf32>
        %add3A_573 = arith.constant 200 : i32
        %add3A_574 = arith.addi %add3A_573, %add3A_566 : i32
        %get3A_575 = arith.constant 1 : i32
        %get3A_576 = arith.index_cast %get3A_575 : i32 to index
        %get3A_577 = arith.index_cast %add3A_574 : i32 to index
        %get3A_578 = arith.constant 64 : index
        %get3A_579 = tpu.vector_load %arg6[%get3A_576, %get3A_577, %get3A_578] {strides = array<i32>} : memref<2x400x128xf32, #tpu.memory_space<vmem>>, vector<1x1x16xf32>,
        %get3A_580 = vector.shape_cast %get3A_579 : vector<1x1x16xf32> to vector<16xf32>
        %add3A_581 = arith.addf %get3A_572, %get3A_580 : vector<16xf32>
        %swap3A_582 = arith.constant 1 : i32
        %swap3A_583 = arith.index_cast %swap3A_582 : i32 to index
        %swap3A_584 = arith.index_cast %add3A_566 : i32 to index
        %swap3A_585 = arith.constant 64 : index
        %swap3A_586 = tpu.vector_load %arg6[%swap3A_583, %swap3A_584, %swap3A_585] {strides = array<i32>} : memref<2x400x128xf32, #tpu.memory_space<vmem>>, vector<1x1x16xf32>,
        %swap3A_587 = vector.shape_cast %swap3A_586 : vector<1x1x16xf32> to vector<16xf32>
        %swap3A_588 = vector.shape_cast %add3A_581 : vector<16xf32> to vector<1x1x16xf32>
        tpu.vector_store %arg6[%swap3A_583, %swap3A_584, %swap3A_585], %swap3A_588 {strides = array<i32>} : memref<2x400x128xf32, #tpu.memory_space<vmem>>, vector<1x1x16xf32>,
        %mul3A_589 = arith.constant 2 : i32
        %mul3A_590 = arith.muli %scan3A_460, %mul3A_589 : i32
        %add3A_591 = arith.constant 0 : i32
        %add3A_592 = arith.addi %mul3A_590, %add3A_591 : i32
        %get3A_593 = arith.constant 1 : i32
        %get3A_594 = arith.index_cast %get3A_593 : i32 to index
        %get3A_595 = arith.index_cast %add3A_592 : i32 to index
        %get3A_596 = arith.constant 80 : index
        %get3A_597 = tpu.vector_load %arg6[%get3A_594, %get3A_595, %get3A_596] {strides = array<i32>} : memref<2x400x128xf32, #tpu.memory_space<vmem>>, vector<1x1x16xf32>,
        %get3A_598 = vector.shape_cast %get3A_597 : vector<1x1x16xf32> to vector<16xf32>
        %add3A_599 = arith.constant 200 : i32
        %add3A_600 = arith.addi %add3A_599, %add3A_592 : i32
        %get3A_601 = arith.constant 1 : i32
        %get3A_602 = arith.index_cast %get3A_601 : i32 to index
        %get3A_603 = arith.index_cast %add3A_600 : i32 to index
        %get3A_604 = arith.constant 80 : index
        %get3A_605 = tpu.vector_load %arg6[%get3A_602, %get3A_603, %get3A_604] {strides = array<i32>} : memref<2x400x128xf32, #tpu.memory_space<vmem>>, vector<1x1x16xf32>,
        %get3A_606 = vector.shape_cast %get3A_605 : vector<1x1x16xf32> to vector<16xf32>
        %add3A_607 = arith.addf %get3A_598, %get3A_606 : vector<16xf32>
        %swap3A_608 = arith.constant 1 : i32
        %swap3A_609 = arith.index_cast %swap3A_608 : i32 to index
        %swap3A_610 = arith.index_cast %add3A_592 : i32 to index
        %swap3A_611 = arith.constant 80 : index
        %swap3A_612 = tpu.vector_load %arg6[%swap3A_609, %swap3A_610, %swap3A_611] {strides = array<i32>} : memref<2x400x128xf32, #tpu.memory_space<vmem>>, vector<1x1x16xf32>,
        %swap3A_613 = vector.shape_cast %swap3A_612 : vector<1x1x16xf32> to vector<16xf32>
        %swap3A_614 = vector.shape_cast %add3A_607 : vector<16xf32> to vector<1x1x16xf32>
        tpu.vector_store %arg6[%swap3A_609, %swap3A_610, %swap3A_611], %swap3A_614 {strides = array<i32>} : memref<2x400x128xf32, #tpu.memory_space<vmem>>, vector<1x1x16xf32>,
        %mul3A_615 = arith.constant 2 : i32
        %mul3A_616 = arith.muli %scan3A_460, %mul3A_615 : i32
        %add3A_617 = arith.constant 0 : i32
        %add3A_618 = arith.addi %mul3A_616, %add3A_617 : i32
        %get3A_619 = arith.constant 1 : i32
        %get3A_620 = arith.index_cast %get3A_619 : i32 to index
        %get3A_621 = arith.index_cast %add3A_618 : i32 to index
        %get3A_622 = arith.constant 96 : index
        %get3A_623 = tpu.vector_load %arg6[%get3A_620, %get3A_621, %get3A_622] {strides = array<i32>} : memref<2x400x128xf32, #tpu.memory_space<vmem>>, vector<1x1x16xf32>,
        %get3A_624 = vector.shape_cast %get3A_623 : vector<1x1x16xf32> to vector<16xf32>
        %add3A_625 = arith.constant 200 : i32
        %add3A_626 = arith.addi %add3A_625, %add3A_618 : i32
        %get3A_627 = arith.constant 1 : i32
        %get3A_628 = arith.index_cast %get3A_627 : i32 to index
        %get3A_629 = arith.index_cast %add3A_626 : i32 to index
        %get3A_630 = arith.constant 96 : index
        %get3A_631 = tpu.vector_load %arg6[%get3A_628, %get3A_629, %get3A_630] {strides = array<i32>} : memref<2x400x128xf32, #tpu.memory_space<vmem>>, vector<1x1x16xf32>,
        %get3A_632 = vector.shape_cast %get3A_631 : vector<1x1x16xf32> to vector<16xf32>
        %add3A_633 = arith.addf %get3A_624, %get3A_632 : vector<16xf32>
        %swap3A_634 = arith.constant 1 : i32
        %swap3A_635 = arith.index_cast %swap3A_634 : i32 to index
        %swap3A_636 = arith.index_cast %add3A_618 : i32 to index
        %swap3A_637 = arith.constant 96 : index
        %swap3A_638 = tpu.vector_load %arg6[%swap3A_635, %swap3A_636, %swap3A_637] {strides = array<i32>} : memref<2x400x128xf32, #tpu.memory_space<vmem>>, vector<1x1x16xf32>,
        %swap3A_639 = vector.shape_cast %swap3A_638 : vector<1x1x16xf32> to vector<16xf32>
        %swap3A_640 = vector.shape_cast %add3A_633 : vector<16xf32> to vector<1x1x16xf32>
        tpu.vector_store %arg6[%swap3A_635, %swap3A_636, %swap3A_637], %swap3A_640 {strides = array<i32>} : memref<2x400x128xf32, #tpu.memory_space<vmem>>, vector<1x1x16xf32>,
        %mul3A_641 = arith.constant 2 : i32
        %mul3A_642 = arith.muli %scan3A_460, %mul3A_641 : i32
        %add3A_643 = arith.constant 0 : i32
        %add3A_644 = arith.addi %mul3A_642, %add3A_643 : i32
        %get3A_645 = arith.constant 1 : i32
        %get3A_646 = arith.index_cast %get3A_645 : i32 to index
        %get3A_647 = arith.index_cast %add3A_644 : i32 to index
        %get3A_648 = arith.constant 112 : index
        %get3A_649 = tpu.vector_load %arg6[%get3A_646, %get3A_647, %get3A_648] {strides = array<i32>} : memref<2x400x128xf32, #tpu.memory_space<vmem>>, vector<1x1x16xf32>,
        %get3A_650 = vector.shape_cast %get3A_649 : vector<1x1x16xf32> to vector<16xf32>
        %add3A_651 = arith.constant 200 : i32
        %add3A_652 = arith.addi %add3A_651, %add3A_644 : i32
        %get3A_653 = arith.constant 1 : i32
        %get3A_654 = arith.index_cast %get3A_653 : i32 to index
        %get3A_655 = arith.index_cast %add3A_652 : i32 to index
        %get3A_656 = arith.constant 112 : index
        %get3A_657 = tpu.vector_load %arg6[%get3A_654, %get3A_655, %get3A_656] {strides = array<i32>} : memref<2x400x128xf32, #tpu.memory_space<vmem>>, vector<1x1x16xf32>,
        %get3A_658 = vector.shape_cast %get3A_657 : vector<1x1x16xf32> to vector<16xf32>
        %add3A_659 = arith.addf %get3A_650, %get3A_658 : vector<16xf32>
        %swap3A_660 = arith.constant 1 : i32
        %swap3A_661 = arith.index_cast %swap3A_660 : i32 to index
        %swap3A_662 = arith.index_cast %add3A_644 : i32 to index
        %swap3A_663 = arith.constant 112 : index
        %swap3A_664 = tpu.vector_load %arg6[%swap3A_661, %swap3A_662, %swap3A_663] {strides = array<i32>} : memref<2x400x128xf32, #tpu.memory_space<vmem>>, vector<1x1x16xf32>,
        %swap3A_665 = vector.shape_cast %swap3A_664 : vector<1x1x16xf32> to vector<16xf32>
        %swap3A_666 = vector.shape_cast %add3A_659 : vector<16xf32> to vector<1x1x16xf32>
        tpu.vector_store %arg6[%swap3A_661, %swap3A_662, %swap3A_663], %swap3A_666 {strides = array<i32>} : memref<2x400x128xf32, #tpu.memory_space<vmem>>, vector<1x1x16xf32>,
        %mul3A_667 = arith.constant 2 : i32
        %mul3A_668 = arith.muli %scan3A_460, %mul3A_667 : i32
        %add3A_669 = arith.constant 1 : i32
        %add3A_670 = arith.addi %mul3A_668, %add3A_669 : i32
        %get3A_671 = arith.constant 1 : i32
        %get3A_672 = arith.index_cast %get3A_671 : i32 to index
        %get3A_673 = arith.index_cast %add3A_670 : i32 to index
        %get3A_674 = arith.constant 0 : index
        %get3A_675 = tpu.vector_load %arg6[%get3A_672, %get3A_673, %get3A_674] {strides = array<i32>} : memref<2x400x128xf32, #tpu.memory_space<vmem>>, vector<1x1x16xf32>,
        %get3A_676 = vector.shape_cast %get3A_675 : vector<1x1x16xf32> to vector<16xf32>
        %add3A_677 = arith.constant 200 : i32
        %add3A_678 = arith.addi %add3A_677, %add3A_670 : i32
        %get3A_679 = arith.constant 1 : i32
        %get3A_680 = arith.index_cast %get3A_679 : i32 to index
        %get3A_681 = arith.index_cast %add3A_678 : i32 to index
        %get3A_682 = arith.constant 0 : index
        %get3A_683 = tpu.vector_load %arg6[%get3A_680, %get3A_681, %get3A_682] {strides = array<i32>} : memref<2x400x128xf32, #tpu.memory_space<vmem>>, vector<1x1x16xf32>,
        %get3A_684 = vector.shape_cast %get3A_683 : vector<1x1x16xf32> to vector<16xf32>
        %add3A_685 = arith.addf %get3A_676, %get3A_684 : vector<16xf32>
        %swap3A_686 = arith.constant 1 : i32
        %swap3A_687 = arith.index_cast %swap3A_686 : i32 to index
        %swap3A_688 = arith.index_cast %add3A_670 : i32 to index
        %swap3A_689 = arith.constant 0 : index
        %swap3A_690 = tpu.vector_load %arg6[%swap3A_687, %swap3A_688, %swap3A_689] {strides = array<i32>} : memref<2x400x128xf32, #tpu.memory_space<vmem>>, vector<1x1x16xf32>,
        %swap3A_691 = vector.shape_cast %swap3A_690 : vector<1x1x16xf32> to vector<16xf32>
        %swap3A_692 = vector.shape_cast %add3A_685 : vector<16xf32> to vector<1x1x16xf32>
        tpu.vector_store %arg6[%swap3A_687, %swap3A_688, %swap3A_689], %swap3A_692 {strides = array<i32>} : memref<2x400x128xf32, #tpu.memory_space<vmem>>, vector<1x1x16xf32>,
        %mul3A_693 = arith.constant 2 : i32
        %mul3A_694 = arith.muli %scan3A_460, %mul3A_693 : i32
        %add3A_695 = arith.constant 1 : i32
        %add3A_696 = arith.addi %mul3A_694, %add3A_695 : i32
        %get3A_697 = arith.constant 1 : i32
        %get3A_698 = arith.index_cast %get3A_697 : i32 to index
        %get3A_699 = arith.index_cast %add3A_696 : i32 to index
        %get3A_700 = arith.constant 16 : index
        %get3A_701 = tpu.vector_load %arg6[%get3A_698, %get3A_699, %get3A_700] {strides = array<i32>} : memref<2x400x128xf32, #tpu.memory_space<vmem>>, vector<1x1x16xf32>,
        %get3A_702 = vector.shape_cast %get3A_701 : vector<1x1x16xf32> to vector<16xf32>
        %add3A_703 = arith.constant 200 : i32
        %add3A_704 = arith.addi %add3A_703, %add3A_696 : i32
        %get3A_705 = arith.constant 1 : i32
        %get3A_706 = arith.index_cast %get3A_705 : i32 to index
        %get3A_707 = arith.index_cast %add3A_704 : i32 to index
        %get3A_708 = arith.constant 16 : index
        %get3A_709 = tpu.vector_load %arg6[%get3A_706, %get3A_707, %get3A_708] {strides = array<i32>} : memref<2x400x128xf32, #tpu.memory_space<vmem>>, vector<1x1x16xf32>,
        %get3A_710 = vector.shape_cast %get3A_709 : vector<1x1x16xf32> to vector<16xf32>
        %add3A_711 = arith.addf %get3A_702, %get3A_710 : vector<16xf32>
        %swap3A_712 = arith.constant 1 : i32
        %swap3A_713 = arith.index_cast %swap3A_712 : i32 to index
        %swap3A_714 = arith.index_cast %add3A_696 : i32 to index
        %swap3A_715 = arith.constant 16 : index
        %swap3A_716 = tpu.vector_load %arg6[%swap3A_713, %swap3A_714, %swap3A_715] {strides = array<i32>} : memref<2x400x128xf32, #tpu.memory_space<vmem>>, vector<1x1x16xf32>,
        %swap3A_717 = vector.shape_cast %swap3A_716 : vector<1x1x16xf32> to vector<16xf32>
        %swap3A_718 = vector.shape_cast %add3A_711 : vector<16xf32> to vector<1x1x16xf32>
        tpu.vector_store %arg6[%swap3A_713, %swap3A_714, %swap3A_715], %swap3A_718 {strides = array<i32>} : memref<2x400x128xf32, #tpu.memory_space<vmem>>, vector<1x1x16xf32>,
        %mul3A_719 = arith.constant 2 : i32
        %mul3A_720 = arith.muli %scan3A_460, %mul3A_719 : i32
        %add3A_721 = arith.constant 1 : i32
        %add3A_722 = arith.addi %mul3A_720, %add3A_721 : i32
        %get3A_723 = arith.constant 1 : i32
        %get3A_724 = arith.index_cast %get3A_723 : i32 to index
        %get3A_725 = arith.index_cast %add3A_722 : i32 to index
        %get3A_726 = arith.constant 32 : index
        %get3A_727 = tpu.vector_load %arg6[%get3A_724, %get3A_725, %get3A_726] {strides = array<i32>} : memref<2x400x128xf32, #tpu.memory_space<vmem>>, vector<1x1x16xf32>,
        %get3A_728 = vector.shape_cast %get3A_727 : vector<1x1x16xf32> to vector<16xf32>
        %add3A_729 = arith.constant 200 : i32
        %add3A_730 = arith.addi %add3A_729, %add3A_722 : i32
        %get3A_731 = arith.constant 1 : i32
        %get3A_732 = arith.index_cast %get3A_731 : i32 to index
        %get3A_733 = arith.index_cast %add3A_730 : i32 to index
        %get3A_734 = arith.constant 32 : index
        %get3A_735 = tpu.vector_load %arg6[%get3A_732, %get3A_733, %get3A_734] {strides = array<i32>} : memref<2x400x128xf32, #tpu.memory_space<vmem>>, vector<1x1x16xf32>,
        %get3A_736 = vector.shape_cast %get3A_735 : vector<1x1x16xf32> to vector<16xf32>
        %add3A_737 = arith.addf %get3A_728, %get3A_736 : vector<16xf32>
        %swap3A_738 = arith.constant 1 : i32
        %swap3A_739 = arith.index_cast %swap3A_738 : i32 to index
        %swap3A_740 = arith.index_cast %add3A_722 : i32 to index
        %swap3A_741 = arith.constant 32 : index
        %swap3A_742 = tpu.vector_load %arg6[%swap3A_739, %swap3A_740, %swap3A_741] {strides = array<i32>} : memref<2x400x128xf32, #tpu.memory_space<vmem>>, vector<1x1x16xf32>,
        %swap3A_743 = vector.shape_cast %swap3A_742 : vector<1x1x16xf32> to vector<16xf32>
        %swap3A_744 = vector.shape_cast %add3A_737 : vector<16xf32> to vector<1x1x16xf32>
        tpu.vector_store %arg6[%swap3A_739, %swap3A_740, %swap3A_741], %swap3A_744 {strides = array<i32>} : memref<2x400x128xf32, #tpu.memory_space<vmem>>, vector<1x1x16xf32>,
        %mul3A_745 = arith.constant 2 : i32
        %mul3A_746 = arith.muli %scan3A_460, %mul3A_745 : i32
        %add3A_747 = arith.constant 1 : i32
        %add3A_748 = arith.addi %mul3A_746, %add3A_747 : i32
        %get3A_749 = arith.constant 1 : i32
        %get3A_750 = arith.index_cast %get3A_749 : i32 to index
        %get3A_751 = arith.index_cast %add3A_748 : i32 to index
        %get3A_752 = arith.constant 48 : index
        %get3A_753 = tpu.vector_load %arg6[%get3A_750, %get3A_751, %get3A_752] {strides = array<i32>} : memref<2x400x128xf32, #tpu.memory_space<vmem>>, vector<1x1x16xf32>,
        %get3A_754 = vector.shape_cast %get3A_753 : vector<1x1x16xf32> to vector<16xf32>
        %add3A_755 = arith.constant 200 : i32
        %add3A_756 = arith.addi %add3A_755, %add3A_748 : i32
        %get3A_757 = arith.constant 1 : i32
        %get3A_758 = arith.index_cast %get3A_757 : i32 to index
        %get3A_759 = arith.index_cast %add3A_756 : i32 to index
        %get3A_760 = arith.constant 48 : index
        %get3A_761 = tpu.vector_load %arg6[%get3A_758, %get3A_759, %get3A_760] {strides = array<i32>} : memref<2x400x128xf32, #tpu.memory_space<vmem>>, vector<1x1x16xf32>,
        %get3A_762 = vector.shape_cast %get3A_761 : vector<1x1x16xf32> to vector<16xf32>
        %add3A_763 = arith.addf %get3A_754, %get3A_762 : vector<16xf32>
        %swap3A_764 = arith.constant 1 : i32
        %swap3A_765 = arith.index_cast %swap3A_764 : i32 to index
        %swap3A_766 = arith.index_cast %add3A_748 : i32 to index
        %swap3A_767 = arith.constant 48 : index
        %swap3A_768 = tpu.vector_load %arg6[%swap3A_765, %swap3A_766, %swap3A_767] {strides = array<i32>} : memref<2x400x128xf32, #tpu.memory_space<vmem>>, vector<1x1x16xf32>,
        %swap3A_769 = vector.shape_cast %swap3A_768 : vector<1x1x16xf32> to vector<16xf32>
        %swap3A_770 = vector.shape_cast %add3A_763 : vector<16xf32> to vector<1x1x16xf32>
        tpu.vector_store %arg6[%swap3A_765, %swap3A_766, %swap3A_767], %swap3A_770 {strides = array<i32>} : memref<2x400x128xf32, #tpu.memory_space<vmem>>, vector<1x1x16xf32>,
        %mul3A_771 = arith.constant 2 : i32
        %mul3A_772 = arith.muli %scan3A_460, %mul3A_771 : i32
        %add3A_773 = arith.constant 1 : i32
        %add3A_774 = arith.addi %mul3A_772, %add3A_773 : i32
        %get3A_775 = arith.constant 1 : i32
        %get3A_776 = arith.index_cast %get3A_775 : i32 to index
        %get3A_777 = arith.index_cast %add3A_774 : i32 to index
        %get3A_778 = arith.constant 64 : index
        %get3A_779 = tpu.vector_load %arg6[%get3A_776, %get3A_777, %get3A_778] {strides = array<i32>} : memref<2x400x128xf32, #tpu.memory_space<vmem>>, vector<1x1x16xf32>,
        %get3A_780 = vector.shape_cast %get3A_779 : vector<1x1x16xf32> to vector<16xf32>
        %add3A_781 = arith.constant 200 : i32
        %add3A_782 = arith.addi %add3A_781, %add3A_774 : i32
        %get3A_783 = arith.constant 1 : i32
        %get3A_784 = arith.index_cast %get3A_783 : i32 to index
        %get3A_785 = arith.index_cast %add3A_782 : i32 to index
        %get3A_786 = arith.constant 64 : index
        %get3A_787 = tpu.vector_load %arg6[%get3A_784, %get3A_785, %get3A_786] {strides = array<i32>} : memref<2x400x128xf32, #tpu.memory_space<vmem>>, vector<1x1x16xf32>,
        %get3A_788 = vector.shape_cast %get3A_787 : vector<1x1x16xf32> to vector<16xf32>
        %add3A_789 = arith.addf %get3A_780, %get3A_788 : vector<16xf32>
        %swap3A_790 = arith.constant 1 : i32
        %swap3A_791 = arith.index_cast %swap3A_790 : i32 to index
        %swap3A_792 = arith.index_cast %add3A_774 : i32 to index
        %swap3A_793 = arith.constant 64 : index
        %swap3A_794 = tpu.vector_load %arg6[%swap3A_791, %swap3A_792, %swap3A_793] {strides = array<i32>} : memref<2x400x128xf32, #tpu.memory_space<vmem>>, vector<1x1x16xf32>,
        %swap3A_795 = vector.shape_cast %swap3A_794 : vector<1x1x16xf32> to vector<16xf32>
        %swap3A_796 = vector.shape_cast %add3A_789 : vector<16xf32> to vector<1x1x16xf32>
        tpu.vector_store %arg6[%swap3A_791, %swap3A_792, %swap3A_793], %swap3A_796 {strides = array<i32>} : memref<2x400x128xf32, #tpu.memory_space<vmem>>, vector<1x1x16xf32>,
        %mul3A_797 = arith.constant 2 : i32
        %mul3A_798 = arith.muli %scan3A_460, %mul3A_797 : i32
        %add3A_799 = arith.constant 1 : i32
        %add3A_800 = arith.addi %mul3A_798, %add3A_799 : i32
        %get3A_801 = arith.constant 1 : i32
        %get3A_802 = arith.index_cast %get3A_801 : i32 to index
        %get3A_803 = arith.index_cast %add3A_800 : i32 to index
        %get3A_804 = arith.constant 80 : index
        %get3A_805 = tpu.vector_load %arg6[%get3A_802, %get3A_803, %get3A_804] {strides = array<i32>} : memref<2x400x128xf32, #tpu.memory_space<vmem>>, vector<1x1x16xf32>,
        %get3A_806 = vector.shape_cast %get3A_805 : vector<1x1x16xf32> to vector<16xf32>
        %add3A_807 = arith.constant 200 : i32
        %add3A_808 = arith.addi %add3A_807, %add3A_800 : i32
        %get3A_809 = arith.constant 1 : i32
        %get3A_810 = arith.index_cast %get3A_809 : i32 to index
        %get3A_811 = arith.index_cast %add3A_808 : i32 to index
        %get3A_812 = arith.constant 80 : index
        %get3A_813 = tpu.vector_load %arg6[%get3A_810, %get3A_811, %get3A_812] {strides = array<i32>} : memref<2x400x128xf32, #tpu.memory_space<vmem>>, vector<1x1x16xf32>,
        %get3A_814 = vector.shape_cast %get3A_813 : vector<1x1x16xf32> to vector<16xf32>
        %add3A_815 = arith.addf %get3A_806, %get3A_814 : vector<16xf32>
        %swap3A_816 = arith.constant 1 : i32
        %swap3A_817 = arith.index_cast %swap3A_816 : i32 to index
        %swap3A_818 = arith.index_cast %add3A_800 : i32 to index
        %swap3A_819 = arith.constant 80 : index
        %swap3A_820 = tpu.vector_load %arg6[%swap3A_817, %swap3A_818, %swap3A_819] {strides = array<i32>} : memref<2x400x128xf32, #tpu.memory_space<vmem>>, vector<1x1x16xf32>,
        %swap3A_821 = vector.shape_cast %swap3A_820 : vector<1x1x16xf32> to vector<16xf32>
        %swap3A_822 = vector.shape_cast %add3A_815 : vector<16xf32> to vector<1x1x16xf32>
        tpu.vector_store %arg6[%swap3A_817, %swap3A_818, %swap3A_819], %swap3A_822 {strides = array<i32>} : memref<2x400x128xf32, #tpu.memory_space<vmem>>, vector<1x1x16xf32>,
        %mul3A_823 = arith.constant 2 : i32
        %mul3A_824 = arith.muli %scan3A_460, %mul3A_823 : i32
        %add3A_825 = arith.constant 1 : i32
        %add3A_826 = arith.addi %mul3A_824, %add3A_825 : i32
        %get3A_827 = arith.constant 1 : i32
        %get3A_828 = arith.index_cast %get3A_827 : i32 to index
        %get3A_829 = arith.index_cast %add3A_826 : i32 to index
        %get3A_830 = arith.constant 96 : index
        %get3A_831 = tpu.vector_load %arg6[%get3A_828, %get3A_829, %get3A_830] {strides = array<i32>} : memref<2x400x128xf32, #tpu.memory_space<vmem>>, vector<1x1x16xf32>,
        %get3A_832 = vector.shape_cast %get3A_831 : vector<1x1x16xf32> to vector<16xf32>
        %add3A_833 = arith.constant 200 : i32
        %add3A_834 = arith.addi %add3A_833, %add3A_826 : i32
        %get3A_835 = arith.constant 1 : i32
        %get3A_836 = arith.index_cast %get3A_835 : i32 to index
        %get3A_837 = arith.index_cast %add3A_834 : i32 to index
        %get3A_838 = arith.constant 96 : index
        %get3A_839 = tpu.vector_load %arg6[%get3A_836, %get3A_837, %get3A_838] {strides = array<i32>} : memref<2x400x128xf32, #tpu.memory_space<vmem>>, vector<1x1x16xf32>,
        %get3A_840 = vector.shape_cast %get3A_839 : vector<1x1x16xf32> to vector<16xf32>
        %add3A_841 = arith.addf %get3A_832, %get3A_840 : vector<16xf32>
        %swap3A_842 = arith.constant 1 : i32
        %swap3A_843 = arith.index_cast %swap3A_842 : i32 to index
        %swap3A_844 = arith.index_cast %add3A_826 : i32 to index
        %swap3A_845 = arith.constant 96 : index
        %swap3A_846 = tpu.vector_load %arg6[%swap3A_843, %swap3A_844, %swap3A_845] {strides = array<i32>} : memref<2x400x128xf32, #tpu.memory_space<vmem>>, vector<1x1x16xf32>,
        %swap3A_847 = vector.shape_cast %swap3A_846 : vector<1x1x16xf32> to vector<16xf32>
        %swap3A_848 = vector.shape_cast %add3A_841 : vector<16xf32> to vector<1x1x16xf32>
        tpu.vector_store %arg6[%swap3A_843, %swap3A_844, %swap3A_845], %swap3A_848 {strides = array<i32>} : memref<2x400x128xf32, #tpu.memory_space<vmem>>, vector<1x1x16xf32>,
        %mul3A_849 = arith.constant 2 : i32
        %mul3A_850 = arith.muli %scan3A_460, %mul3A_849 : i32
        %add3A_851 = arith.constant 1 : i32
        %add3A_852 = arith.addi %mul3A_850, %add3A_851 : i32
        %get3A_853 = arith.constant 1 : i32
        %get3A_854 = arith.index_cast %get3A_853 : i32 to index
        %get3A_855 = arith.index_cast %add3A_852 : i32 to index
        %get3A_856 = arith.constant 112 : index
        %get3A_857 = tpu.vector_load %arg6[%get3A_854, %get3A_855, %get3A_856] {strides = array<i32>} : memref<2x400x128xf32, #tpu.memory_space<vmem>>, vector<1x1x16xf32>,
        %get3A_858 = vector.shape_cast %get3A_857 : vector<1x1x16xf32> to vector<16xf32>
        %add3A_859 = arith.constant 200 : i32
        %add3A_860 = arith.addi %add3A_859, %add3A_852 : i32
        %get3A_861 = arith.constant 1 : i32
        %get3A_862 = arith.index_cast %get3A_861 : i32 to index
        %get3A_863 = arith.index_cast %add3A_860 : i32 to index
        %get3A_864 = arith.constant 112 : index
        %get3A_865 = tpu.vector_load %arg6[%get3A_862, %get3A_863, %get3A_864] {strides = array<i32>} : memref<2x400x128xf32, #tpu.memory_space<vmem>>, vector<1x1x16xf32>,
        %get3A_866 = vector.shape_cast %get3A_865 : vector<1x1x16xf32> to vector<16xf32>
        %add3A_867 = arith.addf %get3A_858, %get3A_866 : vector<16xf32>
        %swap3A_868 = arith.constant 1 : i32
        %swap3A_869 = arith.index_cast %swap3A_868 : i32 to index
        %swap3A_870 = arith.index_cast %add3A_852 : i32 to index
        %swap3A_871 = arith.constant 112 : index
        %swap3A_872 = tpu.vector_load %arg6[%swap3A_869, %swap3A_870, %swap3A_871] {strides = array<i32>} : memref<2x400x128xf32, #tpu.memory_space<vmem>>, vector<1x1x16xf32>,
        %swap3A_873 = vector.shape_cast %swap3A_872 : vector<1x1x16xf32> to vector<16xf32>
        %swap3A_874 = vector.shape_cast %add3A_867 : vector<16xf32> to vector<1x1x16xf32>
        tpu.vector_store %arg6[%swap3A_869, %swap3A_870, %swap3A_871], %swap3A_874 {strides = array<i32>} : memref<2x400x128xf32, #tpu.memory_space<vmem>>, vector<1x1x16xf32>,
      }
      %scan3A_443 = arith.constant 100 : i32
      %mul3A_444 = arith.constant 200 : i32
      %mul3A_445 = arith.muli %add3A_385, %mul3A_444 : i32
      %add3A_446 = arith.addi %mul3A_2, %mul3A_445 : i32
      %dma_start3A_447 = arith.constant 1 : i32
      %dma_start3A_448 = arith.constant 0 : i32
      %dma_start3A_449 = arith.constant 0 : i32
      %dma_start3A_450 = tpu.memref_slice %arg6[%dma_start3A_447, %dma_start3A_448, %dma_start3A_449] : memref<2x400x128xf32, #tpu.memory_space<vmem>> -> memref<1x200x128xf32, #tpu.memory_space<vmem>>
      %dma_start3A_451 = tpu.memref_squeeze %dma_start3A_450 : memref<1x200x128xf32, #tpu.memory_space<vmem>> -> memref<200x128xf32, #tpu.memory_space<vmem>>
      %dma_start3A_452 = arith.constant 0 : i32
      %dma_start3A_453 = tpu.memref_slice %arg4[%add3A_446, %dma_start3A_452] : memref<160000x128xf32, #tpu.memory_space<hbm>> -> memref<200x128xf32, #tpu.memory_space<hbm>>
      %dma_start3A_454 = arith.constant 0 : i32
      %dma_start3A_455 = tpu.memref_slice %arg4[%add3A_446, %dma_start3A_454] : memref<160000x128xf32, #tpu.memory_space<hbm>> -> memref<200x128xf32, #tpu.memory_space<hbm>>
      %dma_start3A_456 = arith.constant 0 : i32
      %dma_start3A_457 = arith.constant 0 : i32
      %dma_start3A_458 = tpu.memref_slice %arg6[%dma_start3A_447, %dma_start3A_456, %dma_start3A_457] : memref<2x400x128xf32, #tpu.memory_space<vmem>> -> memref<1x200x128xf32, #tpu.memory_space<vmem>>
      %dma_start3A_459 = tpu.memref_squeeze %dma_start3A_458 : memref<1x200x128xf32, #tpu.memory_space<vmem>> -> memref<200x128xf32, #tpu.memory_space<vmem>>
      tpu.enqueue_dma source(%dma_start3A_459 : memref<200x128xf32, #tpu.memory_space<vmem>>) target(%dma_start3A_455 : memref<200x128xf32, #tpu.memory_space<hbm>>) target_semaphore(%arg10 : memref<!tpu.dma_semaphore, #tpu.memory_space<semaphore_mem>>)
    }
    %scan3A_7 = arith.constant 12 : i32
    %add3A_8 = arith.constant 4400 : i32
    %add3A_9 = arith.addi %mul3A_2, %add3A_8 : i32
    %dma_wait3A = arith.constant 0 : i32
    %dma_wait3A_10 = arith.constant 0 : i32
    %dma_wait3A_11 = arith.constant 0 : i32
    %dma_wait3A_12 = tpu.memref_slice %arg6[%dma_wait3A, %dma_wait3A_10, %dma_wait3A_11] : memref<2x400x128xf32, #tpu.memory_space<vmem>> -> memref<1x200x128xf32, #tpu.memory_space<vmem>>
    %dma_wait3A_13 = tpu.memref_squeeze %dma_wait3A_12 : memref<1x200x128xf32, #tpu.memory_space<vmem>> -> memref<200x128xf32, #tpu.memory_space<vmem>>
    %dma_wait3A_14 = arith.constant 0 : i32
    %dma_wait3A_15 = tpu.memref_slice %arg4[%add3A_9, %dma_wait3A_14] : memref<160000x128xf32, #tpu.memory_space<hbm>> -> memref<200x128xf32, #tpu.memory_space<hbm>>
    %dma_wait3A_16 = arith.constant 0 : i32
    %dma_wait3A_17 = tpu.memref_slice %arg4[%add3A_9, %dma_wait3A_16] : memref<160000x128xf32, #tpu.memory_space<hbm>> -> memref<200x128xf32, #tpu.memory_space<hbm>>
    %dma_wait3A_18 = arith.constant 0 : i32
    %dma_wait3A_19 = arith.constant 0 : i32
    %dma_wait3A_20 = tpu.memref_slice %arg6[%dma_wait3A, %dma_wait3A_18, %dma_wait3A_19] : memref<2x400x128xf32, #tpu.memory_space<vmem>> -> memref<1x200x128xf32, #tpu.memory_space<vmem>>
    %dma_wait3A_21 = tpu.memref_squeeze %dma_wait3A_20 : memref<1x200x128xf32, #tpu.memory_space<vmem>> -> memref<200x128xf32, #tpu.memory_space<vmem>>
    tpu.wait_dma2 semaphore(%arg9 : memref<!tpu.dma_semaphore, #tpu.memory_space<semaphore_mem>>) src(%dma_wait3A_21 : memref<200x128xf32, #tpu.memory_space<vmem>>) dst(%dma_wait3A_17 : memref<200x128xf32, #tpu.memory_space<hbm>>)
    %dma_start3A = arith.constant 24 : i32
    %dma_start3A_22 = arith.constant 0 : i32
    %dma_start3A_23 = arith.constant 0 : i32
    %dma_start3A_24 = arith.constant 0 : i32
    %dma_start3A_25 = arith.constant 0 : i32
    %dma_start3A_26 = arith.constant 0 : i32
    %dma_start3A_27 = tpu.memref_slice %arg6[%dma_start3A_24, %dma_start3A_25, %dma_start3A_26] : memref<2x400x128xf32, #tpu.memory_space<vmem>> -> memref<1x100x128xf32, #tpu.memory_space<vmem>>
    %dma_start3A_28 = tpu.memref_squeeze %dma_start3A_27 : memref<1x100x128xf32, #tpu.memory_space<vmem>> -> memref<100x128xf32, #tpu.memory_space<vmem>>
    %dma_start3A_29 = arith.constant 0 : i32
    %dma_start3A_30 = tpu.memref_slice %arg5[%dma_start3A, %dma_start3A_22, %dma_start3A_23, %dma_start3A_29] : memref<25x2x2x100xi32, #tpu.memory_space<vmem>> -> memref<1x1x1x100xi32, #tpu.memory_space<vmem>>
    %dma_start3A_31 = tpu.memref_squeeze %dma_start3A_30 : memref<1x1x1x100xi32, #tpu.memory_space<vmem>> -> memref<100xi32, #tpu.memory_space<vmem>>
    %dma_start3A_32 = arith.constant 0 : i32
    %dma_start3A_33 = arith.constant 0 : i32
    %dma_start3A_34 = tpu.memref_slice %arg2[%dma_start3A_32, %dma_start3A_33] : memref<20000x128xf32, #tpu.memory_space<hbm>> -> memref<20000x128xf32, #tpu.memory_space<hbm>>
    tpu.enqueue_indirect_dma source(%dma_start3A_34 : memref<20000x128xf32, #tpu.memory_space<hbm>>) target(%dma_start3A_28 : memref<100x128xf32, #tpu.memory_space<vmem>>) offsets(%dma_start3A_31 : memref<100xi32, #tpu.memory_space<vmem>>) semaphore(%arg7 : memref<!tpu.dma_semaphore, #tpu.memory_space<semaphore_mem>>)
    %dma_start3A_35 = arith.constant 24 : i32
    %dma_start3A_36 = arith.constant 0 : i32
    %dma_start3A_37 = arith.constant 1 : i32
    %dma_start3A_38 = arith.constant 0 : i32
    %dma_start3A_39 = arith.constant 100 : i32
    %dma_start3A_40 = arith.constant 0 : i32
    %dma_start3A_41 = tpu.memref_slice %arg6[%dma_start3A_38, %dma_start3A_39, %dma_start3A_40] : memref<2x400x128xf32, #tpu.memory_space<vmem>> -> memref<1x100x128xf32, #tpu.memory_space<vmem>>
    %dma_start3A_42 = tpu.memref_squeeze %dma_start3A_41 : memref<1x100x128xf32, #tpu.memory_space<vmem>> -> memref<100x128xf32, #tpu.memory_space<vmem>>
    %dma_start3A_43 = arith.constant 0 : i32
    %dma_start3A_44 = tpu.memref_slice %arg5[%dma_start3A_35, %dma_start3A_36, %dma_start3A_37, %dma_start3A_43] : memref<25x2x2x100xi32, #tpu.memory_space<vmem>> -> memref<1x1x1x100xi32, #tpu.memory_space<vmem>>
    %dma_start3A_45 = tpu.memref_squeeze %dma_start3A_44 : memref<1x1x1x100xi32, #tpu.memory_space<vmem>> -> memref<100xi32, #tpu.memory_space<vmem>>
    %dma_start3A_46 = arith.constant 0 : i32
    %dma_start3A_47 = arith.constant 0 : i32
    %dma_start3A_48 = tpu.memref_slice %arg2[%dma_start3A_46, %dma_start3A_47] : memref<20000x128xf32, #tpu.memory_space<hbm>> -> memref<20000x128xf32, #tpu.memory_space<hbm>>
    tpu.enqueue_indirect_dma source(%dma_start3A_48 : memref<20000x128xf32, #tpu.memory_space<hbm>>) target(%dma_start3A_42 : memref<100x128xf32, #tpu.memory_space<vmem>>) offsets(%dma_start3A_45 : memref<100xi32, #tpu.memory_space<vmem>>) semaphore(%arg7 : memref<!tpu.dma_semaphore, #tpu.memory_space<semaphore_mem>>)
    %dma_start3A_49 = arith.constant 24 : i32
    %dma_start3A_50 = arith.constant 1 : i32
    %dma_start3A_51 = arith.constant 0 : i32
    %dma_start3A_52 = arith.constant 0 : i32
    %dma_start3A_53 = arith.constant 200 : i32
    %dma_start3A_54 = arith.constant 0 : i32
    %dma_start3A_55 = tpu.memref_slice %arg6[%dma_start3A_52, %dma_start3A_53, %dma_start3A_54] : memref<2x400x128xf32, #tpu.memory_space<vmem>> -> memref<1x100x128xf32, #tpu.memory_space<vmem>>
    %dma_start3A_56 = tpu.memref_squeeze %dma_start3A_55 : memref<1x100x128xf32, #tpu.memory_space<vmem>> -> memref<100x128xf32, #tpu.memory_space<vmem>>
    %dma_start3A_57 = arith.constant 0 : i32
    %dma_start3A_58 = tpu.memref_slice %arg5[%dma_start3A_49, %dma_start3A_50, %dma_start3A_51, %dma_start3A_57] : memref<25x2x2x100xi32, #tpu.memory_space<vmem>> -> memref<1x1x1x100xi32, #tpu.memory_space<vmem>>
    %dma_start3A_59 = tpu.memref_squeeze %dma_start3A_58 : memref<1x1x1x100xi32, #tpu.memory_space<vmem>> -> memref<100xi32, #tpu.memory_space<vmem>>
    %dma_start3A_60 = arith.constant 0 : i32
    %dma_start3A_61 = arith.constant 0 : i32
    %dma_start3A_62 = tpu.memref_slice %arg2[%dma_start3A_60, %dma_start3A_61] : memref<20000x128xf32, #tpu.memory_space<hbm>> -> memref<20000x128xf32, #tpu.memory_space<hbm>>
    tpu.enqueue_indirect_dma source(%dma_start3A_62 : memref<20000x128xf32, #tpu.memory_space<hbm>>) target(%dma_start3A_56 : memref<100x128xf32, #tpu.memory_space<vmem>>) offsets(%dma_start3A_59 : memref<100xi32, #tpu.memory_space<vmem>>) semaphore(%arg7 : memref<!tpu.dma_semaphore, #tpu.memory_space<semaphore_mem>>)
    %dma_start3A_63 = arith.constant 24 : i32
    %dma_start3A_64 = arith.constant 1 : i32
    %dma_start3A_65 = arith.constant 1 : i32
    %dma_start3A_66 = arith.constant 0 : i32
    %dma_start3A_67 = arith.constant 300 : i32
    %dma_start3A_68 = arith.constant 0 : i32
    %dma_start3A_69 = tpu.memref_slice %arg6[%dma_start3A_66, %dma_start3A_67, %dma_start3A_68] : memref<2x400x128xf32, #tpu.memory_space<vmem>> -> memref<1x100x128xf32, #tpu.memory_space<vmem>>
    %dma_start3A_70 = tpu.memref_squeeze %dma_start3A_69 : memref<1x100x128xf32, #tpu.memory_space<vmem>> -> memref<100x128xf32, #tpu.memory_space<vmem>>
    %dma_start3A_71 = arith.constant 0 : i32
    %dma_start3A_72 = tpu.memref_slice %arg5[%dma_start3A_63, %dma_start3A_64, %dma_start3A_65, %dma_start3A_71] : memref<25x2x2x100xi32, #tpu.memory_space<vmem>> -> memref<1x1x1x100xi32, #tpu.memory_space<vmem>>
    %dma_start3A_73 = tpu.memref_squeeze %dma_start3A_72 : memref<1x1x1x100xi32, #tpu.memory_space<vmem>> -> memref<100xi32, #tpu.memory_space<vmem>>
    %dma_start3A_74 = arith.constant 0 : i32
    %dma_start3A_75 = arith.constant 0 : i32
    %dma_start3A_76 = tpu.memref_slice %arg2[%dma_start3A_74, %dma_start3A_75] : memref<20000x128xf32, #tpu.memory_space<hbm>> -> memref<20000x128xf32, #tpu.memory_space<hbm>>
    tpu.enqueue_indirect_dma source(%dma_start3A_76 : memref<20000x128xf32, #tpu.memory_space<hbm>>) target(%dma_start3A_70 : memref<100x128xf32, #tpu.memory_space<vmem>>) offsets(%dma_start3A_73 : memref<100xi32, #tpu.memory_space<vmem>>) semaphore(%arg7 : memref<!tpu.dma_semaphore, #tpu.memory_space<semaphore_mem>>)
    %dma_wait3A_77 = arith.constant 24 : i32
    %dma_wait3A_78 = arith.constant 0 : i32
    %dma_wait3A_79 = arith.constant 0 : i32
    %dma_wait3A_80 = arith.constant 0 : i32
    %dma_wait3A_81 = arith.constant 0 : i32
    %dma_wait3A_82 = arith.constant 0 : i32
    %dma_wait3A_83 = tpu.memref_slice %arg6[%dma_wait3A_80, %dma_wait3A_81, %dma_wait3A_82] : memref<2x400x128xf32, #tpu.memory_space<vmem>> -> memref<1x100x128xf32, #tpu.memory_space<vmem>>
    %dma_wait3A_84 = tpu.memref_squeeze %dma_wait3A_83 : memref<1x100x128xf32, #tpu.memory_space<vmem>> -> memref<100x128xf32, #tpu.memory_space<vmem>>
    %dma_wait3A_85 = arith.constant 0 : i32
    %dma_wait3A_86 = tpu.memref_slice %arg5[%dma_wait3A_77, %dma_wait3A_78, %dma_wait3A_79, %dma_wait3A_85] : memref<25x2x2x100xi32, #tpu.memory_space<vmem>> -> memref<1x1x1x100xi32, #tpu.memory_space<vmem>>
    %dma_wait3A_87 = tpu.memref_squeeze %dma_wait3A_86 : memref<1x1x1x100xi32, #tpu.memory_space<vmem>> -> memref<100xi32, #tpu.memory_space<vmem>>
    %dma_wait3A_88 = arith.constant 0 : i32
    %dma_wait3A_89 = arith.constant 0 : i32
    %dma_wait3A_90 = tpu.memref_slice %arg2[%dma_wait3A_88, %dma_wait3A_89] : memref<20000x128xf32, #tpu.memory_space<hbm>> -> memref<20000x128xf32, #tpu.memory_space<hbm>>
    tpu.wait_indirect_dma semaphore(%arg7 : memref<!tpu.dma_semaphore, #tpu.memory_space<semaphore_mem>>) src(%dma_wait3A_90 : memref<20000x128xf32, #tpu.memory_space<hbm>>) dst(%dma_wait3A_84 : memref<100x128xf32, #tpu.memory_space<vmem>>)
    %dma_wait3A_91 = arith.constant 24 : i32
    %dma_wait3A_92 = arith.constant 0 : i32
    %dma_wait3A_93 = arith.constant 1 : i32
    %dma_wait3A_94 = arith.constant 0 : i32
    %dma_wait3A_95 = arith.constant 100 : i32
    %dma_wait3A_96 = arith.constant 0 : i32
    %dma_wait3A_97 = tpu.memref_slice %arg6[%dma_wait3A_94, %dma_wait3A_95, %dma_wait3A_96] : memref<2x400x128xf32, #tpu.memory_space<vmem>> -> memref<1x100x128xf32, #tpu.memory_space<vmem>>
    %dma_wait3A_98 = tpu.memref_squeeze %dma_wait3A_97 : memref<1x100x128xf32, #tpu.memory_space<vmem>> -> memref<100x128xf32, #tpu.memory_space<vmem>>
    %dma_wait3A_99 = arith.constant 0 : i32
    %dma_wait3A_100 = tpu.memref_slice %arg5[%dma_wait3A_91, %dma_wait3A_92, %dma_wait3A_93, %dma_wait3A_99] : memref<25x2x2x100xi32, #tpu.memory_space<vmem>> -> memref<1x1x1x100xi32, #tpu.memory_space<vmem>>
    %dma_wait3A_101 = tpu.memref_squeeze %dma_wait3A_100 : memref<1x1x1x100xi32, #tpu.memory_space<vmem>> -> memref<100xi32, #tpu.memory_space<vmem>>
    %dma_wait3A_102 = arith.constant 0 : i32
    %dma_wait3A_103 = arith.constant 0 : i32
    %dma_wait3A_104 = tpu.memref_slice %arg2[%dma_wait3A_102, %dma_wait3A_103] : memref<20000x128xf32, #tpu.memory_space<hbm>> -> memref<20000x128xf32, #tpu.memory_space<hbm>>
    tpu.wait_indirect_dma semaphore(%arg7 : memref<!tpu.dma_semaphore, #tpu.memory_space<semaphore_mem>>) src(%dma_wait3A_104 : memref<20000x128xf32, #tpu.memory_space<hbm>>) dst(%dma_wait3A_98 : memref<100x128xf32, #tpu.memory_space<vmem>>)
    %dma_wait3A_105 = arith.constant 24 : i32
    %dma_wait3A_106 = arith.constant 1 : i32
    %dma_wait3A_107 = arith.constant 0 : i32
    %dma_wait3A_108 = arith.constant 0 : i32
    %dma_wait3A_109 = arith.constant 200 : i32
    %dma_wait3A_110 = arith.constant 0 : i32
    %dma_wait3A_111 = tpu.memref_slice %arg6[%dma_wait3A_108, %dma_wait3A_109, %dma_wait3A_110] : memref<2x400x128xf32, #tpu.memory_space<vmem>> -> memref<1x100x128xf32, #tpu.memory_space<vmem>>
    %dma_wait3A_112 = tpu.memref_squeeze %dma_wait3A_111 : memref<1x100x128xf32, #tpu.memory_space<vmem>> -> memref<100x128xf32, #tpu.memory_space<vmem>>
    %dma_wait3A_113 = arith.constant 0 : i32
    %dma_wait3A_114 = tpu.memref_slice %arg5[%dma_wait3A_105, %dma_wait3A_106, %dma_wait3A_107, %dma_wait3A_113] : memref<25x2x2x100xi32, #tpu.memory_space<vmem>> -> memref<1x1x1x100xi32, #tpu.memory_space<vmem>>
    %dma_wait3A_115 = tpu.memref_squeeze %dma_wait3A_114 : memref<1x1x1x100xi32, #tpu.memory_space<vmem>> -> memref<100xi32, #tpu.memory_space<vmem>>
    %dma_wait3A_116 = arith.constant 0 : i32
    %dma_wait3A_117 = arith.constant 0 : i32
    %dma_wait3A_118 = tpu.memref_slice %arg2[%dma_wait3A_116, %dma_wait3A_117] : memref<20000x128xf32, #tpu.memory_space<hbm>> -> memref<20000x128xf32, #tpu.memory_space<hbm>>
    tpu.wait_indirect_dma semaphore(%arg7 : memref<!tpu.dma_semaphore, #tpu.memory_space<semaphore_mem>>) src(%dma_wait3A_118 : memref<20000x128xf32, #tpu.memory_space<hbm>>) dst(%dma_wait3A_112 : memref<100x128xf32, #tpu.memory_space<vmem>>)
    %dma_wait3A_119 = arith.constant 24 : i32
    %dma_wait3A_120 = arith.constant 1 : i32
    %dma_wait3A_121 = arith.constant 1 : i32
    %dma_wait3A_122 = arith.constant 0 : i32
    %dma_wait3A_123 = arith.constant 300 : i32
    %dma_wait3A_124 = arith.constant 0 : i32
    %dma_wait3A_125 = tpu.memref_slice %arg6[%dma_wait3A_122, %dma_wait3A_123, %dma_wait3A_124] : memref<2x400x128xf32, #tpu.memory_space<vmem>> -> memref<1x100x128xf32, #tpu.memory_space<vmem>>
    %dma_wait3A_126 = tpu.memref_squeeze %dma_wait3A_125 : memref<1x100x128xf32, #tpu.memory_space<vmem>> -> memref<100x128xf32, #tpu.memory_space<vmem>>
    %dma_wait3A_127 = arith.constant 0 : i32
    %dma_wait3A_128 = tpu.memref_slice %arg5[%dma_wait3A_119, %dma_wait3A_120, %dma_wait3A_121, %dma_wait3A_127] : memref<25x2x2x100xi32, #tpu.memory_space<vmem>> -> memref<1x1x1x100xi32, #tpu.memory_space<vmem>>
    %dma_wait3A_129 = tpu.memref_squeeze %dma_wait3A_128 : memref<1x1x1x100xi32, #tpu.memory_space<vmem>> -> memref<100xi32, #tpu.memory_space<vmem>>
    %dma_wait3A_130 = arith.constant 0 : i32
    %dma_wait3A_131 = arith.constant 0 : i32
    %dma_wait3A_132 = tpu.memref_slice %arg2[%dma_wait3A_130, %dma_wait3A_131] : memref<20000x128xf32, #tpu.memory_space<hbm>> -> memref<20000x128xf32, #tpu.memory_space<hbm>>
    tpu.wait_indirect_dma semaphore(%arg7 : memref<!tpu.dma_semaphore, #tpu.memory_space<semaphore_mem>>) src(%dma_wait3A_132 : memref<20000x128xf32, #tpu.memory_space<hbm>>) dst(%dma_wait3A_126 : memref<100x128xf32, #tpu.memory_space<vmem>>)
    %scan3A_133 = arith.constant 0 : i32
    %scan3A_134 = arith.constant 0 : i32
    %scan3A_135 = arith.constant 100 : i32
    %scan3A_136 = arith.addi %scan3A_134, %scan3A_135 : i32
    %scan3A_137 = arith.constant 1 : i32
    scf.for %scan3A_184 = %scan3A_134 to %scan3A_136 step %scan3A_137  : i32 {
      %mul3A_185 = arith.constant 2 : i32
      %mul3A_186 = arith.muli %scan3A_184, %mul3A_185 : i32
      %add3A_187 = arith.constant 0 : i32
      %add3A_188 = arith.addi %mul3A_186, %add3A_187 : i32
      %get3A = arith.constant 0 : i32
      %get3A_189 = arith.index_cast %get3A : i32 to index
      %get3A_190 = arith.index_cast %add3A_188 : i32 to index
      %get3A_191 = arith.constant 0 : index
      %get3A_192 = tpu.vector_load %arg6[%get3A_189, %get3A_190, %get3A_191] {strides = array<i32>} : memref<2x400x128xf32, #tpu.memory_space<vmem>>, vector<1x1x16xf32>,
      %get3A_193 = vector.shape_cast %get3A_192 : vector<1x1x16xf32> to vector<16xf32>
      %add3A_194 = arith.constant 200 : i32
      %add3A_195 = arith.addi %add3A_194, %add3A_188 : i32
      %get3A_196 = arith.constant 0 : i32
      %get3A_197 = arith.index_cast %get3A_196 : i32 to index
      %get3A_198 = arith.index_cast %add3A_195 : i32 to index
      %get3A_199 = arith.constant 0 : index
      %get3A_200 = tpu.vector_load %arg6[%get3A_197, %get3A_198, %get3A_199] {strides = array<i32>} : memref<2x400x128xf32, #tpu.memory_space<vmem>>, vector<1x1x16xf32>,
      %get3A_201 = vector.shape_cast %get3A_200 : vector<1x1x16xf32> to vector<16xf32>
      %add3A_202 = arith.addf %get3A_193, %get3A_201 : vector<16xf32>
      %swap3A = arith.constant 0 : i32
      %swap3A_203 = arith.index_cast %swap3A : i32 to index
      %swap3A_204 = arith.index_cast %add3A_188 : i32 to index
      %swap3A_205 = arith.constant 0 : index
      %swap3A_206 = tpu.vector_load %arg6[%swap3A_203, %swap3A_204, %swap3A_205] {strides = array<i32>} : memref<2x400x128xf32, #tpu.memory_space<vmem>>, vector<1x1x16xf32>,
      %swap3A_207 = vector.shape_cast %swap3A_206 : vector<1x1x16xf32> to vector<16xf32>
      %swap3A_208 = vector.shape_cast %add3A_202 : vector<16xf32> to vector<1x1x16xf32>
      tpu.vector_store %arg6[%swap3A_203, %swap3A_204, %swap3A_205], %swap3A_208 {strides = array<i32>} : memref<2x400x128xf32, #tpu.memory_space<vmem>>, vector<1x1x16xf32>,
      %mul3A_209 = arith.constant 2 : i32
      %mul3A_210 = arith.muli %scan3A_184, %mul3A_209 : i32
      %add3A_211 = arith.constant 0 : i32
      %add3A_212 = arith.addi %mul3A_210, %add3A_211 : i32
      %get3A_213 = arith.constant 0 : i32
      %get3A_214 = arith.index_cast %get3A_213 : i32 to index
      %get3A_215 = arith.index_cast %add3A_212 : i32 to index
      %get3A_216 = arith.constant 16 : index
      %get3A_217 = tpu.vector_load %arg6[%get3A_214, %get3A_215, %get3A_216] {strides = array<i32>} : memref<2x400x128xf32, #tpu.memory_space<vmem>>, vector<1x1x16xf32>,
      %get3A_218 = vector.shape_cast %get3A_217 : vector<1x1x16xf32> to vector<16xf32>
      %add3A_219 = arith.constant 200 : i32
      %add3A_220 = arith.addi %add3A_219, %add3A_212 : i32
      %get3A_221 = arith.constant 0 : i32
      %get3A_222 = arith.index_cast %get3A_221 : i32 to index
      %get3A_223 = arith.index_cast %add3A_220 : i32 to index
      %get3A_224 = arith.constant 16 : index
      %get3A_225 = tpu.vector_load %arg6[%get3A_222, %get3A_223, %get3A_224] {strides = array<i32>} : memref<2x400x128xf32, #tpu.memory_space<vmem>>, vector<1x1x16xf32>,
      %get3A_226 = vector.shape_cast %get3A_225 : vector<1x1x16xf32> to vector<16xf32>
      %add3A_227 = arith.addf %get3A_218, %get3A_226 : vector<16xf32>
      %swap3A_228 = arith.constant 0 : i32
      %swap3A_229 = arith.index_cast %swap3A_228 : i32 to index
      %swap3A_230 = arith.index_cast %add3A_212 : i32 to index
      %swap3A_231 = arith.constant 16 : index
      %swap3A_232 = tpu.vector_load %arg6[%swap3A_229, %swap3A_230, %swap3A_231] {strides = array<i32>} : memref<2x400x128xf32, #tpu.memory_space<vmem>>, vector<1x1x16xf32>,
      %swap3A_233 = vector.shape_cast %swap3A_232 : vector<1x1x16xf32> to vector<16xf32>
      %swap3A_234 = vector.shape_cast %add3A_227 : vector<16xf32> to vector<1x1x16xf32>
      tpu.vector_store %arg6[%swap3A_229, %swap3A_230, %swap3A_231], %swap3A_234 {strides = array<i32>} : memref<2x400x128xf32, #tpu.memory_space<vmem>>, vector<1x1x16xf32>,
      %mul3A_235 = arith.constant 2 : i32
      %mul3A_236 = arith.muli %scan3A_184, %mul3A_235 : i32
      %add3A_237 = arith.constant 0 : i32
      %add3A_238 = arith.addi %mul3A_236, %add3A_237 : i32
      %get3A_239 = arith.constant 0 : i32
      %get3A_240 = arith.index_cast %get3A_239 : i32 to index
      %get3A_241 = arith.index_cast %add3A_238 : i32 to index
      %get3A_242 = arith.constant 32 : index
      %get3A_243 = tpu.vector_load %arg6[%get3A_240, %get3A_241, %get3A_242] {strides = array<i32>} : memref<2x400x128xf32, #tpu.memory_space<vmem>>, vector<1x1x16xf32>,
      %get3A_244 = vector.shape_cast %get3A_243 : vector<1x1x16xf32> to vector<16xf32>
      %add3A_245 = arith.constant 200 : i32
      %add3A_246 = arith.addi %add3A_245, %add3A_238 : i32
      %get3A_247 = arith.constant 0 : i32
      %get3A_248 = arith.index_cast %get3A_247 : i32 to index
      %get3A_249 = arith.index_cast %add3A_246 : i32 to index
      %get3A_250 = arith.constant 32 : index
      %get3A_251 = tpu.vector_load %arg6[%get3A_248, %get3A_249, %get3A_250] {strides = array<i32>} : memref<2x400x128xf32, #tpu.memory_space<vmem>>, vector<1x1x16xf32>,
      %get3A_252 = vector.shape_cast %get3A_251 : vector<1x1x16xf32> to vector<16xf32>
      %add3A_253 = arith.addf %get3A_244, %get3A_252 : vector<16xf32>
      %swap3A_254 = arith.constant 0 : i32
      %swap3A_255 = arith.index_cast %swap3A_254 : i32 to index
      %swap3A_256 = arith.index_cast %add3A_238 : i32 to index
      %swap3A_257 = arith.constant 32 : index
      %swap3A_258 = tpu.vector_load %arg6[%swap3A_255, %swap3A_256, %swap3A_257] {strides = array<i32>} : memref<2x400x128xf32, #tpu.memory_space<vmem>>, vector<1x1x16xf32>,
      %swap3A_259 = vector.shape_cast %swap3A_258 : vector<1x1x16xf32> to vector<16xf32>
      %swap3A_260 = vector.shape_cast %add3A_253 : vector<16xf32> to vector<1x1x16xf32>
      tpu.vector_store %arg6[%swap3A_255, %swap3A_256, %swap3A_257], %swap3A_260 {strides = array<i32>} : memref<2x400x128xf32, #tpu.memory_space<vmem>>, vector<1x1x16xf32>,
      %mul3A_261 = arith.constant 2 : i32
      %mul3A_262 = arith.muli %scan3A_184, %mul3A_261 : i32
      %add3A_263 = arith.constant 0 : i32
      %add3A_264 = arith.addi %mul3A_262, %add3A_263 : i32
      %get3A_265 = arith.constant 0 : i32
      %get3A_266 = arith.index_cast %get3A_265 : i32 to index
      %get3A_267 = arith.index_cast %add3A_264 : i32 to index
      %get3A_268 = arith.constant 48 : index
      %get3A_269 = tpu.vector_load %arg6[%get3A_266, %get3A_267, %get3A_268] {strides = array<i32>} : memref<2x400x128xf32, #tpu.memory_space<vmem>>, vector<1x1x16xf32>,
      %get3A_270 = vector.shape_cast %get3A_269 : vector<1x1x16xf32> to vector<16xf32>
      %add3A_271 = arith.constant 200 : i32
      %add3A_272 = arith.addi %add3A_271, %add3A_264 : i32
      %get3A_273 = arith.constant 0 : i32
      %get3A_274 = arith.index_cast %get3A_273 : i32 to index
      %get3A_275 = arith.index_cast %add3A_272 : i32 to index
      %get3A_276 = arith.constant 48 : index
      %get3A_277 = tpu.vector_load %arg6[%get3A_274, %get3A_275, %get3A_276] {strides = array<i32>} : memref<2x400x128xf32, #tpu.memory_space<vmem>>, vector<1x1x16xf32>,
      %get3A_278 = vector.shape_cast %get3A_277 : vector<1x1x16xf32> to vector<16xf32>
      %add3A_279 = arith.addf %get3A_270, %get3A_278 : vector<16xf32>
      %swap3A_280 = arith.constant 0 : i32
      %swap3A_281 = arith.index_cast %swap3A_280 : i32 to index
      %swap3A_282 = arith.index_cast %add3A_264 : i32 to index
      %swap3A_283 = arith.constant 48 : index
      %swap3A_284 = tpu.vector_load %arg6[%swap3A_281, %swap3A_282, %swap3A_283] {strides = array<i32>} : memref<2x400x128xf32, #tpu.memory_space<vmem>>, vector<1x1x16xf32>,
      %swap3A_285 = vector.shape_cast %swap3A_284 : vector<1x1x16xf32> to vector<16xf32>
      %swap3A_286 = vector.shape_cast %add3A_279 : vector<16xf32> to vector<1x1x16xf32>
      tpu.vector_store %arg6[%swap3A_281, %swap3A_282, %swap3A_283], %swap3A_286 {strides = array<i32>} : memref<2x400x128xf32, #tpu.memory_space<vmem>>, vector<1x1x16xf32>,
      %mul3A_287 = arith.constant 2 : i32
      %mul3A_288 = arith.muli %scan3A_184, %mul3A_287 : i32
      %add3A_289 = arith.constant 0 : i32
      %add3A_290 = arith.addi %mul3A_288, %add3A_289 : i32
      %get3A_291 = arith.constant 0 : i32
      %get3A_292 = arith.index_cast %get3A_291 : i32 to index
      %get3A_293 = arith.index_cast %add3A_290 : i32 to index
      %get3A_294 = arith.constant 64 : index
      %get3A_295 = tpu.vector_load %arg6[%get3A_292, %get3A_293, %get3A_294] {strides = array<i32>} : memref<2x400x128xf32, #tpu.memory_space<vmem>>, vector<1x1x16xf32>,
      %get3A_296 = vector.shape_cast %get3A_295 : vector<1x1x16xf32> to vector<16xf32>
      %add3A_297 = arith.constant 200 : i32
      %add3A_298 = arith.addi %add3A_297, %add3A_290 : i32
      %get3A_299 = arith.constant 0 : i32
      %get3A_300 = arith.index_cast %get3A_299 : i32 to index
      %get3A_301 = arith.index_cast %add3A_298 : i32 to index
      %get3A_302 = arith.constant 64 : index
      %get3A_303 = tpu.vector_load %arg6[%get3A_300, %get3A_301, %get3A_302] {strides = array<i32>} : memref<2x400x128xf32, #tpu.memory_space<vmem>>, vector<1x1x16xf32>,
      %get3A_304 = vector.shape_cast %get3A_303 : vector<1x1x16xf32> to vector<16xf32>
      %add3A_305 = arith.addf %get3A_296, %get3A_304 : vector<16xf32>
      %swap3A_306 = arith.constant 0 : i32
      %swap3A_307 = arith.index_cast %swap3A_306 : i32 to index
      %swap3A_308 = arith.index_cast %add3A_290 : i32 to index
      %swap3A_309 = arith.constant 64 : index
      %swap3A_310 = tpu.vector_load %arg6[%swap3A_307, %swap3A_308, %swap3A_309] {strides = array<i32>} : memref<2x400x128xf32, #tpu.memory_space<vmem>>, vector<1x1x16xf32>,
      %swap3A_311 = vector.shape_cast %swap3A_310 : vector<1x1x16xf32> to vector<16xf32>
      %swap3A_312 = vector.shape_cast %add3A_305 : vector<16xf32> to vector<1x1x16xf32>
      tpu.vector_store %arg6[%swap3A_307, %swap3A_308, %swap3A_309], %swap3A_312 {strides = array<i32>} : memref<2x400x128xf32, #tpu.memory_space<vmem>>, vector<1x1x16xf32>,
      %mul3A_313 = arith.constant 2 : i32
      %mul3A_314 = arith.muli %scan3A_184, %mul3A_313 : i32
      %add3A_315 = arith.constant 0 : i32
      %add3A_316 = arith.addi %mul3A_314, %add3A_315 : i32
      %get3A_317 = arith.constant 0 : i32
      %get3A_318 = arith.index_cast %get3A_317 : i32 to index
      %get3A_319 = arith.index_cast %add3A_316 : i32 to index
      %get3A_320 = arith.constant 80 : index
      %get3A_321 = tpu.vector_load %arg6[%get3A_318, %get3A_319, %get3A_320] {strides = array<i32>} : memref<2x400x128xf32, #tpu.memory_space<vmem>>, vector<1x1x16xf32>,
      %get3A_322 = vector.shape_cast %get3A_321 : vector<1x1x16xf32> to vector<16xf32>
      %add3A_323 = arith.constant 200 : i32
      %add3A_324 = arith.addi %add3A_323, %add3A_316 : i32
      %get3A_325 = arith.constant 0 : i32
      %get3A_326 = arith.index_cast %get3A_325 : i32 to index
      %get3A_327 = arith.index_cast %add3A_324 : i32 to index
      %get3A_328 = arith.constant 80 : index
      %get3A_329 = tpu.vector_load %arg6[%get3A_326, %get3A_327, %get3A_328] {strides = array<i32>} : memref<2x400x128xf32, #tpu.memory_space<vmem>>, vector<1x1x16xf32>,
      %get3A_330 = vector.shape_cast %get3A_329 : vector<1x1x16xf32> to vector<16xf32>
      %add3A_331 = arith.addf %get3A_322, %get3A_330 : vector<16xf32>
      %swap3A_332 = arith.constant 0 : i32
      %swap3A_333 = arith.index_cast %swap3A_332 : i32 to index
      %swap3A_334 = arith.index_cast %add3A_316 : i32 to index
      %swap3A_335 = arith.constant 80 : index
      %swap3A_336 = tpu.vector_load %arg6[%swap3A_333, %swap3A_334, %swap3A_335] {strides = array<i32>} : memref<2x400x128xf32, #tpu.memory_space<vmem>>, vector<1x1x16xf32>,
      %swap3A_337 = vector.shape_cast %swap3A_336 : vector<1x1x16xf32> to vector<16xf32>
      %swap3A_338 = vector.shape_cast %add3A_331 : vector<16xf32> to vector<1x1x16xf32>
      tpu.vector_store %arg6[%swap3A_333, %swap3A_334, %swap3A_335], %swap3A_338 {strides = array<i32>} : memref<2x400x128xf32, #tpu.memory_space<vmem>>, vector<1x1x16xf32>,
      %mul3A_339 = arith.constant 2 : i32
      %mul3A_340 = arith.muli %scan3A_184, %mul3A_339 : i32
      %add3A_341 = arith.constant 0 : i32
      %add3A_342 = arith.addi %mul3A_340, %add3A_341 : i32
      %get3A_343 = arith.constant 0 : i32
      %get3A_344 = arith.index_cast %get3A_343 : i32 to index
      %get3A_345 = arith.index_cast %add3A_342 : i32 to index
      %get3A_346 = arith.constant 96 : index
      %get3A_347 = tpu.vector_load %arg6[%get3A_344, %get3A_345, %get3A_346] {strides = array<i32>} : memref<2x400x128xf32, #tpu.memory_space<vmem>>, vector<1x1x16xf32>,
      %get3A_348 = vector.shape_cast %get3A_347 : vector<1x1x16xf32> to vector<16xf32>
      %add3A_349 = arith.constant 200 : i32
      %add3A_350 = arith.addi %add3A_349, %add3A_342 : i32
      %get3A_351 = arith.constant 0 : i32
      %get3A_352 = arith.index_cast %get3A_351 : i32 to index
      %get3A_353 = arith.index_cast %add3A_350 : i32 to index
      %get3A_354 = arith.constant 96 : index
      %get3A_355 = tpu.vector_load %arg6[%get3A_352, %get3A_353, %get3A_354] {strides = array<i32>} : memref<2x400x128xf32, #tpu.memory_space<vmem>>, vector<1x1x16xf32>,
      %get3A_356 = vector.shape_cast %get3A_355 : vector<1x1x16xf32> to vector<16xf32>
      %add3A_357 = arith.addf %get3A_348, %get3A_356 : vector<16xf32>
      %swap3A_358 = arith.constant 0 : i32
      %swap3A_359 = arith.index_cast %swap3A_358 : i32 to index
      %swap3A_360 = arith.index_cast %add3A_342 : i32 to index
      %swap3A_361 = arith.constant 96 : index
      %swap3A_362 = tpu.vector_load %arg6[%swap3A_359, %swap3A_360, %swap3A_361] {strides = array<i32>} : memref<2x400x128xf32, #tpu.memory_space<vmem>>, vector<1x1x16xf32>,
      %swap3A_363 = vector.shape_cast %swap3A_362 : vector<1x1x16xf32> to vector<16xf32>
      %swap3A_364 = vector.shape_cast %add3A_357 : vector<16xf32> to vector<1x1x16xf32>
      tpu.vector_store %arg6[%swap3A_359, %swap3A_360, %swap3A_361], %swap3A_364 {strides = array<i32>} : memref<2x400x128xf32, #tpu.memory_space<vmem>>, vector<1x1x16xf32>,
      %mul3A_365 = arith.constant 2 : i32
      %mul3A_366 = arith.muli %scan3A_184, %mul3A_365 : i32
      %add3A_367 = arith.constant 0 : i32
      %add3A_368 = arith.addi %mul3A_366, %add3A_367 : i32
      %get3A_369 = arith.constant 0 : i32
      %get3A_370 = arith.index_cast %get3A_369 : i32 to index
      %get3A_371 = arith.index_cast %add3A_368 : i32 to index
      %get3A_372 = arith.constant 112 : index
      %get3A_373 = tpu.vector_load %arg6[%get3A_370, %get3A_371, %get3A_372] {strides = array<i32>} : memref<2x400x128xf32, #tpu.memory_space<vmem>>, vector<1x1x16xf32>,
      %get3A_374 = vector.shape_cast %get3A_373 : vector<1x1x16xf32> to vector<16xf32>
      %add3A_375 = arith.constant 200 : i32
      %add3A_376 = arith.addi %add3A_375, %add3A_368 : i32
      %get3A_377 = arith.constant 0 : i32
      %get3A_378 = arith.index_cast %get3A_377 : i32 to index
      %get3A_379 = arith.index_cast %add3A_376 : i32 to index
      %get3A_380 = arith.constant 112 : index
      %get3A_381 = tpu.vector_load %arg6[%get3A_378, %get3A_379, %get3A_380] {strides = array<i32>} : memref<2x400x128xf32, #tpu.memory_space<vmem>>, vector<1x1x16xf32>,
      %get3A_382 = vector.shape_cast %get3A_381 : vector<1x1x16xf32> to vector<16xf32>
      %add3A_383 = arith.addf %get3A_374, %get3A_382 : vector<16xf32>
      %swap3A_384 = arith.constant 0 : i32
      %swap3A_385 = arith.index_cast %swap3A_384 : i32 to index
      %swap3A_386 = arith.index_cast %add3A_368 : i32 to index
      %swap3A_387 = arith.constant 112 : index
      %swap3A_388 = tpu.vector_load %arg6[%swap3A_385, %swap3A_386, %swap3A_387] {strides = array<i32>} : memref<2x400x128xf32, #tpu.memory_space<vmem>>, vector<1x1x16xf32>,
      %swap3A_389 = vector.shape_cast %swap3A_388 : vector<1x1x16xf32> to vector<16xf32>
      %swap3A_390 = vector.shape_cast %add3A_383 : vector<16xf32> to vector<1x1x16xf32>
      tpu.vector_store %arg6[%swap3A_385, %swap3A_386, %swap3A_387], %swap3A_390 {strides = array<i32>} : memref<2x400x128xf32, #tpu.memory_space<vmem>>, vector<1x1x16xf32>,
      %mul3A_391 = arith.constant 2 : i32
      %mul3A_392 = arith.muli %scan3A_184, %mul3A_391 : i32
      %add3A_393 = arith.constant 1 : i32
      %add3A_394 = arith.addi %mul3A_392, %add3A_393 : i32
      %get3A_395 = arith.constant 0 : i32
      %get3A_396 = arith.index_cast %get3A_395 : i32 to index
      %get3A_397 = arith.index_cast %add3A_394 : i32 to index
      %get3A_398 = arith.constant 0 : index
      %get3A_399 = tpu.vector_load %arg6[%get3A_396, %get3A_397, %get3A_398] {strides = array<i32>} : memref<2x400x128xf32, #tpu.memory_space<vmem>>, vector<1x1x16xf32>,
      %get3A_400 = vector.shape_cast %get3A_399 : vector<1x1x16xf32> to vector<16xf32>
      %add3A_401 = arith.constant 200 : i32
      %add3A_402 = arith.addi %add3A_401, %add3A_394 : i32
      %get3A_403 = arith.constant 0 : i32
      %get3A_404 = arith.index_cast %get3A_403 : i32 to index
      %get3A_405 = arith.index_cast %add3A_402 : i32 to index
      %get3A_406 = arith.constant 0 : index
      %get3A_407 = tpu.vector_load %arg6[%get3A_404, %get3A_405, %get3A_406] {strides = array<i32>} : memref<2x400x128xf32, #tpu.memory_space<vmem>>, vector<1x1x16xf32>,
      %get3A_408 = vector.shape_cast %get3A_407 : vector<1x1x16xf32> to vector<16xf32>
      %add3A_409 = arith.addf %get3A_400, %get3A_408 : vector<16xf32>
      %swap3A_410 = arith.constant 0 : i32
      %swap3A_411 = arith.index_cast %swap3A_410 : i32 to index
      %swap3A_412 = arith.index_cast %add3A_394 : i32 to index
      %swap3A_413 = arith.constant 0 : index
      %swap3A_414 = tpu.vector_load %arg6[%swap3A_411, %swap3A_412, %swap3A_413] {strides = array<i32>} : memref<2x400x128xf32, #tpu.memory_space<vmem>>, vector<1x1x16xf32>,
      %swap3A_415 = vector.shape_cast %swap3A_414 : vector<1x1x16xf32> to vector<16xf32>
      %swap3A_416 = vector.shape_cast %add3A_409 : vector<16xf32> to vector<1x1x16xf32>
      tpu.vector_store %arg6[%swap3A_411, %swap3A_412, %swap3A_413], %swap3A_416 {strides = array<i32>} : memref<2x400x128xf32, #tpu.memory_space<vmem>>, vector<1x1x16xf32>,
      %mul3A_417 = arith.constant 2 : i32
      %mul3A_418 = arith.muli %scan3A_184, %mul3A_417 : i32
      %add3A_419 = arith.constant 1 : i32
      %add3A_420 = arith.addi %mul3A_418, %add3A_419 : i32
      %get3A_421 = arith.constant 0 : i32
      %get3A_422 = arith.index_cast %get3A_421 : i32 to index
      %get3A_423 = arith.index_cast %add3A_420 : i32 to index
      %get3A_424 = arith.constant 16 : index
      %get3A_425 = tpu.vector_load %arg6[%get3A_422, %get3A_423, %get3A_424] {strides = array<i32>} : memref<2x400x128xf32, #tpu.memory_space<vmem>>, vector<1x1x16xf32>,
      %get3A_426 = vector.shape_cast %get3A_425 : vector<1x1x16xf32> to vector<16xf32>
      %add3A_427 = arith.constant 200 : i32
      %add3A_428 = arith.addi %add3A_427, %add3A_420 : i32
      %get3A_429 = arith.constant 0 : i32
      %get3A_430 = arith.index_cast %get3A_429 : i32 to index
      %get3A_431 = arith.index_cast %add3A_428 : i32 to index
      %get3A_432 = arith.constant 16 : index
      %get3A_433 = tpu.vector_load %arg6[%get3A_430, %get3A_431, %get3A_432] {strides = array<i32>} : memref<2x400x128xf32, #tpu.memory_space<vmem>>, vector<1x1x16xf32>,
      %get3A_434 = vector.shape_cast %get3A_433 : vector<1x1x16xf32> to vector<16xf32>
      %add3A_435 = arith.addf %get3A_426, %get3A_434 : vector<16xf32>
      %swap3A_436 = arith.constant 0 : i32
      %swap3A_437 = arith.index_cast %swap3A_436 : i32 to index
      %swap3A_438 = arith.index_cast %add3A_420 : i32 to index
      %swap3A_439 = arith.constant 16 : index
      %swap3A_440 = tpu.vector_load %arg6[%swap3A_437, %swap3A_438, %swap3A_439] {strides = array<i32>} : memref<2x400x128xf32, #tpu.memory_space<vmem>>, vector<1x1x16xf32>,
      %swap3A_441 = vector.shape_cast %swap3A_440 : vector<1x1x16xf32> to vector<16xf32>
      %swap3A_442 = vector.shape_cast %add3A_435 : vector<16xf32> to vector<1x1x16xf32>
      tpu.vector_store %arg6[%swap3A_437, %swap3A_438, %swap3A_439], %swap3A_442 {strides = array<i32>} : memref<2x400x128xf32, #tpu.memory_space<vmem>>, vector<1x1x16xf32>,
      %mul3A_443 = arith.constant 2 : i32
      %mul3A_444 = arith.muli %scan3A_184, %mul3A_443 : i32
      %add3A_445 = arith.constant 1 : i32
      %add3A_446 = arith.addi %mul3A_444, %add3A_445 : i32
      %get3A_447 = arith.constant 0 : i32
      %get3A_448 = arith.index_cast %get3A_447 : i32 to index
      %get3A_449 = arith.index_cast %add3A_446 : i32 to index
      %get3A_450 = arith.constant 32 : index
      %get3A_451 = tpu.vector_load %arg6[%get3A_448, %get3A_449, %get3A_450] {strides = array<i32>} : memref<2x400x128xf32, #tpu.memory_space<vmem>>, vector<1x1x16xf32>,
      %get3A_452 = vector.shape_cast %get3A_451 : vector<1x1x16xf32> to vector<16xf32>
      %add3A_453 = arith.constant 200 : i32
      %add3A_454 = arith.addi %add3A_453, %add3A_446 : i32
      %get3A_455 = arith.constant 0 : i32
      %get3A_456 = arith.index_cast %get3A_455 : i32 to index
      %get3A_457 = arith.index_cast %add3A_454 : i32 to index
      %get3A_458 = arith.constant 32 : index
      %get3A_459 = tpu.vector_load %arg6[%get3A_456, %get3A_457, %get3A_458] {strides = array<i32>} : memref<2x400x128xf32, #tpu.memory_space<vmem>>, vector<1x1x16xf32>,
      %get3A_460 = vector.shape_cast %get3A_459 : vector<1x1x16xf32> to vector<16xf32>
      %add3A_461 = arith.addf %get3A_452, %get3A_460 : vector<16xf32>
      %swap3A_462 = arith.constant 0 : i32
      %swap3A_463 = arith.index_cast %swap3A_462 : i32 to index
      %swap3A_464 = arith.index_cast %add3A_446 : i32 to index
      %swap3A_465 = arith.constant 32 : index
      %swap3A_466 = tpu.vector_load %arg6[%swap3A_463, %swap3A_464, %swap3A_465] {strides = array<i32>} : memref<2x400x128xf32, #tpu.memory_space<vmem>>, vector<1x1x16xf32>,
      %swap3A_467 = vector.shape_cast %swap3A_466 : vector<1x1x16xf32> to vector<16xf32>
      %swap3A_468 = vector.shape_cast %add3A_461 : vector<16xf32> to vector<1x1x16xf32>
      tpu.vector_store %arg6[%swap3A_463, %swap3A_464, %swap3A_465], %swap3A_468 {strides = array<i32>} : memref<2x400x128xf32, #tpu.memory_space<vmem>>, vector<1x1x16xf32>,
      %mul3A_469 = arith.constant 2 : i32
      %mul3A_470 = arith.muli %scan3A_184, %mul3A_469 : i32
      %add3A_471 = arith.constant 1 : i32
      %add3A_472 = arith.addi %mul3A_470, %add3A_471 : i32
      %get3A_473 = arith.constant 0 : i32
      %get3A_474 = arith.index_cast %get3A_473 : i32 to index
      %get3A_475 = arith.index_cast %add3A_472 : i32 to index
      %get3A_476 = arith.constant 48 : index
      %get3A_477 = tpu.vector_load %arg6[%get3A_474, %get3A_475, %get3A_476] {strides = array<i32>} : memref<2x400x128xf32, #tpu.memory_space<vmem>>, vector<1x1x16xf32>,
      %get3A_478 = vector.shape_cast %get3A_477 : vector<1x1x16xf32> to vector<16xf32>
      %add3A_479 = arith.constant 200 : i32
      %add3A_480 = arith.addi %add3A_479, %add3A_472 : i32
      %get3A_481 = arith.constant 0 : i32
      %get3A_482 = arith.index_cast %get3A_481 : i32 to index
      %get3A_483 = arith.index_cast %add3A_480 : i32 to index
      %get3A_484 = arith.constant 48 : index
      %get3A_485 = tpu.vector_load %arg6[%get3A_482, %get3A_483, %get3A_484] {strides = array<i32>} : memref<2x400x128xf32, #tpu.memory_space<vmem>>, vector<1x1x16xf32>,
      %get3A_486 = vector.shape_cast %get3A_485 : vector<1x1x16xf32> to vector<16xf32>
      %add3A_487 = arith.addf %get3A_478, %get3A_486 : vector<16xf32>
      %swap3A_488 = arith.constant 0 : i32
      %swap3A_489 = arith.index_cast %swap3A_488 : i32 to index
      %swap3A_490 = arith.index_cast %add3A_472 : i32 to index
      %swap3A_491 = arith.constant 48 : index
      %swap3A_492 = tpu.vector_load %arg6[%swap3A_489, %swap3A_490, %swap3A_491] {strides = array<i32>} : memref<2x400x128xf32, #tpu.memory_space<vmem>>, vector<1x1x16xf32>,
      %swap3A_493 = vector.shape_cast %swap3A_492 : vector<1x1x16xf32> to vector<16xf32>
      %swap3A_494 = vector.shape_cast %add3A_487 : vector<16xf32> to vector<1x1x16xf32>
      tpu.vector_store %arg6[%swap3A_489, %swap3A_490, %swap3A_491], %swap3A_494 {strides = array<i32>} : memref<2x400x128xf32, #tpu.memory_space<vmem>>, vector<1x1x16xf32>,
      %mul3A_495 = arith.constant 2 : i32
      %mul3A_496 = arith.muli %scan3A_184, %mul3A_495 : i32
      %add3A_497 = arith.constant 1 : i32
      %add3A_498 = arith.addi %mul3A_496, %add3A_497 : i32
      %get3A_499 = arith.constant 0 : i32
      %get3A_500 = arith.index_cast %get3A_499 : i32 to index
      %get3A_501 = arith.index_cast %add3A_498 : i32 to index
      %get3A_502 = arith.constant 64 : index
      %get3A_503 = tpu.vector_load %arg6[%get3A_500, %get3A_501, %get3A_502] {strides = array<i32>} : memref<2x400x128xf32, #tpu.memory_space<vmem>>, vector<1x1x16xf32>,
      %get3A_504 = vector.shape_cast %get3A_503 : vector<1x1x16xf32> to vector<16xf32>
      %add3A_505 = arith.constant 200 : i32
      %add3A_506 = arith.addi %add3A_505, %add3A_498 : i32
      %get3A_507 = arith.constant 0 : i32
      %get3A_508 = arith.index_cast %get3A_507 : i32 to index
      %get3A_509 = arith.index_cast %add3A_506 : i32 to index
      %get3A_510 = arith.constant 64 : index
      %get3A_511 = tpu.vector_load %arg6[%get3A_508, %get3A_509, %get3A_510] {strides = array<i32>} : memref<2x400x128xf32, #tpu.memory_space<vmem>>, vector<1x1x16xf32>,
      %get3A_512 = vector.shape_cast %get3A_511 : vector<1x1x16xf32> to vector<16xf32>
      %add3A_513 = arith.addf %get3A_504, %get3A_512 : vector<16xf32>
      %swap3A_514 = arith.constant 0 : i32
      %swap3A_515 = arith.index_cast %swap3A_514 : i32 to index
      %swap3A_516 = arith.index_cast %add3A_498 : i32 to index
      %swap3A_517 = arith.constant 64 : index
      %swap3A_518 = tpu.vector_load %arg6[%swap3A_515, %swap3A_516, %swap3A_517] {strides = array<i32>} : memref<2x400x128xf32, #tpu.memory_space<vmem>>, vector<1x1x16xf32>,
      %swap3A_519 = vector.shape_cast %swap3A_518 : vector<1x1x16xf32> to vector<16xf32>
      %swap3A_520 = vector.shape_cast %add3A_513 : vector<16xf32> to vector<1x1x16xf32>
      tpu.vector_store %arg6[%swap3A_515, %swap3A_516, %swap3A_517], %swap3A_520 {strides = array<i32>} : memref<2x400x128xf32, #tpu.memory_space<vmem>>, vector<1x1x16xf32>,
      %mul3A_521 = arith.constant 2 : i32
      %mul3A_522 = arith.muli %scan3A_184, %mul3A_521 : i32
      %add3A_523 = arith.constant 1 : i32
      %add3A_524 = arith.addi %mul3A_522, %add3A_523 : i32
      %get3A_525 = arith.constant 0 : i32
      %get3A_526 = arith.index_cast %get3A_525 : i32 to index
      %get3A_527 = arith.index_cast %add3A_524 : i32 to index
      %get3A_528 = arith.constant 80 : index
      %get3A_529 = tpu.vector_load %arg6[%get3A_526, %get3A_527, %get3A_528] {strides = array<i32>} : memref<2x400x128xf32, #tpu.memory_space<vmem>>, vector<1x1x16xf32>,
      %get3A_530 = vector.shape_cast %get3A_529 : vector<1x1x16xf32> to vector<16xf32>
      %add3A_531 = arith.constant 200 : i32
      %add3A_532 = arith.addi %add3A_531, %add3A_524 : i32
      %get3A_533 = arith.constant 0 : i32
      %get3A_534 = arith.index_cast %get3A_533 : i32 to index
      %get3A_535 = arith.index_cast %add3A_532 : i32 to index
      %get3A_536 = arith.constant 80 : index
      %get3A_537 = tpu.vector_load %arg6[%get3A_534, %get3A_535, %get3A_536] {strides = array<i32>} : memref<2x400x128xf32, #tpu.memory_space<vmem>>, vector<1x1x16xf32>,
      %get3A_538 = vector.shape_cast %get3A_537 : vector<1x1x16xf32> to vector<16xf32>
      %add3A_539 = arith.addf %get3A_530, %get3A_538 : vector<16xf32>
      %swap3A_540 = arith.constant 0 : i32
      %swap3A_541 = arith.index_cast %swap3A_540 : i32 to index
      %swap3A_542 = arith.index_cast %add3A_524 : i32 to index
      %swap3A_543 = arith.constant 80 : index
      %swap3A_544 = tpu.vector_load %arg6[%swap3A_541, %swap3A_542, %swap3A_543] {strides = array<i32>} : memref<2x400x128xf32, #tpu.memory_space<vmem>>, vector<1x1x16xf32>,
      %swap3A_545 = vector.shape_cast %swap3A_544 : vector<1x1x16xf32> to vector<16xf32>
      %swap3A_546 = vector.shape_cast %add3A_539 : vector<16xf32> to vector<1x1x16xf32>
      tpu.vector_store %arg6[%swap3A_541, %swap3A_542, %swap3A_543], %swap3A_546 {strides = array<i32>} : memref<2x400x128xf32, #tpu.memory_space<vmem>>, vector<1x1x16xf32>,
      %mul3A_547 = arith.constant 2 : i32
      %mul3A_548 = arith.muli %scan3A_184, %mul3A_547 : i32
      %add3A_549 = arith.constant 1 : i32
      %add3A_550 = arith.addi %mul3A_548, %add3A_549 : i32
      %get3A_551 = arith.constant 0 : i32
      %get3A_552 = arith.index_cast %get3A_551 : i32 to index
      %get3A_553 = arith.index_cast %add3A_550 : i32 to index
      %get3A_554 = arith.constant 96 : index
      %get3A_555 = tpu.vector_load %arg6[%get3A_552, %get3A_553, %get3A_554] {strides = array<i32>} : memref<2x400x128xf32, #tpu.memory_space<vmem>>, vector<1x1x16xf32>,
      %get3A_556 = vector.shape_cast %get3A_555 : vector<1x1x16xf32> to vector<16xf32>
      %add3A_557 = arith.constant 200 : i32
      %add3A_558 = arith.addi %add3A_557, %add3A_550 : i32
      %get3A_559 = arith.constant 0 : i32
      %get3A_560 = arith.index_cast %get3A_559 : i32 to index
      %get3A_561 = arith.index_cast %add3A_558 : i32 to index
      %get3A_562 = arith.constant 96 : index
      %get3A_563 = tpu.vector_load %arg6[%get3A_560, %get3A_561, %get3A_562] {strides = array<i32>} : memref<2x400x128xf32, #tpu.memory_space<vmem>>, vector<1x1x16xf32>,
      %get3A_564 = vector.shape_cast %get3A_563 : vector<1x1x16xf32> to vector<16xf32>
      %add3A_565 = arith.addf %get3A_556, %get3A_564 : vector<16xf32>
      %swap3A_566 = arith.constant 0 : i32
      %swap3A_567 = arith.index_cast %swap3A_566 : i32 to index
      %swap3A_568 = arith.index_cast %add3A_550 : i32 to index
      %swap3A_569 = arith.constant 96 : index
      %swap3A_570 = tpu.vector_load %arg6[%swap3A_567, %swap3A_568, %swap3A_569] {strides = array<i32>} : memref<2x400x128xf32, #tpu.memory_space<vmem>>, vector<1x1x16xf32>,
      %swap3A_571 = vector.shape_cast %swap3A_570 : vector<1x1x16xf32> to vector<16xf32>
      %swap3A_572 = vector.shape_cast %add3A_565 : vector<16xf32> to vector<1x1x16xf32>
      tpu.vector_store %arg6[%swap3A_567, %swap3A_568, %swap3A_569], %swap3A_572 {strides = array<i32>} : memref<2x400x128xf32, #tpu.memory_space<vmem>>, vector<1x1x16xf32>,
      %mul3A_573 = arith.constant 2 : i32
      %mul3A_574 = arith.muli %scan3A_184, %mul3A_573 : i32
      %add3A_575 = arith.constant 1 : i32
      %add3A_576 = arith.addi %mul3A_574, %add3A_575 : i32
      %get3A_577 = arith.constant 0 : i32
      %get3A_578 = arith.index_cast %get3A_577 : i32 to index
      %get3A_579 = arith.index_cast %add3A_576 : i32 to index
      %get3A_580 = arith.constant 112 : index
      %get3A_581 = tpu.vector_load %arg6[%get3A_578, %get3A_579, %get3A_580] {strides = array<i32>} : memref<2x400x128xf32, #tpu.memory_space<vmem>>, vector<1x1x16xf32>,
      %get3A_582 = vector.shape_cast %get3A_581 : vector<1x1x16xf32> to vector<16xf32>
      %add3A_583 = arith.constant 200 : i32
      %add3A_584 = arith.addi %add3A_583, %add3A_576 : i32
      %get3A_585 = arith.constant 0 : i32
      %get3A_586 = arith.index_cast %get3A_585 : i32 to index
      %get3A_587 = arith.index_cast %add3A_584 : i32 to index
      %get3A_588 = arith.constant 112 : index
      %get3A_589 = tpu.vector_load %arg6[%get3A_586, %get3A_587, %get3A_588] {strides = array<i32>} : memref<2x400x128xf32, #tpu.memory_space<vmem>>, vector<1x1x16xf32>,
      %get3A_590 = vector.shape_cast %get3A_589 : vector<1x1x16xf32> to vector<16xf32>
      %add3A_591 = arith.addf %get3A_582, %get3A_590 : vector<16xf32>
      %swap3A_592 = arith.constant 0 : i32
      %swap3A_593 = arith.index_cast %swap3A_592 : i32 to index
      %swap3A_594 = arith.index_cast %add3A_576 : i32 to index
      %swap3A_595 = arith.constant 112 : index
      %swap3A_596 = tpu.vector_load %arg6[%swap3A_593, %swap3A_594, %swap3A_595] {strides = array<i32>} : memref<2x400x128xf32, #tpu.memory_space<vmem>>, vector<1x1x16xf32>,
      %swap3A_597 = vector.shape_cast %swap3A_596 : vector<1x1x16xf32> to vector<16xf32>
      %swap3A_598 = vector.shape_cast %add3A_591 : vector<16xf32> to vector<1x1x16xf32>
      tpu.vector_store %arg6[%swap3A_593, %swap3A_594, %swap3A_595], %swap3A_598 {strides = array<i32>} : memref<2x400x128xf32, #tpu.memory_space<vmem>>, vector<1x1x16xf32>,
    }
    %scan3A_138 = arith.constant 100 : i32
    %add3A_139 = arith.constant 4800 : i32
    %add3A_140 = arith.addi %mul3A_2, %add3A_139 : i32
    %dma_start3A_141 = arith.constant 0 : i32
    %dma_start3A_142 = arith.constant 0 : i32
    %dma_start3A_143 = arith.constant 0 : i32
    %dma_start3A_144 = tpu.memref_slice %arg6[%dma_start3A_141, %dma_start3A_142, %dma_start3A_143] : memref<2x400x128xf32, #tpu.memory_space<vmem>> -> memref<1x200x128xf32, #tpu.memory_space<vmem>>
    %dma_start3A_145 = tpu.memref_squeeze %dma_start3A_144 : memref<1x200x128xf32, #tpu.memory_space<vmem>> -> memref<200x128xf32, #tpu.memory_space<vmem>>
    %dma_start3A_146 = arith.constant 0 : i32
    %dma_start3A_147 = tpu.memref_slice %arg4[%add3A_140, %dma_start3A_146] : memref<160000x128xf32, #tpu.memory_space<hbm>> -> memref<200x128xf32, #tpu.memory_space<hbm>>
    %dma_start3A_148 = arith.constant 0 : i32
    %dma_start3A_149 = tpu.memref_slice %arg4[%add3A_140, %dma_start3A_148] : memref<160000x128xf32, #tpu.memory_space<hbm>> -> memref<200x128xf32, #tpu.memory_space<hbm>>
    %dma_start3A_150 = arith.constant 0 : i32
    %dma_start3A_151 = arith.constant 0 : i32
    %dma_start3A_152 = tpu.memref_slice %arg6[%dma_start3A_141, %dma_start3A_150, %dma_start3A_151] : memref<2x400x128xf32, #tpu.memory_space<vmem>> -> memref<1x200x128xf32, #tpu.memory_space<vmem>>
    %dma_start3A_153 = tpu.memref_squeeze %dma_start3A_152 : memref<1x200x128xf32, #tpu.memory_space<vmem>> -> memref<200x128xf32, #tpu.memory_space<vmem>>
    tpu.enqueue_dma source(%dma_start3A_153 : memref<200x128xf32, #tpu.memory_space<vmem>>) target(%dma_start3A_149 : memref<200x128xf32, #tpu.memory_space<hbm>>) target_semaphore(%arg9 : memref<!tpu.dma_semaphore, #tpu.memory_space<semaphore_mem>>)
    %add3A_154 = arith.constant 4600 : i32
    %add3A_155 = arith.addi %mul3A_2, %add3A_154 : i32
    %dma_wait3A_156 = arith.constant 1 : i32
    %dma_wait3A_157 = arith.constant 0 : i32
    %dma_wait3A_158 = arith.constant 0 : i32
    %dma_wait3A_159 = tpu.memref_slice %arg6[%dma_wait3A_156, %dma_wait3A_157, %dma_wait3A_158] : memref<2x400x128xf32, #tpu.memory_space<vmem>> -> memref<1x200x128xf32, #tpu.memory_space<vmem>>
    %dma_wait3A_160 = tpu.memref_squeeze %dma_wait3A_159 : memref<1x200x128xf32, #tpu.memory_space<vmem>> -> memref<200x128xf32, #tpu.memory_space<vmem>>
    %dma_wait3A_161 = arith.constant 0 : i32
    %dma_wait3A_162 = tpu.memref_slice %arg4[%add3A_155, %dma_wait3A_161] : memref<160000x128xf32, #tpu.memory_space<hbm>> -> memref<200x128xf32, #tpu.memory_space<hbm>>
    %dma_wait3A_163 = arith.constant 0 : i32
    %dma_wait3A_164 = tpu.memref_slice %arg4[%add3A_155, %dma_wait3A_163] : memref<160000x128xf32, #tpu.memory_space<hbm>> -> memref<200x128xf32, #tpu.memory_space<hbm>>
    %dma_wait3A_165 = arith.constant 0 : i32
    %dma_wait3A_166 = arith.constant 0 : i32
    %dma_wait3A_167 = tpu.memref_slice %arg6[%dma_wait3A_156, %dma_wait3A_165, %dma_wait3A_166] : memref<2x400x128xf32, #tpu.memory_space<vmem>> -> memref<1x200x128xf32, #tpu.memory_space<vmem>>
    %dma_wait3A_168 = tpu.memref_squeeze %dma_wait3A_167 : memref<1x200x128xf32, #tpu.memory_space<vmem>> -> memref<200x128xf32, #tpu.memory_space<vmem>>
    tpu.wait_dma2 semaphore(%arg10 : memref<!tpu.dma_semaphore, #tpu.memory_space<semaphore_mem>>) src(%dma_wait3A_168 : memref<200x128xf32, #tpu.memory_space<vmem>>) dst(%dma_wait3A_164 : memref<200x128xf32, #tpu.memory_space<hbm>>)
    %add3A_169 = arith.constant 4800 : i32
    %add3A_170 = arith.addi %mul3A_2, %add3A_169 : i32
    %dma_wait3A_171 = arith.constant 0 : i32
    %dma_wait3A_172 = arith.constant 0 : i32
    %dma_wait3A_173 = arith.constant 0 : i32
    %dma_wait3A_174 = tpu.memref_slice %arg6[%dma_wait3A_171, %dma_wait3A_172, %dma_wait3A_173] : memref<2x400x128xf32, #tpu.memory_space<vmem>> -> memref<1x200x128xf32, #tpu.memory_space<vmem>>
    %dma_wait3A_175 = tpu.memref_squeeze %dma_wait3A_174 : memref<1x200x128xf32, #tpu.memory_space<vmem>> -> memref<200x128xf32, #tpu.memory_space<vmem>>
    %dma_wait3A_176 = arith.constant 0 : i32
    %dma_wait3A_177 = tpu.memref_slice %arg4[%add3A_170, %dma_wait3A_176] : memref<160000x128xf32, #tpu.memory_space<hbm>> -> memref<200x128xf32, #tpu.memory_space<hbm>>
    %dma_wait3A_178 = arith.constant 0 : i32
    %dma_wait3A_179 = tpu.memref_slice %arg4[%add3A_170, %dma_wait3A_178] : memref<160000x128xf32, #tpu.memory_space<hbm>> -> memref<200x128xf32, #tpu.memory_space<hbm>>
    %dma_wait3A_180 = arith.constant 0 : i32
    %dma_wait3A_181 = arith.constant 0 : i32
    %dma_wait3A_182 = tpu.memref_slice %arg6[%dma_wait3A_171, %dma_wait3A_180, %dma_wait3A_181] : memref<2x400x128xf32, #tpu.memory_space<vmem>> -> memref<1x200x128xf32, #tpu.memory_space<vmem>>
    %dma_wait3A_183 = tpu.memref_squeeze %dma_wait3A_182 : memref<1x200x128xf32, #tpu.memory_space<vmem>> -> memref<200x128xf32, #tpu.memory_space<vmem>>
    tpu.wait_dma2 semaphore(%arg9 : memref<!tpu.dma_semaphore, #tpu.memory_space<semaphore_mem>>) src(%dma_wait3A_183 : memref<200x128xf32, #tpu.memory_space<vmem>>) dst(%dma_wait3A_179 : memref<200x128xf32, #tpu.memory_space<hbm>>)
    return
  }
}

#map = affine_map<(d0, d1) -> (0, 0)>
#map1 = affine_map<(d0, d1) -> (0, 0, 0, 0, 0)>
module attributes {stable_mosaic.version = 14 : i64} {
  func.func @_sc_gather_body(%arg0: i32, %arg1: i32, %arg2: memref<20000x128xf32, #tpu.memory_space<hbm>>, %arg3: memref<32x25x2x2x100xi32, #tpu.memory_space<hbm>>, %arg4: memref<160000x128xf32, #tpu.memory_space<hbm>>, %arg5: memref<25x2x2x100xi32, #tpu.memory_space<vmem>>, %arg6: memref<2x400x128xf32, #tpu.memory_space<vmem>>, %arg7: memref<!tpu.dma_semaphore, #tpu.memory_space<semaphore_mem>>, %arg8: memref<!tpu.dma_semaphore, #tpu.memory_space<semaphore_mem>>, %arg9: memref<!tpu.dma_semaphore, #tpu.memory_space<semaphore_mem>>, %arg10: memref<!tpu.dma_semaphore, #tpu.memory_space<semaphore_mem>>) attributes {dimension_semantics = [#tpu.dimension_semantics<core_parallel>, #tpu.dimension_semantics<subcore_parallel>], iteration_bounds = array<i64: 2, 16>, scalar_prefetch = 0 : i64, scratch_operands = 6 : i64, tpu.core_type = #tpu.core_type<sc_vector_subcore>, window_params = [{transform_indices = #map}, {transform_indices = #map1}, {transform_indices = #map}]} {
    %mul3A = arith.constant 2 : i32
    %mul3A_0 = arith.muli %arg1, %mul3A : i32
    %add3A = arith.addi %mul3A_0, %arg0 : i32
    %mul3A_1 = arith.constant 5000 : i32
    %mul3A_2 = arith.muli %add3A, %mul3A_1 : i32
    "tpu.region"() ({
      %run_scoped3A = tpu.sem_alloc : memref<!tpu.dma_semaphore, #tpu.memory_space<semaphore_mem>>
      %dma_start3A_184 = arith.constant 0 : i32
      %dma_start3A_185 = arith.constant 0 : i32
      %dma_start3A_186 = arith.constant 0 : i32
      %dma_start3A_187 = arith.constant 0 : i32
      %dma_start3A_188 = tpu.memref_slice %arg3[%add3A, %dma_start3A_184, %dma_start3A_185, %dma_start3A_186, %dma_start3A_187] : memref<32x25x2x2x100xi32, #tpu.memory_space<hbm>> -> memref<1x25x2x2x100xi32, #tpu.memory_space<hbm>>
      %dma_start3A_189 = tpu.memref_squeeze %dma_start3A_188 : memref<1x25x2x2x100xi32, #tpu.memory_space<hbm>> -> memref<25x2x2x100xi32, #tpu.memory_space<hbm>>
      %dma_start3A_190 = arith.constant 0 : i32
      %dma_start3A_191 = arith.constant 0 : i32
      %dma_start3A_192 = arith.constant 0 : i32
      %dma_start3A_193 = arith.constant 0 : i32
      %dma_start3A_194 = tpu.memref_slice %arg3[%add3A, %dma_start3A_190, %dma_start3A_191, %dma_start3A_192, %dma_start3A_193] : memref<32x25x2x2x100xi32, #tpu.memory_space<hbm>> -> memref<1x25x2x2x100xi32, #tpu.memory_space<hbm>>
      %dma_start3A_195 = tpu.memref_squeeze %dma_start3A_194 : memref<1x25x2x2x100xi32, #tpu.memory_space<hbm>> -> memref<25x2x2x100xi32, #tpu.memory_space<hbm>>
      tpu.enqueue_dma source(%dma_start3A_195 : memref<25x2x2x100xi32, #tpu.memory_space<hbm>>) target(%arg5 : memref<25x2x2x100xi32, #tpu.memory_space<vmem>>) target_semaphore(%run_scoped3A : memref<!tpu.dma_semaphore, #tpu.memory_space<semaphore_mem>>)
      %dma_wait3A_196 = arith.constant 0 : i32
      %dma_wait3A_197 = arith.constant 0 : i32
      %dma_wait3A_198 = arith.constant 0 : i32
      %dma_wait3A_199 = arith.constant 0 : i32
      %dma_wait3A_200 = tpu.memref_slice %arg3[%add3A, %dma_wait3A_196, %dma_wait3A_197, %dma_wait3A_198, %dma_wait3A_199] : memref<32x25x2x2x100xi32, #tpu.memory_space<hbm>> -> memref<1x25x2x2x100xi32, #tpu.memory_space<hbm>>
      %dma_wait3A_201 = tpu.memref_squeeze %dma_wait3A_200 : memref<1x25x2x2x100xi32, #tpu.memory_space<hbm>> -> memref<25x2x2x100xi32, #tpu.memory_space<hbm>>
      %dma_wait3A_202 = arith.constant 0 : i32
      %dma_wait3A_203 = arith.constant 0 : i32
      %dma_wait3A_204 = arith.constant 0 : i32
      %dma_wait3A_205 = arith.constant 0 : i32
      %dma_wait3A_206 = tpu.memref_slice %arg3[%add3A, %dma_wait3A_202, %dma_wait3A_203, %dma_wait3A_204, %dma_wait3A_205] : memref<32x25x2x2x100xi32, #tpu.memory_space<hbm>> -> memref<1x25x2x2x100xi32, #tpu.memory_space<hbm>>
      %dma_wait3A_207 = tpu.memref_squeeze %dma_wait3A_206 : memref<1x25x2x2x100xi32, #tpu.memory_space<hbm>> -> memref<25x2x2x100xi32, #tpu.memory_space<hbm>>
      tpu.wait_dma2 semaphore(%run_scoped3A : memref<!tpu.dma_semaphore, #tpu.memory_space<semaphore_mem>>) src(%dma_wait3A_207 : memref<25x2x2x100xi32, #tpu.memory_space<hbm>>) dst(%arg5 : memref<25x2x2x100xi32, #tpu.memory_space<vmem>>)
      tpu.yield
    }) : () -> ()
    %scan3A = arith.constant 0 : i32
    %scan3A_3 = arith.constant 0 : i32
    %scan3A_4 = arith.constant 12 : i32
    %scan3A_5 = arith.addi %scan3A_3, %scan3A_4 : i32
    %scan3A_6 = arith.constant 1 : i32
    scf.for %scan3A_184 = %scan3A_3 to %scan3A_5 step %scan3A_6  : i32 {
      %mul3A_185 = arith.constant 2 : i32
      %mul3A_186 = arith.muli %mul3A_185, %scan3A_184 : i32
      %add3A_187 = arith.constant 0 : i32
      %add3A_188 = arith.addi %mul3A_186, %add3A_187 : i32
      %gt3A = arith.constant 0 : i32
      %gt3A_189 = arith.cmpi sgt, %scan3A_184, %gt3A : i32
      %convert_element_type3A = arith.extui %gt3A_189 : i1 to i32
      %cond3A = arith.constant 0 : i32
      %cond3A_190 = arith.cmpi ne, %convert_element_type3A, %cond3A : i32
      scf.if %cond3A_190 {
        %sub3A = arith.constant 2 : i32
        %sub3A_460 = arith.subi %add3A_188, %sub3A : i32
        %mul3A_461 = arith.constant 200 : i32
        %mul3A_462 = arith.muli %sub3A_460, %mul3A_461 : i32
        %add3A_463 = arith.addi %mul3A_2, %mul3A_462 : i32
        %dma_wait3A_464 = arith.constant 0 : i32
        %dma_wait3A_465 = arith.constant 0 : i32
        %dma_wait3A_466 = arith.constant 0 : i32
        %dma_wait3A_467 = tpu.memref_slice %arg6[%dma_wait3A_464, %dma_wait3A_465, %dma_wait3A_466] : memref<2x400x128xf32, #tpu.memory_space<vmem>> -> memref<1x200x128xf32, #tpu.memory_space<vmem>>
        %dma_wait3A_468 = tpu.memref_squeeze %dma_wait3A_467 : memref<1x200x128xf32, #tpu.memory_space<vmem>> -> memref<200x128xf32, #tpu.memory_space<vmem>>
        %dma_wait3A_469 = arith.constant 0 : i32
        %dma_wait3A_470 = tpu.memref_slice %arg4[%add3A_463, %dma_wait3A_469] : memref<160000x128xf32, #tpu.memory_space<hbm>> -> memref<200x128xf32, #tpu.memory_space<hbm>>
        %dma_wait3A_471 = arith.constant 0 : i32
        %dma_wait3A_472 = tpu.memref_slice %arg4[%add3A_463, %dma_wait3A_471] : memref<160000x128xf32, #tpu.memory_space<hbm>> -> memref<200x128xf32, #tpu.memory_space<hbm>>
        %dma_wait3A_473 = arith.constant 0 : i32
        %dma_wait3A_474 = arith.constant 0 : i32
        %dma_wait3A_475 = tpu.memref_slice %arg6[%dma_wait3A_464, %dma_wait3A_473, %dma_wait3A_474] : memref<2x400x128xf32, #tpu.memory_space<vmem>> -> memref<1x200x128xf32, #tpu.memory_space<vmem>>
        %dma_wait3A_476 = tpu.memref_squeeze %dma_wait3A_475 : memref<1x200x128xf32, #tpu.memory_space<vmem>> -> memref<200x128xf32, #tpu.memory_space<vmem>>
        tpu.wait_dma2 semaphore(%arg9 : memref<!tpu.dma_semaphore, #tpu.memory_space<semaphore_mem>>) src(%dma_wait3A_476 : memref<200x128xf32, #tpu.memory_space<vmem>>) dst(%dma_wait3A_472 : memref<200x128xf32, #tpu.memory_space<hbm>>)
      } else {
      }
      %dma_start3A_191 = arith.constant 0 : i32
      %dma_start3A_192 = arith.constant 0 : i32
      %dma_start3A_193 = arith.constant 0 : i32
      %dma_start3A_194 = arith.constant 0 : i32
      %dma_start3A_195 = arith.constant 0 : i32
      %dma_start3A_196 = tpu.memref_slice %arg6[%dma_start3A_193, %dma_start3A_194, %dma_start3A_195] : memref<2x400x128xf32, #tpu.memory_space<vmem>> -> memref<1x100x128xf32, #tpu.memory_space<vmem>>
      %dma_start3A_197 = tpu.memref_squeeze %dma_start3A_196 : memref<1x100x128xf32, #tpu.memory_space<vmem>> -> memref<100x128xf32, #tpu.memory_space<vmem>>
      %dma_start3A_198 = arith.constant 0 : i32
      %dma_start3A_199 = tpu.memref_slice %arg5[%add3A_188, %dma_start3A_191, %dma_start3A_192, %dma_start3A_198] : memref<25x2x2x100xi32, #tpu.memory_space<vmem>> -> memref<1x1x1x100xi32, #tpu.memory_space<vmem>>
      %dma_start3A_200 = tpu.memref_squeeze %dma_start3A_199 : memref<1x1x1x100xi32, #tpu.memory_space<vmem>> -> memref<100xi32, #tpu.memory_space<vmem>>
      %dma_start3A_201 = arith.constant 0 : i32
      %dma_start3A_202 = arith.constant 0 : i32
      %dma_start3A_203 = tpu.memref_slice %arg2[%dma_start3A_201, %dma_start3A_202] : memref<20000x128xf32, #tpu.memory_space<hbm>> -> memref<20000x128xf32, #tpu.memory_space<hbm>>
      tpu.enqueue_indirect_dma source(%dma_start3A_203 : memref<20000x128xf32, #tpu.memory_space<hbm>>) target(%dma_start3A_197 : memref<100x128xf32, #tpu.memory_space<vmem>>) offsets(%dma_start3A_200 : memref<100xi32, #tpu.memory_space<vmem>>) semaphore(%arg7 : memref<!tpu.dma_semaphore, #tpu.memory_space<semaphore_mem>>)
      %dma_start3A_204 = arith.constant 0 : i32
      %dma_start3A_205 = arith.constant 1 : i32
      %dma_start3A_206 = arith.constant 0 : i32
      %dma_start3A_207 = arith.constant 100 : i32
      %dma_start3A_208 = arith.constant 0 : i32
      %dma_start3A_209 = tpu.memref_slice %arg6[%dma_start3A_206, %dma_start3A_207, %dma_start3A_208] : memref<2x400x128xf32, #tpu.memory_space<vmem>> -> memref<1x100x128xf32, #tpu.memory_space<vmem>>
      %dma_start3A_210 = tpu.memref_squeeze %dma_start3A_209 : memref<1x100x128xf32, #tpu.memory_space<vmem>> -> memref<100x128xf32, #tpu.memory_space<vmem>>
      %dma_start3A_211 = arith.constant 0 : i32
      %dma_start3A_212 = tpu.memref_slice %arg5[%add3A_188, %dma_start3A_204, %dma_start3A_205, %dma_start3A_211] : memref<25x2x2x100xi32, #tpu.memory_space<vmem>> -> memref<1x1x1x100xi32, #tpu.memory_space<vmem>>
      %dma_start3A_213 = tpu.memref_squeeze %dma_start3A_212 : memref<1x1x1x100xi32, #tpu.memory_space<vmem>> -> memref<100xi32, #tpu.memory_space<vmem>>
      %dma_start3A_214 = arith.constant 0 : i32
      %dma_start3A_215 = arith.constant 0 : i32
      %dma_start3A_216 = tpu.memref_slice %arg2[%dma_start3A_214, %dma_start3A_215] : memref<20000x128xf32, #tpu.memory_space<hbm>> -> memref<20000x128xf32, #tpu.memory_space<hbm>>
      tpu.enqueue_indirect_dma source(%dma_start3A_216 : memref<20000x128xf32, #tpu.memory_space<hbm>>) target(%dma_start3A_210 : memref<100x128xf32, #tpu.memory_space<vmem>>) offsets(%dma_start3A_213 : memref<100xi32, #tpu.memory_space<vmem>>) semaphore(%arg7 : memref<!tpu.dma_semaphore, #tpu.memory_space<semaphore_mem>>)
      %dma_start3A_217 = arith.constant 1 : i32
      %dma_start3A_218 = arith.constant 0 : i32
      %dma_start3A_219 = arith.constant 0 : i32
      %dma_start3A_220 = arith.constant 200 : i32
      %dma_start3A_221 = arith.constant 0 : i32
      %dma_start3A_222 = tpu.memref_slice %arg6[%dma_start3A_219, %dma_start3A_220, %dma_start3A_221] : memref<2x400x128xf32, #tpu.memory_space<vmem>> -> memref<1x100x128xf32, #tpu.memory_space<vmem>>
      %dma_start3A_223 = tpu.memref_squeeze %dma_start3A_222 : memref<1x100x128xf32, #tpu.memory_space<vmem>> -> memref<100x128xf32, #tpu.memory_space<vmem>>
      %dma_start3A_224 = arith.constant 0 : i32
      %dma_start3A_225 = tpu.memref_slice %arg5[%add3A_188, %dma_start3A_217, %dma_start3A_218, %dma_start3A_224] : memref<25x2x2x100xi32, #tpu.memory_space<vmem>> -> memref<1x1x1x100xi32, #tpu.memory_space<vmem>>
      %dma_start3A_226 = tpu.memref_squeeze %dma_start3A_225 : memref<1x1x1x100xi32, #tpu.memory_space<vmem>> -> memref<100xi32, #tpu.memory_space<vmem>>
      %dma_start3A_227 = arith.constant 0 : i32
      %dma_start3A_228 = arith.constant 0 : i32
      %dma_start3A_229 = tpu.memref_slice %arg2[%dma_start3A_227, %dma_start3A_228] : memref<20000x128xf32, #tpu.memory_space<hbm>> -> memref<20000x128xf32, #tpu.memory_space<hbm>>
      tpu.enqueue_indirect_dma source(%dma_start3A_229 : memref<20000x128xf32, #tpu.memory_space<hbm>>) target(%dma_start3A_223 : memref<100x128xf32, #tpu.memory_space<vmem>>) offsets(%dma_start3A_226 : memref<100xi32, #tpu.memory_space<vmem>>) semaphore(%arg7 : memref<!tpu.dma_semaphore, #tpu.memory_space<semaphore_mem>>)
      %dma_start3A_230 = arith.constant 1 : i32
      %dma_start3A_231 = arith.constant 1 : i32
      %dma_start3A_232 = arith.constant 0 : i32
      %dma_start3A_233 = arith.constant 300 : i32
      %dma_start3A_234 = arith.constant 0 : i32
      %dma_start3A_235 = tpu.memref_slice %arg6[%dma_start3A_232, %dma_start3A_233, %dma_start3A_234] : memref<2x400x128xf32, #tpu.memory_space<vmem>> -> memref<1x100x128xf32, #tpu.memory_space<vmem>>
      %dma_start3A_236 = tpu.memref_squeeze %dma_start3A_235 : memref<1x100x128xf32, #tpu.memory_space<vmem>> -> memref<100x128xf32, #tpu.memory_space<vmem>>
      %dma_start3A_237 = arith.constant 0 : i32
      %dma_start3A_238 = tpu.memref_slice %arg5[%add3A_188, %dma_start3A_230, %dma_start3A_231, %dma_start3A_237] : memref<25x2x2x100xi32, #tpu.memory_space<vmem>> -> memref<1x1x1x100xi32, #tpu.memory_space<vmem>>
      %dma_start3A_239 = tpu.memref_squeeze %dma_start3A_238 : memref<1x1x1x100xi32, #tpu.memory_space<vmem>> -> memref<100xi32, #tpu.memory_space<vmem>>
      %dma_start3A_240 = arith.constant 0 : i32
      %dma_start3A_241 = arith.constant 0 : i32
      %dma_start3A_242 = tpu.memref_slice %arg2[%dma_start3A_240, %dma_start3A_241] : memref<20000x128xf32, #tpu.memory_space<hbm>> -> memref<20000x128xf32, #tpu.memory_space<hbm>>
      tpu.enqueue_indirect_dma source(%dma_start3A_242 : memref<20000x128xf32, #tpu.memory_space<hbm>>) target(%dma_start3A_236 : memref<100x128xf32, #tpu.memory_space<vmem>>) offsets(%dma_start3A_239 : memref<100xi32, #tpu.memory_space<vmem>>) semaphore(%arg7 : memref<!tpu.dma_semaphore, #tpu.memory_space<semaphore_mem>>)
      %mul3A_243 = arith.constant 2 : i32
      %mul3A_244 = arith.muli %mul3A_243, %scan3A_184 : i32
      %add3A_245 = arith.constant 1 : i32
      %add3A_246 = arith.addi %mul3A_244, %add3A_245 : i32
      %gt3A_247 = arith.constant 0 : i32
      %gt3A_248 = arith.cmpi sgt, %scan3A_184, %gt3A_247 : i32
      %convert_element_type3A_249 = arith.extui %gt3A_248 : i1 to i32
      %cond3A_250 = arith.constant 0 : i32
      %cond3A_251 = arith.cmpi ne, %convert_element_type3A_249, %cond3A_250 : i32
      scf.if %cond3A_251 {
        %sub3A = arith.constant 2 : i32
        %sub3A_460 = arith.subi %add3A_246, %sub3A : i32
        %mul3A_461 = arith.constant 200 : i32
        %mul3A_462 = arith.muli %sub3A_460, %mul3A_461 : i32
        %add3A_463 = arith.addi %mul3A_2, %mul3A_462 : i32
        %dma_wait3A_464 = arith.constant 1 : i32
        %dma_wait3A_465 = arith.constant 0 : i32
        %dma_wait3A_466 = arith.constant 0 : i32
        %dma_wait3A_467 = tpu.memref_slice %arg6[%dma_wait3A_464, %dma_wait3A_465, %dma_wait3A_466] : memref<2x400x128xf32, #tpu.memory_space<vmem>> -> memref<1x200x128xf32, #tpu.memory_space<vmem>>
        %dma_wait3A_468 = tpu.memref_squeeze %dma_wait3A_467 : memref<1x200x128xf32, #tpu.memory_space<vmem>> -> memref<200x128xf32, #tpu.memory_space<vmem>>
        %dma_wait3A_469 = arith.constant 0 : i32
        %dma_wait3A_470 = tpu.memref_slice %arg4[%add3A_463, %dma_wait3A_469] : memref<160000x128xf32, #tpu.memory_space<hbm>> -> memref<200x128xf32, #tpu.memory_space<hbm>>
        %dma_wait3A_471 = arith.constant 0 : i32
        %dma_wait3A_472 = tpu.memref_slice %arg4[%add3A_463, %dma_wait3A_471] : memref<160000x128xf32, #tpu.memory_space<hbm>> -> memref<200x128xf32, #tpu.memory_space<hbm>>
        %dma_wait3A_473 = arith.constant 0 : i32
        %dma_wait3A_474 = arith.constant 0 : i32
        %dma_wait3A_475 = tpu.memref_slice %arg6[%dma_wait3A_464, %dma_wait3A_473, %dma_wait3A_474] : memref<2x400x128xf32, #tpu.memory_space<vmem>> -> memref<1x200x128xf32, #tpu.memory_space<vmem>>
        %dma_wait3A_476 = tpu.memref_squeeze %dma_wait3A_475 : memref<1x200x128xf32, #tpu.memory_space<vmem>> -> memref<200x128xf32, #tpu.memory_space<vmem>>
        tpu.wait_dma2 semaphore(%arg10 : memref<!tpu.dma_semaphore, #tpu.memory_space<semaphore_mem>>) src(%dma_wait3A_476 : memref<200x128xf32, #tpu.memory_space<vmem>>) dst(%dma_wait3A_472 : memref<200x128xf32, #tpu.memory_space<hbm>>)
      } else {
      }
      %dma_start3A_252 = arith.constant 0 : i32
      %dma_start3A_253 = arith.constant 0 : i32
      %dma_start3A_254 = arith.constant 1 : i32
      %dma_start3A_255 = arith.constant 0 : i32
      %dma_start3A_256 = arith.constant 0 : i32
      %dma_start3A_257 = tpu.memref_slice %arg6[%dma_start3A_254, %dma_start3A_255, %dma_start3A_256] : memref<2x400x128xf32, #tpu.memory_space<vmem>> -> memref<1x100x128xf32, #tpu.memory_space<vmem>>
      %dma_start3A_258 = tpu.memref_squeeze %dma_start3A_257 : memref<1x100x128xf32, #tpu.memory_space<vmem>> -> memref<100x128xf32, #tpu.memory_space<vmem>>
      %dma_start3A_259 = arith.constant 0 : i32
      %dma_start3A_260 = tpu.memref_slice %arg5[%add3A_246, %dma_start3A_252, %dma_start3A_253, %dma_start3A_259] : memref<25x2x2x100xi32, #tpu.memory_space<vmem>> -> memref<1x1x1x100xi32, #tpu.memory_space<vmem>>
      %dma_start3A_261 = tpu.memref_squeeze %dma_start3A_260 : memref<1x1x1x100xi32, #tpu.memory_space<vmem>> -> memref<100xi32, #tpu.memory_space<vmem>>
      %dma_start3A_262 = arith.constant 0 : i32
      %dma_start3A_263 = arith.constant 0 : i32
      %dma_start3A_264 = tpu.memref_slice %arg2[%dma_start3A_262, %dma_start3A_263] : memref<20000x128xf32, #tpu.memory_space<hbm>> -> memref<20000x128xf32, #tpu.memory_space<hbm>>
      tpu.enqueue_indirect_dma source(%dma_start3A_264 : memref<20000x128xf32, #tpu.memory_space<hbm>>) target(%dma_start3A_258 : memref<100x128xf32, #tpu.memory_space<vmem>>) offsets(%dma_start3A_261 : memref<100xi32, #tpu.memory_space<vmem>>) semaphore(%arg8 : memref<!tpu.dma_semaphore, #tpu.memory_space<semaphore_mem>>)
      %dma_start3A_265 = arith.constant 0 : i32
      %dma_start3A_266 = arith.constant 1 : i32
      %dma_start3A_267 = arith.constant 1 : i32
      %dma_start3A_268 = arith.constant 100 : i32
      %dma_start3A_269 = arith.constant 0 : i32
      %dma_start3A_270 = tpu.memref_slice %arg6[%dma_start3A_267, %dma_start3A_268, %dma_start3A_269] : memref<2x400x128xf32, #tpu.memory_space<vmem>> -> memref<1x100x128xf32, #tpu.memory_space<vmem>>
      %dma_start3A_271 = tpu.memref_squeeze %dma_start3A_270 : memref<1x100x128xf32, #tpu.memory_space<vmem>> -> memref<100x128xf32, #tpu.memory_space<vmem>>
      %dma_start3A_272 = arith.constant 0 : i32
      %dma_start3A_273 = tpu.memref_slice %arg5[%add3A_246, %dma_start3A_265, %dma_start3A_266, %dma_start3A_272] : memref<25x2x2x100xi32, #tpu.memory_space<vmem>> -> memref<1x1x1x100xi32, #tpu.memory_space<vmem>>
      %dma_start3A_274 = tpu.memref_squeeze %dma_start3A_273 : memref<1x1x1x100xi32, #tpu.memory_space<vmem>> -> memref<100xi32, #tpu.memory_space<vmem>>
      %dma_start3A_275 = arith.constant 0 : i32
      %dma_start3A_276 = arith.constant 0 : i32
      %dma_start3A_277 = tpu.memref_slice %arg2[%dma_start3A_275, %dma_start3A_276] : memref<20000x128xf32, #tpu.memory_space<hbm>> -> memref<20000x128xf32, #tpu.memory_space<hbm>>
      tpu.enqueue_indirect_dma source(%dma_start3A_277 : memref<20000x128xf32, #tpu.memory_space<hbm>>) target(%dma_start3A_271 : memref<100x128xf32, #tpu.memory_space<vmem>>) offsets(%dma_start3A_274 : memref<100xi32, #tpu.memory_space<vmem>>) semaphore(%arg8 : memref<!tpu.dma_semaphore, #tpu.memory_space<semaphore_mem>>)
      %dma_start3A_278 = arith.constant 1 : i32
      %dma_start3A_279 = arith.constant 0 : i32
      %dma_start3A_280 = arith.constant 1 : i32
      %dma_start3A_281 = arith.constant 200 : i32
      %dma_start3A_282 = arith.constant 0 : i32
      %dma_start3A_283 = tpu.memref_slice %arg6[%dma_start3A_280, %dma_start3A_281, %dma_start3A_282] : memref<2x400x128xf32, #tpu.memory_space<vmem>> -> memref<1x100x128xf32, #tpu.memory_space<vmem>>
      %dma_start3A_284 = tpu.memref_squeeze %dma_start3A_283 : memref<1x100x128xf32, #tpu.memory_space<vmem>> -> memref<100x128xf32, #tpu.memory_space<vmem>>
      %dma_start3A_285 = arith.constant 0 : i32
      %dma_start3A_286 = tpu.memref_slice %arg5[%add3A_246, %dma_start3A_278, %dma_start3A_279, %dma_start3A_285] : memref<25x2x2x100xi32, #tpu.memory_space<vmem>> -> memref<1x1x1x100xi32, #tpu.memory_space<vmem>>
      %dma_start3A_287 = tpu.memref_squeeze %dma_start3A_286 : memref<1x1x1x100xi32, #tpu.memory_space<vmem>> -> memref<100xi32, #tpu.memory_space<vmem>>
      %dma_start3A_288 = arith.constant 0 : i32
      %dma_start3A_289 = arith.constant 0 : i32
      %dma_start3A_290 = tpu.memref_slice %arg2[%dma_start3A_288, %dma_start3A_289] : memref<20000x128xf32, #tpu.memory_space<hbm>> -> memref<20000x128xf32, #tpu.memory_space<hbm>>
      tpu.enqueue_indirect_dma source(%dma_start3A_290 : memref<20000x128xf32, #tpu.memory_space<hbm>>) target(%dma_start3A_284 : memref<100x128xf32, #tpu.memory_space<vmem>>) offsets(%dma_start3A_287 : memref<100xi32, #tpu.memory_space<vmem>>) semaphore(%arg8 : memref<!tpu.dma_semaphore, #tpu.memory_space<semaphore_mem>>)
      %dma_start3A_291 = arith.constant 1 : i32
      %dma_start3A_292 = arith.constant 1 : i32
      %dma_start3A_293 = arith.constant 1 : i32
      %dma_start3A_294 = arith.constant 300 : i32
      %dma_start3A_295 = arith.constant 0 : i32
      %dma_start3A_296 = tpu.memref_slice %arg6[%dma_start3A_293, %dma_start3A_294, %dma_start3A_295] : memref<2x400x128xf32, #tpu.memory_space<vmem>> -> memref<1x100x128xf32, #tpu.memory_space<vmem>>
      %dma_start3A_297 = tpu.memref_squeeze %dma_start3A_296 : memref<1x100x128xf32, #tpu.memory_space<vmem>> -> memref<100x128xf32, #tpu.memory_space<vmem>>
      %dma_start3A_298 = arith.constant 0 : i32
      %dma_start3A_299 = tpu.memref_slice %arg5[%add3A_246, %dma_start3A_291, %dma_start3A_292, %dma_start3A_298] : memref<25x2x2x100xi32, #tpu.memory_space<vmem>> -> memref<1x1x1x100xi32, #tpu.memory_space<vmem>>
      %dma_start3A_300 = tpu.memref_squeeze %dma_start3A_299 : memref<1x1x1x100xi32, #tpu.memory_space<vmem>> -> memref<100xi32, #tpu.memory_space<vmem>>
      %dma_start3A_301 = arith.constant 0 : i32
      %dma_start3A_302 = arith.constant 0 : i32
      %dma_start3A_303 = tpu.memref_slice %arg2[%dma_start3A_301, %dma_start3A_302] : memref<20000x128xf32, #tpu.memory_space<hbm>> -> memref<20000x128xf32, #tpu.memory_space<hbm>>
      tpu.enqueue_indirect_dma source(%dma_start3A_303 : memref<20000x128xf32, #tpu.memory_space<hbm>>) target(%dma_start3A_297 : memref<100x128xf32, #tpu.memory_space<vmem>>) offsets(%dma_start3A_300 : memref<100xi32, #tpu.memory_space<vmem>>) semaphore(%arg8 : memref<!tpu.dma_semaphore, #tpu.memory_space<semaphore_mem>>)
      %mul3A_304 = arith.constant 2 : i32
      %mul3A_305 = arith.muli %mul3A_304, %scan3A_184 : i32
      %add3A_306 = arith.constant 0 : i32
      %add3A_307 = arith.addi %mul3A_305, %add3A_306 : i32
      %dma_wait3A_308 = arith.constant 0 : i32
      %dma_wait3A_309 = arith.constant 0 : i32
      %dma_wait3A_310 = arith.constant 0 : i32
      %dma_wait3A_311 = arith.constant 0 : i32
      %dma_wait3A_312 = arith.constant 0 : i32
      %dma_wait3A_313 = tpu.memref_slice %arg6[%dma_wait3A_310, %dma_wait3A_311, %dma_wait3A_312] : memref<2x400x128xf32, #tpu.memory_space<vmem>> -> memref<1x100x128xf32, #tpu.memory_space<vmem>>
      %dma_wait3A_314 = tpu.memref_squeeze %dma_wait3A_313 : memref<1x100x128xf32, #tpu.memory_space<vmem>> -> memref<100x128xf32, #tpu.memory_space<vmem>>
      %dma_wait3A_315 = arith.constant 0 : i32
      %dma_wait3A_316 = tpu.memref_slice %arg5[%add3A_307, %dma_wait3A_308, %dma_wait3A_309, %dma_wait3A_315] : memref<25x2x2x100xi32, #tpu.memory_space<vmem>> -> memref<1x1x1x100xi32, #tpu.memory_space<vmem>>
      %dma_wait3A_317 = tpu.memref_squeeze %dma_wait3A_316 : memref<1x1x1x100xi32, #tpu.memory_space<vmem>> -> memref<100xi32, #tpu.memory_space<vmem>>
      %dma_wait3A_318 = arith.constant 0 : i32
      %dma_wait3A_319 = arith.constant 0 : i32
      %dma_wait3A_320 = tpu.memref_slice %arg2[%dma_wait3A_318, %dma_wait3A_319] : memref<20000x128xf32, #tpu.memory_space<hbm>> -> memref<20000x128xf32, #tpu.memory_space<hbm>>
      tpu.wait_indirect_dma semaphore(%arg7 : memref<!tpu.dma_semaphore, #tpu.memory_space<semaphore_mem>>) src(%dma_wait3A_320 : memref<20000x128xf32, #tpu.memory_space<hbm>>) dst(%dma_wait3A_314 : memref<100x128xf32, #tpu.memory_space<vmem>>)
      %dma_wait3A_321 = arith.constant 0 : i32
      %dma_wait3A_322 = arith.constant 1 : i32
      %dma_wait3A_323 = arith.constant 0 : i32
      %dma_wait3A_324 = arith.constant 100 : i32
      %dma_wait3A_325 = arith.constant 0 : i32
      %dma_wait3A_326 = tpu.memref_slice %arg6[%dma_wait3A_323, %dma_wait3A_324, %dma_wait3A_325] : memref<2x400x128xf32, #tpu.memory_space<vmem>> -> memref<1x100x128xf32, #tpu.memory_space<vmem>>
      %dma_wait3A_327 = tpu.memref_squeeze %dma_wait3A_326 : memref<1x100x128xf32, #tpu.memory_space<vmem>> -> memref<100x128xf32, #tpu.memory_space<vmem>>
      %dma_wait3A_328 = arith.constant 0 : i32
      %dma_wait3A_329 = tpu.memref_slice %arg5[%add3A_307, %dma_wait3A_321, %dma_wait3A_322, %dma_wait3A_328] : memref<25x2x2x100xi32, #tpu.memory_space<vmem>> -> memref<1x1x1x100xi32, #tpu.memory_space<vmem>>
      %dma_wait3A_330 = tpu.memref_squeeze %dma_wait3A_329 : memref<1x1x1x100xi32, #tpu.memory_space<vmem>> -> memref<100xi32, #tpu.memory_space<vmem>>
      %dma_wait3A_331 = arith.constant 0 : i32
      %dma_wait3A_332 = arith.constant 0 : i32
      %dma_wait3A_333 = tpu.memref_slice %arg2[%dma_wait3A_331, %dma_wait3A_332] : memref<20000x128xf32, #tpu.memory_space<hbm>> -> memref<20000x128xf32, #tpu.memory_space<hbm>>
      tpu.wait_indirect_dma semaphore(%arg7 : memref<!tpu.dma_semaphore, #tpu.memory_space<semaphore_mem>>) src(%dma_wait3A_333 : memref<20000x128xf32, #tpu.memory_space<hbm>>) dst(%dma_wait3A_327 : memref<100x128xf32, #tpu.memory_space<vmem>>)
      %dma_wait3A_334 = arith.constant 1 : i32
      %dma_wait3A_335 = arith.constant 0 : i32
      %dma_wait3A_336 = arith.constant 0 : i32
      %dma_wait3A_337 = arith.constant 200 : i32
      %dma_wait3A_338 = arith.constant 0 : i32
      %dma_wait3A_339 = tpu.memref_slice %arg6[%dma_wait3A_336, %dma_wait3A_337, %dma_wait3A_338] : memref<2x400x128xf32, #tpu.memory_space<vmem>> -> memref<1x100x128xf32, #tpu.memory_space<vmem>>
      %dma_wait3A_340 = tpu.memref_squeeze %dma_wait3A_339 : memref<1x100x128xf32, #tpu.memory_space<vmem>> -> memref<100x128xf32, #tpu.memory_space<vmem>>
      %dma_wait3A_341 = arith.constant 0 : i32
      %dma_wait3A_342 = tpu.memref_slice %arg5[%add3A_307, %dma_wait3A_334, %dma_wait3A_335, %dma_wait3A_341] : memref<25x2x2x100xi32, #tpu.memory_space<vmem>> -> memref<1x1x1x100xi32, #tpu.memory_space<vmem>>
      %dma_wait3A_343 = tpu.memref_squeeze %dma_wait3A_342 : memref<1x1x1x100xi32, #tpu.memory_space<vmem>> -> memref<100xi32, #tpu.memory_space<vmem>>
      %dma_wait3A_344 = arith.constant 0 : i32
      %dma_wait3A_345 = arith.constant 0 : i32
      %dma_wait3A_346 = tpu.memref_slice %arg2[%dma_wait3A_344, %dma_wait3A_345] : memref<20000x128xf32, #tpu.memory_space<hbm>> -> memref<20000x128xf32, #tpu.memory_space<hbm>>
      tpu.wait_indirect_dma semaphore(%arg7 : memref<!tpu.dma_semaphore, #tpu.memory_space<semaphore_mem>>) src(%dma_wait3A_346 : memref<20000x128xf32, #tpu.memory_space<hbm>>) dst(%dma_wait3A_340 : memref<100x128xf32, #tpu.memory_space<vmem>>)
      %dma_wait3A_347 = arith.constant 1 : i32
      %dma_wait3A_348 = arith.constant 1 : i32
      %dma_wait3A_349 = arith.constant 0 : i32
      %dma_wait3A_350 = arith.constant 300 : i32
      %dma_wait3A_351 = arith.constant 0 : i32
      %dma_wait3A_352 = tpu.memref_slice %arg6[%dma_wait3A_349, %dma_wait3A_350, %dma_wait3A_351] : memref<2x400x128xf32, #tpu.memory_space<vmem>> -> memref<1x100x128xf32, #tpu.memory_space<vmem>>
      %dma_wait3A_353 = tpu.memref_squeeze %dma_wait3A_352 : memref<1x100x128xf32, #tpu.memory_space<vmem>> -> memref<100x128xf32, #tpu.memory_space<vmem>>
      %dma_wait3A_354 = arith.constant 0 : i32
      %dma_wait3A_355 = tpu.memref_slice %arg5[%add3A_307, %dma_wait3A_347, %dma_wait3A_348, %dma_wait3A_354] : memref<25x2x2x100xi32, #tpu.memory_space<vmem>> -> memref<1x1x1x100xi32, #tpu.memory_space<vmem>>
      %dma_wait3A_356 = tpu.memref_squeeze %dma_wait3A_355 : memref<1x1x1x100xi32, #tpu.memory_space<vmem>> -> memref<100xi32, #tpu.memory_space<vmem>>
      %dma_wait3A_357 = arith.constant 0 : i32
      %dma_wait3A_358 = arith.constant 0 : i32
      %dma_wait3A_359 = tpu.memref_slice %arg2[%dma_wait3A_357, %dma_wait3A_358] : memref<20000x128xf32, #tpu.memory_space<hbm>> -> memref<20000x128xf32, #tpu.memory_space<hbm>>
      tpu.wait_indirect_dma semaphore(%arg7 : memref<!tpu.dma_semaphore, #tpu.memory_space<semaphore_mem>>) src(%dma_wait3A_359 : memref<20000x128xf32, #tpu.memory_space<hbm>>) dst(%dma_wait3A_353 : memref<100x128xf32, #tpu.memory_space<vmem>>)
      %scan3A_360 = arith.constant 0 : i32
      %scan3A_361 = arith.constant 0 : i32
      %scan3A_362 = arith.constant 100 : i32
      %scan3A_363 = arith.addi %scan3A_361, %scan3A_362 : i32
      %scan3A_364 = arith.constant 1 : i32
      scf.for %scan3A_460 = %scan3A_361 to %scan3A_363 step %scan3A_364  : i32 {
        %mul3A_461 = arith.constant 2 : i32
        %mul3A_462 = arith.muli %scan3A_460, %mul3A_461 : i32
        %add3A_463 = arith.constant 0 : i32
        %add3A_464 = arith.addi %mul3A_462, %add3A_463 : i32
        %get3A = arith.constant 0 : i32
        %get3A_465 = arith.index_cast %get3A : i32 to index
        %get3A_466 = arith.index_cast %add3A_464 : i32 to index
        %get3A_467 = arith.constant 0 : index
        %get3A_468 = tpu.vector_load %arg6[%get3A_465, %get3A_466, %get3A_467] {strides = array<i32>} : memref<2x400x128xf32, #tpu.memory_space<vmem>>, vector<1x1x16xf32>,
        %get3A_469 = vector.shape_cast %get3A_468 : vector<1x1x16xf32> to vector<16xf32>
        %add3A_470 = arith.constant 200 : i32
        %add3A_471 = arith.addi %add3A_470, %add3A_464 : i32
        %get3A_472 = arith.constant 0 : i32
        %get3A_473 = arith.index_cast %get3A_472 : i32 to index
        %get3A_474 = arith.index_cast %add3A_471 : i32 to index
        %get3A_475 = arith.constant 0 : index
        %get3A_476 = tpu.vector_load %arg6[%get3A_473, %get3A_474, %get3A_475] {strides = array<i32>} : memref<2x400x128xf32, #tpu.memory_space<vmem>>, vector<1x1x16xf32>,
        %get3A_477 = vector.shape_cast %get3A_476 : vector<1x1x16xf32> to vector<16xf32>
        %add3A_478 = arith.addf %get3A_469, %get3A_477 : vector<16xf32>
        %swap3A = arith.constant 0 : i32
        %swap3A_479 = arith.index_cast %swap3A : i32 to index
        %swap3A_480 = arith.index_cast %add3A_464 : i32 to index
        %swap3A_481 = arith.constant 0 : index
        %swap3A_482 = tpu.vector_load %arg6[%swap3A_479, %swap3A_480, %swap3A_481] {strides = array<i32>} : memref<2x400x128xf32, #tpu.memory_space<vmem>>, vector<1x1x16xf32>,
        %swap3A_483 = vector.shape_cast %swap3A_482 : vector<1x1x16xf32> to vector<16xf32>
        %swap3A_484 = vector.shape_cast %add3A_478 : vector<16xf32> to vector<1x1x16xf32>
        tpu.vector_store %arg6[%swap3A_479, %swap3A_480, %swap3A_481], %swap3A_484 {strides = array<i32>} : memref<2x400x128xf32, #tpu.memory_space<vmem>>, vector<1x1x16xf32>,
        %mul3A_485 = arith.constant 2 : i32
        %mul3A_486 = arith.muli %scan3A_460, %mul3A_485 : i32
        %add3A_487 = arith.constant 0 : i32
        %add3A_488 = arith.addi %mul3A_486, %add3A_487 : i32
        %get3A_489 = arith.constant 0 : i32
        %get3A_490 = arith.index_cast %get3A_489 : i32 to index
        %get3A_491 = arith.index_cast %add3A_488 : i32 to index
        %get3A_492 = arith.constant 16 : index
        %get3A_493 = tpu.vector_load %arg6[%get3A_490, %get3A_491, %get3A_492] {strides = array<i32>} : memref<2x400x128xf32, #tpu.memory_space<vmem>>, vector<1x1x16xf32>,
        %get3A_494 = vector.shape_cast %get3A_493 : vector<1x1x16xf32> to vector<16xf32>
        %add3A_495 = arith.constant 200 : i32
        %add3A_496 = arith.addi %add3A_495, %add3A_488 : i32
        %get3A_497 = arith.constant 0 : i32
        %get3A_498 = arith.index_cast %get3A_497 : i32 to index
        %get3A_499 = arith.index_cast %add3A_496 : i32 to index
        %get3A_500 = arith.constant 16 : index
        %get3A_501 = tpu.vector_load %arg6[%get3A_498, %get3A_499, %get3A_500] {strides = array<i32>} : memref<2x400x128xf32, #tpu.memory_space<vmem>>, vector<1x1x16xf32>,
        %get3A_502 = vector.shape_cast %get3A_501 : vector<1x1x16xf32> to vector<16xf32>
        %add3A_503 = arith.addf %get3A_494, %get3A_502 : vector<16xf32>
        %swap3A_504 = arith.constant 0 : i32
        %swap3A_505 = arith.index_cast %swap3A_504 : i32 to index
        %swap3A_506 = arith.index_cast %add3A_488 : i32 to index
        %swap3A_507 = arith.constant 16 : index
        %swap3A_508 = tpu.vector_load %arg6[%swap3A_505, %swap3A_506, %swap3A_507] {strides = array<i32>} : memref<2x400x128xf32, #tpu.memory_space<vmem>>, vector<1x1x16xf32>,
        %swap3A_509 = vector.shape_cast %swap3A_508 : vector<1x1x16xf32> to vector<16xf32>
        %swap3A_510 = vector.shape_cast %add3A_503 : vector<16xf32> to vector<1x1x16xf32>
        tpu.vector_store %arg6[%swap3A_505, %swap3A_506, %swap3A_507], %swap3A_510 {strides = array<i32>} : memref<2x400x128xf32, #tpu.memory_space<vmem>>, vector<1x1x16xf32>,
        %mul3A_511 = arith.constant 2 : i32
        %mul3A_512 = arith.muli %scan3A_460, %mul3A_511 : i32
        %add3A_513 = arith.constant 0 : i32
        %add3A_514 = arith.addi %mul3A_512, %add3A_513 : i32
        %get3A_515 = arith.constant 0 : i32
        %get3A_516 = arith.index_cast %get3A_515 : i32 to index
        %get3A_517 = arith.index_cast %add3A_514 : i32 to index
        %get3A_518 = arith.constant 32 : index
        %get3A_519 = tpu.vector_load %arg6[%get3A_516, %get3A_517, %get3A_518] {strides = array<i32>} : memref<2x400x128xf32, #tpu.memory_space<vmem>>, vector<1x1x16xf32>,
        %get3A_520 = vector.shape_cast %get3A_519 : vector<1x1x16xf32> to vector<16xf32>
        %add3A_521 = arith.constant 200 : i32
        %add3A_522 = arith.addi %add3A_521, %add3A_514 : i32
        %get3A_523 = arith.constant 0 : i32
        %get3A_524 = arith.index_cast %get3A_523 : i32 to index
        %get3A_525 = arith.index_cast %add3A_522 : i32 to index
        %get3A_526 = arith.constant 32 : index
        %get3A_527 = tpu.vector_load %arg6[%get3A_524, %get3A_525, %get3A_526] {strides = array<i32>} : memref<2x400x128xf32, #tpu.memory_space<vmem>>, vector<1x1x16xf32>,
        %get3A_528 = vector.shape_cast %get3A_527 : vector<1x1x16xf32> to vector<16xf32>
        %add3A_529 = arith.addf %get3A_520, %get3A_528 : vector<16xf32>
        %swap3A_530 = arith.constant 0 : i32
        %swap3A_531 = arith.index_cast %swap3A_530 : i32 to index
        %swap3A_532 = arith.index_cast %add3A_514 : i32 to index
        %swap3A_533 = arith.constant 32 : index
        %swap3A_534 = tpu.vector_load %arg6[%swap3A_531, %swap3A_532, %swap3A_533] {strides = array<i32>} : memref<2x400x128xf32, #tpu.memory_space<vmem>>, vector<1x1x16xf32>,
        %swap3A_535 = vector.shape_cast %swap3A_534 : vector<1x1x16xf32> to vector<16xf32>
        %swap3A_536 = vector.shape_cast %add3A_529 : vector<16xf32> to vector<1x1x16xf32>
        tpu.vector_store %arg6[%swap3A_531, %swap3A_532, %swap3A_533], %swap3A_536 {strides = array<i32>} : memref<2x400x128xf32, #tpu.memory_space<vmem>>, vector<1x1x16xf32>,
        %mul3A_537 = arith.constant 2 : i32
        %mul3A_538 = arith.muli %scan3A_460, %mul3A_537 : i32
        %add3A_539 = arith.constant 0 : i32
        %add3A_540 = arith.addi %mul3A_538, %add3A_539 : i32
        %get3A_541 = arith.constant 0 : i32
        %get3A_542 = arith.index_cast %get3A_541 : i32 to index
        %get3A_543 = arith.index_cast %add3A_540 : i32 to index
        %get3A_544 = arith.constant 48 : index
        %get3A_545 = tpu.vector_load %arg6[%get3A_542, %get3A_543, %get3A_544] {strides = array<i32>} : memref<2x400x128xf32, #tpu.memory_space<vmem>>, vector<1x1x16xf32>,
        %get3A_546 = vector.shape_cast %get3A_545 : vector<1x1x16xf32> to vector<16xf32>
        %add3A_547 = arith.constant 200 : i32
        %add3A_548 = arith.addi %add3A_547, %add3A_540 : i32
        %get3A_549 = arith.constant 0 : i32
        %get3A_550 = arith.index_cast %get3A_549 : i32 to index
        %get3A_551 = arith.index_cast %add3A_548 : i32 to index
        %get3A_552 = arith.constant 48 : index
        %get3A_553 = tpu.vector_load %arg6[%get3A_550, %get3A_551, %get3A_552] {strides = array<i32>} : memref<2x400x128xf32, #tpu.memory_space<vmem>>, vector<1x1x16xf32>,
        %get3A_554 = vector.shape_cast %get3A_553 : vector<1x1x16xf32> to vector<16xf32>
        %add3A_555 = arith.addf %get3A_546, %get3A_554 : vector<16xf32>
        %swap3A_556 = arith.constant 0 : i32
        %swap3A_557 = arith.index_cast %swap3A_556 : i32 to index
        %swap3A_558 = arith.index_cast %add3A_540 : i32 to index
        %swap3A_559 = arith.constant 48 : index
        %swap3A_560 = tpu.vector_load %arg6[%swap3A_557, %swap3A_558, %swap3A_559] {strides = array<i32>} : memref<2x400x128xf32, #tpu.memory_space<vmem>>, vector<1x1x16xf32>,
        %swap3A_561 = vector.shape_cast %swap3A_560 : vector<1x1x16xf32> to vector<16xf32>
        %swap3A_562 = vector.shape_cast %add3A_555 : vector<16xf32> to vector<1x1x16xf32>
        tpu.vector_store %arg6[%swap3A_557, %swap3A_558, %swap3A_559], %swap3A_562 {strides = array<i32>} : memref<2x400x128xf32, #tpu.memory_space<vmem>>, vector<1x1x16xf32>,
        %mul3A_563 = arith.constant 2 : i32
        %mul3A_564 = arith.muli %scan3A_460, %mul3A_563 : i32
        %add3A_565 = arith.constant 0 : i32
        %add3A_566 = arith.addi %mul3A_564, %add3A_565 : i32
        %get3A_567 = arith.constant 0 : i32
        %get3A_568 = arith.index_cast %get3A_567 : i32 to index
        %get3A_569 = arith.index_cast %add3A_566 : i32 to index
        %get3A_570 = arith.constant 64 : index
        %get3A_571 = tpu.vector_load %arg6[%get3A_568, %get3A_569, %get3A_570] {strides = array<i32>} : memref<2x400x128xf32, #tpu.memory_space<vmem>>, vector<1x1x16xf32>,
        %get3A_572 = vector.shape_cast %get3A_571 : vector<1x1x16xf32> to vector<16xf32>
        %add3A_573 = arith.constant 200 : i32
        %add3A_574 = arith.addi %add3A_573, %add3A_566 : i32
        %get3A_575 = arith.constant 0 : i32
        %get3A_576 = arith.index_cast %get3A_575 : i32 to index
        %get3A_577 = arith.index_cast %add3A_574 : i32 to index
        %get3A_578 = arith.constant 64 : index
        %get3A_579 = tpu.vector_load %arg6[%get3A_576, %get3A_577, %get3A_578] {strides = array<i32>} : memref<2x400x128xf32, #tpu.memory_space<vmem>>, vector<1x1x16xf32>,
        %get3A_580 = vector.shape_cast %get3A_579 : vector<1x1x16xf32> to vector<16xf32>
        %add3A_581 = arith.addf %get3A_572, %get3A_580 : vector<16xf32>
        %swap3A_582 = arith.constant 0 : i32
        %swap3A_583 = arith.index_cast %swap3A_582 : i32 to index
        %swap3A_584 = arith.index_cast %add3A_566 : i32 to index
        %swap3A_585 = arith.constant 64 : index
        %swap3A_586 = tpu.vector_load %arg6[%swap3A_583, %swap3A_584, %swap3A_585] {strides = array<i32>} : memref<2x400x128xf32, #tpu.memory_space<vmem>>, vector<1x1x16xf32>,
        %swap3A_587 = vector.shape_cast %swap3A_586 : vector<1x1x16xf32> to vector<16xf32>
        %swap3A_588 = vector.shape_cast %add3A_581 : vector<16xf32> to vector<1x1x16xf32>
        tpu.vector_store %arg6[%swap3A_583, %swap3A_584, %swap3A_585], %swap3A_588 {strides = array<i32>} : memref<2x400x128xf32, #tpu.memory_space<vmem>>, vector<1x1x16xf32>,
        %mul3A_589 = arith.constant 2 : i32
        %mul3A_590 = arith.muli %scan3A_460, %mul3A_589 : i32
        %add3A_591 = arith.constant 0 : i32
        %add3A_592 = arith.addi %mul3A_590, %add3A_591 : i32
        %get3A_593 = arith.constant 0 : i32
        %get3A_594 = arith.index_cast %get3A_593 : i32 to index
        %get3A_595 = arith.index_cast %add3A_592 : i32 to index
        %get3A_596 = arith.constant 80 : index
        %get3A_597 = tpu.vector_load %arg6[%get3A_594, %get3A_595, %get3A_596] {strides = array<i32>} : memref<2x400x128xf32, #tpu.memory_space<vmem>>, vector<1x1x16xf32>,
        %get3A_598 = vector.shape_cast %get3A_597 : vector<1x1x16xf32> to vector<16xf32>
        %add3A_599 = arith.constant 200 : i32
        %add3A_600 = arith.addi %add3A_599, %add3A_592 : i32
        %get3A_601 = arith.constant 0 : i32
        %get3A_602 = arith.index_cast %get3A_601 : i32 to index
        %get3A_603 = arith.index_cast %add3A_600 : i32 to index
        %get3A_604 = arith.constant 80 : index
        %get3A_605 = tpu.vector_load %arg6[%get3A_602, %get3A_603, %get3A_604] {strides = array<i32>} : memref<2x400x128xf32, #tpu.memory_space<vmem>>, vector<1x1x16xf32>,
        %get3A_606 = vector.shape_cast %get3A_605 : vector<1x1x16xf32> to vector<16xf32>
        %add3A_607 = arith.addf %get3A_598, %get3A_606 : vector<16xf32>
        %swap3A_608 = arith.constant 0 : i32
        %swap3A_609 = arith.index_cast %swap3A_608 : i32 to index
        %swap3A_610 = arith.index_cast %add3A_592 : i32 to index
        %swap3A_611 = arith.constant 80 : index
        %swap3A_612 = tpu.vector_load %arg6[%swap3A_609, %swap3A_610, %swap3A_611] {strides = array<i32>} : memref<2x400x128xf32, #tpu.memory_space<vmem>>, vector<1x1x16xf32>,
        %swap3A_613 = vector.shape_cast %swap3A_612 : vector<1x1x16xf32> to vector<16xf32>
        %swap3A_614 = vector.shape_cast %add3A_607 : vector<16xf32> to vector<1x1x16xf32>
        tpu.vector_store %arg6[%swap3A_609, %swap3A_610, %swap3A_611], %swap3A_614 {strides = array<i32>} : memref<2x400x128xf32, #tpu.memory_space<vmem>>, vector<1x1x16xf32>,
        %mul3A_615 = arith.constant 2 : i32
        %mul3A_616 = arith.muli %scan3A_460, %mul3A_615 : i32
        %add3A_617 = arith.constant 0 : i32
        %add3A_618 = arith.addi %mul3A_616, %add3A_617 : i32
        %get3A_619 = arith.constant 0 : i32
        %get3A_620 = arith.index_cast %get3A_619 : i32 to index
        %get3A_621 = arith.index_cast %add3A_618 : i32 to index
        %get3A_622 = arith.constant 96 : index
        %get3A_623 = tpu.vector_load %arg6[%get3A_620, %get3A_621, %get3A_622] {strides = array<i32>} : memref<2x400x128xf32, #tpu.memory_space<vmem>>, vector<1x1x16xf32>,
        %get3A_624 = vector.shape_cast %get3A_623 : vector<1x1x16xf32> to vector<16xf32>
        %add3A_625 = arith.constant 200 : i32
        %add3A_626 = arith.addi %add3A_625, %add3A_618 : i32
        %get3A_627 = arith.constant 0 : i32
        %get3A_628 = arith.index_cast %get3A_627 : i32 to index
        %get3A_629 = arith.index_cast %add3A_626 : i32 to index
        %get3A_630 = arith.constant 96 : index
        %get3A_631 = tpu.vector_load %arg6[%get3A_628, %get3A_629, %get3A_630] {strides = array<i32>} : memref<2x400x128xf32, #tpu.memory_space<vmem>>, vector<1x1x16xf32>,
        %get3A_632 = vector.shape_cast %get3A_631 : vector<1x1x16xf32> to vector<16xf32>
        %add3A_633 = arith.addf %get3A_624, %get3A_632 : vector<16xf32>
        %swap3A_634 = arith.constant 0 : i32
        %swap3A_635 = arith.index_cast %swap3A_634 : i32 to index
        %swap3A_636 = arith.index_cast %add3A_618 : i32 to index
        %swap3A_637 = arith.constant 96 : index
        %swap3A_638 = tpu.vector_load %arg6[%swap3A_635, %swap3A_636, %swap3A_637] {strides = array<i32>} : memref<2x400x128xf32, #tpu.memory_space<vmem>>, vector<1x1x16xf32>,
        %swap3A_639 = vector.shape_cast %swap3A_638 : vector<1x1x16xf32> to vector<16xf32>
        %swap3A_640 = vector.shape_cast %add3A_633 : vector<16xf32> to vector<1x1x16xf32>
        tpu.vector_store %arg6[%swap3A_635, %swap3A_636, %swap3A_637], %swap3A_640 {strides = array<i32>} : memref<2x400x128xf32, #tpu.memory_space<vmem>>, vector<1x1x16xf32>,
        %mul3A_641 = arith.constant 2 : i32
        %mul3A_642 = arith.muli %scan3A_460, %mul3A_641 : i32
        %add3A_643 = arith.constant 0 : i32
        %add3A_644 = arith.addi %mul3A_642, %add3A_643 : i32
        %get3A_645 = arith.constant 0 : i32
        %get3A_646 = arith.index_cast %get3A_645 : i32 to index
        %get3A_647 = arith.index_cast %add3A_644 : i32 to index
        %get3A_648 = arith.constant 112 : index
        %get3A_649 = tpu.vector_load %arg6[%get3A_646, %get3A_647, %get3A_648] {strides = array<i32>} : memref<2x400x128xf32, #tpu.memory_space<vmem>>, vector<1x1x16xf32>,
        %get3A_650 = vector.shape_cast %get3A_649 : vector<1x1x16xf32> to vector<16xf32>
        %add3A_651 = arith.constant 200 : i32
        %add3A_652 = arith.addi %add3A_651, %add3A_644 : i32
        %get3A_653 = arith.constant 0 : i32
        %get3A_654 = arith.index_cast %get3A_653 : i32 to index
        %get3A_655 = arith.index_cast %add3A_652 : i32 to index
        %get3A_656 = arith.constant 112 : index
        %get3A_657 = tpu.vector_load %arg6[%get3A_654, %get3A_655, %get3A_656] {strides = array<i32>} : memref<2x400x128xf32, #tpu.memory_space<vmem>>, vector<1x1x16xf32>,
        %get3A_658 = vector.shape_cast %get3A_657 : vector<1x1x16xf32> to vector<16xf32>
        %add3A_659 = arith.addf %get3A_650, %get3A_658 : vector<16xf32>
        %swap3A_660 = arith.constant 0 : i32
        %swap3A_661 = arith.index_cast %swap3A_660 : i32 to index
        %swap3A_662 = arith.index_cast %add3A_644 : i32 to index
        %swap3A_663 = arith.constant 112 : index
        %swap3A_664 = tpu.vector_load %arg6[%swap3A_661, %swap3A_662, %swap3A_663] {strides = array<i32>} : memref<2x400x128xf32, #tpu.memory_space<vmem>>, vector<1x1x16xf32>,
        %swap3A_665 = vector.shape_cast %swap3A_664 : vector<1x1x16xf32> to vector<16xf32>
        %swap3A_666 = vector.shape_cast %add3A_659 : vector<16xf32> to vector<1x1x16xf32>
        tpu.vector_store %arg6[%swap3A_661, %swap3A_662, %swap3A_663], %swap3A_666 {strides = array<i32>} : memref<2x400x128xf32, #tpu.memory_space<vmem>>, vector<1x1x16xf32>,
        %mul3A_667 = arith.constant 2 : i32
        %mul3A_668 = arith.muli %scan3A_460, %mul3A_667 : i32
        %add3A_669 = arith.constant 1 : i32
        %add3A_670 = arith.addi %mul3A_668, %add3A_669 : i32
        %get3A_671 = arith.constant 0 : i32
        %get3A_672 = arith.index_cast %get3A_671 : i32 to index
        %get3A_673 = arith.index_cast %add3A_670 : i32 to index
        %get3A_674 = arith.constant 0 : index
        %get3A_675 = tpu.vector_load %arg6[%get3A_672, %get3A_673, %get3A_674] {strides = array<i32>} : memref<2x400x128xf32, #tpu.memory_space<vmem>>, vector<1x1x16xf32>,
        %get3A_676 = vector.shape_cast %get3A_675 : vector<1x1x16xf32> to vector<16xf32>
        %add3A_677 = arith.constant 200 : i32
        %add3A_678 = arith.addi %add3A_677, %add3A_670 : i32
        %get3A_679 = arith.constant 0 : i32
        %get3A_680 = arith.index_cast %get3A_679 : i32 to index
        %get3A_681 = arith.index_cast %add3A_678 : i32 to index
        %get3A_682 = arith.constant 0 : index
        %get3A_683 = tpu.vector_load %arg6[%get3A_680, %get3A_681, %get3A_682] {strides = array<i32>} : memref<2x400x128xf32, #tpu.memory_space<vmem>>, vector<1x1x16xf32>,
        %get3A_684 = vector.shape_cast %get3A_683 : vector<1x1x16xf32> to vector<16xf32>
        %add3A_685 = arith.addf %get3A_676, %get3A_684 : vector<16xf32>
        %swap3A_686 = arith.constant 0 : i32
        %swap3A_687 = arith.index_cast %swap3A_686 : i32 to index
        %swap3A_688 = arith.index_cast %add3A_670 : i32 to index
        %swap3A_689 = arith.constant 0 : index
        %swap3A_690 = tpu.vector_load %arg6[%swap3A_687, %swap3A_688, %swap3A_689] {strides = array<i32>} : memref<2x400x128xf32, #tpu.memory_space<vmem>>, vector<1x1x16xf32>,
        %swap3A_691 = vector.shape_cast %swap3A_690 : vector<1x1x16xf32> to vector<16xf32>
        %swap3A_692 = vector.shape_cast %add3A_685 : vector<16xf32> to vector<1x1x16xf32>
        tpu.vector_store %arg6[%swap3A_687, %swap3A_688, %swap3A_689], %swap3A_692 {strides = array<i32>} : memref<2x400x128xf32, #tpu.memory_space<vmem>>, vector<1x1x16xf32>,
        %mul3A_693 = arith.constant 2 : i32
        %mul3A_694 = arith.muli %scan3A_460, %mul3A_693 : i32
        %add3A_695 = arith.constant 1 : i32
        %add3A_696 = arith.addi %mul3A_694, %add3A_695 : i32
        %get3A_697 = arith.constant 0 : i32
        %get3A_698 = arith.index_cast %get3A_697 : i32 to index
        %get3A_699 = arith.index_cast %add3A_696 : i32 to index
        %get3A_700 = arith.constant 16 : index
        %get3A_701 = tpu.vector_load %arg6[%get3A_698, %get3A_699, %get3A_700] {strides = array<i32>} : memref<2x400x128xf32, #tpu.memory_space<vmem>>, vector<1x1x16xf32>,
        %get3A_702 = vector.shape_cast %get3A_701 : vector<1x1x16xf32> to vector<16xf32>
        %add3A_703 = arith.constant 200 : i32
        %add3A_704 = arith.addi %add3A_703, %add3A_696 : i32
        %get3A_705 = arith.constant 0 : i32
        %get3A_706 = arith.index_cast %get3A_705 : i32 to index
        %get3A_707 = arith.index_cast %add3A_704 : i32 to index
        %get3A_708 = arith.constant 16 : index
        %get3A_709 = tpu.vector_load %arg6[%get3A_706, %get3A_707, %get3A_708] {strides = array<i32>} : memref<2x400x128xf32, #tpu.memory_space<vmem>>, vector<1x1x16xf32>,
        %get3A_710 = vector.shape_cast %get3A_709 : vector<1x1x16xf32> to vector<16xf32>
        %add3A_711 = arith.addf %get3A_702, %get3A_710 : vector<16xf32>
        %swap3A_712 = arith.constant 0 : i32
        %swap3A_713 = arith.index_cast %swap3A_712 : i32 to index
        %swap3A_714 = arith.index_cast %add3A_696 : i32 to index
        %swap3A_715 = arith.constant 16 : index
        %swap3A_716 = tpu.vector_load %arg6[%swap3A_713, %swap3A_714, %swap3A_715] {strides = array<i32>} : memref<2x400x128xf32, #tpu.memory_space<vmem>>, vector<1x1x16xf32>,
        %swap3A_717 = vector.shape_cast %swap3A_716 : vector<1x1x16xf32> to vector<16xf32>
        %swap3A_718 = vector.shape_cast %add3A_711 : vector<16xf32> to vector<1x1x16xf32>
        tpu.vector_store %arg6[%swap3A_713, %swap3A_714, %swap3A_715], %swap3A_718 {strides = array<i32>} : memref<2x400x128xf32, #tpu.memory_space<vmem>>, vector<1x1x16xf32>,
        %mul3A_719 = arith.constant 2 : i32
        %mul3A_720 = arith.muli %scan3A_460, %mul3A_719 : i32
        %add3A_721 = arith.constant 1 : i32
        %add3A_722 = arith.addi %mul3A_720, %add3A_721 : i32
        %get3A_723 = arith.constant 0 : i32
        %get3A_724 = arith.index_cast %get3A_723 : i32 to index
        %get3A_725 = arith.index_cast %add3A_722 : i32 to index
        %get3A_726 = arith.constant 32 : index
        %get3A_727 = tpu.vector_load %arg6[%get3A_724, %get3A_725, %get3A_726] {strides = array<i32>} : memref<2x400x128xf32, #tpu.memory_space<vmem>>, vector<1x1x16xf32>,
        %get3A_728 = vector.shape_cast %get3A_727 : vector<1x1x16xf32> to vector<16xf32>
        %add3A_729 = arith.constant 200 : i32
        %add3A_730 = arith.addi %add3A_729, %add3A_722 : i32
        %get3A_731 = arith.constant 0 : i32
        %get3A_732 = arith.index_cast %get3A_731 : i32 to index
        %get3A_733 = arith.index_cast %add3A_730 : i32 to index
        %get3A_734 = arith.constant 32 : index
        %get3A_735 = tpu.vector_load %arg6[%get3A_732, %get3A_733, %get3A_734] {strides = array<i32>} : memref<2x400x128xf32, #tpu.memory_space<vmem>>, vector<1x1x16xf32>,
        %get3A_736 = vector.shape_cast %get3A_735 : vector<1x1x16xf32> to vector<16xf32>
        %add3A_737 = arith.addf %get3A_728, %get3A_736 : vector<16xf32>
        %swap3A_738 = arith.constant 0 : i32
        %swap3A_739 = arith.index_cast %swap3A_738 : i32 to index
        %swap3A_740 = arith.index_cast %add3A_722 : i32 to index
        %swap3A_741 = arith.constant 32 : index
        %swap3A_742 = tpu.vector_load %arg6[%swap3A_739, %swap3A_740, %swap3A_741] {strides = array<i32>} : memref<2x400x128xf32, #tpu.memory_space<vmem>>, vector<1x1x16xf32>,
        %swap3A_743 = vector.shape_cast %swap3A_742 : vector<1x1x16xf32> to vector<16xf32>
        %swap3A_744 = vector.shape_cast %add3A_737 : vector<16xf32> to vector<1x1x16xf32>
        tpu.vector_store %arg6[%swap3A_739, %swap3A_740, %swap3A_741], %swap3A_744 {strides = array<i32>} : memref<2x400x128xf32, #tpu.memory_space<vmem>>, vector<1x1x16xf32>,
        %mul3A_745 = arith.constant 2 : i32
        %mul3A_746 = arith.muli %scan3A_460, %mul3A_745 : i32
        %add3A_747 = arith.constant 1 : i32
        %add3A_748 = arith.addi %mul3A_746, %add3A_747 : i32
        %get3A_749 = arith.constant 0 : i32
        %get3A_750 = arith.index_cast %get3A_749 : i32 to index
        %get3A_751 = arith.index_cast %add3A_748 : i32 to index
        %get3A_752 = arith.constant 48 : index
        %get3A_753 = tpu.vector_load %arg6[%get3A_750, %get3A_751, %get3A_752] {strides = array<i32>} : memref<2x400x128xf32, #tpu.memory_space<vmem>>, vector<1x1x16xf32>,
        %get3A_754 = vector.shape_cast %get3A_753 : vector<1x1x16xf32> to vector<16xf32>
        %add3A_755 = arith.constant 200 : i32
        %add3A_756 = arith.addi %add3A_755, %add3A_748 : i32
        %get3A_757 = arith.constant 0 : i32
        %get3A_758 = arith.index_cast %get3A_757 : i32 to index
        %get3A_759 = arith.index_cast %add3A_756 : i32 to index
        %get3A_760 = arith.constant 48 : index
        %get3A_761 = tpu.vector_load %arg6[%get3A_758, %get3A_759, %get3A_760] {strides = array<i32>} : memref<2x400x128xf32, #tpu.memory_space<vmem>>, vector<1x1x16xf32>,
        %get3A_762 = vector.shape_cast %get3A_761 : vector<1x1x16xf32> to vector<16xf32>
        %add3A_763 = arith.addf %get3A_754, %get3A_762 : vector<16xf32>
        %swap3A_764 = arith.constant 0 : i32
        %swap3A_765 = arith.index_cast %swap3A_764 : i32 to index
        %swap3A_766 = arith.index_cast %add3A_748 : i32 to index
        %swap3A_767 = arith.constant 48 : index
        %swap3A_768 = tpu.vector_load %arg6[%swap3A_765, %swap3A_766, %swap3A_767] {strides = array<i32>} : memref<2x400x128xf32, #tpu.memory_space<vmem>>, vector<1x1x16xf32>,
        %swap3A_769 = vector.shape_cast %swap3A_768 : vector<1x1x16xf32> to vector<16xf32>
        %swap3A_770 = vector.shape_cast %add3A_763 : vector<16xf32> to vector<1x1x16xf32>
        tpu.vector_store %arg6[%swap3A_765, %swap3A_766, %swap3A_767], %swap3A_770 {strides = array<i32>} : memref<2x400x128xf32, #tpu.memory_space<vmem>>, vector<1x1x16xf32>,
        %mul3A_771 = arith.constant 2 : i32
        %mul3A_772 = arith.muli %scan3A_460, %mul3A_771 : i32
        %add3A_773 = arith.constant 1 : i32
        %add3A_774 = arith.addi %mul3A_772, %add3A_773 : i32
        %get3A_775 = arith.constant 0 : i32
        %get3A_776 = arith.index_cast %get3A_775 : i32 to index
        %get3A_777 = arith.index_cast %add3A_774 : i32 to index
        %get3A_778 = arith.constant 64 : index
        %get3A_779 = tpu.vector_load %arg6[%get3A_776, %get3A_777, %get3A_778] {strides = array<i32>} : memref<2x400x128xf32, #tpu.memory_space<vmem>>, vector<1x1x16xf32>,
        %get3A_780 = vector.shape_cast %get3A_779 : vector<1x1x16xf32> to vector<16xf32>
        %add3A_781 = arith.constant 200 : i32
        %add3A_782 = arith.addi %add3A_781, %add3A_774 : i32
        %get3A_783 = arith.constant 0 : i32
        %get3A_784 = arith.index_cast %get3A_783 : i32 to index
        %get3A_785 = arith.index_cast %add3A_782 : i32 to index
        %get3A_786 = arith.constant 64 : index
        %get3A_787 = tpu.vector_load %arg6[%get3A_784, %get3A_785, %get3A_786] {strides = array<i32>} : memref<2x400x128xf32, #tpu.memory_space<vmem>>, vector<1x1x16xf32>,
        %get3A_788 = vector.shape_cast %get3A_787 : vector<1x1x16xf32> to vector<16xf32>
        %add3A_789 = arith.addf %get3A_780, %get3A_788 : vector<16xf32>
        %swap3A_790 = arith.constant 0 : i32
        %swap3A_791 = arith.index_cast %swap3A_790 : i32 to index
        %swap3A_792 = arith.index_cast %add3A_774 : i32 to index
        %swap3A_793 = arith.constant 64 : index
        %swap3A_794 = tpu.vector_load %arg6[%swap3A_791, %swap3A_792, %swap3A_793] {strides = array<i32>} : memref<2x400x128xf32, #tpu.memory_space<vmem>>, vector<1x1x16xf32>,
        %swap3A_795 = vector.shape_cast %swap3A_794 : vector<1x1x16xf32> to vector<16xf32>
        %swap3A_796 = vector.shape_cast %add3A_789 : vector<16xf32> to vector<1x1x16xf32>
        tpu.vector_store %arg6[%swap3A_791, %swap3A_792, %swap3A_793], %swap3A_796 {strides = array<i32>} : memref<2x400x128xf32, #tpu.memory_space<vmem>>, vector<1x1x16xf32>,
        %mul3A_797 = arith.constant 2 : i32
        %mul3A_798 = arith.muli %scan3A_460, %mul3A_797 : i32
        %add3A_799 = arith.constant 1 : i32
        %add3A_800 = arith.addi %mul3A_798, %add3A_799 : i32
        %get3A_801 = arith.constant 0 : i32
        %get3A_802 = arith.index_cast %get3A_801 : i32 to index
        %get3A_803 = arith.index_cast %add3A_800 : i32 to index
        %get3A_804 = arith.constant 80 : index
        %get3A_805 = tpu.vector_load %arg6[%get3A_802, %get3A_803, %get3A_804] {strides = array<i32>} : memref<2x400x128xf32, #tpu.memory_space<vmem>>, vector<1x1x16xf32>,
        %get3A_806 = vector.shape_cast %get3A_805 : vector<1x1x16xf32> to vector<16xf32>
        %add3A_807 = arith.constant 200 : i32
        %add3A_808 = arith.addi %add3A_807, %add3A_800 : i32
        %get3A_809 = arith.constant 0 : i32
        %get3A_810 = arith.index_cast %get3A_809 : i32 to index
        %get3A_811 = arith.index_cast %add3A_808 : i32 to index
        %get3A_812 = arith.constant 80 : index
        %get3A_813 = tpu.vector_load %arg6[%get3A_810, %get3A_811, %get3A_812] {strides = array<i32>} : memref<2x400x128xf32, #tpu.memory_space<vmem>>, vector<1x1x16xf32>,
        %get3A_814 = vector.shape_cast %get3A_813 : vector<1x1x16xf32> to vector<16xf32>
        %add3A_815 = arith.addf %get3A_806, %get3A_814 : vector<16xf32>
        %swap3A_816 = arith.constant 0 : i32
        %swap3A_817 = arith.index_cast %swap3A_816 : i32 to index
        %swap3A_818 = arith.index_cast %add3A_800 : i32 to index
        %swap3A_819 = arith.constant 80 : index
        %swap3A_820 = tpu.vector_load %arg6[%swap3A_817, %swap3A_818, %swap3A_819] {strides = array<i32>} : memref<2x400x128xf32, #tpu.memory_space<vmem>>, vector<1x1x16xf32>,
        %swap3A_821 = vector.shape_cast %swap3A_820 : vector<1x1x16xf32> to vector<16xf32>
        %swap3A_822 = vector.shape_cast %add3A_815 : vector<16xf32> to vector<1x1x16xf32>
        tpu.vector_store %arg6[%swap3A_817, %swap3A_818, %swap3A_819], %swap3A_822 {strides = array<i32>} : memref<2x400x128xf32, #tpu.memory_space<vmem>>, vector<1x1x16xf32>,
        %mul3A_823 = arith.constant 2 : i32
        %mul3A_824 = arith.muli %scan3A_460, %mul3A_823 : i32
        %add3A_825 = arith.constant 1 : i32
        %add3A_826 = arith.addi %mul3A_824, %add3A_825 : i32
        %get3A_827 = arith.constant 0 : i32
        %get3A_828 = arith.index_cast %get3A_827 : i32 to index
        %get3A_829 = arith.index_cast %add3A_826 : i32 to index
        %get3A_830 = arith.constant 96 : index
        %get3A_831 = tpu.vector_load %arg6[%get3A_828, %get3A_829, %get3A_830] {strides = array<i32>} : memref<2x400x128xf32, #tpu.memory_space<vmem>>, vector<1x1x16xf32>,
        %get3A_832 = vector.shape_cast %get3A_831 : vector<1x1x16xf32> to vector<16xf32>
        %add3A_833 = arith.constant 200 : i32
        %add3A_834 = arith.addi %add3A_833, %add3A_826 : i32
        %get3A_835 = arith.constant 0 : i32
        %get3A_836 = arith.index_cast %get3A_835 : i32 to index
        %get3A_837 = arith.index_cast %add3A_834 : i32 to index
        %get3A_838 = arith.constant 96 : index
        %get3A_839 = tpu.vector_load %arg6[%get3A_836, %get3A_837, %get3A_838] {strides = array<i32>} : memref<2x400x128xf32, #tpu.memory_space<vmem>>, vector<1x1x16xf32>,
        %get3A_840 = vector.shape_cast %get3A_839 : vector<1x1x16xf32> to vector<16xf32>
        %add3A_841 = arith.addf %get3A_832, %get3A_840 : vector<16xf32>
        %swap3A_842 = arith.constant 0 : i32
        %swap3A_843 = arith.index_cast %swap3A_842 : i32 to index
        %swap3A_844 = arith.index_cast %add3A_826 : i32 to index
        %swap3A_845 = arith.constant 96 : index
        %swap3A_846 = tpu.vector_load %arg6[%swap3A_843, %swap3A_844, %swap3A_845] {strides = array<i32>} : memref<2x400x128xf32, #tpu.memory_space<vmem>>, vector<1x1x16xf32>,
        %swap3A_847 = vector.shape_cast %swap3A_846 : vector<1x1x16xf32> to vector<16xf32>
        %swap3A_848 = vector.shape_cast %add3A_841 : vector<16xf32> to vector<1x1x16xf32>
        tpu.vector_store %arg6[%swap3A_843, %swap3A_844, %swap3A_845], %swap3A_848 {strides = array<i32>} : memref<2x400x128xf32, #tpu.memory_space<vmem>>, vector<1x1x16xf32>,
        %mul3A_849 = arith.constant 2 : i32
        %mul3A_850 = arith.muli %scan3A_460, %mul3A_849 : i32
        %add3A_851 = arith.constant 1 : i32
        %add3A_852 = arith.addi %mul3A_850, %add3A_851 : i32
        %get3A_853 = arith.constant 0 : i32
        %get3A_854 = arith.index_cast %get3A_853 : i32 to index
        %get3A_855 = arith.index_cast %add3A_852 : i32 to index
        %get3A_856 = arith.constant 112 : index
        %get3A_857 = tpu.vector_load %arg6[%get3A_854, %get3A_855, %get3A_856] {strides = array<i32>} : memref<2x400x128xf32, #tpu.memory_space<vmem>>, vector<1x1x16xf32>,
        %get3A_858 = vector.shape_cast %get3A_857 : vector<1x1x16xf32> to vector<16xf32>
        %add3A_859 = arith.constant 200 : i32
        %add3A_860 = arith.addi %add3A_859, %add3A_852 : i32
        %get3A_861 = arith.constant 0 : i32
        %get3A_862 = arith.index_cast %get3A_861 : i32 to index
        %get3A_863 = arith.index_cast %add3A_860 : i32 to index
        %get3A_864 = arith.constant 112 : index
        %get3A_865 = tpu.vector_load %arg6[%get3A_862, %get3A_863, %get3A_864] {strides = array<i32>} : memref<2x400x128xf32, #tpu.memory_space<vmem>>, vector<1x1x16xf32>,
        %get3A_866 = vector.shape_cast %get3A_865 : vector<1x1x16xf32> to vector<16xf32>
        %add3A_867 = arith.addf %get3A_858, %get3A_866 : vector<16xf32>
        %swap3A_868 = arith.constant 0 : i32
        %swap3A_869 = arith.index_cast %swap3A_868 : i32 to index
        %swap3A_870 = arith.index_cast %add3A_852 : i32 to index
        %swap3A_871 = arith.constant 112 : index
        %swap3A_872 = tpu.vector_load %arg6[%swap3A_869, %swap3A_870, %swap3A_871] {strides = array<i32>} : memref<2x400x128xf32, #tpu.memory_space<vmem>>, vector<1x1x16xf32>,
        %swap3A_873 = vector.shape_cast %swap3A_872 : vector<1x1x16xf32> to vector<16xf32>
        %swap3A_874 = vector.shape_cast %add3A_867 : vector<16xf32> to vector<1x1x16xf32>
        tpu.vector_store %arg6[%swap3A_869, %swap3A_870, %swap3A_871], %swap3A_874 {strides = array<i32>} : memref<2x400x128xf32, #tpu.memory_space<vmem>>, vector<1x1x16xf32>,
      }
      %scan3A_365 = arith.constant 100 : i32
      %mul3A_366 = arith.constant 200 : i32
      %mul3A_367 = arith.muli %add3A_307, %mul3A_366 : i32
      %add3A_368 = arith.addi %mul3A_2, %mul3A_367 : i32
      %dma_start3A_369 = arith.constant 0 : i32
      %dma_start3A_370 = arith.constant 0 : i32
      %dma_start3A_371 = arith.constant 0 : i32
      %dma_start3A_372 = tpu.memref_slice %arg6[%dma_start3A_369, %dma_start3A_370, %dma_start3A_371] : memref<2x400x128xf32, #tpu.memory_space<vmem>> -> memref<1x200x128xf32, #tpu.memory_space<vmem>>
      %dma_start3A_373 = tpu.memref_squeeze %dma_start3A_372 : memref<1x200x128xf32, #tpu.memory_space<vmem>> -> memref<200x128xf32, #tpu.memory_space<vmem>>
      %dma_start3A_374 = arith.constant 0 : i32
      %dma_start3A_375 = tpu.memref_slice %arg4[%add3A_368, %dma_start3A_374] : memref<160000x128xf32, #tpu.memory_space<hbm>> -> memref<200x128xf32, #tpu.memory_space<hbm>>
      %dma_start3A_376 = arith.constant 0 : i32
      %dma_start3A_377 = tpu.memref_slice %arg4[%add3A_368, %dma_start3A_376] : memref<160000x128xf32, #tpu.memory_space<hbm>> -> memref<200x128xf32, #tpu.memory_space<hbm>>
      %dma_start3A_378 = arith.constant 0 : i32
      %dma_start3A_379 = arith.constant 0 : i32
      %dma_start3A_380 = tpu.memref_slice %arg6[%dma_start3A_369, %dma_start3A_378, %dma_start3A_379] : memref<2x400x128xf32, #tpu.memory_space<vmem>> -> memref<1x200x128xf32, #tpu.memory_space<vmem>>
      %dma_start3A_381 = tpu.memref_squeeze %dma_start3A_380 : memref<1x200x128xf32, #tpu.memory_space<vmem>> -> memref<200x128xf32, #tpu.memory_space<vmem>>
      tpu.enqueue_dma source(%dma_start3A_381 : memref<200x128xf32, #tpu.memory_space<vmem>>) target(%dma_start3A_377 : memref<200x128xf32, #tpu.memory_space<hbm>>) target_semaphore(%arg9 : memref<!tpu.dma_semaphore, #tpu.memory_space<semaphore_mem>>)
      %mul3A_382 = arith.constant 2 : i32
      %mul3A_383 = arith.muli %mul3A_382, %scan3A_184 : i32
      %add3A_384 = arith.constant 1 : i32
      %add3A_385 = arith.addi %mul3A_383, %add3A_384 : i32
      %dma_wait3A_386 = arith.constant 0 : i32
      %dma_wait3A_387 = arith.constant 0 : i32
      %dma_wait3A_388 = arith.constant 1 : i32
      %dma_wait3A_389 = arith.constant 0 : i32
      %dma_wait3A_390 = arith.constant 0 : i32
      %dma_wait3A_391 = tpu.memref_slice %arg6[%dma_wait3A_388, %dma_wait3A_389, %dma_wait3A_390] : memref<2x400x128xf32, #tpu.memory_space<vmem>> -> memref<1x100x128xf32, #tpu.memory_space<vmem>>
      %dma_wait3A_392 = tpu.memref_squeeze %dma_wait3A_391 : memref<1x100x128xf32, #tpu.memory_space<vmem>> -> memref<100x128xf32, #tpu.memory_space<vmem>>
      %dma_wait3A_393 = arith.constant 0 : i32
      %dma_wait3A_394 = tpu.memref_slice %arg5[%add3A_385, %dma_wait3A_386, %dma_wait3A_387, %dma_wait3A_393] : memref<25x2x2x100xi32, #tpu.memory_space<vmem>> -> memref<1x1x1x100xi32, #tpu.memory_space<vmem>>
      %dma_wait3A_395 = tpu.memref_squeeze %dma_wait3A_394 : memref<1x1x1x100xi32, #tpu.memory_space<vmem>> -> memref<100xi32, #tpu.memory_space<vmem>>
      %dma_wait3A_396 = arith.constant 0 : i32
      %dma_wait3A_397 = arith.constant 0 : i32
      %dma_wait3A_398 = tpu.memref_slice %arg2[%dma_wait3A_396, %dma_wait3A_397] : memref<20000x128xf32, #tpu.memory_space<hbm>> -> memref<20000x128xf32, #tpu.memory_space<hbm>>
      tpu.wait_indirect_dma semaphore(%arg8 : memref<!tpu.dma_semaphore, #tpu.memory_space<semaphore_mem>>) src(%dma_wait3A_398 : memref<20000x128xf32, #tpu.memory_space<hbm>>) dst(%dma_wait3A_392 : memref<100x128xf32, #tpu.memory_space<vmem>>)
      %dma_wait3A_399 = arith.constant 0 : i32
      %dma_wait3A_400 = arith.constant 1 : i32
      %dma_wait3A_401 = arith.constant 1 : i32
      %dma_wait3A_402 = arith.constant 100 : i32
      %dma_wait3A_403 = arith.constant 0 : i32
      %dma_wait3A_404 = tpu.memref_slice %arg6[%dma_wait3A_401, %dma_wait3A_402, %dma_wait3A_403] : memref<2x400x128xf32, #tpu.memory_space<vmem>> -> memref<1x100x128xf32, #tpu.memory_space<vmem>>
      %dma_wait3A_405 = tpu.memref_squeeze %dma_wait3A_404 : memref<1x100x128xf32, #tpu.memory_space<vmem>> -> memref<100x128xf32, #tpu.memory_space<vmem>>
      %dma_wait3A_406 = arith.constant 0 : i32
      %dma_wait3A_407 = tpu.memref_slice %arg5[%add3A_385, %dma_wait3A_399, %dma_wait3A_400, %dma_wait3A_406] : memref<25x2x2x100xi32, #tpu.memory_space<vmem>> -> memref<1x1x1x100xi32, #tpu.memory_space<vmem>>
      %dma_wait3A_408 = tpu.memref_squeeze %dma_wait3A_407 : memref<1x1x1x100xi32, #tpu.memory_space<vmem>> -> memref<100xi32, #tpu.memory_space<vmem>>
      %dma_wait3A_409 = arith.constant 0 : i32
      %dma_wait3A_410 = arith.constant 0 : i32
      %dma_wait3A_411 = tpu.memref_slice %arg2[%dma_wait3A_409, %dma_wait3A_410] : memref<20000x128xf32, #tpu.memory_space<hbm>> -> memref<20000x128xf32, #tpu.memory_space<hbm>>
      tpu.wait_indirect_dma semaphore(%arg8 : memref<!tpu.dma_semaphore, #tpu.memory_space<semaphore_mem>>) src(%dma_wait3A_411 : memref<20000x128xf32, #tpu.memory_space<hbm>>) dst(%dma_wait3A_405 : memref<100x128xf32, #tpu.memory_space<vmem>>)
      %dma_wait3A_412 = arith.constant 1 : i32
      %dma_wait3A_413 = arith.constant 0 : i32
      %dma_wait3A_414 = arith.constant 1 : i32
      %dma_wait3A_415 = arith.constant 200 : i32
      %dma_wait3A_416 = arith.constant 0 : i32
      %dma_wait3A_417 = tpu.memref_slice %arg6[%dma_wait3A_414, %dma_wait3A_415, %dma_wait3A_416] : memref<2x400x128xf32, #tpu.memory_space<vmem>> -> memref<1x100x128xf32, #tpu.memory_space<vmem>>
      %dma_wait3A_418 = tpu.memref_squeeze %dma_wait3A_417 : memref<1x100x128xf32, #tpu.memory_space<vmem>> -> memref<100x128xf32, #tpu.memory_space<vmem>>
      %dma_wait3A_419 = arith.constant 0 : i32
      %dma_wait3A_420 = tpu.memref_slice %arg5[%add3A_385, %dma_wait3A_412, %dma_wait3A_413, %dma_wait3A_419] : memref<25x2x2x100xi32, #tpu.memory_space<vmem>> -> memref<1x1x1x100xi32, #tpu.memory_space<vmem>>
      %dma_wait3A_421 = tpu.memref_squeeze %dma_wait3A_420 : memref<1x1x1x100xi32, #tpu.memory_space<vmem>> -> memref<100xi32, #tpu.memory_space<vmem>>
      %dma_wait3A_422 = arith.constant 0 : i32
      %dma_wait3A_423 = arith.constant 0 : i32
      %dma_wait3A_424 = tpu.memref_slice %arg2[%dma_wait3A_422, %dma_wait3A_423] : memref<20000x128xf32, #tpu.memory_space<hbm>> -> memref<20000x128xf32, #tpu.memory_space<hbm>>
      tpu.wait_indirect_dma semaphore(%arg8 : memref<!tpu.dma_semaphore, #tpu.memory_space<semaphore_mem>>) src(%dma_wait3A_424 : memref<20000x128xf32, #tpu.memory_space<hbm>>) dst(%dma_wait3A_418 : memref<100x128xf32, #tpu.memory_space<vmem>>)
      %dma_wait3A_425 = arith.constant 1 : i32
      %dma_wait3A_426 = arith.constant 1 : i32
      %dma_wait3A_427 = arith.constant 1 : i32
      %dma_wait3A_428 = arith.constant 300 : i32
      %dma_wait3A_429 = arith.constant 0 : i32
      %dma_wait3A_430 = tpu.memref_slice %arg6[%dma_wait3A_427, %dma_wait3A_428, %dma_wait3A_429] : memref<2x400x128xf32, #tpu.memory_space<vmem>> -> memref<1x100x128xf32, #tpu.memory_space<vmem>>
      %dma_wait3A_431 = tpu.memref_squeeze %dma_wait3A_430 : memref<1x100x128xf32, #tpu.memory_space<vmem>> -> memref<100x128xf32, #tpu.memory_space<vmem>>
      %dma_wait3A_432 = arith.constant 0 : i32
      %dma_wait3A_433 = tpu.memref_slice %arg5[%add3A_385, %dma_wait3A_425, %dma_wait3A_426, %dma_wait3A_432] : memref<25x2x2x100xi32, #tpu.memory_space<vmem>> -> memref<1x1x1x100xi32, #tpu.memory_space<vmem>>
      %dma_wait3A_434 = tpu.memref_squeeze %dma_wait3A_433 : memref<1x1x1x100xi32, #tpu.memory_space<vmem>> -> memref<100xi32, #tpu.memory_space<vmem>>
      %dma_wait3A_435 = arith.constant 0 : i32
      %dma_wait3A_436 = arith.constant 0 : i32
      %dma_wait3A_437 = tpu.memref_slice %arg2[%dma_wait3A_435, %dma_wait3A_436] : memref<20000x128xf32, #tpu.memory_space<hbm>> -> memref<20000x128xf32, #tpu.memory_space<hbm>>
      tpu.wait_indirect_dma semaphore(%arg8 : memref<!tpu.dma_semaphore, #tpu.memory_space<semaphore_mem>>) src(%dma_wait3A_437 : memref<20000x128xf32, #tpu.memory_space<hbm>>) dst(%dma_wait3A_431 : memref<100x128xf32, #tpu.memory_space<vmem>>)
      %scan3A_438 = arith.constant 0 : i32
      %scan3A_439 = arith.constant 0 : i32
      %scan3A_440 = arith.constant 100 : i32
      %scan3A_441 = arith.addi %scan3A_439, %scan3A_440 : i32
      %scan3A_442 = arith.constant 1 : i32
      scf.for %scan3A_460 = %scan3A_439 to %scan3A_441 step %scan3A_442  : i32 {
        %mul3A_461 = arith.constant 2 : i32
        %mul3A_462 = arith.muli %scan3A_460, %mul3A_461 : i32
        %add3A_463 = arith.constant 0 : i32
        %add3A_464 = arith.addi %mul3A_462, %add3A_463 : i32
        %get3A = arith.constant 1 : i32
        %get3A_465 = arith.index_cast %get3A : i32 to index
        %get3A_466 = arith.index_cast %add3A_464 : i32 to index
        %get3A_467 = arith.constant 0 : index
        %get3A_468 = tpu.vector_load %arg6[%get3A_465, %get3A_466, %get3A_467] {strides = array<i32>} : memref<2x400x128xf32, #tpu.memory_space<vmem>>, vector<1x1x16xf32>,
        %get3A_469 = vector.shape_cast %get3A_468 : vector<1x1x16xf32> to vector<16xf32>
        %add3A_470 = arith.constant 200 : i32
        %add3A_471 = arith.addi %add3A_470, %add3A_464 : i32
        %get3A_472 = arith.constant 1 : i32
        %get3A_473 = arith.index_cast %get3A_472 : i32 to index
        %get3A_474 = arith.index_cast %add3A_471 : i32 to index
        %get3A_475 = arith.constant 0 : index
        %get3A_476 = tpu.vector_load %arg6[%get3A_473, %get3A_474, %get3A_475] {strides = array<i32>} : memref<2x400x128xf32, #tpu.memory_space<vmem>>, vector<1x1x16xf32>,
        %get3A_477 = vector.shape_cast %get3A_476 : vector<1x1x16xf32> to vector<16xf32>
        %add3A_478 = arith.addf %get3A_469, %get3A_477 : vector<16xf32>
        %swap3A = arith.constant 1 : i32
        %swap3A_479 = arith.index_cast %swap3A : i32 to index
        %swap3A_480 = arith.index_cast %add3A_464 : i32 to index
        %swap3A_481 = arith.constant 0 : index
        %swap3A_482 = tpu.vector_load %arg6[%swap3A_479, %swap3A_480, %swap3A_481] {strides = array<i32>} : memref<2x400x128xf32, #tpu.memory_space<vmem>>, vector<1x1x16xf32>,
        %swap3A_483 = vector.shape_cast %swap3A_482 : vector<1x1x16xf32> to vector<16xf32>
        %swap3A_484 = vector.shape_cast %add3A_478 : vector<16xf32> to vector<1x1x16xf32>
        tpu.vector_store %arg6[%swap3A_479, %swap3A_480, %swap3A_481], %swap3A_484 {strides = array<i32>} : memref<2x400x128xf32, #tpu.memory_space<vmem>>, vector<1x1x16xf32>,
        %mul3A_485 = arith.constant 2 : i32
        %mul3A_486 = arith.muli %scan3A_460, %mul3A_485 : i32
        %add3A_487 = arith.constant 0 : i32
        %add3A_488 = arith.addi %mul3A_486, %add3A_487 : i32
        %get3A_489 = arith.constant 1 : i32
        %get3A_490 = arith.index_cast %get3A_489 : i32 to index
        %get3A_491 = arith.index_cast %add3A_488 : i32 to index
        %get3A_492 = arith.constant 16 : index
        %get3A_493 = tpu.vector_load %arg6[%get3A_490, %get3A_491, %get3A_492] {strides = array<i32>} : memref<2x400x128xf32, #tpu.memory_space<vmem>>, vector<1x1x16xf32>,
        %get3A_494 = vector.shape_cast %get3A_493 : vector<1x1x16xf32> to vector<16xf32>
        %add3A_495 = arith.constant 200 : i32
        %add3A_496 = arith.addi %add3A_495, %add3A_488 : i32
        %get3A_497 = arith.constant 1 : i32
        %get3A_498 = arith.index_cast %get3A_497 : i32 to index
        %get3A_499 = arith.index_cast %add3A_496 : i32 to index
        %get3A_500 = arith.constant 16 : index
        %get3A_501 = tpu.vector_load %arg6[%get3A_498, %get3A_499, %get3A_500] {strides = array<i32>} : memref<2x400x128xf32, #tpu.memory_space<vmem>>, vector<1x1x16xf32>,
        %get3A_502 = vector.shape_cast %get3A_501 : vector<1x1x16xf32> to vector<16xf32>
        %add3A_503 = arith.addf %get3A_494, %get3A_502 : vector<16xf32>
        %swap3A_504 = arith.constant 1 : i32
        %swap3A_505 = arith.index_cast %swap3A_504 : i32 to index
        %swap3A_506 = arith.index_cast %add3A_488 : i32 to index
        %swap3A_507 = arith.constant 16 : index
        %swap3A_508 = tpu.vector_load %arg6[%swap3A_505, %swap3A_506, %swap3A_507] {strides = array<i32>} : memref<2x400x128xf32, #tpu.memory_space<vmem>>, vector<1x1x16xf32>,
        %swap3A_509 = vector.shape_cast %swap3A_508 : vector<1x1x16xf32> to vector<16xf32>
        %swap3A_510 = vector.shape_cast %add3A_503 : vector<16xf32> to vector<1x1x16xf32>
        tpu.vector_store %arg6[%swap3A_505, %swap3A_506, %swap3A_507], %swap3A_510 {strides = array<i32>} : memref<2x400x128xf32, #tpu.memory_space<vmem>>, vector<1x1x16xf32>,
        %mul3A_511 = arith.constant 2 : i32
        %mul3A_512 = arith.muli %scan3A_460, %mul3A_511 : i32
        %add3A_513 = arith.constant 0 : i32
        %add3A_514 = arith.addi %mul3A_512, %add3A_513 : i32
        %get3A_515 = arith.constant 1 : i32
        %get3A_516 = arith.index_cast %get3A_515 : i32 to index
        %get3A_517 = arith.index_cast %add3A_514 : i32 to index
        %get3A_518 = arith.constant 32 : index
        %get3A_519 = tpu.vector_load %arg6[%get3A_516, %get3A_517, %get3A_518] {strides = array<i32>} : memref<2x400x128xf32, #tpu.memory_space<vmem>>, vector<1x1x16xf32>,
        %get3A_520 = vector.shape_cast %get3A_519 : vector<1x1x16xf32> to vector<16xf32>
        %add3A_521 = arith.constant 200 : i32
        %add3A_522 = arith.addi %add3A_521, %add3A_514 : i32
        %get3A_523 = arith.constant 1 : i32
        %get3A_524 = arith.index_cast %get3A_523 : i32 to index
        %get3A_525 = arith.index_cast %add3A_522 : i32 to index
        %get3A_526 = arith.constant 32 : index
        %get3A_527 = tpu.vector_load %arg6[%get3A_524, %get3A_525, %get3A_526] {strides = array<i32>} : memref<2x400x128xf32, #tpu.memory_space<vmem>>, vector<1x1x16xf32>,
        %get3A_528 = vector.shape_cast %get3A_527 : vector<1x1x16xf32> to vector<16xf32>
        %add3A_529 = arith.addf %get3A_520, %get3A_528 : vector<16xf32>
        %swap3A_530 = arith.constant 1 : i32
        %swap3A_531 = arith.index_cast %swap3A_530 : i32 to index
        %swap3A_532 = arith.index_cast %add3A_514 : i32 to index
        %swap3A_533 = arith.constant 32 : index
        %swap3A_534 = tpu.vector_load %arg6[%swap3A_531, %swap3A_532, %swap3A_533] {strides = array<i32>} : memref<2x400x128xf32, #tpu.memory_space<vmem>>, vector<1x1x16xf32>,
        %swap3A_535 = vector.shape_cast %swap3A_534 : vector<1x1x16xf32> to vector<16xf32>
        %swap3A_536 = vector.shape_cast %add3A_529 : vector<16xf32> to vector<1x1x16xf32>
        tpu.vector_store %arg6[%swap3A_531, %swap3A_532, %swap3A_533], %swap3A_536 {strides = array<i32>} : memref<2x400x128xf32, #tpu.memory_space<vmem>>, vector<1x1x16xf32>,
        %mul3A_537 = arith.constant 2 : i32
        %mul3A_538 = arith.muli %scan3A_460, %mul3A_537 : i32
        %add3A_539 = arith.constant 0 : i32
        %add3A_540 = arith.addi %mul3A_538, %add3A_539 : i32
        %get3A_541 = arith.constant 1 : i32
        %get3A_542 = arith.index_cast %get3A_541 : i32 to index
        %get3A_543 = arith.index_cast %add3A_540 : i32 to index
        %get3A_544 = arith.constant 48 : index
        %get3A_545 = tpu.vector_load %arg6[%get3A_542, %get3A_543, %get3A_544] {strides = array<i32>} : memref<2x400x128xf32, #tpu.memory_space<vmem>>, vector<1x1x16xf32>,
        %get3A_546 = vector.shape_cast %get3A_545 : vector<1x1x16xf32> to vector<16xf32>
        %add3A_547 = arith.constant 200 : i32
        %add3A_548 = arith.addi %add3A_547, %add3A_540 : i32
        %get3A_549 = arith.constant 1 : i32
        %get3A_550 = arith.index_cast %get3A_549 : i32 to index
        %get3A_551 = arith.index_cast %add3A_548 : i32 to index
        %get3A_552 = arith.constant 48 : index
        %get3A_553 = tpu.vector_load %arg6[%get3A_550, %get3A_551, %get3A_552] {strides = array<i32>} : memref<2x400x128xf32, #tpu.memory_space<vmem>>, vector<1x1x16xf32>,
        %get3A_554 = vector.shape_cast %get3A_553 : vector<1x1x16xf32> to vector<16xf32>
        %add3A_555 = arith.addf %get3A_546, %get3A_554 : vector<16xf32>
        %swap3A_556 = arith.constant 1 : i32
        %swap3A_557 = arith.index_cast %swap3A_556 : i32 to index
        %swap3A_558 = arith.index_cast %add3A_540 : i32 to index
        %swap3A_559 = arith.constant 48 : index
        %swap3A_560 = tpu.vector_load %arg6[%swap3A_557, %swap3A_558, %swap3A_559] {strides = array<i32>} : memref<2x400x128xf32, #tpu.memory_space<vmem>>, vector<1x1x16xf32>,
        %swap3A_561 = vector.shape_cast %swap3A_560 : vector<1x1x16xf32> to vector<16xf32>
        %swap3A_562 = vector.shape_cast %add3A_555 : vector<16xf32> to vector<1x1x16xf32>
        tpu.vector_store %arg6[%swap3A_557, %swap3A_558, %swap3A_559], %swap3A_562 {strides = array<i32>} : memref<2x400x128xf32, #tpu.memory_space<vmem>>, vector<1x1x16xf32>,
        %mul3A_563 = arith.constant 2 : i32
        %mul3A_564 = arith.muli %scan3A_460, %mul3A_563 : i32
        %add3A_565 = arith.constant 0 : i32
        %add3A_566 = arith.addi %mul3A_564, %add3A_565 : i32
        %get3A_567 = arith.constant 1 : i32
        %get3A_568 = arith.index_cast %get3A_567 : i32 to index
        %get3A_569 = arith.index_cast %add3A_566 : i32 to index
        %get3A_570 = arith.constant 64 : index
        %get3A_571 = tpu.vector_load %arg6[%get3A_568, %get3A_569, %get3A_570] {strides = array<i32>} : memref<2x400x128xf32, #tpu.memory_space<vmem>>, vector<1x1x16xf32>,
        %get3A_572 = vector.shape_cast %get3A_571 : vector<1x1x16xf32> to vector<16xf32>
        %add3A_573 = arith.constant 200 : i32
        %add3A_574 = arith.addi %add3A_573, %add3A_566 : i32
        %get3A_575 = arith.constant 1 : i32
        %get3A_576 = arith.index_cast %get3A_575 : i32 to index
        %get3A_577 = arith.index_cast %add3A_574 : i32 to index
        %get3A_578 = arith.constant 64 : index
        %get3A_579 = tpu.vector_load %arg6[%get3A_576, %get3A_577, %get3A_578] {strides = array<i32>} : memref<2x400x128xf32, #tpu.memory_space<vmem>>, vector<1x1x16xf32>,
        %get3A_580 = vector.shape_cast %get3A_579 : vector<1x1x16xf32> to vector<16xf32>
        %add3A_581 = arith.addf %get3A_572, %get3A_580 : vector<16xf32>
        %swap3A_582 = arith.constant 1 : i32
        %swap3A_583 = arith.index_cast %swap3A_582 : i32 to index
        %swap3A_584 = arith.index_cast %add3A_566 : i32 to index
        %swap3A_585 = arith.constant 64 : index
        %swap3A_586 = tpu.vector_load %arg6[%swap3A_583, %swap3A_584, %swap3A_585] {strides = array<i32>} : memref<2x400x128xf32, #tpu.memory_space<vmem>>, vector<1x1x16xf32>,
        %swap3A_587 = vector.shape_cast %swap3A_586 : vector<1x1x16xf32> to vector<16xf32>
        %swap3A_588 = vector.shape_cast %add3A_581 : vector<16xf32> to vector<1x1x16xf32>
        tpu.vector_store %arg6[%swap3A_583, %swap3A_584, %swap3A_585], %swap3A_588 {strides = array<i32>} : memref<2x400x128xf32, #tpu.memory_space<vmem>>, vector<1x1x16xf32>,
        %mul3A_589 = arith.constant 2 : i32
        %mul3A_590 = arith.muli %scan3A_460, %mul3A_589 : i32
        %add3A_591 = arith.constant 0 : i32
        %add3A_592 = arith.addi %mul3A_590, %add3A_591 : i32
        %get3A_593 = arith.constant 1 : i32
        %get3A_594 = arith.index_cast %get3A_593 : i32 to index
        %get3A_595 = arith.index_cast %add3A_592 : i32 to index
        %get3A_596 = arith.constant 80 : index
        %get3A_597 = tpu.vector_load %arg6[%get3A_594, %get3A_595, %get3A_596] {strides = array<i32>} : memref<2x400x128xf32, #tpu.memory_space<vmem>>, vector<1x1x16xf32>,
        %get3A_598 = vector.shape_cast %get3A_597 : vector<1x1x16xf32> to vector<16xf32>
        %add3A_599 = arith.constant 200 : i32
        %add3A_600 = arith.addi %add3A_599, %add3A_592 : i32
        %get3A_601 = arith.constant 1 : i32
        %get3A_602 = arith.index_cast %get3A_601 : i32 to index
        %get3A_603 = arith.index_cast %add3A_600 : i32 to index
        %get3A_604 = arith.constant 80 : index
        %get3A_605 = tpu.vector_load %arg6[%get3A_602, %get3A_603, %get3A_604] {strides = array<i32>} : memref<2x400x128xf32, #tpu.memory_space<vmem>>, vector<1x1x16xf32>,
        %get3A_606 = vector.shape_cast %get3A_605 : vector<1x1x16xf32> to vector<16xf32>
        %add3A_607 = arith.addf %get3A_598, %get3A_606 : vector<16xf32>
        %swap3A_608 = arith.constant 1 : i32
        %swap3A_609 = arith.index_cast %swap3A_608 : i32 to index
        %swap3A_610 = arith.index_cast %add3A_592 : i32 to index
        %swap3A_611 = arith.constant 80 : index
        %swap3A_612 = tpu.vector_load %arg6[%swap3A_609, %swap3A_610, %swap3A_611] {strides = array<i32>} : memref<2x400x128xf32, #tpu.memory_space<vmem>>, vector<1x1x16xf32>,
        %swap3A_613 = vector.shape_cast %swap3A_612 : vector<1x1x16xf32> to vector<16xf32>
        %swap3A_614 = vector.shape_cast %add3A_607 : vector<16xf32> to vector<1x1x16xf32>
        tpu.vector_store %arg6[%swap3A_609, %swap3A_610, %swap3A_611], %swap3A_614 {strides = array<i32>} : memref<2x400x128xf32, #tpu.memory_space<vmem>>, vector<1x1x16xf32>,
        %mul3A_615 = arith.constant 2 : i32
        %mul3A_616 = arith.muli %scan3A_460, %mul3A_615 : i32
        %add3A_617 = arith.constant 0 : i32
        %add3A_618 = arith.addi %mul3A_616, %add3A_617 : i32
        %get3A_619 = arith.constant 1 : i32
        %get3A_620 = arith.index_cast %get3A_619 : i32 to index
        %get3A_621 = arith.index_cast %add3A_618 : i32 to index
        %get3A_622 = arith.constant 96 : index
        %get3A_623 = tpu.vector_load %arg6[%get3A_620, %get3A_621, %get3A_622] {strides = array<i32>} : memref<2x400x128xf32, #tpu.memory_space<vmem>>, vector<1x1x16xf32>,
        %get3A_624 = vector.shape_cast %get3A_623 : vector<1x1x16xf32> to vector<16xf32>
        %add3A_625 = arith.constant 200 : i32
        %add3A_626 = arith.addi %add3A_625, %add3A_618 : i32
        %get3A_627 = arith.constant 1 : i32
        %get3A_628 = arith.index_cast %get3A_627 : i32 to index
        %get3A_629 = arith.index_cast %add3A_626 : i32 to index
        %get3A_630 = arith.constant 96 : index
        %get3A_631 = tpu.vector_load %arg6[%get3A_628, %get3A_629, %get3A_630] {strides = array<i32>} : memref<2x400x128xf32, #tpu.memory_space<vmem>>, vector<1x1x16xf32>,
        %get3A_632 = vector.shape_cast %get3A_631 : vector<1x1x16xf32> to vector<16xf32>
        %add3A_633 = arith.addf %get3A_624, %get3A_632 : vector<16xf32>
        %swap3A_634 = arith.constant 1 : i32
        %swap3A_635 = arith.index_cast %swap3A_634 : i32 to index
        %swap3A_636 = arith.index_cast %add3A_618 : i32 to index
        %swap3A_637 = arith.constant 96 : index
        %swap3A_638 = tpu.vector_load %arg6[%swap3A_635, %swap3A_636, %swap3A_637] {strides = array<i32>} : memref<2x400x128xf32, #tpu.memory_space<vmem>>, vector<1x1x16xf32>,
        %swap3A_639 = vector.shape_cast %swap3A_638 : vector<1x1x16xf32> to vector<16xf32>
        %swap3A_640 = vector.shape_cast %add3A_633 : vector<16xf32> to vector<1x1x16xf32>
        tpu.vector_store %arg6[%swap3A_635, %swap3A_636, %swap3A_637], %swap3A_640 {strides = array<i32>} : memref<2x400x128xf32, #tpu.memory_space<vmem>>, vector<1x1x16xf32>,
        %mul3A_641 = arith.constant 2 : i32
        %mul3A_642 = arith.muli %scan3A_460, %mul3A_641 : i32
        %add3A_643 = arith.constant 0 : i32
        %add3A_644 = arith.addi %mul3A_642, %add3A_643 : i32
        %get3A_645 = arith.constant 1 : i32
        %get3A_646 = arith.index_cast %get3A_645 : i32 to index
        %get3A_647 = arith.index_cast %add3A_644 : i32 to index
        %get3A_648 = arith.constant 112 : index
        %get3A_649 = tpu.vector_load %arg6[%get3A_646, %get3A_647, %get3A_648] {strides = array<i32>} : memref<2x400x128xf32, #tpu.memory_space<vmem>>, vector<1x1x16xf32>,
        %get3A_650 = vector.shape_cast %get3A_649 : vector<1x1x16xf32> to vector<16xf32>
        %add3A_651 = arith.constant 200 : i32
        %add3A_652 = arith.addi %add3A_651, %add3A_644 : i32
        %get3A_653 = arith.constant 1 : i32
        %get3A_654 = arith.index_cast %get3A_653 : i32 to index
        %get3A_655 = arith.index_cast %add3A_652 : i32 to index
        %get3A_656 = arith.constant 112 : index
        %get3A_657 = tpu.vector_load %arg6[%get3A_654, %get3A_655, %get3A_656] {strides = array<i32>} : memref<2x400x128xf32, #tpu.memory_space<vmem>>, vector<1x1x16xf32>,
        %get3A_658 = vector.shape_cast %get3A_657 : vector<1x1x16xf32> to vector<16xf32>
        %add3A_659 = arith.addf %get3A_650, %get3A_658 : vector<16xf32>
        %swap3A_660 = arith.constant 1 : i32
        %swap3A_661 = arith.index_cast %swap3A_660 : i32 to index
        %swap3A_662 = arith.index_cast %add3A_644 : i32 to index
        %swap3A_663 = arith.constant 112 : index
        %swap3A_664 = tpu.vector_load %arg6[%swap3A_661, %swap3A_662, %swap3A_663] {strides = array<i32>} : memref<2x400x128xf32, #tpu.memory_space<vmem>>, vector<1x1x16xf32>,
        %swap3A_665 = vector.shape_cast %swap3A_664 : vector<1x1x16xf32> to vector<16xf32>
        %swap3A_666 = vector.shape_cast %add3A_659 : vector<16xf32> to vector<1x1x16xf32>
        tpu.vector_store %arg6[%swap3A_661, %swap3A_662, %swap3A_663], %swap3A_666 {strides = array<i32>} : memref<2x400x128xf32, #tpu.memory_space<vmem>>, vector<1x1x16xf32>,
        %mul3A_667 = arith.constant 2 : i32
        %mul3A_668 = arith.muli %scan3A_460, %mul3A_667 : i32
        %add3A_669 = arith.constant 1 : i32
        %add3A_670 = arith.addi %mul3A_668, %add3A_669 : i32
        %get3A_671 = arith.constant 1 : i32
        %get3A_672 = arith.index_cast %get3A_671 : i32 to index
        %get3A_673 = arith.index_cast %add3A_670 : i32 to index
        %get3A_674 = arith.constant 0 : index
        %get3A_675 = tpu.vector_load %arg6[%get3A_672, %get3A_673, %get3A_674] {strides = array<i32>} : memref<2x400x128xf32, #tpu.memory_space<vmem>>, vector<1x1x16xf32>,
        %get3A_676 = vector.shape_cast %get3A_675 : vector<1x1x16xf32> to vector<16xf32>
        %add3A_677 = arith.constant 200 : i32
        %add3A_678 = arith.addi %add3A_677, %add3A_670 : i32
        %get3A_679 = arith.constant 1 : i32
        %get3A_680 = arith.index_cast %get3A_679 : i32 to index
        %get3A_681 = arith.index_cast %add3A_678 : i32 to index
        %get3A_682 = arith.constant 0 : index
        %get3A_683 = tpu.vector_load %arg6[%get3A_680, %get3A_681, %get3A_682] {strides = array<i32>} : memref<2x400x128xf32, #tpu.memory_space<vmem>>, vector<1x1x16xf32>,
        %get3A_684 = vector.shape_cast %get3A_683 : vector<1x1x16xf32> to vector<16xf32>
        %add3A_685 = arith.addf %get3A_676, %get3A_684 : vector<16xf32>
        %swap3A_686 = arith.constant 1 : i32
        %swap3A_687 = arith.index_cast %swap3A_686 : i32 to index
        %swap3A_688 = arith.index_cast %add3A_670 : i32 to index
        %swap3A_689 = arith.constant 0 : index
        %swap3A_690 = tpu.vector_load %arg6[%swap3A_687, %swap3A_688, %swap3A_689] {strides = array<i32>} : memref<2x400x128xf32, #tpu.memory_space<vmem>>, vector<1x1x16xf32>,
        %swap3A_691 = vector.shape_cast %swap3A_690 : vector<1x1x16xf32> to vector<16xf32>
        %swap3A_692 = vector.shape_cast %add3A_685 : vector<16xf32> to vector<1x1x16xf32>
        tpu.vector_store %arg6[%swap3A_687, %swap3A_688, %swap3A_689], %swap3A_692 {strides = array<i32>} : memref<2x400x128xf32, #tpu.memory_space<vmem>>, vector<1x1x16xf32>,
        %mul3A_693 = arith.constant 2 : i32
        %mul3A_694 = arith.muli %scan3A_460, %mul3A_693 : i32
        %add3A_695 = arith.constant 1 : i32
        %add3A_696 = arith.addi %mul3A_694, %add3A_695 : i32
        %get3A_697 = arith.constant 1 : i32
        %get3A_698 = arith.index_cast %get3A_697 : i32 to index
        %get3A_699 = arith.index_cast %add3A_696 : i32 to index
        %get3A_700 = arith.constant 16 : index
        %get3A_701 = tpu.vector_load %arg6[%get3A_698, %get3A_699, %get3A_700] {strides = array<i32>} : memref<2x400x128xf32, #tpu.memory_space<vmem>>, vector<1x1x16xf32>,
        %get3A_702 = vector.shape_cast %get3A_701 : vector<1x1x16xf32> to vector<16xf32>
        %add3A_703 = arith.constant 200 : i32
        %add3A_704 = arith.addi %add3A_703, %add3A_696 : i32
        %get3A_705 = arith.constant 1 : i32
        %get3A_706 = arith.index_cast %get3A_705 : i32 to index
        %get3A_707 = arith.index_cast %add3A_704 : i32 to index
        %get3A_708 = arith.constant 16 : index
        %get3A_709 = tpu.vector_load %arg6[%get3A_706, %get3A_707, %get3A_708] {strides = array<i32>} : memref<2x400x128xf32, #tpu.memory_space<vmem>>, vector<1x1x16xf32>,
        %get3A_710 = vector.shape_cast %get3A_709 : vector<1x1x16xf32> to vector<16xf32>
        %add3A_711 = arith.addf %get3A_702, %get3A_710 : vector<16xf32>
        %swap3A_712 = arith.constant 1 : i32
        %swap3A_713 = arith.index_cast %swap3A_712 : i32 to index
        %swap3A_714 = arith.index_cast %add3A_696 : i32 to index
        %swap3A_715 = arith.constant 16 : index
        %swap3A_716 = tpu.vector_load %arg6[%swap3A_713, %swap3A_714, %swap3A_715] {strides = array<i32>} : memref<2x400x128xf32, #tpu.memory_space<vmem>>, vector<1x1x16xf32>,
        %swap3A_717 = vector.shape_cast %swap3A_716 : vector<1x1x16xf32> to vector<16xf32>
        %swap3A_718 = vector.shape_cast %add3A_711 : vector<16xf32> to vector<1x1x16xf32>
        tpu.vector_store %arg6[%swap3A_713, %swap3A_714, %swap3A_715], %swap3A_718 {strides = array<i32>} : memref<2x400x128xf32, #tpu.memory_space<vmem>>, vector<1x1x16xf32>,
        %mul3A_719 = arith.constant 2 : i32
        %mul3A_720 = arith.muli %scan3A_460, %mul3A_719 : i32
        %add3A_721 = arith.constant 1 : i32
        %add3A_722 = arith.addi %mul3A_720, %add3A_721 : i32
        %get3A_723 = arith.constant 1 : i32
        %get3A_724 = arith.index_cast %get3A_723 : i32 to index
        %get3A_725 = arith.index_cast %add3A_722 : i32 to index
        %get3A_726 = arith.constant 32 : index
        %get3A_727 = tpu.vector_load %arg6[%get3A_724, %get3A_725, %get3A_726] {strides = array<i32>} : memref<2x400x128xf32, #tpu.memory_space<vmem>>, vector<1x1x16xf32>,
        %get3A_728 = vector.shape_cast %get3A_727 : vector<1x1x16xf32> to vector<16xf32>
        %add3A_729 = arith.constant 200 : i32
        %add3A_730 = arith.addi %add3A_729, %add3A_722 : i32
        %get3A_731 = arith.constant 1 : i32
        %get3A_732 = arith.index_cast %get3A_731 : i32 to index
        %get3A_733 = arith.index_cast %add3A_730 : i32 to index
        %get3A_734 = arith.constant 32 : index
        %get3A_735 = tpu.vector_load %arg6[%get3A_732, %get3A_733, %get3A_734] {strides = array<i32>} : memref<2x400x128xf32, #tpu.memory_space<vmem>>, vector<1x1x16xf32>,
        %get3A_736 = vector.shape_cast %get3A_735 : vector<1x1x16xf32> to vector<16xf32>
        %add3A_737 = arith.addf %get3A_728, %get3A_736 : vector<16xf32>
        %swap3A_738 = arith.constant 1 : i32
        %swap3A_739 = arith.index_cast %swap3A_738 : i32 to index
        %swap3A_740 = arith.index_cast %add3A_722 : i32 to index
        %swap3A_741 = arith.constant 32 : index
        %swap3A_742 = tpu.vector_load %arg6[%swap3A_739, %swap3A_740, %swap3A_741] {strides = array<i32>} : memref<2x400x128xf32, #tpu.memory_space<vmem>>, vector<1x1x16xf32>,
        %swap3A_743 = vector.shape_cast %swap3A_742 : vector<1x1x16xf32> to vector<16xf32>
        %swap3A_744 = vector.shape_cast %add3A_737 : vector<16xf32> to vector<1x1x16xf32>
        tpu.vector_store %arg6[%swap3A_739, %swap3A_740, %swap3A_741], %swap3A_744 {strides = array<i32>} : memref<2x400x128xf32, #tpu.memory_space<vmem>>, vector<1x1x16xf32>,
        %mul3A_745 = arith.constant 2 : i32
        %mul3A_746 = arith.muli %scan3A_460, %mul3A_745 : i32
        %add3A_747 = arith.constant 1 : i32
        %add3A_748 = arith.addi %mul3A_746, %add3A_747 : i32
        %get3A_749 = arith.constant 1 : i32
        %get3A_750 = arith.index_cast %get3A_749 : i32 to index
        %get3A_751 = arith.index_cast %add3A_748 : i32 to index
        %get3A_752 = arith.constant 48 : index
        %get3A_753 = tpu.vector_load %arg6[%get3A_750, %get3A_751, %get3A_752] {strides = array<i32>} : memref<2x400x128xf32, #tpu.memory_space<vmem>>, vector<1x1x16xf32>,
        %get3A_754 = vector.shape_cast %get3A_753 : vector<1x1x16xf32> to vector<16xf32>
        %add3A_755 = arith.constant 200 : i32
        %add3A_756 = arith.addi %add3A_755, %add3A_748 : i32
        %get3A_757 = arith.constant 1 : i32
        %get3A_758 = arith.index_cast %get3A_757 : i32 to index
        %get3A_759 = arith.index_cast %add3A_756 : i32 to index
        %get3A_760 = arith.constant 48 : index
        %get3A_761 = tpu.vector_load %arg6[%get3A_758, %get3A_759, %get3A_760] {strides = array<i32>} : memref<2x400x128xf32, #tpu.memory_space<vmem>>, vector<1x1x16xf32>,
        %get3A_762 = vector.shape_cast %get3A_761 : vector<1x1x16xf32> to vector<16xf32>
        %add3A_763 = arith.addf %get3A_754, %get3A_762 : vector<16xf32>
        %swap3A_764 = arith.constant 1 : i32
        %swap3A_765 = arith.index_cast %swap3A_764 : i32 to index
        %swap3A_766 = arith.index_cast %add3A_748 : i32 to index
        %swap3A_767 = arith.constant 48 : index
        %swap3A_768 = tpu.vector_load %arg6[%swap3A_765, %swap3A_766, %swap3A_767] {strides = array<i32>} : memref<2x400x128xf32, #tpu.memory_space<vmem>>, vector<1x1x16xf32>,
        %swap3A_769 = vector.shape_cast %swap3A_768 : vector<1x1x16xf32> to vector<16xf32>
        %swap3A_770 = vector.shape_cast %add3A_763 : vector<16xf32> to vector<1x1x16xf32>
        tpu.vector_store %arg6[%swap3A_765, %swap3A_766, %swap3A_767], %swap3A_770 {strides = array<i32>} : memref<2x400x128xf32, #tpu.memory_space<vmem>>, vector<1x1x16xf32>,
        %mul3A_771 = arith.constant 2 : i32
        %mul3A_772 = arith.muli %scan3A_460, %mul3A_771 : i32
        %add3A_773 = arith.constant 1 : i32
        %add3A_774 = arith.addi %mul3A_772, %add3A_773 : i32
        %get3A_775 = arith.constant 1 : i32
        %get3A_776 = arith.index_cast %get3A_775 : i32 to index
        %get3A_777 = arith.index_cast %add3A_774 : i32 to index
        %get3A_778 = arith.constant 64 : index
        %get3A_779 = tpu.vector_load %arg6[%get3A_776, %get3A_777, %get3A_778] {strides = array<i32>} : memref<2x400x128xf32, #tpu.memory_space<vmem>>, vector<1x1x16xf32>,
        %get3A_780 = vector.shape_cast %get3A_779 : vector<1x1x16xf32> to vector<16xf32>
        %add3A_781 = arith.constant 200 : i32
        %add3A_782 = arith.addi %add3A_781, %add3A_774 : i32
        %get3A_783 = arith.constant 1 : i32
        %get3A_784 = arith.index_cast %get3A_783 : i32 to index
        %get3A_785 = arith.index_cast %add3A_782 : i32 to index
        %get3A_786 = arith.constant 64 : index
        %get3A_787 = tpu.vector_load %arg6[%get3A_784, %get3A_785, %get3A_786] {strides = array<i32>} : memref<2x400x128xf32, #tpu.memory_space<vmem>>, vector<1x1x16xf32>,
        %get3A_788 = vector.shape_cast %get3A_787 : vector<1x1x16xf32> to vector<16xf32>
        %add3A_789 = arith.addf %get3A_780, %get3A_788 : vector<16xf32>
        %swap3A_790 = arith.constant 1 : i32
        %swap3A_791 = arith.index_cast %swap3A_790 : i32 to index
        %swap3A_792 = arith.index_cast %add3A_774 : i32 to index
        %swap3A_793 = arith.constant 64 : index
        %swap3A_794 = tpu.vector_load %arg6[%swap3A_791, %swap3A_792, %swap3A_793] {strides = array<i32>} : memref<2x400x128xf32, #tpu.memory_space<vmem>>, vector<1x1x16xf32>,
        %swap3A_795 = vector.shape_cast %swap3A_794 : vector<1x1x16xf32> to vector<16xf32>
        %swap3A_796 = vector.shape_cast %add3A_789 : vector<16xf32> to vector<1x1x16xf32>
        tpu.vector_store %arg6[%swap3A_791, %swap3A_792, %swap3A_793], %swap3A_796 {strides = array<i32>} : memref<2x400x128xf32, #tpu.memory_space<vmem>>, vector<1x1x16xf32>,
        %mul3A_797 = arith.constant 2 : i32
        %mul3A_798 = arith.muli %scan3A_460, %mul3A_797 : i32
        %add3A_799 = arith.constant 1 : i32
        %add3A_800 = arith.addi %mul3A_798, %add3A_799 : i32
        %get3A_801 = arith.constant 1 : i32
        %get3A_802 = arith.index_cast %get3A_801 : i32 to index
        %get3A_803 = arith.index_cast %add3A_800 : i32 to index
        %get3A_804 = arith.constant 80 : index
        %get3A_805 = tpu.vector_load %arg6[%get3A_802, %get3A_803, %get3A_804] {strides = array<i32>} : memref<2x400x128xf32, #tpu.memory_space<vmem>>, vector<1x1x16xf32>,
        %get3A_806 = vector.shape_cast %get3A_805 : vector<1x1x16xf32> to vector<16xf32>
        %add3A_807 = arith.constant 200 : i32
        %add3A_808 = arith.addi %add3A_807, %add3A_800 : i32
        %get3A_809 = arith.constant 1 : i32
        %get3A_810 = arith.index_cast %get3A_809 : i32 to index
        %get3A_811 = arith.index_cast %add3A_808 : i32 to index
        %get3A_812 = arith.constant 80 : index
        %get3A_813 = tpu.vector_load %arg6[%get3A_810, %get3A_811, %get3A_812] {strides = array<i32>} : memref<2x400x128xf32, #tpu.memory_space<vmem>>, vector<1x1x16xf32>,
        %get3A_814 = vector.shape_cast %get3A_813 : vector<1x1x16xf32> to vector<16xf32>
        %add3A_815 = arith.addf %get3A_806, %get3A_814 : vector<16xf32>
        %swap3A_816 = arith.constant 1 : i32
        %swap3A_817 = arith.index_cast %swap3A_816 : i32 to index
        %swap3A_818 = arith.index_cast %add3A_800 : i32 to index
        %swap3A_819 = arith.constant 80 : index
        %swap3A_820 = tpu.vector_load %arg6[%swap3A_817, %swap3A_818, %swap3A_819] {strides = array<i32>} : memref<2x400x128xf32, #tpu.memory_space<vmem>>, vector<1x1x16xf32>,
        %swap3A_821 = vector.shape_cast %swap3A_820 : vector<1x1x16xf32> to vector<16xf32>
        %swap3A_822 = vector.shape_cast %add3A_815 : vector<16xf32> to vector<1x1x16xf32>
        tpu.vector_store %arg6[%swap3A_817, %swap3A_818, %swap3A_819], %swap3A_822 {strides = array<i32>} : memref<2x400x128xf32, #tpu.memory_space<vmem>>, vector<1x1x16xf32>,
        %mul3A_823 = arith.constant 2 : i32
        %mul3A_824 = arith.muli %scan3A_460, %mul3A_823 : i32
        %add3A_825 = arith.constant 1 : i32
        %add3A_826 = arith.addi %mul3A_824, %add3A_825 : i32
        %get3A_827 = arith.constant 1 : i32
        %get3A_828 = arith.index_cast %get3A_827 : i32 to index
        %get3A_829 = arith.index_cast %add3A_826 : i32 to index
        %get3A_830 = arith.constant 96 : index
        %get3A_831 = tpu.vector_load %arg6[%get3A_828, %get3A_829, %get3A_830] {strides = array<i32>} : memref<2x400x128xf32, #tpu.memory_space<vmem>>, vector<1x1x16xf32>,
        %get3A_832 = vector.shape_cast %get3A_831 : vector<1x1x16xf32> to vector<16xf32>
        %add3A_833 = arith.constant 200 : i32
        %add3A_834 = arith.addi %add3A_833, %add3A_826 : i32
        %get3A_835 = arith.constant 1 : i32
        %get3A_836 = arith.index_cast %get3A_835 : i32 to index
        %get3A_837 = arith.index_cast %add3A_834 : i32 to index
        %get3A_838 = arith.constant 96 : index
        %get3A_839 = tpu.vector_load %arg6[%get3A_836, %get3A_837, %get3A_838] {strides = array<i32>} : memref<2x400x128xf32, #tpu.memory_space<vmem>>, vector<1x1x16xf32>,
        %get3A_840 = vector.shape_cast %get3A_839 : vector<1x1x16xf32> to vector<16xf32>
        %add3A_841 = arith.addf %get3A_832, %get3A_840 : vector<16xf32>
        %swap3A_842 = arith.constant 1 : i32
        %swap3A_843 = arith.index_cast %swap3A_842 : i32 to index
        %swap3A_844 = arith.index_cast %add3A_826 : i32 to index
        %swap3A_845 = arith.constant 96 : index
        %swap3A_846 = tpu.vector_load %arg6[%swap3A_843, %swap3A_844, %swap3A_845] {strides = array<i32>} : memref<2x400x128xf32, #tpu.memory_space<vmem>>, vector<1x1x16xf32>,
        %swap3A_847 = vector.shape_cast %swap3A_846 : vector<1x1x16xf32> to vector<16xf32>
        %swap3A_848 = vector.shape_cast %add3A_841 : vector<16xf32> to vector<1x1x16xf32>
        tpu.vector_store %arg6[%swap3A_843, %swap3A_844, %swap3A_845], %swap3A_848 {strides = array<i32>} : memref<2x400x128xf32, #tpu.memory_space<vmem>>, vector<1x1x16xf32>,
        %mul3A_849 = arith.constant 2 : i32
        %mul3A_850 = arith.muli %scan3A_460, %mul3A_849 : i32
        %add3A_851 = arith.constant 1 : i32
        %add3A_852 = arith.addi %mul3A_850, %add3A_851 : i32
        %get3A_853 = arith.constant 1 : i32
        %get3A_854 = arith.index_cast %get3A_853 : i32 to index
        %get3A_855 = arith.index_cast %add3A_852 : i32 to index
        %get3A_856 = arith.constant 112 : index
        %get3A_857 = tpu.vector_load %arg6[%get3A_854, %get3A_855, %get3A_856] {strides = array<i32>} : memref<2x400x128xf32, #tpu.memory_space<vmem>>, vector<1x1x16xf32>,
        %get3A_858 = vector.shape_cast %get3A_857 : vector<1x1x16xf32> to vector<16xf32>
        %add3A_859 = arith.constant 200 : i32
        %add3A_860 = arith.addi %add3A_859, %add3A_852 : i32
        %get3A_861 = arith.constant 1 : i32
        %get3A_862 = arith.index_cast %get3A_861 : i32 to index
        %get3A_863 = arith.index_cast %add3A_860 : i32 to index
        %get3A_864 = arith.constant 112 : index
        %get3A_865 = tpu.vector_load %arg6[%get3A_862, %get3A_863, %get3A_864] {strides = array<i32>} : memref<2x400x128xf32, #tpu.memory_space<vmem>>, vector<1x1x16xf32>,
        %get3A_866 = vector.shape_cast %get3A_865 : vector<1x1x16xf32> to vector<16xf32>
        %add3A_867 = arith.addf %get3A_858, %get3A_866 : vector<16xf32>
        %swap3A_868 = arith.constant 1 : i32
        %swap3A_869 = arith.index_cast %swap3A_868 : i32 to index
        %swap3A_870 = arith.index_cast %add3A_852 : i32 to index
        %swap3A_871 = arith.constant 112 : index
        %swap3A_872 = tpu.vector_load %arg6[%swap3A_869, %swap3A_870, %swap3A_871] {strides = array<i32>} : memref<2x400x128xf32, #tpu.memory_space<vmem>>, vector<1x1x16xf32>,
        %swap3A_873 = vector.shape_cast %swap3A_872 : vector<1x1x16xf32> to vector<16xf32>
        %swap3A_874 = vector.shape_cast %add3A_867 : vector<16xf32> to vector<1x1x16xf32>
        tpu.vector_store %arg6[%swap3A_869, %swap3A_870, %swap3A_871], %swap3A_874 {strides = array<i32>} : memref<2x400x128xf32, #tpu.memory_space<vmem>>, vector<1x1x16xf32>,
      }
      %scan3A_443 = arith.constant 100 : i32
      %mul3A_444 = arith.constant 200 : i32
      %mul3A_445 = arith.muli %add3A_385, %mul3A_444 : i32
      %add3A_446 = arith.addi %mul3A_2, %mul3A_445 : i32
      %dma_start3A_447 = arith.constant 1 : i32
      %dma_start3A_448 = arith.constant 0 : i32
      %dma_start3A_449 = arith.constant 0 : i32
      %dma_start3A_450 = tpu.memref_slice %arg6[%dma_start3A_447, %dma_start3A_448, %dma_start3A_449] : memref<2x400x128xf32, #tpu.memory_space<vmem>> -> memref<1x200x128xf32, #tpu.memory_space<vmem>>
      %dma_start3A_451 = tpu.memref_squeeze %dma_start3A_450 : memref<1x200x128xf32, #tpu.memory_space<vmem>> -> memref<200x128xf32, #tpu.memory_space<vmem>>
      %dma_start3A_452 = arith.constant 0 : i32
      %dma_start3A_453 = tpu.memref_slice %arg4[%add3A_446, %dma_start3A_452] : memref<160000x128xf32, #tpu.memory_space<hbm>> -> memref<200x128xf32, #tpu.memory_space<hbm>>
      %dma_start3A_454 = arith.constant 0 : i32
      %dma_start3A_455 = tpu.memref_slice %arg4[%add3A_446, %dma_start3A_454] : memref<160000x128xf32, #tpu.memory_space<hbm>> -> memref<200x128xf32, #tpu.memory_space<hbm>>
      %dma_start3A_456 = arith.constant 0 : i32
      %dma_start3A_457 = arith.constant 0 : i32
      %dma_start3A_458 = tpu.memref_slice %arg6[%dma_start3A_447, %dma_start3A_456, %dma_start3A_457] : memref<2x400x128xf32, #tpu.memory_space<vmem>> -> memref<1x200x128xf32, #tpu.memory_space<vmem>>
      %dma_start3A_459 = tpu.memref_squeeze %dma_start3A_458 : memref<1x200x128xf32, #tpu.memory_space<vmem>> -> memref<200x128xf32, #tpu.memory_space<vmem>>
      tpu.enqueue_dma source(%dma_start3A_459 : memref<200x128xf32, #tpu.memory_space<vmem>>) target(%dma_start3A_455 : memref<200x128xf32, #tpu.memory_space<hbm>>) target_semaphore(%arg10 : memref<!tpu.dma_semaphore, #tpu.memory_space<semaphore_mem>>)
    }
    %scan3A_7 = arith.constant 12 : i32
    %add3A_8 = arith.constant 4400 : i32
    %add3A_9 = arith.addi %mul3A_2, %add3A_8 : i32
    %dma_wait3A = arith.constant 0 : i32
    %dma_wait3A_10 = arith.constant 0 : i32
    %dma_wait3A_11 = arith.constant 0 : i32
    %dma_wait3A_12 = tpu.memref_slice %arg6[%dma_wait3A, %dma_wait3A_10, %dma_wait3A_11] : memref<2x400x128xf32, #tpu.memory_space<vmem>> -> memref<1x200x128xf32, #tpu.memory_space<vmem>>
    %dma_wait3A_13 = tpu.memref_squeeze %dma_wait3A_12 : memref<1x200x128xf32, #tpu.memory_space<vmem>> -> memref<200x128xf32, #tpu.memory_space<vmem>>
    %dma_wait3A_14 = arith.constant 0 : i32
    %dma_wait3A_15 = tpu.memref_slice %arg4[%add3A_9, %dma_wait3A_14] : memref<160000x128xf32, #tpu.memory_space<hbm>> -> memref<200x128xf32, #tpu.memory_space<hbm>>
    %dma_wait3A_16 = arith.constant 0 : i32
    %dma_wait3A_17 = tpu.memref_slice %arg4[%add3A_9, %dma_wait3A_16] : memref<160000x128xf32, #tpu.memory_space<hbm>> -> memref<200x128xf32, #tpu.memory_space<hbm>>
    %dma_wait3A_18 = arith.constant 0 : i32
    %dma_wait3A_19 = arith.constant 0 : i32
    %dma_wait3A_20 = tpu.memref_slice %arg6[%dma_wait3A, %dma_wait3A_18, %dma_wait3A_19] : memref<2x400x128xf32, #tpu.memory_space<vmem>> -> memref<1x200x128xf32, #tpu.memory_space<vmem>>
    %dma_wait3A_21 = tpu.memref_squeeze %dma_wait3A_20 : memref<1x200x128xf32, #tpu.memory_space<vmem>> -> memref<200x128xf32, #tpu.memory_space<vmem>>
    tpu.wait_dma2 semaphore(%arg9 : memref<!tpu.dma_semaphore, #tpu.memory_space<semaphore_mem>>) src(%dma_wait3A_21 : memref<200x128xf32, #tpu.memory_space<vmem>>) dst(%dma_wait3A_17 : memref<200x128xf32, #tpu.memory_space<hbm>>)
    %dma_start3A = arith.constant 24 : i32
    %dma_start3A_22 = arith.constant 0 : i32
    %dma_start3A_23 = arith.constant 0 : i32
    %dma_start3A_24 = arith.constant 0 : i32
    %dma_start3A_25 = arith.constant 0 : i32
    %dma_start3A_26 = arith.constant 0 : i32
    %dma_start3A_27 = tpu.memref_slice %arg6[%dma_start3A_24, %dma_start3A_25, %dma_start3A_26] : memref<2x400x128xf32, #tpu.memory_space<vmem>> -> memref<1x100x128xf32, #tpu.memory_space<vmem>>
    %dma_start3A_28 = tpu.memref_squeeze %dma_start3A_27 : memref<1x100x128xf32, #tpu.memory_space<vmem>> -> memref<100x128xf32, #tpu.memory_space<vmem>>
    %dma_start3A_29 = arith.constant 0 : i32
    %dma_start3A_30 = tpu.memref_slice %arg5[%dma_start3A, %dma_start3A_22, %dma_start3A_23, %dma_start3A_29] : memref<25x2x2x100xi32, #tpu.memory_space<vmem>> -> memref<1x1x1x100xi32, #tpu.memory_space<vmem>>
    %dma_start3A_31 = tpu.memref_squeeze %dma_start3A_30 : memref<1x1x1x100xi32, #tpu.memory_space<vmem>> -> memref<100xi32, #tpu.memory_space<vmem>>
    %dma_start3A_32 = arith.constant 0 : i32
    %dma_start3A_33 = arith.constant 0 : i32
    %dma_start3A_34 = tpu.memref_slice %arg2[%dma_start3A_32, %dma_start3A_33] : memref<20000x128xf32, #tpu.memory_space<hbm>> -> memref<20000x128xf32, #tpu.memory_space<hbm>>
    tpu.enqueue_indirect_dma source(%dma_start3A_34 : memref<20000x128xf32, #tpu.memory_space<hbm>>) target(%dma_start3A_28 : memref<100x128xf32, #tpu.memory_space<vmem>>) offsets(%dma_start3A_31 : memref<100xi32, #tpu.memory_space<vmem>>) semaphore(%arg7 : memref<!tpu.dma_semaphore, #tpu.memory_space<semaphore_mem>>)
    %dma_start3A_35 = arith.constant 24 : i32
    %dma_start3A_36 = arith.constant 0 : i32
    %dma_start3A_37 = arith.constant 1 : i32
    %dma_start3A_38 = arith.constant 0 : i32
    %dma_start3A_39 = arith.constant 100 : i32
    %dma_start3A_40 = arith.constant 0 : i32
    %dma_start3A_41 = tpu.memref_slice %arg6[%dma_start3A_38, %dma_start3A_39, %dma_start3A_40] : memref<2x400x128xf32, #tpu.memory_space<vmem>> -> memref<1x100x128xf32, #tpu.memory_space<vmem>>
    %dma_start3A_42 = tpu.memref_squeeze %dma_start3A_41 : memref<1x100x128xf32, #tpu.memory_space<vmem>> -> memref<100x128xf32, #tpu.memory_space<vmem>>
    %dma_start3A_43 = arith.constant 0 : i32
    %dma_start3A_44 = tpu.memref_slice %arg5[%dma_start3A_35, %dma_start3A_36, %dma_start3A_37, %dma_start3A_43] : memref<25x2x2x100xi32, #tpu.memory_space<vmem>> -> memref<1x1x1x100xi32, #tpu.memory_space<vmem>>
    %dma_start3A_45 = tpu.memref_squeeze %dma_start3A_44 : memref<1x1x1x100xi32, #tpu.memory_space<vmem>> -> memref<100xi32, #tpu.memory_space<vmem>>
    %dma_start3A_46 = arith.constant 0 : i32
    %dma_start3A_47 = arith.constant 0 : i32
    %dma_start3A_48 = tpu.memref_slice %arg2[%dma_start3A_46, %dma_start3A_47] : memref<20000x128xf32, #tpu.memory_space<hbm>> -> memref<20000x128xf32, #tpu.memory_space<hbm>>
    tpu.enqueue_indirect_dma source(%dma_start3A_48 : memref<20000x128xf32, #tpu.memory_space<hbm>>) target(%dma_start3A_42 : memref<100x128xf32, #tpu.memory_space<vmem>>) offsets(%dma_start3A_45 : memref<100xi32, #tpu.memory_space<vmem>>) semaphore(%arg7 : memref<!tpu.dma_semaphore, #tpu.memory_space<semaphore_mem>>)
    %dma_start3A_49 = arith.constant 24 : i32
    %dma_start3A_50 = arith.constant 1 : i32
    %dma_start3A_51 = arith.constant 0 : i32
    %dma_start3A_52 = arith.constant 0 : i32
    %dma_start3A_53 = arith.constant 200 : i32
    %dma_start3A_54 = arith.constant 0 : i32
    %dma_start3A_55 = tpu.memref_slice %arg6[%dma_start3A_52, %dma_start3A_53, %dma_start3A_54] : memref<2x400x128xf32, #tpu.memory_space<vmem>> -> memref<1x100x128xf32, #tpu.memory_space<vmem>>
    %dma_start3A_56 = tpu.memref_squeeze %dma_start3A_55 : memref<1x100x128xf32, #tpu.memory_space<vmem>> -> memref<100x128xf32, #tpu.memory_space<vmem>>
    %dma_start3A_57 = arith.constant 0 : i32
    %dma_start3A_58 = tpu.memref_slice %arg5[%dma_start3A_49, %dma_start3A_50, %dma_start3A_51, %dma_start3A_57] : memref<25x2x2x100xi32, #tpu.memory_space<vmem>> -> memref<1x1x1x100xi32, #tpu.memory_space<vmem>>
    %dma_start3A_59 = tpu.memref_squeeze %dma_start3A_58 : memref<1x1x1x100xi32, #tpu.memory_space<vmem>> -> memref<100xi32, #tpu.memory_space<vmem>>
    %dma_start3A_60 = arith.constant 0 : i32
    %dma_start3A_61 = arith.constant 0 : i32
    %dma_start3A_62 = tpu.memref_slice %arg2[%dma_start3A_60, %dma_start3A_61] : memref<20000x128xf32, #tpu.memory_space<hbm>> -> memref<20000x128xf32, #tpu.memory_space<hbm>>
    tpu.enqueue_indirect_dma source(%dma_start3A_62 : memref<20000x128xf32, #tpu.memory_space<hbm>>) target(%dma_start3A_56 : memref<100x128xf32, #tpu.memory_space<vmem>>) offsets(%dma_start3A_59 : memref<100xi32, #tpu.memory_space<vmem>>) semaphore(%arg7 : memref<!tpu.dma_semaphore, #tpu.memory_space<semaphore_mem>>)
    %dma_start3A_63 = arith.constant 24 : i32
    %dma_start3A_64 = arith.constant 1 : i32
    %dma_start3A_65 = arith.constant 1 : i32
    %dma_start3A_66 = arith.constant 0 : i32
    %dma_start3A_67 = arith.constant 300 : i32
    %dma_start3A_68 = arith.constant 0 : i32
    %dma_start3A_69 = tpu.memref_slice %arg6[%dma_start3A_66, %dma_start3A_67, %dma_start3A_68] : memref<2x400x128xf32, #tpu.memory_space<vmem>> -> memref<1x100x128xf32, #tpu.memory_space<vmem>>
    %dma_start3A_70 = tpu.memref_squeeze %dma_start3A_69 : memref<1x100x128xf32, #tpu.memory_space<vmem>> -> memref<100x128xf32, #tpu.memory_space<vmem>>
    %dma_start3A_71 = arith.constant 0 : i32
    %dma_start3A_72 = tpu.memref_slice %arg5[%dma_start3A_63, %dma_start3A_64, %dma_start3A_65, %dma_start3A_71] : memref<25x2x2x100xi32, #tpu.memory_space<vmem>> -> memref<1x1x1x100xi32, #tpu.memory_space<vmem>>
    %dma_start3A_73 = tpu.memref_squeeze %dma_start3A_72 : memref<1x1x1x100xi32, #tpu.memory_space<vmem>> -> memref<100xi32, #tpu.memory_space<vmem>>
    %dma_start3A_74 = arith.constant 0 : i32
    %dma_start3A_75 = arith.constant 0 : i32
    %dma_start3A_76 = tpu.memref_slice %arg2[%dma_start3A_74, %dma_start3A_75] : memref<20000x128xf32, #tpu.memory_space<hbm>> -> memref<20000x128xf32, #tpu.memory_space<hbm>>
    tpu.enqueue_indirect_dma source(%dma_start3A_76 : memref<20000x128xf32, #tpu.memory_space<hbm>>) target(%dma_start3A_70 : memref<100x128xf32, #tpu.memory_space<vmem>>) offsets(%dma_start3A_73 : memref<100xi32, #tpu.memory_space<vmem>>) semaphore(%arg7 : memref<!tpu.dma_semaphore, #tpu.memory_space<semaphore_mem>>)
    %dma_wait3A_77 = arith.constant 24 : i32
    %dma_wait3A_78 = arith.constant 0 : i32
    %dma_wait3A_79 = arith.constant 0 : i32
    %dma_wait3A_80 = arith.constant 0 : i32
    %dma_wait3A_81 = arith.constant 0 : i32
    %dma_wait3A_82 = arith.constant 0 : i32
    %dma_wait3A_83 = tpu.memref_slice %arg6[%dma_wait3A_80, %dma_wait3A_81, %dma_wait3A_82] : memref<2x400x128xf32, #tpu.memory_space<vmem>> -> memref<1x100x128xf32, #tpu.memory_space<vmem>>
    %dma_wait3A_84 = tpu.memref_squeeze %dma_wait3A_83 : memref<1x100x128xf32, #tpu.memory_space<vmem>> -> memref<100x128xf32, #tpu.memory_space<vmem>>
    %dma_wait3A_85 = arith.constant 0 : i32
    %dma_wait3A_86 = tpu.memref_slice %arg5[%dma_wait3A_77, %dma_wait3A_78, %dma_wait3A_79, %dma_wait3A_85] : memref<25x2x2x100xi32, #tpu.memory_space<vmem>> -> memref<1x1x1x100xi32, #tpu.memory_space<vmem>>
    %dma_wait3A_87 = tpu.memref_squeeze %dma_wait3A_86 : memref<1x1x1x100xi32, #tpu.memory_space<vmem>> -> memref<100xi32, #tpu.memory_space<vmem>>
    %dma_wait3A_88 = arith.constant 0 : i32
    %dma_wait3A_89 = arith.constant 0 : i32
    %dma_wait3A_90 = tpu.memref_slice %arg2[%dma_wait3A_88, %dma_wait3A_89] : memref<20000x128xf32, #tpu.memory_space<hbm>> -> memref<20000x128xf32, #tpu.memory_space<hbm>>
    tpu.wait_indirect_dma semaphore(%arg7 : memref<!tpu.dma_semaphore, #tpu.memory_space<semaphore_mem>>) src(%dma_wait3A_90 : memref<20000x128xf32, #tpu.memory_space<hbm>>) dst(%dma_wait3A_84 : memref<100x128xf32, #tpu.memory_space<vmem>>)
    %dma_wait3A_91 = arith.constant 24 : i32
    %dma_wait3A_92 = arith.constant 0 : i32
    %dma_wait3A_93 = arith.constant 1 : i32
    %dma_wait3A_94 = arith.constant 0 : i32
    %dma_wait3A_95 = arith.constant 100 : i32
    %dma_wait3A_96 = arith.constant 0 : i32
    %dma_wait3A_97 = tpu.memref_slice %arg6[%dma_wait3A_94, %dma_wait3A_95, %dma_wait3A_96] : memref<2x400x128xf32, #tpu.memory_space<vmem>> -> memref<1x100x128xf32, #tpu.memory_space<vmem>>
    %dma_wait3A_98 = tpu.memref_squeeze %dma_wait3A_97 : memref<1x100x128xf32, #tpu.memory_space<vmem>> -> memref<100x128xf32, #tpu.memory_space<vmem>>
    %dma_wait3A_99 = arith.constant 0 : i32
    %dma_wait3A_100 = tpu.memref_slice %arg5[%dma_wait3A_91, %dma_wait3A_92, %dma_wait3A_93, %dma_wait3A_99] : memref<25x2x2x100xi32, #tpu.memory_space<vmem>> -> memref<1x1x1x100xi32, #tpu.memory_space<vmem>>
    %dma_wait3A_101 = tpu.memref_squeeze %dma_wait3A_100 : memref<1x1x1x100xi32, #tpu.memory_space<vmem>> -> memref<100xi32, #tpu.memory_space<vmem>>
    %dma_wait3A_102 = arith.constant 0 : i32
    %dma_wait3A_103 = arith.constant 0 : i32
    %dma_wait3A_104 = tpu.memref_slice %arg2[%dma_wait3A_102, %dma_wait3A_103] : memref<20000x128xf32, #tpu.memory_space<hbm>> -> memref<20000x128xf32, #tpu.memory_space<hbm>>
    tpu.wait_indirect_dma semaphore(%arg7 : memref<!tpu.dma_semaphore, #tpu.memory_space<semaphore_mem>>) src(%dma_wait3A_104 : memref<20000x128xf32, #tpu.memory_space<hbm>>) dst(%dma_wait3A_98 : memref<100x128xf32, #tpu.memory_space<vmem>>)
    %dma_wait3A_105 = arith.constant 24 : i32
    %dma_wait3A_106 = arith.constant 1 : i32
    %dma_wait3A_107 = arith.constant 0 : i32
    %dma_wait3A_108 = arith.constant 0 : i32
    %dma_wait3A_109 = arith.constant 200 : i32
    %dma_wait3A_110 = arith.constant 0 : i32
    %dma_wait3A_111 = tpu.memref_slice %arg6[%dma_wait3A_108, %dma_wait3A_109, %dma_wait3A_110] : memref<2x400x128xf32, #tpu.memory_space<vmem>> -> memref<1x100x128xf32, #tpu.memory_space<vmem>>
    %dma_wait3A_112 = tpu.memref_squeeze %dma_wait3A_111 : memref<1x100x128xf32, #tpu.memory_space<vmem>> -> memref<100x128xf32, #tpu.memory_space<vmem>>
    %dma_wait3A_113 = arith.constant 0 : i32
    %dma_wait3A_114 = tpu.memref_slice %arg5[%dma_wait3A_105, %dma_wait3A_106, %dma_wait3A_107, %dma_wait3A_113] : memref<25x2x2x100xi32, #tpu.memory_space<vmem>> -> memref<1x1x1x100xi32, #tpu.memory_space<vmem>>
    %dma_wait3A_115 = tpu.memref_squeeze %dma_wait3A_114 : memref<1x1x1x100xi32, #tpu.memory_space<vmem>> -> memref<100xi32, #tpu.memory_space<vmem>>
    %dma_wait3A_116 = arith.constant 0 : i32
    %dma_wait3A_117 = arith.constant 0 : i32
    %dma_wait3A_118 = tpu.memref_slice %arg2[%dma_wait3A_116, %dma_wait3A_117] : memref<20000x128xf32, #tpu.memory_space<hbm>> -> memref<20000x128xf32, #tpu.memory_space<hbm>>
    tpu.wait_indirect_dma semaphore(%arg7 : memref<!tpu.dma_semaphore, #tpu.memory_space<semaphore_mem>>) src(%dma_wait3A_118 : memref<20000x128xf32, #tpu.memory_space<hbm>>) dst(%dma_wait3A_112 : memref<100x128xf32, #tpu.memory_space<vmem>>)
    %dma_wait3A_119 = arith.constant 24 : i32
    %dma_wait3A_120 = arith.constant 1 : i32
    %dma_wait3A_121 = arith.constant 1 : i32
    %dma_wait3A_122 = arith.constant 0 : i32
    %dma_wait3A_123 = arith.constant 300 : i32
    %dma_wait3A_124 = arith.constant 0 : i32
    %dma_wait3A_125 = tpu.memref_slice %arg6[%dma_wait3A_122, %dma_wait3A_123, %dma_wait3A_124] : memref<2x400x128xf32, #tpu.memory_space<vmem>> -> memref<1x100x128xf32, #tpu.memory_space<vmem>>
    %dma_wait3A_126 = tpu.memref_squeeze %dma_wait3A_125 : memref<1x100x128xf32, #tpu.memory_space<vmem>> -> memref<100x128xf32, #tpu.memory_space<vmem>>
    %dma_wait3A_127 = arith.constant 0 : i32
    %dma_wait3A_128 = tpu.memref_slice %arg5[%dma_wait3A_119, %dma_wait3A_120, %dma_wait3A_121, %dma_wait3A_127] : memref<25x2x2x100xi32, #tpu.memory_space<vmem>> -> memref<1x1x1x100xi32, #tpu.memory_space<vmem>>
    %dma_wait3A_129 = tpu.memref_squeeze %dma_wait3A_128 : memref<1x1x1x100xi32, #tpu.memory_space<vmem>> -> memref<100xi32, #tpu.memory_space<vmem>>
    %dma_wait3A_130 = arith.constant 0 : i32
    %dma_wait3A_131 = arith.constant 0 : i32
    %dma_wait3A_132 = tpu.memref_slice %arg2[%dma_wait3A_130, %dma_wait3A_131] : memref<20000x128xf32, #tpu.memory_space<hbm>> -> memref<20000x128xf32, #tpu.memory_space<hbm>>
    tpu.wait_indirect_dma semaphore(%arg7 : memref<!tpu.dma_semaphore, #tpu.memory_space<semaphore_mem>>) src(%dma_wait3A_132 : memref<20000x128xf32, #tpu.memory_space<hbm>>) dst(%dma_wait3A_126 : memref<100x128xf32, #tpu.memory_space<vmem>>)
    %scan3A_133 = arith.constant 0 : i32
    %scan3A_134 = arith.constant 0 : i32
    %scan3A_135 = arith.constant 100 : i32
    %scan3A_136 = arith.addi %scan3A_134, %scan3A_135 : i32
    %scan3A_137 = arith.constant 1 : i32
    scf.for %scan3A_184 = %scan3A_134 to %scan3A_136 step %scan3A_137  : i32 {
      %mul3A_185 = arith.constant 2 : i32
      %mul3A_186 = arith.muli %scan3A_184, %mul3A_185 : i32
      %add3A_187 = arith.constant 0 : i32
      %add3A_188 = arith.addi %mul3A_186, %add3A_187 : i32
      %get3A = arith.constant 0 : i32
      %get3A_189 = arith.index_cast %get3A : i32 to index
      %get3A_190 = arith.index_cast %add3A_188 : i32 to index
      %get3A_191 = arith.constant 0 : index
      %get3A_192 = tpu.vector_load %arg6[%get3A_189, %get3A_190, %get3A_191] {strides = array<i32>} : memref<2x400x128xf32, #tpu.memory_space<vmem>>, vector<1x1x16xf32>,
      %get3A_193 = vector.shape_cast %get3A_192 : vector<1x1x16xf32> to vector<16xf32>
      %add3A_194 = arith.constant 200 : i32
      %add3A_195 = arith.addi %add3A_194, %add3A_188 : i32
      %get3A_196 = arith.constant 0 : i32
      %get3A_197 = arith.index_cast %get3A_196 : i32 to index
      %get3A_198 = arith.index_cast %add3A_195 : i32 to index
      %get3A_199 = arith.constant 0 : index
      %get3A_200 = tpu.vector_load %arg6[%get3A_197, %get3A_198, %get3A_199] {strides = array<i32>} : memref<2x400x128xf32, #tpu.memory_space<vmem>>, vector<1x1x16xf32>,
      %get3A_201 = vector.shape_cast %get3A_200 : vector<1x1x16xf32> to vector<16xf32>
      %add3A_202 = arith.addf %get3A_193, %get3A_201 : vector<16xf32>
      %swap3A = arith.constant 0 : i32
      %swap3A_203 = arith.index_cast %swap3A : i32 to index
      %swap3A_204 = arith.index_cast %add3A_188 : i32 to index
      %swap3A_205 = arith.constant 0 : index
      %swap3A_206 = tpu.vector_load %arg6[%swap3A_203, %swap3A_204, %swap3A_205] {strides = array<i32>} : memref<2x400x128xf32, #tpu.memory_space<vmem>>, vector<1x1x16xf32>,
      %swap3A_207 = vector.shape_cast %swap3A_206 : vector<1x1x16xf32> to vector<16xf32>
      %swap3A_208 = vector.shape_cast %add3A_202 : vector<16xf32> to vector<1x1x16xf32>
      tpu.vector_store %arg6[%swap3A_203, %swap3A_204, %swap3A_205], %swap3A_208 {strides = array<i32>} : memref<2x400x128xf32, #tpu.memory_space<vmem>>, vector<1x1x16xf32>,
      %mul3A_209 = arith.constant 2 : i32
      %mul3A_210 = arith.muli %scan3A_184, %mul3A_209 : i32
      %add3A_211 = arith.constant 0 : i32
      %add3A_212 = arith.addi %mul3A_210, %add3A_211 : i32
      %get3A_213 = arith.constant 0 : i32
      %get3A_214 = arith.index_cast %get3A_213 : i32 to index
      %get3A_215 = arith.index_cast %add3A_212 : i32 to index
      %get3A_216 = arith.constant 16 : index
      %get3A_217 = tpu.vector_load %arg6[%get3A_214, %get3A_215, %get3A_216] {strides = array<i32>} : memref<2x400x128xf32, #tpu.memory_space<vmem>>, vector<1x1x16xf32>,
      %get3A_218 = vector.shape_cast %get3A_217 : vector<1x1x16xf32> to vector<16xf32>
      %add3A_219 = arith.constant 200 : i32
      %add3A_220 = arith.addi %add3A_219, %add3A_212 : i32
      %get3A_221 = arith.constant 0 : i32
      %get3A_222 = arith.index_cast %get3A_221 : i32 to index
      %get3A_223 = arith.index_cast %add3A_220 : i32 to index
      %get3A_224 = arith.constant 16 : index
      %get3A_225 = tpu.vector_load %arg6[%get3A_222, %get3A_223, %get3A_224] {strides = array<i32>} : memref<2x400x128xf32, #tpu.memory_space<vmem>>, vector<1x1x16xf32>,
      %get3A_226 = vector.shape_cast %get3A_225 : vector<1x1x16xf32> to vector<16xf32>
      %add3A_227 = arith.addf %get3A_218, %get3A_226 : vector<16xf32>
      %swap3A_228 = arith.constant 0 : i32
      %swap3A_229 = arith.index_cast %swap3A_228 : i32 to index
      %swap3A_230 = arith.index_cast %add3A_212 : i32 to index
      %swap3A_231 = arith.constant 16 : index
      %swap3A_232 = tpu.vector_load %arg6[%swap3A_229, %swap3A_230, %swap3A_231] {strides = array<i32>} : memref<2x400x128xf32, #tpu.memory_space<vmem>>, vector<1x1x16xf32>,
      %swap3A_233 = vector.shape_cast %swap3A_232 : vector<1x1x16xf32> to vector<16xf32>
      %swap3A_234 = vector.shape_cast %add3A_227 : vector<16xf32> to vector<1x1x16xf32>
      tpu.vector_store %arg6[%swap3A_229, %swap3A_230, %swap3A_231], %swap3A_234 {strides = array<i32>} : memref<2x400x128xf32, #tpu.memory_space<vmem>>, vector<1x1x16xf32>,
      %mul3A_235 = arith.constant 2 : i32
      %mul3A_236 = arith.muli %scan3A_184, %mul3A_235 : i32
      %add3A_237 = arith.constant 0 : i32
      %add3A_238 = arith.addi %mul3A_236, %add3A_237 : i32
      %get3A_239 = arith.constant 0 : i32
      %get3A_240 = arith.index_cast %get3A_239 : i32 to index
      %get3A_241 = arith.index_cast %add3A_238 : i32 to index
      %get3A_242 = arith.constant 32 : index
      %get3A_243 = tpu.vector_load %arg6[%get3A_240, %get3A_241, %get3A_242] {strides = array<i32>} : memref<2x400x128xf32, #tpu.memory_space<vmem>>, vector<1x1x16xf32>,
      %get3A_244 = vector.shape_cast %get3A_243 : vector<1x1x16xf32> to vector<16xf32>
      %add3A_245 = arith.constant 200 : i32
      %add3A_246 = arith.addi %add3A_245, %add3A_238 : i32
      %get3A_247 = arith.constant 0 : i32
      %get3A_248 = arith.index_cast %get3A_247 : i32 to index
      %get3A_249 = arith.index_cast %add3A_246 : i32 to index
      %get3A_250 = arith.constant 32 : index
      %get3A_251 = tpu.vector_load %arg6[%get3A_248, %get3A_249, %get3A_250] {strides = array<i32>} : memref<2x400x128xf32, #tpu.memory_space<vmem>>, vector<1x1x16xf32>,
      %get3A_252 = vector.shape_cast %get3A_251 : vector<1x1x16xf32> to vector<16xf32>
      %add3A_253 = arith.addf %get3A_244, %get3A_252 : vector<16xf32>
      %swap3A_254 = arith.constant 0 : i32
      %swap3A_255 = arith.index_cast %swap3A_254 : i32 to index
      %swap3A_256 = arith.index_cast %add3A_238 : i32 to index
      %swap3A_257 = arith.constant 32 : index
      %swap3A_258 = tpu.vector_load %arg6[%swap3A_255, %swap3A_256, %swap3A_257] {strides = array<i32>} : memref<2x400x128xf32, #tpu.memory_space<vmem>>, vector<1x1x16xf32>,
      %swap3A_259 = vector.shape_cast %swap3A_258 : vector<1x1x16xf32> to vector<16xf32>
      %swap3A_260 = vector.shape_cast %add3A_253 : vector<16xf32> to vector<1x1x16xf32>
      tpu.vector_store %arg6[%swap3A_255, %swap3A_256, %swap3A_257], %swap3A_260 {strides = array<i32>} : memref<2x400x128xf32, #tpu.memory_space<vmem>>, vector<1x1x16xf32>,
      %mul3A_261 = arith.constant 2 : i32
      %mul3A_262 = arith.muli %scan3A_184, %mul3A_261 : i32
      %add3A_263 = arith.constant 0 : i32
      %add3A_264 = arith.addi %mul3A_262, %add3A_263 : i32
      %get3A_265 = arith.constant 0 : i32
      %get3A_266 = arith.index_cast %get3A_265 : i32 to index
      %get3A_267 = arith.index_cast %add3A_264 : i32 to index
      %get3A_268 = arith.constant 48 : index
      %get3A_269 = tpu.vector_load %arg6[%get3A_266, %get3A_267, %get3A_268] {strides = array<i32>} : memref<2x400x128xf32, #tpu.memory_space<vmem>>, vector<1x1x16xf32>,
      %get3A_270 = vector.shape_cast %get3A_269 : vector<1x1x16xf32> to vector<16xf32>
      %add3A_271 = arith.constant 200 : i32
      %add3A_272 = arith.addi %add3A_271, %add3A_264 : i32
      %get3A_273 = arith.constant 0 : i32
      %get3A_274 = arith.index_cast %get3A_273 : i32 to index
      %get3A_275 = arith.index_cast %add3A_272 : i32 to index
      %get3A_276 = arith.constant 48 : index
      %get3A_277 = tpu.vector_load %arg6[%get3A_274, %get3A_275, %get3A_276] {strides = array<i32>} : memref<2x400x128xf32, #tpu.memory_space<vmem>>, vector<1x1x16xf32>,
      %get3A_278 = vector.shape_cast %get3A_277 : vector<1x1x16xf32> to vector<16xf32>
      %add3A_279 = arith.addf %get3A_270, %get3A_278 : vector<16xf32>
      %swap3A_280 = arith.constant 0 : i32
      %swap3A_281 = arith.index_cast %swap3A_280 : i32 to index
      %swap3A_282 = arith.index_cast %add3A_264 : i32 to index
      %swap3A_283 = arith.constant 48 : index
      %swap3A_284 = tpu.vector_load %arg6[%swap3A_281, %swap3A_282, %swap3A_283] {strides = array<i32>} : memref<2x400x128xf32, #tpu.memory_space<vmem>>, vector<1x1x16xf32>,
      %swap3A_285 = vector.shape_cast %swap3A_284 : vector<1x1x16xf32> to vector<16xf32>
      %swap3A_286 = vector.shape_cast %add3A_279 : vector<16xf32> to vector<1x1x16xf32>
      tpu.vector_store %arg6[%swap3A_281, %swap3A_282, %swap3A_283], %swap3A_286 {strides = array<i32>} : memref<2x400x128xf32, #tpu.memory_space<vmem>>, vector<1x1x16xf32>,
      %mul3A_287 = arith.constant 2 : i32
      %mul3A_288 = arith.muli %scan3A_184, %mul3A_287 : i32
      %add3A_289 = arith.constant 0 : i32
      %add3A_290 = arith.addi %mul3A_288, %add3A_289 : i32
      %get3A_291 = arith.constant 0 : i32
      %get3A_292 = arith.index_cast %get3A_291 : i32 to index
      %get3A_293 = arith.index_cast %add3A_290 : i32 to index
      %get3A_294 = arith.constant 64 : index
      %get3A_295 = tpu.vector_load %arg6[%get3A_292, %get3A_293, %get3A_294] {strides = array<i32>} : memref<2x400x128xf32, #tpu.memory_space<vmem>>, vector<1x1x16xf32>,
      %get3A_296 = vector.shape_cast %get3A_295 : vector<1x1x16xf32> to vector<16xf32>
      %add3A_297 = arith.constant 200 : i32
      %add3A_298 = arith.addi %add3A_297, %add3A_290 : i32
      %get3A_299 = arith.constant 0 : i32
      %get3A_300 = arith.index_cast %get3A_299 : i32 to index
      %get3A_301 = arith.index_cast %add3A_298 : i32 to index
      %get3A_302 = arith.constant 64 : index
      %get3A_303 = tpu.vector_load %arg6[%get3A_300, %get3A_301, %get3A_302] {strides = array<i32>} : memref<2x400x128xf32, #tpu.memory_space<vmem>>, vector<1x1x16xf32>,
      %get3A_304 = vector.shape_cast %get3A_303 : vector<1x1x16xf32> to vector<16xf32>
      %add3A_305 = arith.addf %get3A_296, %get3A_304 : vector<16xf32>
      %swap3A_306 = arith.constant 0 : i32
      %swap3A_307 = arith.index_cast %swap3A_306 : i32 to index
      %swap3A_308 = arith.index_cast %add3A_290 : i32 to index
      %swap3A_309 = arith.constant 64 : index
      %swap3A_310 = tpu.vector_load %arg6[%swap3A_307, %swap3A_308, %swap3A_309] {strides = array<i32>} : memref<2x400x128xf32, #tpu.memory_space<vmem>>, vector<1x1x16xf32>,
      %swap3A_311 = vector.shape_cast %swap3A_310 : vector<1x1x16xf32> to vector<16xf32>
      %swap3A_312 = vector.shape_cast %add3A_305 : vector<16xf32> to vector<1x1x16xf32>
      tpu.vector_store %arg6[%swap3A_307, %swap3A_308, %swap3A_309], %swap3A_312 {strides = array<i32>} : memref<2x400x128xf32, #tpu.memory_space<vmem>>, vector<1x1x16xf32>,
      %mul3A_313 = arith.constant 2 : i32
      %mul3A_314 = arith.muli %scan3A_184, %mul3A_313 : i32
      %add3A_315 = arith.constant 0 : i32
      %add3A_316 = arith.addi %mul3A_314, %add3A_315 : i32
      %get3A_317 = arith.constant 0 : i32
      %get3A_318 = arith.index_cast %get3A_317 : i32 to index
      %get3A_319 = arith.index_cast %add3A_316 : i32 to index
      %get3A_320 = arith.constant 80 : index
      %get3A_321 = tpu.vector_load %arg6[%get3A_318, %get3A_319, %get3A_320] {strides = array<i32>} : memref<2x400x128xf32, #tpu.memory_space<vmem>>, vector<1x1x16xf32>,
      %get3A_322 = vector.shape_cast %get3A_321 : vector<1x1x16xf32> to vector<16xf32>
      %add3A_323 = arith.constant 200 : i32
      %add3A_324 = arith.addi %add3A_323, %add3A_316 : i32
      %get3A_325 = arith.constant 0 : i32
      %get3A_326 = arith.index_cast %get3A_325 : i32 to index
      %get3A_327 = arith.index_cast %add3A_324 : i32 to index
      %get3A_328 = arith.constant 80 : index
      %get3A_329 = tpu.vector_load %arg6[%get3A_326, %get3A_327, %get3A_328] {strides = array<i32>} : memref<2x400x128xf32, #tpu.memory_space<vmem>>, vector<1x1x16xf32>,
      %get3A_330 = vector.shape_cast %get3A_329 : vector<1x1x16xf32> to vector<16xf32>
      %add3A_331 = arith.addf %get3A_322, %get3A_330 : vector<16xf32>
      %swap3A_332 = arith.constant 0 : i32
      %swap3A_333 = arith.index_cast %swap3A_332 : i32 to index
      %swap3A_334 = arith.index_cast %add3A_316 : i32 to index
      %swap3A_335 = arith.constant 80 : index
      %swap3A_336 = tpu.vector_load %arg6[%swap3A_333, %swap3A_334, %swap3A_335] {strides = array<i32>} : memref<2x400x128xf32, #tpu.memory_space<vmem>>, vector<1x1x16xf32>,
      %swap3A_337 = vector.shape_cast %swap3A_336 : vector<1x1x16xf32> to vector<16xf32>
      %swap3A_338 = vector.shape_cast %add3A_331 : vector<16xf32> to vector<1x1x16xf32>
      tpu.vector_store %arg6[%swap3A_333, %swap3A_334, %swap3A_335], %swap3A_338 {strides = array<i32>} : memref<2x400x128xf32, #tpu.memory_space<vmem>>, vector<1x1x16xf32>,
      %mul3A_339 = arith.constant 2 : i32
      %mul3A_340 = arith.muli %scan3A_184, %mul3A_339 : i32
      %add3A_341 = arith.constant 0 : i32
      %add3A_342 = arith.addi %mul3A_340, %add3A_341 : i32
      %get3A_343 = arith.constant 0 : i32
      %get3A_344 = arith.index_cast %get3A_343 : i32 to index
      %get3A_345 = arith.index_cast %add3A_342 : i32 to index
      %get3A_346 = arith.constant 96 : index
      %get3A_347 = tpu.vector_load %arg6[%get3A_344, %get3A_345, %get3A_346] {strides = array<i32>} : memref<2x400x128xf32, #tpu.memory_space<vmem>>, vector<1x1x16xf32>,
      %get3A_348 = vector.shape_cast %get3A_347 : vector<1x1x16xf32> to vector<16xf32>
      %add3A_349 = arith.constant 200 : i32
      %add3A_350 = arith.addi %add3A_349, %add3A_342 : i32
      %get3A_351 = arith.constant 0 : i32
      %get3A_352 = arith.index_cast %get3A_351 : i32 to index
      %get3A_353 = arith.index_cast %add3A_350 : i32 to index
      %get3A_354 = arith.constant 96 : index
      %get3A_355 = tpu.vector_load %arg6[%get3A_352, %get3A_353, %get3A_354] {strides = array<i32>} : memref<2x400x128xf32, #tpu.memory_space<vmem>>, vector<1x1x16xf32>,
      %get3A_356 = vector.shape_cast %get3A_355 : vector<1x1x16xf32> to vector<16xf32>
      %add3A_357 = arith.addf %get3A_348, %get3A_356 : vector<16xf32>
      %swap3A_358 = arith.constant 0 : i32
      %swap3A_359 = arith.index_cast %swap3A_358 : i32 to index
      %swap3A_360 = arith.index_cast %add3A_342 : i32 to index
      %swap3A_361 = arith.constant 96 : index
      %swap3A_362 = tpu.vector_load %arg6[%swap3A_359, %swap3A_360, %swap3A_361] {strides = array<i32>} : memref<2x400x128xf32, #tpu.memory_space<vmem>>, vector<1x1x16xf32>,
      %swap3A_363 = vector.shape_cast %swap3A_362 : vector<1x1x16xf32> to vector<16xf32>
      %swap3A_364 = vector.shape_cast %add3A_357 : vector<16xf32> to vector<1x1x16xf32>
      tpu.vector_store %arg6[%swap3A_359, %swap3A_360, %swap3A_361], %swap3A_364 {strides = array<i32>} : memref<2x400x128xf32, #tpu.memory_space<vmem>>, vector<1x1x16xf32>,
      %mul3A_365 = arith.constant 2 : i32
      %mul3A_366 = arith.muli %scan3A_184, %mul3A_365 : i32
      %add3A_367 = arith.constant 0 : i32
      %add3A_368 = arith.addi %mul3A_366, %add3A_367 : i32
      %get3A_369 = arith.constant 0 : i32
      %get3A_370 = arith.index_cast %get3A_369 : i32 to index
      %get3A_371 = arith.index_cast %add3A_368 : i32 to index
      %get3A_372 = arith.constant 112 : index
      %get3A_373 = tpu.vector_load %arg6[%get3A_370, %get3A_371, %get3A_372] {strides = array<i32>} : memref<2x400x128xf32, #tpu.memory_space<vmem>>, vector<1x1x16xf32>,
      %get3A_374 = vector.shape_cast %get3A_373 : vector<1x1x16xf32> to vector<16xf32>
      %add3A_375 = arith.constant 200 : i32
      %add3A_376 = arith.addi %add3A_375, %add3A_368 : i32
      %get3A_377 = arith.constant 0 : i32
      %get3A_378 = arith.index_cast %get3A_377 : i32 to index
      %get3A_379 = arith.index_cast %add3A_376 : i32 to index
      %get3A_380 = arith.constant 112 : index
      %get3A_381 = tpu.vector_load %arg6[%get3A_378, %get3A_379, %get3A_380] {strides = array<i32>} : memref<2x400x128xf32, #tpu.memory_space<vmem>>, vector<1x1x16xf32>,
      %get3A_382 = vector.shape_cast %get3A_381 : vector<1x1x16xf32> to vector<16xf32>
      %add3A_383 = arith.addf %get3A_374, %get3A_382 : vector<16xf32>
      %swap3A_384 = arith.constant 0 : i32
      %swap3A_385 = arith.index_cast %swap3A_384 : i32 to index
      %swap3A_386 = arith.index_cast %add3A_368 : i32 to index
      %swap3A_387 = arith.constant 112 : index
      %swap3A_388 = tpu.vector_load %arg6[%swap3A_385, %swap3A_386, %swap3A_387] {strides = array<i32>} : memref<2x400x128xf32, #tpu.memory_space<vmem>>, vector<1x1x16xf32>,
      %swap3A_389 = vector.shape_cast %swap3A_388 : vector<1x1x16xf32> to vector<16xf32>
      %swap3A_390 = vector.shape_cast %add3A_383 : vector<16xf32> to vector<1x1x16xf32>
      tpu.vector_store %arg6[%swap3A_385, %swap3A_386, %swap3A_387], %swap3A_390 {strides = array<i32>} : memref<2x400x128xf32, #tpu.memory_space<vmem>>, vector<1x1x16xf32>,
      %mul3A_391 = arith.constant 2 : i32
      %mul3A_392 = arith.muli %scan3A_184, %mul3A_391 : i32
      %add3A_393 = arith.constant 1 : i32
      %add3A_394 = arith.addi %mul3A_392, %add3A_393 : i32
      %get3A_395 = arith.constant 0 : i32
      %get3A_396 = arith.index_cast %get3A_395 : i32 to index
      %get3A_397 = arith.index_cast %add3A_394 : i32 to index
      %get3A_398 = arith.constant 0 : index
      %get3A_399 = tpu.vector_load %arg6[%get3A_396, %get3A_397, %get3A_398] {strides = array<i32>} : memref<2x400x128xf32, #tpu.memory_space<vmem>>, vector<1x1x16xf32>,
      %get3A_400 = vector.shape_cast %get3A_399 : vector<1x1x16xf32> to vector<16xf32>
      %add3A_401 = arith.constant 200 : i32
      %add3A_402 = arith.addi %add3A_401, %add3A_394 : i32
      %get3A_403 = arith.constant 0 : i32
      %get3A_404 = arith.index_cast %get3A_403 : i32 to index
      %get3A_405 = arith.index_cast %add3A_402 : i32 to index
      %get3A_406 = arith.constant 0 : index
      %get3A_407 = tpu.vector_load %arg6[%get3A_404, %get3A_405, %get3A_406] {strides = array<i32>} : memref<2x400x128xf32, #tpu.memory_space<vmem>>, vector<1x1x16xf32>,
      %get3A_408 = vector.shape_cast %get3A_407 : vector<1x1x16xf32> to vector<16xf32>
      %add3A_409 = arith.addf %get3A_400, %get3A_408 : vector<16xf32>
      %swap3A_410 = arith.constant 0 : i32
      %swap3A_411 = arith.index_cast %swap3A_410 : i32 to index
      %swap3A_412 = arith.index_cast %add3A_394 : i32 to index
      %swap3A_413 = arith.constant 0 : index
      %swap3A_414 = tpu.vector_load %arg6[%swap3A_411, %swap3A_412, %swap3A_413] {strides = array<i32>} : memref<2x400x128xf32, #tpu.memory_space<vmem>>, vector<1x1x16xf32>,
      %swap3A_415 = vector.shape_cast %swap3A_414 : vector<1x1x16xf32> to vector<16xf32>
      %swap3A_416 = vector.shape_cast %add3A_409 : vector<16xf32> to vector<1x1x16xf32>
      tpu.vector_store %arg6[%swap3A_411, %swap3A_412, %swap3A_413], %swap3A_416 {strides = array<i32>} : memref<2x400x128xf32, #tpu.memory_space<vmem>>, vector<1x1x16xf32>,
      %mul3A_417 = arith.constant 2 : i32
      %mul3A_418 = arith.muli %scan3A_184, %mul3A_417 : i32
      %add3A_419 = arith.constant 1 : i32
      %add3A_420 = arith.addi %mul3A_418, %add3A_419 : i32
      %get3A_421 = arith.constant 0 : i32
      %get3A_422 = arith.index_cast %get3A_421 : i32 to index
      %get3A_423 = arith.index_cast %add3A_420 : i32 to index
      %get3A_424 = arith.constant 16 : index
      %get3A_425 = tpu.vector_load %arg6[%get3A_422, %get3A_423, %get3A_424] {strides = array<i32>} : memref<2x400x128xf32, #tpu.memory_space<vmem>>, vector<1x1x16xf32>,
      %get3A_426 = vector.shape_cast %get3A_425 : vector<1x1x16xf32> to vector<16xf32>
      %add3A_427 = arith.constant 200 : i32
      %add3A_428 = arith.addi %add3A_427, %add3A_420 : i32
      %get3A_429 = arith.constant 0 : i32
      %get3A_430 = arith.index_cast %get3A_429 : i32 to index
      %get3A_431 = arith.index_cast %add3A_428 : i32 to index
      %get3A_432 = arith.constant 16 : index
      %get3A_433 = tpu.vector_load %arg6[%get3A_430, %get3A_431, %get3A_432] {strides = array<i32>} : memref<2x400x128xf32, #tpu.memory_space<vmem>>, vector<1x1x16xf32>,
      %get3A_434 = vector.shape_cast %get3A_433 : vector<1x1x16xf32> to vector<16xf32>
      %add3A_435 = arith.addf %get3A_426, %get3A_434 : vector<16xf32>
      %swap3A_436 = arith.constant 0 : i32
      %swap3A_437 = arith.index_cast %swap3A_436 : i32 to index
      %swap3A_438 = arith.index_cast %add3A_420 : i32 to index
      %swap3A_439 = arith.constant 16 : index
      %swap3A_440 = tpu.vector_load %arg6[%swap3A_437, %swap3A_438, %swap3A_439] {strides = array<i32>} : memref<2x400x128xf32, #tpu.memory_space<vmem>>, vector<1x1x16xf32>,
      %swap3A_441 = vector.shape_cast %swap3A_440 : vector<1x1x16xf32> to vector<16xf32>
      %swap3A_442 = vector.shape_cast %add3A_435 : vector<16xf32> to vector<1x1x16xf32>
      tpu.vector_store %arg6[%swap3A_437, %swap3A_438, %swap3A_439], %swap3A_442 {strides = array<i32>} : memref<2x400x128xf32, #tpu.memory_space<vmem>>, vector<1x1x16xf32>,
      %mul3A_443 = arith.constant 2 : i32
      %mul3A_444 = arith.muli %scan3A_184, %mul3A_443 : i32
      %add3A_445 = arith.constant 1 : i32
      %add3A_446 = arith.addi %mul3A_444, %add3A_445 : i32
      %get3A_447 = arith.constant 0 : i32
      %get3A_448 = arith.index_cast %get3A_447 : i32 to index
      %get3A_449 = arith.index_cast %add3A_446 : i32 to index
      %get3A_450 = arith.constant 32 : index
      %get3A_451 = tpu.vector_load %arg6[%get3A_448, %get3A_449, %get3A_450] {strides = array<i32>} : memref<2x400x128xf32, #tpu.memory_space<vmem>>, vector<1x1x16xf32>,
      %get3A_452 = vector.shape_cast %get3A_451 : vector<1x1x16xf32> to vector<16xf32>
      %add3A_453 = arith.constant 200 : i32
      %add3A_454 = arith.addi %add3A_453, %add3A_446 : i32
      %get3A_455 = arith.constant 0 : i32
      %get3A_456 = arith.index_cast %get3A_455 : i32 to index
      %get3A_457 = arith.index_cast %add3A_454 : i32 to index
      %get3A_458 = arith.constant 32 : index
      %get3A_459 = tpu.vector_load %arg6[%get3A_456, %get3A_457, %get3A_458] {strides = array<i32>} : memref<2x400x128xf32, #tpu.memory_space<vmem>>, vector<1x1x16xf32>,
      %get3A_460 = vector.shape_cast %get3A_459 : vector<1x1x16xf32> to vector<16xf32>
      %add3A_461 = arith.addf %get3A_452, %get3A_460 : vector<16xf32>
      %swap3A_462 = arith.constant 0 : i32
      %swap3A_463 = arith.index_cast %swap3A_462 : i32 to index
      %swap3A_464 = arith.index_cast %add3A_446 : i32 to index
      %swap3A_465 = arith.constant 32 : index
      %swap3A_466 = tpu.vector_load %arg6[%swap3A_463, %swap3A_464, %swap3A_465] {strides = array<i32>} : memref<2x400x128xf32, #tpu.memory_space<vmem>>, vector<1x1x16xf32>,
      %swap3A_467 = vector.shape_cast %swap3A_466 : vector<1x1x16xf32> to vector<16xf32>
      %swap3A_468 = vector.shape_cast %add3A_461 : vector<16xf32> to vector<1x1x16xf32>
      tpu.vector_store %arg6[%swap3A_463, %swap3A_464, %swap3A_465], %swap3A_468 {strides = array<i32>} : memref<2x400x128xf32, #tpu.memory_space<vmem>>, vector<1x1x16xf32>,
      %mul3A_469 = arith.constant 2 : i32
      %mul3A_470 = arith.muli %scan3A_184, %mul3A_469 : i32
      %add3A_471 = arith.constant 1 : i32
      %add3A_472 = arith.addi %mul3A_470, %add3A_471 : i32
      %get3A_473 = arith.constant 0 : i32
      %get3A_474 = arith.index_cast %get3A_473 : i32 to index
      %get3A_475 = arith.index_cast %add3A_472 : i32 to index
      %get3A_476 = arith.constant 48 : index
      %get3A_477 = tpu.vector_load %arg6[%get3A_474, %get3A_475, %get3A_476] {strides = array<i32>} : memref<2x400x128xf32, #tpu.memory_space<vmem>>, vector<1x1x16xf32>,
      %get3A_478 = vector.shape_cast %get3A_477 : vector<1x1x16xf32> to vector<16xf32>
      %add3A_479 = arith.constant 200 : i32
      %add3A_480 = arith.addi %add3A_479, %add3A_472 : i32
      %get3A_481 = arith.constant 0 : i32
      %get3A_482 = arith.index_cast %get3A_481 : i32 to index
      %get3A_483 = arith.index_cast %add3A_480 : i32 to index
      %get3A_484 = arith.constant 48 : index
      %get3A_485 = tpu.vector_load %arg6[%get3A_482, %get3A_483, %get3A_484] {strides = array<i32>} : memref<2x400x128xf32, #tpu.memory_space<vmem>>, vector<1x1x16xf32>,
      %get3A_486 = vector.shape_cast %get3A_485 : vector<1x1x16xf32> to vector<16xf32>
      %add3A_487 = arith.addf %get3A_478, %get3A_486 : vector<16xf32>
      %swap3A_488 = arith.constant 0 : i32
      %swap3A_489 = arith.index_cast %swap3A_488 : i32 to index
      %swap3A_490 = arith.index_cast %add3A_472 : i32 to index
      %swap3A_491 = arith.constant 48 : index
      %swap3A_492 = tpu.vector_load %arg6[%swap3A_489, %swap3A_490, %swap3A_491] {strides = array<i32>} : memref<2x400x128xf32, #tpu.memory_space<vmem>>, vector<1x1x16xf32>,
      %swap3A_493 = vector.shape_cast %swap3A_492 : vector<1x1x16xf32> to vector<16xf32>
      %swap3A_494 = vector.shape_cast %add3A_487 : vector<16xf32> to vector<1x1x16xf32>
      tpu.vector_store %arg6[%swap3A_489, %swap3A_490, %swap3A_491], %swap3A_494 {strides = array<i32>} : memref<2x400x128xf32, #tpu.memory_space<vmem>>, vector<1x1x16xf32>,
      %mul3A_495 = arith.constant 2 : i32
      %mul3A_496 = arith.muli %scan3A_184, %mul3A_495 : i32
      %add3A_497 = arith.constant 1 : i32
      %add3A_498 = arith.addi %mul3A_496, %add3A_497 : i32
      %get3A_499 = arith.constant 0 : i32
      %get3A_500 = arith.index_cast %get3A_499 : i32 to index
      %get3A_501 = arith.index_cast %add3A_498 : i32 to index
      %get3A_502 = arith.constant 64 : index
      %get3A_503 = tpu.vector_load %arg6[%get3A_500, %get3A_501, %get3A_502] {strides = array<i32>} : memref<2x400x128xf32, #tpu.memory_space<vmem>>, vector<1x1x16xf32>,
      %get3A_504 = vector.shape_cast %get3A_503 : vector<1x1x16xf32> to vector<16xf32>
      %add3A_505 = arith.constant 200 : i32
      %add3A_506 = arith.addi %add3A_505, %add3A_498 : i32
      %get3A_507 = arith.constant 0 : i32
      %get3A_508 = arith.index_cast %get3A_507 : i32 to index
      %get3A_509 = arith.index_cast %add3A_506 : i32 to index
      %get3A_510 = arith.constant 64 : index
      %get3A_511 = tpu.vector_load %arg6[%get3A_508, %get3A_509, %get3A_510] {strides = array<i32>} : memref<2x400x128xf32, #tpu.memory_space<vmem>>, vector<1x1x16xf32>,
      %get3A_512 = vector.shape_cast %get3A_511 : vector<1x1x16xf32> to vector<16xf32>
      %add3A_513 = arith.addf %get3A_504, %get3A_512 : vector<16xf32>
      %swap3A_514 = arith.constant 0 : i32
      %swap3A_515 = arith.index_cast %swap3A_514 : i32 to index
      %swap3A_516 = arith.index_cast %add3A_498 : i32 to index
      %swap3A_517 = arith.constant 64 : index
      %swap3A_518 = tpu.vector_load %arg6[%swap3A_515, %swap3A_516, %swap3A_517] {strides = array<i32>} : memref<2x400x128xf32, #tpu.memory_space<vmem>>, vector<1x1x16xf32>,
      %swap3A_519 = vector.shape_cast %swap3A_518 : vector<1x1x16xf32> to vector<16xf32>
      %swap3A_520 = vector.shape_cast %add3A_513 : vector<16xf32> to vector<1x1x16xf32>
      tpu.vector_store %arg6[%swap3A_515, %swap3A_516, %swap3A_517], %swap3A_520 {strides = array<i32>} : memref<2x400x128xf32, #tpu.memory_space<vmem>>, vector<1x1x16xf32>,
      %mul3A_521 = arith.constant 2 : i32
      %mul3A_522 = arith.muli %scan3A_184, %mul3A_521 : i32
      %add3A_523 = arith.constant 1 : i32
      %add3A_524 = arith.addi %mul3A_522, %add3A_523 : i32
      %get3A_525 = arith.constant 0 : i32
      %get3A_526 = arith.index_cast %get3A_525 : i32 to index
      %get3A_527 = arith.index_cast %add3A_524 : i32 to index
      %get3A_528 = arith.constant 80 : index
      %get3A_529 = tpu.vector_load %arg6[%get3A_526, %get3A_527, %get3A_528] {strides = array<i32>} : memref<2x400x128xf32, #tpu.memory_space<vmem>>, vector<1x1x16xf32>,
      %get3A_530 = vector.shape_cast %get3A_529 : vector<1x1x16xf32> to vector<16xf32>
      %add3A_531 = arith.constant 200 : i32
      %add3A_532 = arith.addi %add3A_531, %add3A_524 : i32
      %get3A_533 = arith.constant 0 : i32
      %get3A_534 = arith.index_cast %get3A_533 : i32 to index
      %get3A_535 = arith.index_cast %add3A_532 : i32 to index
      %get3A_536 = arith.constant 80 : index
      %get3A_537 = tpu.vector_load %arg6[%get3A_534, %get3A_535, %get3A_536] {strides = array<i32>} : memref<2x400x128xf32, #tpu.memory_space<vmem>>, vector<1x1x16xf32>,
      %get3A_538 = vector.shape_cast %get3A_537 : vector<1x1x16xf32> to vector<16xf32>
      %add3A_539 = arith.addf %get3A_530, %get3A_538 : vector<16xf32>
      %swap3A_540 = arith.constant 0 : i32
      %swap3A_541 = arith.index_cast %swap3A_540 : i32 to index
      %swap3A_542 = arith.index_cast %add3A_524 : i32 to index
      %swap3A_543 = arith.constant 80 : index
      %swap3A_544 = tpu.vector_load %arg6[%swap3A_541, %swap3A_542, %swap3A_543] {strides = array<i32>} : memref<2x400x128xf32, #tpu.memory_space<vmem>>, vector<1x1x16xf32>,
      %swap3A_545 = vector.shape_cast %swap3A_544 : vector<1x1x16xf32> to vector<16xf32>
      %swap3A_546 = vector.shape_cast %add3A_539 : vector<16xf32> to vector<1x1x16xf32>
      tpu.vector_store %arg6[%swap3A_541, %swap3A_542, %swap3A_543], %swap3A_546 {strides = array<i32>} : memref<2x400x128xf32, #tpu.memory_space<vmem>>, vector<1x1x16xf32>,
      %mul3A_547 = arith.constant 2 : i32
      %mul3A_548 = arith.muli %scan3A_184, %mul3A_547 : i32
      %add3A_549 = arith.constant 1 : i32
      %add3A_550 = arith.addi %mul3A_548, %add3A_549 : i32
      %get3A_551 = arith.constant 0 : i32
      %get3A_552 = arith.index_cast %get3A_551 : i32 to index
      %get3A_553 = arith.index_cast %add3A_550 : i32 to index
      %get3A_554 = arith.constant 96 : index
      %get3A_555 = tpu.vector_load %arg6[%get3A_552, %get3A_553, %get3A_554] {strides = array<i32>} : memref<2x400x128xf32, #tpu.memory_space<vmem>>, vector<1x1x16xf32>,
      %get3A_556 = vector.shape_cast %get3A_555 : vector<1x1x16xf32> to vector<16xf32>
      %add3A_557 = arith.constant 200 : i32
      %add3A_558 = arith.addi %add3A_557, %add3A_550 : i32
      %get3A_559 = arith.constant 0 : i32
      %get3A_560 = arith.index_cast %get3A_559 : i32 to index
      %get3A_561 = arith.index_cast %add3A_558 : i32 to index
      %get3A_562 = arith.constant 96 : index
      %get3A_563 = tpu.vector_load %arg6[%get3A_560, %get3A_561, %get3A_562] {strides = array<i32>} : memref<2x400x128xf32, #tpu.memory_space<vmem>>, vector<1x1x16xf32>,
      %get3A_564 = vector.shape_cast %get3A_563 : vector<1x1x16xf32> to vector<16xf32>
      %add3A_565 = arith.addf %get3A_556, %get3A_564 : vector<16xf32>
      %swap3A_566 = arith.constant 0 : i32
      %swap3A_567 = arith.index_cast %swap3A_566 : i32 to index
      %swap3A_568 = arith.index_cast %add3A_550 : i32 to index
      %swap3A_569 = arith.constant 96 : index
      %swap3A_570 = tpu.vector_load %arg6[%swap3A_567, %swap3A_568, %swap3A_569] {strides = array<i32>} : memref<2x400x128xf32, #tpu.memory_space<vmem>>, vector<1x1x16xf32>,
      %swap3A_571 = vector.shape_cast %swap3A_570 : vector<1x1x16xf32> to vector<16xf32>
      %swap3A_572 = vector.shape_cast %add3A_565 : vector<16xf32> to vector<1x1x16xf32>
      tpu.vector_store %arg6[%swap3A_567, %swap3A_568, %swap3A_569], %swap3A_572 {strides = array<i32>} : memref<2x400x128xf32, #tpu.memory_space<vmem>>, vector<1x1x16xf32>,
      %mul3A_573 = arith.constant 2 : i32
      %mul3A_574 = arith.muli %scan3A_184, %mul3A_573 : i32
      %add3A_575 = arith.constant 1 : i32
      %add3A_576 = arith.addi %mul3A_574, %add3A_575 : i32
      %get3A_577 = arith.constant 0 : i32
      %get3A_578 = arith.index_cast %get3A_577 : i32 to index
      %get3A_579 = arith.index_cast %add3A_576 : i32 to index
      %get3A_580 = arith.constant 112 : index
      %get3A_581 = tpu.vector_load %arg6[%get3A_578, %get3A_579, %get3A_580] {strides = array<i32>} : memref<2x400x128xf32, #tpu.memory_space<vmem>>, vector<1x1x16xf32>,
      %get3A_582 = vector.shape_cast %get3A_581 : vector<1x1x16xf32> to vector<16xf32>
      %add3A_583 = arith.constant 200 : i32
      %add3A_584 = arith.addi %add3A_583, %add3A_576 : i32
      %get3A_585 = arith.constant 0 : i32
      %get3A_586 = arith.index_cast %get3A_585 : i32 to index
      %get3A_587 = arith.index_cast %add3A_584 : i32 to index
      %get3A_588 = arith.constant 112 : index
      %get3A_589 = tpu.vector_load %arg6[%get3A_586, %get3A_587, %get3A_588] {strides = array<i32>} : memref<2x400x128xf32, #tpu.memory_space<vmem>>, vector<1x1x16xf32>,
      %get3A_590 = vector.shape_cast %get3A_589 : vector<1x1x16xf32> to vector<16xf32>
      %add3A_591 = arith.addf %get3A_582, %get3A_590 : vector<16xf32>
      %swap3A_592 = arith.constant 0 : i32
      %swap3A_593 = arith.index_cast %swap3A_592 : i32 to index
      %swap3A_594 = arith.index_cast %add3A_576 : i32 to index
      %swap3A_595 = arith.constant 112 : index
      %swap3A_596 = tpu.vector_load %arg6[%swap3A_593, %swap3A_594, %swap3A_595] {strides = array<i32>} : memref<2x400x128xf32, #tpu.memory_space<vmem>>, vector<1x1x16xf32>,
      %swap3A_597 = vector.shape_cast %swap3A_596 : vector<1x1x16xf32> to vector<16xf32>
      %swap3A_598 = vector.shape_cast %add3A_591 : vector<16xf32> to vector<1x1x16xf32>
      tpu.vector_store %arg6[%swap3A_593, %swap3A_594, %swap3A_595], %swap3A_598 {strides = array<i32>} : memref<2x400x128xf32, #tpu.memory_space<vmem>>, vector<1x1x16xf32>,
    }
    %scan3A_138 = arith.constant 100 : i32
    %add3A_139 = arith.constant 4800 : i32
    %add3A_140 = arith.addi %mul3A_2, %add3A_139 : i32
    %dma_start3A_141 = arith.constant 0 : i32
    %dma_start3A_142 = arith.constant 0 : i32
    %dma_start3A_143 = arith.constant 0 : i32
    %dma_start3A_144 = tpu.memref_slice %arg6[%dma_start3A_141, %dma_start3A_142, %dma_start3A_143] : memref<2x400x128xf32, #tpu.memory_space<vmem>> -> memref<1x200x128xf32, #tpu.memory_space<vmem>>
    %dma_start3A_145 = tpu.memref_squeeze %dma_start3A_144 : memref<1x200x128xf32, #tpu.memory_space<vmem>> -> memref<200x128xf32, #tpu.memory_space<vmem>>
    %dma_start3A_146 = arith.constant 0 : i32
    %dma_start3A_147 = tpu.memref_slice %arg4[%add3A_140, %dma_start3A_146] : memref<160000x128xf32, #tpu.memory_space<hbm>> -> memref<200x128xf32, #tpu.memory_space<hbm>>
    %dma_start3A_148 = arith.constant 0 : i32
    %dma_start3A_149 = tpu.memref_slice %arg4[%add3A_140, %dma_start3A_148] : memref<160000x128xf32, #tpu.memory_space<hbm>> -> memref<200x128xf32, #tpu.memory_space<hbm>>
    %dma_start3A_150 = arith.constant 0 : i32
    %dma_start3A_151 = arith.constant 0 : i32
    %dma_start3A_152 = tpu.memref_slice %arg6[%dma_start3A_141, %dma_start3A_150, %dma_start3A_151] : memref<2x400x128xf32, #tpu.memory_space<vmem>> -> memref<1x200x128xf32, #tpu.memory_space<vmem>>
    %dma_start3A_153 = tpu.memref_squeeze %dma_start3A_152 : memref<1x200x128xf32, #tpu.memory_space<vmem>> -> memref<200x128xf32, #tpu.memory_space<vmem>>
    tpu.enqueue_dma source(%dma_start3A_153 : memref<200x128xf32, #tpu.memory_space<vmem>>) target(%dma_start3A_149 : memref<200x128xf32, #tpu.memory_space<hbm>>) target_semaphore(%arg9 : memref<!tpu.dma_semaphore, #tpu.memory_space<semaphore_mem>>)
    %add3A_154 = arith.constant 4600 : i32
    %add3A_155 = arith.addi %mul3A_2, %add3A_154 : i32
    %dma_wait3A_156 = arith.constant 1 : i32
    %dma_wait3A_157 = arith.constant 0 : i32
    %dma_wait3A_158 = arith.constant 0 : i32
    %dma_wait3A_159 = tpu.memref_slice %arg6[%dma_wait3A_156, %dma_wait3A_157, %dma_wait3A_158] : memref<2x400x128xf32, #tpu.memory_space<vmem>> -> memref<1x200x128xf32, #tpu.memory_space<vmem>>
    %dma_wait3A_160 = tpu.memref_squeeze %dma_wait3A_159 : memref<1x200x128xf32, #tpu.memory_space<vmem>> -> memref<200x128xf32, #tpu.memory_space<vmem>>
    %dma_wait3A_161 = arith.constant 0 : i32
    %dma_wait3A_162 = tpu.memref_slice %arg4[%add3A_155, %dma_wait3A_161] : memref<160000x128xf32, #tpu.memory_space<hbm>> -> memref<200x128xf32, #tpu.memory_space<hbm>>
    %dma_wait3A_163 = arith.constant 0 : i32
    %dma_wait3A_164 = tpu.memref_slice %arg4[%add3A_155, %dma_wait3A_163] : memref<160000x128xf32, #tpu.memory_space<hbm>> -> memref<200x128xf32, #tpu.memory_space<hbm>>
    %dma_wait3A_165 = arith.constant 0 : i32
    %dma_wait3A_166 = arith.constant 0 : i32
    %dma_wait3A_167 = tpu.memref_slice %arg6[%dma_wait3A_156, %dma_wait3A_165, %dma_wait3A_166] : memref<2x400x128xf32, #tpu.memory_space<vmem>> -> memref<1x200x128xf32, #tpu.memory_space<vmem>>
    %dma_wait3A_168 = tpu.memref_squeeze %dma_wait3A_167 : memref<1x200x128xf32, #tpu.memory_space<vmem>> -> memref<200x128xf32, #tpu.memory_space<vmem>>
    tpu.wait_dma2 semaphore(%arg10 : memref<!tpu.dma_semaphore, #tpu.memory_space<semaphore_mem>>) src(%dma_wait3A_168 : memref<200x128xf32, #tpu.memory_space<vmem>>) dst(%dma_wait3A_164 : memref<200x128xf32, #tpu.memory_space<hbm>>)
    %add3A_169 = arith.constant 4800 : i32
    %add3A_170 = arith.addi %mul3A_2, %add3A_169 : i32
    %dma_wait3A_171 = arith.constant 0 : i32
    %dma_wait3A_172 = arith.constant 0 : i32
    %dma_wait3A_173 = arith.constant 0 : i32
    %dma_wait3A_174 = tpu.memref_slice %arg6[%dma_wait3A_171, %dma_wait3A_172, %dma_wait3A_173] : memref<2x400x128xf32, #tpu.memory_space<vmem>> -> memref<1x200x128xf32, #tpu.memory_space<vmem>>
    %dma_wait3A_175 = tpu.memref_squeeze %dma_wait3A_174 : memref<1x200x128xf32, #tpu.memory_space<vmem>> -> memref<200x128xf32, #tpu.memory_space<vmem>>
    %dma_wait3A_176 = arith.constant 0 : i32
    %dma_wait3A_177 = tpu.memref_slice %arg4[%add3A_170, %dma_wait3A_176] : memref<160000x128xf32, #tpu.memory_space<hbm>> -> memref<200x128xf32, #tpu.memory_space<hbm>>
    %dma_wait3A_178 = arith.constant 0 : i32
    %dma_wait3A_179 = tpu.memref_slice %arg4[%add3A_170, %dma_wait3A_178] : memref<160000x128xf32, #tpu.memory_space<hbm>> -> memref<200x128xf32, #tpu.memory_space<hbm>>
    %dma_wait3A_180 = arith.constant 0 : i32
    %dma_wait3A_181 = arith.constant 0 : i32
    %dma_wait3A_182 = tpu.memref_slice %arg6[%dma_wait3A_171, %dma_wait3A_180, %dma_wait3A_181] : memref<2x400x128xf32, #tpu.memory_space<vmem>> -> memref<1x200x128xf32, #tpu.memory_space<vmem>>
    %dma_wait3A_183 = tpu.memref_squeeze %dma_wait3A_182 : memref<1x200x128xf32, #tpu.memory_space<vmem>> -> memref<200x128xf32, #tpu.memory_space<vmem>>
    tpu.wait_dma2 semaphore(%arg9 : memref<!tpu.dma_semaphore, #tpu.memory_space<semaphore_mem>>) src(%dma_wait3A_183 : memref<200x128xf32, #tpu.memory_space<vmem>>) dst(%dma_wait3A_179 : memref<200x128xf32, #tpu.memory_space<hbm>>)
    return
  }
}

module attributes {stable_mosaic.version = 14 : i64} {
  func.func @_pre_body(%arg0: i32, %arg1: memref<2000x128xf32, #tpu.memory_space<vmem>>, %arg2: memref<128x128xf32, #tpu.memory_space<vmem>>, %arg3: memref<128x128xf32, #tpu.memory_space<vmem>>, %arg4: memref<2x2000x128xf32, #tpu.memory_space<vmem>>) attributes {dimension_semantics = [#tpu.dimension_semantics<arbitrary>], iteration_bounds = array<i64: 5>, scalar_prefetch = 0 : i64, scratch_operands = 0 : i64, tpu.core_type = #tpu.core_type<tc>, window_params = [{transform_indices = @transform_0, window_bounds = array<i64: 2000, 128>}, {pipeline_mode = #tpu.pipeline_mode<synchronous>, transform_indices = @transform_1, window_bounds = array<i64: 128, 128>}, {pipeline_mode = #tpu.pipeline_mode<synchronous>, transform_indices = @transform_2, window_bounds = array<i64: 128, 128>}, {transform_indices = @transform_3, window_bounds = array<i64: 2, 2000, 128>}]} {
    %get3A = arith.constant 0 : index
    %get3A_0 = arith.constant 0 : index
    %get3A_1 = vector.load %arg1[%get3A, %get3A_0] : memref<2000x128xf32, #tpu.memory_space<vmem>>, vector<2000x128xf32>
    %get3A_2 = arith.constant 0 : index
    %get3A_3 = arith.constant 0 : index
    %get3A_4 = vector.load %arg2[%get3A_2, %get3A_3] : memref<128x128xf32, #tpu.memory_space<vmem>>, vector<128x128xf32>
    %dot_general3A = arith.constant dense<0.000000e+00> : vector<2000x128xf32>
    %dot_general3A_5 = tpu.matmul %get3A_1, %get3A_4, %dot_general3A {dimension_numbers = #tpu.dot_dimension_numbers<[1], [0], [0], [1], [0, 0, 1, 1], [], []>, transpose_lhs_hint = false} : vector<2000x128xf32>, vector<128x128xf32>, vector<2000x128xf32> -> vector<2000x128xf32>
    %swap3A = arith.constant 0 : index
    %swap3A_6 = arith.constant 0 : index
    %swap3A_7 = arith.constant 0 : index
    %swap3A_8 = vector.load %arg4[%swap3A, %swap3A_6, %swap3A_7] : memref<2x2000x128xf32, #tpu.memory_space<vmem>>, vector<1x2000x128xf32>
    %swap3A_9 = vector.shape_cast %swap3A_8 : vector<1x2000x128xf32> to vector<2000x128xf32>
    %swap3A_10 = vector.shape_cast %dot_general3A_5 : vector<2000x128xf32> to vector<1x2000x128xf32>
    tpu.vector_store %arg4[%swap3A, %swap3A_6, %swap3A_7], %swap3A_10 {strides = array<i32>} : memref<2x2000x128xf32, #tpu.memory_space<vmem>>, vector<1x2000x128xf32>,
    %get3A_11 = arith.constant 0 : index
    %get3A_12 = arith.constant 0 : index
    %get3A_13 = vector.load %arg1[%get3A_11, %get3A_12] : memref<2000x128xf32, #tpu.memory_space<vmem>>, vector<2000x128xf32>
    %get3A_14 = arith.constant 0 : index
    %get3A_15 = arith.constant 0 : index
    %get3A_16 = vector.load %arg3[%get3A_14, %get3A_15] : memref<128x128xf32, #tpu.memory_space<vmem>>, vector<128x128xf32>
    %dot_general3A_17 = arith.constant dense<0.000000e+00> : vector<2000x128xf32>
    %dot_general3A_18 = tpu.matmul %get3A_13, %get3A_16, %dot_general3A_17 {dimension_numbers = #tpu.dot_dimension_numbers<[1], [0], [0], [1], [0, 0, 1, 1], [], []>, transpose_lhs_hint = false} : vector<2000x128xf32>, vector<128x128xf32>, vector<2000x128xf32> -> vector<2000x128xf32>
    %swap3A_19 = arith.constant 1 : index
    %swap3A_20 = arith.constant 0 : index
    %swap3A_21 = arith.constant 0 : index
    %swap3A_22 = vector.load %arg4[%swap3A_19, %swap3A_20, %swap3A_21] : memref<2x2000x128xf32, #tpu.memory_space<vmem>>, vector<1x2000x128xf32>
    %swap3A_23 = vector.shape_cast %swap3A_22 : vector<1x2000x128xf32> to vector<2000x128xf32>
    %swap3A_24 = vector.shape_cast %dot_general3A_18 : vector<2000x128xf32> to vector<1x2000x128xf32>
    tpu.vector_store %arg4[%swap3A_19, %swap3A_20, %swap3A_21], %swap3A_24 {strides = array<i32>} : memref<2x2000x128xf32, #tpu.memory_space<vmem>>, vector<1x2000x128xf32>,
    return
  }
  func.func @transform_0(%arg0: i32) -> (i32, i32) {
    %c0_i32 = arith.constant 0 : i32
    %c0_i32_0 = arith.constant 0 : i32
    return %arg0, %c0_i32 : i32, i32
  }
  func.func @transform_1(%arg0: i32) -> (i32, i32) {
    %c0_i32 = arith.constant 0 : i32
    %c0_i32_0 = arith.constant 0 : i32
    %c0_i32_1 = arith.constant 0 : i32
    return %c0_i32, %c0_i32_0 : i32, i32
  }
  func.func @transform_2(%arg0: i32) -> (i32, i32) {
    %c0_i32 = arith.constant 0 : i32
    %c0_i32_0 = arith.constant 0 : i32
    %c0_i32_1 = arith.constant 0 : i32
    return %c0_i32, %c0_i32_0 : i32, i32
  }
  func.func @transform_3(%arg0: i32) -> (i32, i32, i32) {
    %c0_i32 = arith.constant 0 : i32
    %c0_i32_0 = arith.constant 0 : i32
    %c0_i32_1 = arith.constant 0 : i32
    return %c0_i32, %arg0, %c0_i32_0 : i32, i32, i32
  }
}

module attributes {stable_mosaic.version = 14 : i64} {
  func.func @_mlp_body_first(%arg0: i32, %arg1: memref<3200x128xf32, #tpu.memory_space<vmem>>, %arg2: memref<16x3200xf32, #tpu.memory_space<vmem>>, %arg3: memref<16x128xf32, #tpu.memory_space<vmem>>, %arg4: memref<1x128xf32, #tpu.memory_space<vmem>>, %arg5: memref<128x128xf32, #tpu.memory_space<vmem>>, %arg6: memref<1x128xf32, #tpu.memory_space<vmem>>, %arg7: memref<3200x128xf32, #tpu.memory_space<vmem>>) attributes {dimension_semantics = [#tpu.dimension_semantics<arbitrary>], iteration_bounds = array<i64: 50>, scalar_prefetch = 0 : i64, scratch_operands = 0 : i64, tpu.core_type = #tpu.core_type<tc>, window_params = [{transform_indices = @transform_0, window_bounds = array<i64: 3200, 128>}, {transform_indices = @transform_1, window_bounds = array<i64: 16, 3200>}, {pipeline_mode = #tpu.pipeline_mode<synchronous>, transform_indices = @transform_2, window_bounds = array<i64: 16, 128>}, {pipeline_mode = #tpu.pipeline_mode<synchronous>, transform_indices = @transform_3, window_bounds = array<i64: 1, 128>}, {pipeline_mode = #tpu.pipeline_mode<synchronous>, transform_indices = @transform_4, window_bounds = array<i64: 128, 128>}, {pipeline_mode = #tpu.pipeline_mode<synchronous>, transform_indices = @transform_5, window_bounds = array<i64: 1, 128>}, {transform_indices = @transform_6, window_bounds = array<i64: 3200, 128>}]} {
    %get3A = arith.constant 0 : index
    %get3A_0 = arith.constant 0 : index
    %get3A_1 = vector.load %arg1[%get3A, %get3A_0] : memref<3200x128xf32, #tpu.memory_space<vmem>>, vector<3200x128xf32>
    %get3A_2 = arith.constant 0 : index
    %get3A_3 = arith.constant 0 : index
    %get3A_4 = vector.load %arg2[%get3A_2, %get3A_3] : memref<16x3200xf32, #tpu.memory_space<vmem>>, vector<16x3200xf32>
    %get3A_5 = arith.constant 0 : index
    %get3A_6 = arith.constant 0 : index
    %get3A_7 = vector.load %arg3[%get3A_5, %get3A_6] : memref<16x128xf32, #tpu.memory_space<vmem>>, vector<16x128xf32>
    %dot_general3A = arith.constant dense<0.000000e+00> : vector<3200x128xf32>
    %dot_general3A_8 = tpu.matmul %get3A_4, %get3A_7, %dot_general3A {dimension_numbers = #tpu.dot_dimension_numbers<[0], [0], [1], [1], [0, 1, 1, 1], [], []>, transpose_lhs_hint = false} : vector<16x3200xf32>, vector<16x128xf32>, vector<3200x128xf32> -> vector<3200x128xf32>
    %add3A = arith.addf %get3A_1, %dot_general3A_8 : vector<3200x128xf32>
    %get3A_9 = arith.constant 0 : index
    %get3A_10 = arith.constant 0 : index
    %get3A_11 = vector.load %arg4[%get3A_9, %get3A_10] : memref<1x128xf32, #tpu.memory_space<vmem>>, vector<1x128xf32>
    %add3A_12 = vector.broadcast %get3A_11 : vector<1x128xf32> to vector<3200x128xf32>
    %add3A_13 = arith.addf %add3A, %add3A_12 : vector<3200x128xf32>
    %mul3A = arith.constant 5.000000e-01 : f32
    %mul3A_14 = vector.broadcast %mul3A : f32 to vector<3200x128xf32>
    %mul3A_15 = arith.mulf %mul3A_14, %add3A_13 : vector<3200x128xf32>
    %mul3A_16 = arith.constant 0.707106769 : f32
    %mul3A_17 = vector.broadcast %mul3A_16 : f32 to vector<3200x128xf32>
    %mul3A_18 = arith.mulf %add3A_13, %mul3A_17 : vector<3200x128xf32>
    %erf3A = math.erf %mul3A_18 : vector<3200x128xf32>
    %add3A_19 = arith.constant 1.000000e+00 : f32
    %add3A_20 = vector.broadcast %add3A_19 : f32 to vector<3200x128xf32>
    %add3A_21 = arith.addf %add3A_20, %erf3A : vector<3200x128xf32>
    %mul3A_22 = arith.mulf %mul3A_15, %add3A_21 : vector<3200x128xf32>
    %get3A_23 = arith.constant 0 : index
    %get3A_24 = arith.constant 0 : index
    %get3A_25 = vector.load %arg5[%get3A_23, %get3A_24] : memref<128x128xf32, #tpu.memory_space<vmem>>, vector<128x128xf32>
    %dot_general3A_26 = arith.constant dense<0.000000e+00> : vector<3200x128xf32>
    %dot_general3A_27 = tpu.matmul %mul3A_22, %get3A_25, %dot_general3A_26 {dimension_numbers = #tpu.dot_dimension_numbers<[1], [0], [0], [1], [0, 0, 1, 1], [], []>, transpose_lhs_hint = false} : vector<3200x128xf32>, vector<128x128xf32>, vector<3200x128xf32> -> vector<3200x128xf32>
    %get3A_28 = arith.constant 0 : index
    %get3A_29 = arith.constant 0 : index
    %get3A_30 = vector.load %arg6[%get3A_28, %get3A_29] : memref<1x128xf32, #tpu.memory_space<vmem>>, vector<1x128xf32>
    %add3A_31 = vector.broadcast %get3A_30 : vector<1x128xf32> to vector<3200x128xf32>
    %add3A_32 = arith.addf %dot_general3A_27, %add3A_31 : vector<3200x128xf32>
    %swap3A = arith.constant 0 : index
    %swap3A_33 = arith.constant 0 : index
    %swap3A_34 = vector.load %arg7[%swap3A, %swap3A_33] : memref<3200x128xf32, #tpu.memory_space<vmem>>, vector<3200x128xf32>
    tpu.vector_store %arg7[%swap3A, %swap3A_33], %add3A_32 {strides = array<i32>} : memref<3200x128xf32, #tpu.memory_space<vmem>>, vector<3200x128xf32>,
    return
  }
  func.func @transform_0(%arg0: i32) -> (i32, i32) {
    %c0_i32 = arith.constant 0 : i32
    %c0_i32_0 = arith.constant 0 : i32
    return %arg0, %c0_i32 : i32, i32
  }
  func.func @transform_1(%arg0: i32) -> (i32, i32) {
    %add3A = arith.constant 0 : i32
    %add3A_0 = arith.addi %arg0, %add3A : i32
    %c0_i32 = arith.constant 0 : i32
    %c0_i32_1 = arith.constant 0 : i32
    return %c0_i32, %add3A_0 : i32, i32
  }
  func.func @transform_2(%arg0: i32) -> (i32, i32) {
    %c0_i32 = arith.constant 0 : i32
    %c0_i32_0 = arith.constant 0 : i32
    %c0_i32_1 = arith.constant 0 : i32
    return %c0_i32, %c0_i32_0 : i32, i32
  }
  func.func @transform_3(%arg0: i32) -> (i32, i32) {
    %c0_i32 = arith.constant 0 : i32
    %c0_i32_0 = arith.constant 0 : i32
    %c0_i32_1 = arith.constant 0 : i32
    return %c0_i32, %c0_i32_0 : i32, i32
  }
  func.func @transform_4(%arg0: i32) -> (i32, i32) {
    %c0_i32 = arith.constant 0 : i32
    %c0_i32_0 = arith.constant 0 : i32
    %c0_i32_1 = arith.constant 0 : i32
    return %c0_i32, %c0_i32_0 : i32, i32
  }
  func.func @transform_5(%arg0: i32) -> (i32, i32) {
    %c0_i32 = arith.constant 0 : i32
    %c0_i32_0 = arith.constant 0 : i32
    %c0_i32_1 = arith.constant 0 : i32
    return %c0_i32, %c0_i32_0 : i32, i32
  }
  func.func @transform_6(%arg0: i32) -> (i32, i32) {
    %add3A = arith.constant 0 : i32
    %add3A_0 = arith.addi %arg0, %add3A : i32
    %c0_i32 = arith.constant 0 : i32
    %c0_i32_1 = arith.constant 0 : i32
    return %add3A_0, %c0_i32 : i32, i32
  }
}

module attributes {stable_mosaic.version = 14 : i64} {
  func.func @_mlp_body_second(%arg0: i32, %arg1: memref<320000x128xf32, #tpu.memory_space<any>>, %arg2: memref<3200x128xf32, #tpu.memory_space<vmem>>, %arg3: memref<16x3200xf32, #tpu.memory_space<vmem>>, %arg4: memref<16x128xf32, #tpu.memory_space<vmem>>, %arg5: memref<1x128xf32, #tpu.memory_space<vmem>>, %arg6: memref<128x128xf32, #tpu.memory_space<vmem>>, %arg7: memref<1x128xf32, #tpu.memory_space<vmem>>, %arg8: memref<3200x128xf32, #tpu.memory_space<vmem>>) attributes {dimension_semantics = [#tpu.dimension_semantics<arbitrary>], iteration_bounds = array<i64: 50>, scalar_prefetch = 0 : i64, scratch_operands = 0 : i64, tpu.core_type = #tpu.core_type<tc>, window_params = [{}, {transform_indices = @transform_1, window_bounds = array<i64: 3200, 128>}, {transform_indices = @transform_2, window_bounds = array<i64: 16, 3200>}, {pipeline_mode = #tpu.pipeline_mode<synchronous>, transform_indices = @transform_3, window_bounds = array<i64: 16, 128>}, {pipeline_mode = #tpu.pipeline_mode<synchronous>, transform_indices = @transform_4, window_bounds = array<i64: 1, 128>}, {pipeline_mode = #tpu.pipeline_mode<synchronous>, transform_indices = @transform_5, window_bounds = array<i64: 128, 128>}, {pipeline_mode = #tpu.pipeline_mode<synchronous>, transform_indices = @transform_6, window_bounds = array<i64: 1, 128>}, {transform_indices = @transform_7, window_bounds = array<i64: 3200, 128>}]} {
    %get3A = arith.constant 0 : index
    %get3A_0 = arith.constant 0 : index
    %get3A_1 = vector.load %arg2[%get3A, %get3A_0] : memref<3200x128xf32, #tpu.memory_space<vmem>>, vector<3200x128xf32>
    %get3A_2 = arith.constant 0 : index
    %get3A_3 = arith.constant 0 : index
    %get3A_4 = vector.load %arg3[%get3A_2, %get3A_3] : memref<16x3200xf32, #tpu.memory_space<vmem>>, vector<16x3200xf32>
    %get3A_5 = arith.constant 0 : index
    %get3A_6 = arith.constant 0 : index
    %get3A_7 = vector.load %arg4[%get3A_5, %get3A_6] : memref<16x128xf32, #tpu.memory_space<vmem>>, vector<16x128xf32>
    %dot_general3A = arith.constant dense<0.000000e+00> : vector<3200x128xf32>
    %dot_general3A_8 = tpu.matmul %get3A_4, %get3A_7, %dot_general3A {dimension_numbers = #tpu.dot_dimension_numbers<[0], [0], [1], [1], [0, 1, 1, 1], [], []>, transpose_lhs_hint = false} : vector<16x3200xf32>, vector<16x128xf32>, vector<3200x128xf32> -> vector<3200x128xf32>
    %add3A = arith.addf %get3A_1, %dot_general3A_8 : vector<3200x128xf32>
    %get3A_9 = arith.constant 0 : index
    %get3A_10 = arith.constant 0 : index
    %get3A_11 = vector.load %arg5[%get3A_9, %get3A_10] : memref<1x128xf32, #tpu.memory_space<vmem>>, vector<1x128xf32>
    %add3A_12 = vector.broadcast %get3A_11 : vector<1x128xf32> to vector<3200x128xf32>
    %add3A_13 = arith.addf %add3A, %add3A_12 : vector<3200x128xf32>
    %mul3A = arith.constant 5.000000e-01 : f32
    %mul3A_14 = vector.broadcast %mul3A : f32 to vector<3200x128xf32>
    %mul3A_15 = arith.mulf %mul3A_14, %add3A_13 : vector<3200x128xf32>
    %mul3A_16 = arith.constant 0.707106769 : f32
    %mul3A_17 = vector.broadcast %mul3A_16 : f32 to vector<3200x128xf32>
    %mul3A_18 = arith.mulf %add3A_13, %mul3A_17 : vector<3200x128xf32>
    %erf3A = math.erf %mul3A_18 : vector<3200x128xf32>
    %add3A_19 = arith.constant 1.000000e+00 : f32
    %add3A_20 = vector.broadcast %add3A_19 : f32 to vector<3200x128xf32>
    %add3A_21 = arith.addf %add3A_20, %erf3A : vector<3200x128xf32>
    %mul3A_22 = arith.mulf %mul3A_15, %add3A_21 : vector<3200x128xf32>
    %get3A_23 = arith.constant 0 : index
    %get3A_24 = arith.constant 0 : index
    %get3A_25 = vector.load %arg6[%get3A_23, %get3A_24] : memref<128x128xf32, #tpu.memory_space<vmem>>, vector<128x128xf32>
    %dot_general3A_26 = arith.constant dense<0.000000e+00> : vector<3200x128xf32>
    %dot_general3A_27 = tpu.matmul %mul3A_22, %get3A_25, %dot_general3A_26 {dimension_numbers = #tpu.dot_dimension_numbers<[1], [0], [0], [1], [0, 0, 1, 1], [], []>, transpose_lhs_hint = false} : vector<3200x128xf32>, vector<128x128xf32>, vector<3200x128xf32> -> vector<3200x128xf32>
    %get3A_28 = arith.constant 0 : index
    %get3A_29 = arith.constant 0 : index
    %get3A_30 = vector.load %arg7[%get3A_28, %get3A_29] : memref<1x128xf32, #tpu.memory_space<vmem>>, vector<1x128xf32>
    %add3A_31 = vector.broadcast %get3A_30 : vector<1x128xf32> to vector<3200x128xf32>
    %add3A_32 = arith.addf %dot_general3A_27, %add3A_31 : vector<3200x128xf32>
    %swap3A = arith.constant 0 : index
    %swap3A_33 = arith.constant 0 : index
    %swap3A_34 = vector.load %arg8[%swap3A, %swap3A_33] : memref<3200x128xf32, #tpu.memory_space<vmem>>, vector<3200x128xf32>
    tpu.vector_store %arg8[%swap3A, %swap3A_33], %add3A_32 {strides = array<i32>} : memref<3200x128xf32, #tpu.memory_space<vmem>>, vector<3200x128xf32>,
    return
  }
  func.func @transform_1(%arg0: i32) -> (i32, i32) {
    %c0_i32 = arith.constant 0 : i32
    %c0_i32_0 = arith.constant 0 : i32
    return %arg0, %c0_i32 : i32, i32
  }
  func.func @transform_2(%arg0: i32) -> (i32, i32) {
    %add3A = arith.constant 50 : i32
    %add3A_0 = arith.addi %arg0, %add3A : i32
    %c0_i32 = arith.constant 0 : i32
    %c0_i32_1 = arith.constant 0 : i32
    return %c0_i32, %add3A_0 : i32, i32
  }
  func.func @transform_3(%arg0: i32) -> (i32, i32) {
    %c0_i32 = arith.constant 0 : i32
    %c0_i32_0 = arith.constant 0 : i32
    %c0_i32_1 = arith.constant 0 : i32
    return %c0_i32, %c0_i32_0 : i32, i32
  }
  func.func @transform_4(%arg0: i32) -> (i32, i32) {
    %c0_i32 = arith.constant 0 : i32
    %c0_i32_0 = arith.constant 0 : i32
    %c0_i32_1 = arith.constant 0 : i32
    return %c0_i32, %c0_i32_0 : i32, i32
  }
  func.func @transform_5(%arg0: i32) -> (i32, i32) {
    %c0_i32 = arith.constant 0 : i32
    %c0_i32_0 = arith.constant 0 : i32
    %c0_i32_1 = arith.constant 0 : i32
    return %c0_i32, %c0_i32_0 : i32, i32
  }
  func.func @transform_6(%arg0: i32) -> (i32, i32) {
    %c0_i32 = arith.constant 0 : i32
    %c0_i32_0 = arith.constant 0 : i32
    %c0_i32_1 = arith.constant 0 : i32
    return %c0_i32, %c0_i32_0 : i32, i32
  }
  func.func @transform_7(%arg0: i32) -> (i32, i32) {
    %add3A = arith.constant 50 : i32
    %add3A_0 = arith.addi %arg0, %add3A : i32
    %c0_i32 = arith.constant 0 : i32
    %c0_i32_1 = arith.constant 0 : i32
    return %add3A_0, %c0_i32 : i32, i32
  }
}

</mosaic_0001>

<sc_bundles>
// kernel: kernel.10.cloned.1.call-start
scs
__scs_entry_jumppad:
0x0: {  	(pc) =	sbr.rel $0x88, $3  }
0x1: {  	(tag) =	ssettag $0x0;
	lr =	simm.s32 $0x1  }
0x2: {  	[smem:$0x3F9A] =	sst lr;
	_ =	strace $0xD0000000  }
0x3: {  	_ = 	snop  }
0x4: {  	_ = 	snop  }
0x5: {  	_ = 	snop  }
0x6: {  	_ = 	snop  }
0x7: {  	_ = 	snop  }
__scs_overlays_trampoline_lowered:
0x8: {  	[smem:$0x3FA9] =	sst s0  }
0x9: {  	[smem:$0x3FAA] =	sst s1  }
0xa: {  	[smem:$0x3FAB] =	sst s2  }
0xb: {  	[smem:$0x3FAC] =	sst s3  }
0xc: {  	[smem:$0x3FAD] =	sst s4  }
0xd: {  	[smem:$0x3FAE] =	sst s5  }
0xe: {  	[smem:$0x3FAF] =	sst s6  }
0xf: {  	[smem:$0x3FB0] =	sst s7  }
0x10: {  	[smem:$0x3FB1] =	sst s8  }
0x11: {  	[smem:$0x3FB2] =	sst s9;
	s0 =	simm.s32 @!p0 $0x0  }
0x12: {  	s1 =	sld [smem:$0x3F98];
	s0 =	simm.s32 @p0 $0x1  }
0x13: {  	[smem:$0x3FB3] =	sst s0;
	s0 =	simm.s32 @!p1 $0x0  }
0x14: {  	s2 =	sld [smem:$0x3F97];
	s0 =	simm.s32 @p1 $0x1  }
0x15: {  	[smem:$0x3FB4] =	sst s0;
	s0 =	simm.s32 @!p2 $0x0  }
0x16: {  	s3 =	sld [smem:$0x3FDB];
	s0 =	simm.s32 @p2 $0x1  }
0x17: {  	s4 =	simm.s32 $0x1BF5;
	[smem:$0x3FB6] =	sst s0  }
0x18: {  	s0 =	sld [smem:$0x3F99];
	_ =	swait.ge [sflag:s4], $0x0  }
0x19: {  	s7 =	sld [smem:$0x3F9A]  }
0x1a: {  	s8 =	sadd.s32 $0xFFFFE003, lr  }
0x1b: {  	s9 =	sadd.s32 $0xFFFFFEF7, lr;
	s5 =	simm.s32 $0xFFFFFFFF;
	p2 =	slt.u32 s8, $0xFFFFF086  }
0x1c: {  	p1 =	slt.u32 s9, $0xF7A;
	s5 =	simm.s32 @!p2 $0x0  }
0x1d: {  	s5 =	simm.s32 @p1 $0x1;
	p0 =	seq.s32 s7, s2  }
0x1e: {  	s7 =	smul.u32 @!p0 $0xF7A, s2;
	p2 =	seq.s32 @!p0 s5, $0x0  }
0x1f: {  	s9 =	smul.u32 $0xF7A, s1;
	s8 =	simm.s32 @!p0 $0x1BF5;
	p2 =	por !p2, p0  }
0x20: {  	[sflag:s8] =	ssyncset.s32 @!p0 $0xFFFFF086;
	s6 =	sadd.s32 @!p0 s3, s7;
	s7 =	simm.s32 @!p0 $0x108  }
0x21: {  	s3 =	sadd.s32 s3, s9;
	s6 =	sadd.s32 @!p0 $0x88, s6;
	s7 =	simm.s32 @p2 $0x1082  }
0x22: {  	[simem:s7], [sflag:s8] =	dma.local @!p0 [hbm:s6], $0xF7A  }
0x23: {  	s9 =	sor.u32 $0xD0000000, s2;
	s6 =	simm.s32 $0x108;
	_ =	swait.ge @!p0 [sflag:s8], $0x0  }
0x24: {  	s3 =	sadd.s32 $0x88, s3;
	s6 =	simm.s32 @!p1 $0x1082;
	[sflag:s4] =	ssyncset.s32 $0xFFFFF086  }
0x25: {  	[simem:s6], [sflag:s4] =	dma.local [hbm:s3], $0xF7A  }
0x26: {  	[smem:$0x3F9A] =	sst s1;
	(tag) =	ssettag s2;
	_ =	strace s9  }
0x27: {  	s1 =	sld [smem:$0x3FAA]  }
0x28: {  	s2 =	sld [smem:$0x3FAB]  }
0x29: {  	s4 =	sld [smem:$0x3FAD]  }
0x2a: {  	p0 =	seq.s32 s5, $0x0;
	s5 =	sld [smem:$0x3FAE]  }
0x2b: {  	s6 =	sld [smem:$0x3FAF]  }
0x2c: {  	s7 =	sld [smem:$0x3FB0]  }
0x2d: {  	s3 =	simm.s32 $0x108;
	s8 =	sld [smem:$0x3FB1]  }
0x2e: {  	s3 =	simm.s32 @!p0 $0x1082;
	s9 =	sld [smem:$0x3FB2]  }
0x2f: {  	lr =	sadd.s32 s0, s3;
	s0 =	sld [smem:$0x3FA9]  }
0x30: {  	s3 =	sld [smem:$0x3FAC]  }
0x31: {  	[smem:$0x3FB5] =	sst s10  }
0x32: {  	s10 =	sld [smem:$0x3FB3];
	_ =	sdelay $0x3  }
0x33: {  	p0 =	seq.s32 s10, $0x1;
	s10 =	sld [smem:$0x3FB5];
	_ =	sdelay $0x3  }
0x34: {  	[smem:$0x3FB5] =	sst s10  }
0x35: {  	s10 =	sld [smem:$0x3FB4];
	_ =	sdelay $0x3  }
0x36: {  	p1 =	seq.s32 s10, $0x1;
	s10 =	sld [smem:$0x3FB5];
	_ =	sdelay $0x3  }
0x37: {  	[smem:$0x3FB5] =	sst s10  }
0x38: {  	s10 =	sld [smem:$0x3FB6]  }
0x39: {  	_ = 	snop;
	(pc) =	sbr.ind lr, $3  }
0x3a: {  	_ = 	snop  }
0x3b: {  	_ = 	snop  }
0x3c: {  	p2 =	seq.s32 s10, $0x1;
	s10 =	sld [smem:$0x3FB5]  }
0x3d: {  	_ =	shalt  }
0x3e: {  	_ =	shalt  }
0x3f: {  	_ =	shalt  }
0x40: {  	_ =	shalt  }
0x41: {  	_ =	shalt  }
0x42: {  	_ =	shalt  }
0x43: {  	_ =	shalt  }
0x44: {  	_ =	shalt  }
0x45: {  	_ =	shalt  }
0x46: {  	_ =	shalt  }
0x47: {  	_ =	shalt  }
0x48: {  	_ =	shalt  }
0x49: {  	_ =	shalt  }
0x4a: {  	_ =	shalt  }
0x4b: {  	_ =	shalt  }
0x4c: {  	_ =	shalt  }
0x4d: {  	_ =	shalt  }
0x4e: {  	_ =	shalt  }
0x4f: {  	_ =	shalt  }
0x50: {  	_ =	shalt  }
0x51: {  	_ =	shalt  }
0x52: {  	_ =	shalt  }
0x53: {  	_ =	shalt  }
0x54: {  	_ =	shalt  }
0x55: {  	_ =	shalt  }
0x56: {  	_ =	shalt  }
0x57: {  	_ =	shalt  }
0x58: {  	_ =	shalt  }
0x59: {  	_ =	shalt  }
0x5a: {  	_ =	shalt  }
0x5b: {  	_ =	shalt  }
0x5c: {  	_ =	shalt  }
0x5d: {  	_ =	shalt  }
0x5e: {  	_ =	shalt  }
0x5f: {  	_ =	shalt  }
0x60: {  	_ =	shalt  }
0x61: {  	_ =	shalt  }
0x62: {  	_ =	shalt  }
0x63: {  	_ =	shalt  }
0x64: {  	_ =	shalt  }
0x65: {  	_ =	shalt  }
0x66: {  	_ =	shalt  }
0x67: {  	_ =	shalt  }
0x68: {  	_ =	shalt  }
0x69: {  	_ =	shalt  }
0x6a: {  	_ =	shalt  }
0x6b: {  	_ =	shalt  }
0x6c: {  	_ =	shalt  }
0x6d: {  	_ =	shalt  }
0x6e: {  	_ =	shalt  }
0x6f: {  	_ =	shalt  }
0x70: {  	_ =	shalt  }
0x71: {  	_ =	shalt  }
0x72: {  	_ =	shalt  }
0x73: {  	_ =	shalt  }
0x74: {  	_ =	shalt  }
0x75: {  	_ =	shalt  }
0x76: {  	_ =	shalt  }
0x77: {  	_ =	shalt  }
0x78: {  	_ =	shalt  }
0x79: {  	_ =	shalt  }
0x7a: {  	_ =	shalt  }
0x7b: {  	_ =	shalt  }
0x7c: {  	_ =	shalt  }
0x7d: {  	_ =	shalt  }
0x7e: {  	_ =	shalt  }
0x7f: {  	_ =	shalt  }
0x80: {  	_ =	shalt  }
0x81: {  	_ =	shalt  }
0x82: {  	_ =	shalt  }
0x83: {  	_ =	shalt  }
0x84: {  	_ =	shalt  }
0x85: {  	_ =	shalt  }
0x86: {  	_ =	shalt  }
0x87: {  	_ =	shalt  }
.Lfunc_end0:
.L_simem_size_0:
called_computation.1_lowered:
.L_overlay_start_0:
0x88: {  	s2 =	sld [smem:$0x3FD9]  }
0x89: {  	s3 =	sld [smem:$0x3FFE];
	_ =	sdelay $0x1  }
0x8a: {  	s1 =	srdreg.scid  }
0x8b: {  	s0 =	sand.u32 $0x1, s1  }
0x8c: {  	s17 =	sshll.u32 s0, $0xA;
	s2 =	sadd.s32 s3, s2  }
0x8d: {  	s2 =	sadd.s32 s2, s17  }
0x8e: {  	[smem:$0x3FC1] =	sst s2  }
0x8f: {  	_ = 	snop  }
0x90: {  	(tm) =	ssettm $0x1  }
0x91: {  	s18 =	sld [smem:$0x3FFB];
	_ =	sdelay $0x3  }
0x92: {  	_ =	strace s18  }
0x93: {  	s2 =	sld [smem:$0x3FFC];
	_ =	sdelay $0x3  }
0x94: {  	_ =	strace s2  }
0x95: {  	s2 =	sld [smem:$0x3FFD];
	_ =	sdelay $0x3  }
0x96: {  	_ =	strace s2  }
0x97: {  	_ =	strace $0x8FFFFFFF  }
0x98: {  	s19 =	sld [smem:$0x3FDB];
	_ =	sdelay $0x1  }
0x99: {  	s20 =	simm.s32 $_scs_section_size  }
0x9a: {  	s4 =	simm.s32 $_size__tile_overlayer_lowered;
	s5 =	simm.s32 $_tile_overlayer_lowered  }
0x9b: {  	s6 =	simm.s32 $0x1BFF;
	s21 =	sshll.u32 s5, $0x1;
	s3 =	sadd.s32 s20, s19  }
0x9c: {  	s22 =	simm.s32 $0x0;
	s4 =	sshll.u32 s4, $0x1;
	s5 =	sadd.s32 s21, s3  }
0x9d: {  	[timem:s22], [sflag:s6] =	dma.local [hbm:s5], s4  }
0x9e: {  	_ =	swait.ge [sflag:s6], s4  }
0x9f: {  	s4 =	ssub.s32 $0x0, s4;
	[sflag:s6] =	ssyncset.done $0x0  }
0xa0: {  	[sflag:s6] =	ssyncadd.s32 s4;
	_ =	sdelay $0x1  }
0xa1: {  	s23 =	simm.s32 $0x1B8B  }
0xa2: {  	_ =	swait.ge [sflag:s23], $0x1  }
0xa3: {  	[sflag:s23] =	ssyncset.done $0x0  }
0xa4: {  	[sflag:s23] =	ssyncadd.s32 $0xFFFFFFFF  }
0xa5: {  	s4 =	sld [smem:$0x0]  }
0xa6: {  	s5 =	sand.u32 $0xFFFFFFFE, s1  }
0xa7: {  	p0 =	sne.s32 s1, s5  }
0xa8: {  	s5 =	sshll.u32 @p0 s5, $0xE  }
0xa9: {  	s5 =	sadd.s32 @p0 $0x11B8D, s5;
	s6 =	sshll.u32 @p0 s4, $0x11  }
0xaa: {  	s5 =	sor.u32 @p0 s6, s5  }
0xab: {  	[sflag:s5] =	ssyncadd.remote.s32 @p0 $0x1;
	_ =	sdelay $0x1  }
0xac: {  	s5 =	simm.s32 @p0 $0x1B8D  }
0xad: {  	_ =	swait.eq @p0 [sflag:s5], $0x1  }
0xae: {  	[sflag:s5] =	ssyncadd.s32 @p0 $0xFFFFFFFF  }
0xaf: {  	s6 =	sshll.u32 @!p0 s1, $0xE  }
0xb0: {  	s6 =	sor.u32 @!p0 $0x4000, s6;
	s5 =	simm.s32 @!p0 $0x1B8D  }
0xb1: {  	s4 =	sshll.u32 @!p0 s4, $0x11;
	s6 =	sadd.s32 @!p0 $0x11B8D, s6;
	_ =	swait.eq @!p0 [sflag:s5], $0x1  }
0xb2: {  	s4 =	sor.u32 @!p0 s4, s6;
	[sflag:s5] =	ssyncadd.s32 @!p0 $0xFFFFFFFF  }
0xb3: {  	s25 =	simm.s32 $0x1B8E;
	s24 =	sld [smem:$0x3FFE];
	[sflag:s4] =	ssyncadd.remote.s32 @!p0 $0x1  }
0xb4: {  	s26 =	simm.s32 $execute0_lowered;
	[smem:$0x3FD2] =	sst s25  }
0xb5: {  	s5 =	sshll.u32 s26, $0x1;
	_ =	strace $0x80000049;
	[dreg:$0x1] =	wrdreg $0xFFFFFFFF  }
0xb6: {  	s28 =	simm.s32 $_size_execute0_lowered;
	s3 =	sadd.s32 s3, s5;
	[dreg:$0x0] =	wrdreg $0x0  }
0xb7: {  	s5 =	sshll.u32 s28, $0x1;
	[dreg:$0x2] =	wrdreg s3  }
0xb8: {  	[dreg:$0x3] =	wrdreg s5  }
0xb9: {  	[dreg:$0x4] =	wrdreg $0xC0  }
0xba: {  	_ =	task [dreg:s22], $0x5FFFF  }
0xbb: {  	[dreg:$0x1] =	wrdreg $0xFFFFFFFF  }
0xbc: {  	[dreg:$0x0] =	wrdreg $0x60  }
0xbd: {  	[dreg:$0x2] =	wrdreg s24  }
0xbe: {  	[dreg:$0x3] =	wrdreg $0xA  }
0xbf: {  	_ =	task.clear_ibuf [dreg:s22], $0x4FFFF;
	_ =	strace $0x90000049  }
0xc0: {  	s29 =	simm.s32 $0xA;
	_ =	strace $0x8000004B  }
0xc1: {  	_ =	swait.ge [sflag:s29], $0x1  }
0xc2: {  	[sflag:s29] =	ssyncadd.s32 $0xFFFFFFFF  }
0xc3: {  	_ =	strace $0x9000004B  }
0xc4: {  	_ =	sfence  }
0xc5: {  	s30 =	sld [smem:$0x0];
	_ =	sdelay $0x2  }
0xc6: {  	s31 =	sshll.u32 s1, $0xD;
	s1 =	sshrl.u32 s1, $0x2  }
0xc7: {  	s4 =	sand.u32 $0x4000, s31;
	s1 =	sadd.s32 s1, s30  }
0xc8: {  	s0 =	sor.u32 s4, s0;
	s1 =	sshll.u32 s1, $0x11  }
0xc9: {  	s0 =	sor.u32 s1, s0  }
0xca: {  	s0 =	sadd.s32 $0x8F2B, s0  }
0xcb: {  	[sflag:s0] =	ssyncadd.remote.s32 $0x1  }
0xcc: {  	_ =	sfence.sel $0xFFFF  }
0xcd: {  	[dreg:$0x0] =	wrdreg $0xFFFFFFFF;
	(pc) =	sbr.abs _section_cstart, $3  }
0xce: {  	[dreg:$0x1] =	wrdreg $0xFFFFFFFF  }
0xcf: {  	_ =	task.clear_ibuf [dreg:s22], $0x2FFFF;
	_ =	strace $0x9FFFFFFF  }
0xd0: {  	(tm) =	ssettm $0x7FFFFFFF  }
0xd1: {  	_ =	shalt  }
tec
execute0_lowered:
.L_overlay_start_1:
0x0: {  	(tag) =	ssettag $0x1  }
0x1: {  	s1 =	srdreg.scid  }
0x2: {  	s0 =	stileid.u32;
	s4 =	rddreg [dreg:$0x0]  }
0x3: {  	s2 =	simm.s32 $0x0;
	s9 =	simm.s32 $0x5;
	s10 =	simm.s32 $0x64  }
0x4: {  	s11 =	simm.s32 $0x3200;
	s12 =	simm.s32 $0x6400;
	s13 =	simm.s32 $0x9600  }
0x5: {  	s14 =	simm.s32 $0xC800;
	s15 =	simm.s32 $0xFA00;
	s16 =	simm.s32 $0x12C00  }
0x6: {  	s17 =	simm.s32 $0x15E00;
	s18 =	simm.s32 $0x19000;
	s19 =	simm.s32 $0x1  }
0x7: {  	s20 =	simm.s32 $0x2;
	s21 =	simm.s32 $0x3;
	s22 =	simm.s32 $0x3000  }
0x8: {  	s23 =	simm.s32 $0x3080;
	s1 =	sand.u32 $0x1, s1;
	s3 =	sshll.u32 s0, $0x1  }
0x9: {  	s24 =	simm.s32 $0x3100;
	s25 =	simm.s32 $0x3180;
	s5 =	sor.u32 s1, s3  }
0xa: {  	s26 =	simm.s32 $0x4;
	s28 =	simm.s32 $0x0;
	s6 =	smul.u32 $0x640, s5  }
0xb: {  	[smem:$0x7FF] =	sst s2;
	s1 =	ssub.s32 $0x2, s1;
	s7 =	smul.u32 $0x9C400, s5  }
0xc: {  	_ =	strace $0x8000004A;
	s3 =	sadd.s32 $0x1800, s4;
	s8 =	sshrl.u32 s1, $0x1  }
0xd: {  	s6 =	sadd.s32 s6, s4;
	s4 =	sadd.s32 $0x2CD200, s4;
	s7 =	sshrl.u32 s7, $0x3  }
0xe: {  	s5 =	smul.u32 $0x1388, s5;
	s1 =	ssub.s32 s1, s8;
	s7 =	sadd.s32 s4, s7  }
0xf: {  	s8 =	smax.u32 s1, $0x1;
	s6 =	sadd.s32 $0x2C0A00, s6;
	s7 =	sadd.s32 $0x12C00, s7  }
.LBB2_1:
0x10: {  	[tilespmem:s2], [sflag:$0x5] =	stream.linear.gather [hbm4b:s6+s2], $0x3200, $0x38;
	[tilespmem:$0x1C200] =	vst v63  }
0x11: {  	_ =	swait.ge [sflag:s9], $0x3200  }
0x12: {  	[sflag:s9] =	ssyncset.done $0x0  }
0x13: {  	s29 =	simm.s32 $0x0;
	[sflag:s9] =	ssyncadd.s32 $0xFFFFCE00  }
.LBB2_2:
0x14: {  	p0 =	seq.s32 s29, $0x0  }
0x15: {  	s1 =	simm.s32 @!p0 $0x3  }
0x16: {  	_ =	swait.ge @!p0 [sflag:s1], $0x6400  }
0x17: {  	s30 =	sshll.u32 s29, $0xA;
	[sflag:s1] =	ssyncset.done @!p0 $0x0  }
0x18: {  	s0 =	sand.u32 $0x3FFFFC00, s30;
	[sflag:s1] =	ssyncadd.s32 @!p0 $0xFFFF9C00  }
0x19: {  	[tilespmem:s11], [sflag:$0x1] =	stream.indirect.gather [hbm4b:s3+s10], $0x80, s0, s10, $0xb8;
	[tilespmem:$0x1C200] =	vst v63  }
0x1a: {  	s30 =	sor.u32 $0x80, s0  }
0x1b: {  	[tilespmem:s12], [sflag:$0x1] =	stream.indirect.gather [hbm4b:s3+s10], $0x80, s30, s10, $0xb8;
	[tilespmem:$0x1C200] =	vst v63  }
0x1c: {  	s30 =	sor.u32 $0x100, s0  }
0x1d: {  	[tilespmem:s13], [sflag:$0x1] =	stream.indirect.gather [hbm4b:s3+s10], $0x80, s30, s10, $0xb8;
	[tilespmem:$0x1C200] =	vst v63  }
0x1e: {  	s31 =	simm.s32 @!p0 $0x4;
	s1 =	sor.u32 $0x180, s0;
	s0 =	sshll.u32 s29, $0x1  }
0x1f: {  	[tilespmem:s14], [sflag:$0x1] =	stream.indirect.gather [hbm4b:s3+s10], $0x80, s1, s10, $0xb8;
	[tilespmem:$0x1C200] =	vst v63  }
0x20: {  	s30 =	sor.u32 $0x1, s0;
	_ =	swait.ge @!p0 [sflag:s31], $0x6400  }
0x21: {  	s1 =	sshll.u32 s30, $0x9;
	[sflag:s31] =	ssyncset.done @!p0 $0x0  }
0x22: {  	s1 =	sand.u32 $0x3FFFFE00, s1;
	[sflag:s31] =	ssyncadd.s32 @!p0 $0xFFFF9C00  }
0x23: {  	[tilespmem:s15], [sflag:$0x2] =	stream.indirect.gather [hbm4b:s3+s10], $0x80, s1, s10, $0xb8;
	[tilespmem:$0x1C200] =	vst v63  }
0x24: {  	s31 =	sor.u32 $0x80, s1  }
0x25: {  	[tilespmem:s16], [sflag:$0x2] =	stream.indirect.gather [hbm4b:s3+s10], $0x80, s31, s10, $0xb8;
	[tilespmem:$0x1C200] =	vst v63  }
0x26: {  	s31 =	sor.u32 $0x100, s1  }
0x27: {  	[tilespmem:s17], [sflag:$0x2] =	stream.indirect.gather [hbm4b:s3+s10], $0x80, s31, s10, $0xb8;
	[tilespmem:$0x1C200] =	vst v63  }
0x28: {  	s1 =	sor.u32 $0x180, s1  }
0x29: {  	[tilespmem:s18], [sflag:$0x2] =	stream.indirect.gather [hbm4b:s3+s10], $0x80, s1, s10, $0xb8;
	[tilespmem:$0x1C200] =	vst v63  }
0x2a: {  	_ =	swait.ge [sflag:s19], $0x3200  }
0x2b: {  	[sflag:s19] =	ssyncset.done $0x0  }
0x2c: {  	[sflag:s19] =	ssyncadd.s32 $0xFFFFCE00  }
0x2d: {  	_ =	swait.ge [sflag:s19], $0x3200  }
0x2e: {  	[sflag:s19] =	ssyncset.done $0x0  }
0x2f: {  	[sflag:s19] =	ssyncadd.s32 $0xFFFFCE00  }
0x30: {  	_ =	swait.ge [sflag:s19], $0x3200  }
0x31: {  	[sflag:s19] =	ssyncset.done $0x0  }
0x32: {  	[sflag:s19] =	ssyncadd.s32 $0xFFFFCE00  }
0x33: {  	_ =	swait.ge [sflag:s19], $0x3200  }
0x34: {  	[sflag:s19] =	ssyncset.done $0x0  }
0x35: {  	s31 =	simm.s32 $0x0;
	[sflag:s19] =	ssyncadd.s32 $0xFFFFCE00  }
0x36: {  	v6 =	vld [tilespmem:s31+$0x9600]  }
0x37: {  	v7 =	vld [tilespmem:s31+$0x9610]  }
0x38: {  	v8 =	vld [tilespmem:s31+$0x9620]  }
0x39: {  	v9 =	vld [tilespmem:s31+$0x9630]  }
0x3a: {  	v10 =	vld [tilespmem:s31+$0x9640]  }
0x3b: {  	v11 =	vld [tilespmem:s31+$0x9650]  }
0x3c: {  	v12 =	vld [tilespmem:s31+$0x9660]  }
0x3d: {  	v13 =	vld [tilespmem:s31+$0x9670]  }
0x3e: {  	v14 =	vld [tilespmem:s31+$0x9680]  }
0x3f: {  	v15 =	vld [tilespmem:s31+$0x9690]  }
0x40: {  	v5 =	vld [tilespmem:s31+$0x96A0]  }
0x41: {  	v4 =	vld [tilespmem:s31+$0x96B0]  }
0x42: {  	v3 =	vld [tilespmem:s31+$0x96C0]  }
0x43: {  	v2 =	vld [tilespmem:s31+$0x96D0]  }
0x44: {  	v1 =	vld [tilespmem:s31+$0x96E0]  }
0x45: {  	v0 =	vld [tilespmem:s31+$0x96F0]  }
0x46: {  	v16 =	vld [tilespmem:s31+$0x3200]  }
0x47: {  	v17 =	vld [tilespmem:s31+$0x3210]  }
0x48: {  	v18 =	vld [tilespmem:s31+$0x3220]  }
0x49: {  	v19 =	vld [tilespmem:s31+$0x3230]  }
0x4a: {  	v20 =	vld [tilespmem:s31+$0x3240]  }
0x4b: {  	v60 =	vld [tilespmem:s31+$0x3250];
	v6 =	vadd.f32 v6, v16  }
0x4c: {  	v21 =	vld [tilespmem:s31+$0x3260];
	v7 =	vadd.f32 v7, v17  }
0x4d: {  	v61 =	vld [tilespmem:s31+$0x3270];
	[tilespmem:s31+$0x3200] =	vst v6;
	v6 =	vadd.f32 v8, v18  }
0x4e: {  	v62 =	vld [tilespmem:s31+$0x3280];
	[tilespmem:s31+$0x3210] =	vst v7;
	v7 =	vadd.f32 v9, v19  }
0x4f: {  	v63 =	vld [tilespmem:s31+$0x3290];
	[tilespmem:s31+$0x3220] =	vst v6;
	v6 =	vadd.f32 v10, v20  }
0x50: {  	v8 =	vadd.f32 v11, v60;
	[tilespmem:s31+$0x3230] =	vst v7;
	v7 =	vld [tilespmem:s31+$0x32A0]  }
0x51: {  	v9 =	vadd.f32 v12, v21;
	[tilespmem:s31+$0x3240] =	vst v6;
	v6 =	vld [tilespmem:s31+$0x32B0]  }
0x52: {  	[tilespmem:s31+$0x3250] =	vst v8;
	v8 =	vld [tilespmem:s31+$0x32C0];
	v10 =	vadd.f32 v13, v61  }
0x53: {  	v12 =	vadd.f32 v14, v62;
	[tilespmem:s31+$0x3260] =	vst v9;
	v9 =	vld [tilespmem:s31+$0x32D0]  }
0x54: {  	s1 =	simm.s32 $0x400;
	v11 =	vadd.f32 v15, v63;
	[tilespmem:s31+$0x3270] =	vst v10;
	v10 =	vld [tilespmem:s31+$0x32E0]  }
.LBB2_3:
0x55: {  	s0 =	sshra.s32 s1, $0x2;
	p0 =	sne.s32 s1, $0x18C00;
	[tilespmem:s31+$0x3280] =	vst v12;
	v5 =	vadd.f32 v5, v7;
	v7 =	vld [tilespmem:s31+$0x32F0]  }
0x56: {  	v12 =	vld [tilespmem:s0+$0x9600];
	[tilespmem:s31+$0x3290] =	vst v11;
	v4 =	vadd.f32 v4, v6  }
0x57: {  	v6 =	vld [tilespmem:s0+$0x9610];
	[tilespmem:s31+$0x32A0] =	vst v5;
	v3 =	vadd.f32 v3, v8  }
0x58: {  	v8 =	vld [tilespmem:s0+$0x9620];
	[tilespmem:s31+$0x32B0] =	vst v4;
	v2 =	vadd.f32 v2, v9  }
0x59: {  	v9 =	vld [tilespmem:s0+$0x9630];
	[tilespmem:s31+$0x32C0] =	vst v3;
	v1 =	vadd.f32 v1, v10  }
0x5a: {  	v10 =	vld [tilespmem:s0+$0x9640];
	[tilespmem:s31+$0x32D0] =	vst v2;
	v0 =	vadd.f32 v0, v7  }
0x5b: {  	v7 =	vld [tilespmem:s0+$0x9650];
	[tilespmem:s31+$0x32E0] =	vst v1  }
0x5c: {  	v11 =	vld [tilespmem:s0+$0x9660];
	[tilespmem:s31+$0x32F0] =	vst v0;
	s31 =	smov.u32 s0  }
0x5d: {  	v13 =	vld [tilespmem:s31+$0x9670]  }
0x5e: {  	v14 =	vld [tilespmem:s31+$0x9680]  }
0x5f: {  	v15 =	vld [tilespmem:s31+$0x9690]  }
0x60: {  	v5 =	vld [tilespmem:s31+$0x96A0]  }
0x61: {  	v4 =	vld [tilespmem:s31+$0x96B0]  }
0x62: {  	v3 =	vld [tilespmem:s31+$0x96C0]  }
0x63: {  	v2 =	vld [tilespmem:s31+$0x96D0]  }
0x64: {  	v1 =	vld [tilespmem:s31+$0x96E0]  }
0x65: {  	v0 =	vld [tilespmem:s31+$0x96F0]  }
0x66: {  	v16 =	vld [tilespmem:s31+$0x3200]  }
0x67: {  	v17 =	vld [tilespmem:s31+$0x3210]  }
0x68: {  	v18 =	vld [tilespmem:s31+$0x3220]  }
0x69: {  	v19 =	vld [tilespmem:s31+$0x3230]  }
0x6a: {  	v20 =	vld [tilespmem:s31+$0x3240]  }
0x6b: {  	v12 =	vadd.f32 v12, v16;
	v16 =	vld [tilespmem:s31+$0x3250]  }
0x6c: {  	v6 =	vadd.f32 v6, v17;
	v17 =	vld [tilespmem:s31+$0x3260]  }
0x6d: {  	[tilespmem:s31+$0x3200] =	vst v12;
	v8 =	vadd.f32 v8, v18;
	v12 =	vld [tilespmem:s31+$0x3270]  }
0x6e: {  	[tilespmem:s31+$0x3210] =	vst v6;
	v6 =	vadd.f32 v9, v19;
	v9 =	vld [tilespmem:s31+$0x3280]  }
0x6f: {  	[tilespmem:s31+$0x3220] =	vst v8;
	v8 =	vadd.f32 v10, v20;
	v10 =	vld [tilespmem:s31+$0x3290]  }
.Ltmp0:
0x70: {  	[tilespmem:s31+$0x3230] =	vst v6;
	v16 =	vadd.f32 v7, v16;
	v7 =	vld [tilespmem:s31+$0x32A0];
	(pc) =	sbr.rel @p0 .LBB2_3-.Ltmp0, $4  }
0x71: {  	[tilespmem:s31+$0x3240] =	vst v8;
	v11 =	vadd.f32 v11, v17;
	v6 =	vld [tilespmem:s31+$0x32B0]  }
0x72: {  	[tilespmem:s31+$0x3250] =	vst v16;
	v13 =	vadd.f32 v13, v12;
	v8 =	vld [tilespmem:s31+$0x32C0]  }
0x73: {  	[tilespmem:s31+$0x3260] =	vst v11;
	v12 =	vadd.f32 v14, v9;
	v9 =	vld [tilespmem:s31+$0x32D0]  }
0x74: {  	s1 =	sadd.s32 $0x400, s1;
	[tilespmem:s31+$0x3270] =	vst v13;
	v11 =	vadd.f32 v15, v10;
	v10 =	vld [tilespmem:s31+$0x32E0]  }
0x75: {  	[tilespmem:s31+$0x3280] =	vst v12;
	v5 =	vadd.f32 v5, v7;
	v7 =	vld [tilespmem:s31+$0x32F0]  }
0x76: {  	[tilespmem:s31+$0x3290] =	vst v11;
	v4 =	vadd.f32 v4, v6  }
0x77: {  	[tilespmem:s31+$0x32A0] =	vst v5;
	v3 =	vadd.f32 v3, v8  }
0x78: {  	s0 =	smul.u32 $0x190, s29;
	[tilespmem:s31+$0x32B0] =	vst v4;
	v2 =	vadd.f32 v2, v9  }
0x79: {  	[tilespmem:s31+$0x32C0] =	vst v3;
	v1 =	vadd.f32 v1, v10  }
0x7a: {  	s0 =	sadd.s32 s5, s0;
	[tilespmem:s31+$0x32D0] =	vst v2;
	v0 =	vadd.f32 v0, v7  }
0x7b: {  	s0 =	sshll.u32 s0, $0x4;
	[tilespmem:s31+$0x32E0] =	vst v1  }
0x7c: {  	s1 =	simm.s32 $0x0;
	s0 =	sadd.s32 s4, s0;
	[tilespmem:s31+$0x32F0] =	vst v0  }
0x7d: {  	[hbm4b:s0+s1] =	stream.linear.scatter [tilespmem:s11], [sflag:$0x3], $0x6400, $0x38;
	[tilespmem:$0x1C200] =	vst v63  }
0x7e: {  	_ =	swait.ge [sflag:s20], $0x3200  }
0x7f: {  	[sflag:s20] =	ssyncset.done $0x0  }
0x80: {  	[sflag:s20] =	ssyncadd.s32 $0xFFFFCE00  }
0x81: {  	_ =	swait.ge [sflag:s20], $0x3200  }
0x82: {  	[sflag:s20] =	ssyncset.done $0x0  }
0x83: {  	[sflag:s20] =	ssyncadd.s32 $0xFFFFCE00  }
0x84: {  	_ =	swait.ge [sflag:s20], $0x3200  }
0x85: {  	[sflag:s20] =	ssyncset.done $0x0  }
0x86: {  	[sflag:s20] =	ssyncadd.s32 $0xFFFFCE00  }
0x87: {  	_ =	swait.ge [sflag:s20], $0x3200  }
0x88: {  	[sflag:s20] =	ssyncset.done $0x0  }
0x89: {  	s31 =	simm.s32 $0x0;
	[sflag:s20] =	ssyncadd.s32 $0xFFFFCE00  }
0x8a: {  	v6 =	vld [tilespmem:s31+$0x15E00]  }
0x8b: {  	v7 =	vld [tilespmem:s31+$0x15E10]  }
0x8c: {  	v8 =	vld [tilespmem:s31+$0x15E20]  }
0x8d: {  	v9 =	vld [tilespmem:s31+$0x15E30]  }
0x8e: {  	v10 =	vld [tilespmem:s31+$0x15E40]  }
0x8f: {  	v11 =	vld [tilespmem:s31+$0x15E50]  }
0x90: {  	v12 =	vld [tilespmem:s31+$0x15E60]  }
0x91: {  	v13 =	vld [tilespmem:s31+$0x15E70]  }
0x92: {  	v14 =	vld [tilespmem:s31+$0x15E80]  }
0x93: {  	v15 =	vld [tilespmem:s31+$0x15E90]  }
0x94: {  	v5 =	vld [tilespmem:s31+$0x15EA0]  }
0x95: {  	v4 =	vld [tilespmem:s31+$0x15EB0]  }
0x96: {  	v3 =	vld [tilespmem:s31+$0x15EC0]  }
0x97: {  	v2 =	vld [tilespmem:s31+$0x15ED0]  }
0x98: {  	v1 =	vld [tilespmem:s31+$0x15EE0]  }
0x99: {  	v0 =	vld [tilespmem:s31+$0x15EF0]  }
0x9a: {  	v16 =	vld [tilespmem:s31+$0xFA00]  }
0x9b: {  	v17 =	vld [tilespmem:s31+$0xFA10]  }
0x9c: {  	v18 =	vld [tilespmem:s31+$0xFA20]  }
0x9d: {  	v19 =	vld [tilespmem:s31+$0xFA30]  }
0x9e: {  	v20 =	vld [tilespmem:s31+$0xFA40]  }
0x9f: {  	v60 =	vld [tilespmem:s31+$0xFA50];
	v6 =	vadd.f32 v6, v16  }
0xa0: {  	v21 =	vld [tilespmem:s31+$0xFA60];
	v7 =	vadd.f32 v7, v17  }
0xa1: {  	v61 =	vld [tilespmem:s31+$0xFA70];
	[tilespmem:s31+$0xFA00] =	vst v6;
	v6 =	vadd.f32 v8, v18  }
0xa2: {  	v62 =	vld [tilespmem:s31+$0xFA80];
	[tilespmem:s31+$0xFA10] =	vst v7;
	v7 =	vadd.f32 v9, v19  }
0xa3: {  	v63 =	vld [tilespmem:s31+$0xFA90];
	[tilespmem:s31+$0xFA20] =	vst v6;
	v6 =	vadd.f32 v10, v20  }
0xa4: {  	v8 =	vadd.f32 v11, v60;
	[tilespmem:s31+$0xFA30] =	vst v7;
	v7 =	vld [tilespmem:s31+$0xFAA0]  }
0xa5: {  	v9 =	vadd.f32 v12, v21;
	[tilespmem:s31+$0xFA40] =	vst v6;
	v6 =	vld [tilespmem:s31+$0xFAB0]  }
0xa6: {  	[tilespmem:s31+$0xFA50] =	vst v8;
	v8 =	vld [tilespmem:s31+$0xFAC0];
	v10 =	vadd.f32 v13, v61  }
0xa7: {  	v12 =	vadd.f32 v14, v62;
	[tilespmem:s31+$0xFA60] =	vst v9;
	v9 =	vld [tilespmem:s31+$0xFAD0]  }
0xa8: {  	s1 =	simm.s32 $0x400;
	v11 =	vadd.f32 v15, v63;
	[tilespmem:s31+$0xFA70] =	vst v10;
	v10 =	vld [tilespmem:s31+$0xFAE0]  }
.LBB2_5:
0xa9: {  	s0 =	sshra.s32 s1, $0x2;
	p0 =	sne.s32 s1, $0x18C00;
	[tilespmem:s31+$0xFA80] =	vst v12;
	v5 =	vadd.f32 v5, v7;
	v7 =	vld [tilespmem:s31+$0xFAF0]  }
0xaa: {  	v12 =	vld [tilespmem:s0+$0x15E00];
	[tilespmem:s31+$0xFA90] =	vst v11;
	v4 =	vadd.f32 v4, v6  }
0xab: {  	v6 =	vld [tilespmem:s0+$0x15E10];
	[tilespmem:s31+$0xFAA0] =	vst v5;
	v3 =	vadd.f32 v3, v8  }
0xac: {  	v8 =	vld [tilespmem:s0+$0x15E20];
	[tilespmem:s31+$0xFAB0] =	vst v4;
	v2 =	vadd.f32 v2, v9  }
0xad: {  	v9 =	vld [tilespmem:s0+$0x15E30];
	[tilespmem:s31+$0xFAC0] =	vst v3;
	v1 =	vadd.f32 v1, v10  }
0xae: {  	v10 =	vld [tilespmem:s0+$0x15E40];
	[tilespmem:s31+$0xFAD0] =	vst v2;
	v0 =	vadd.f32 v0, v7  }
0xaf: {  	v7 =	vld [tilespmem:s0+$0x15E50];
	[tilespmem:s31+$0xFAE0] =	vst v1  }
0xb0: {  	v11 =	vld [tilespmem:s0+$0x15E60];
	[tilespmem:s31+$0xFAF0] =	vst v0;
	s31 =	smov.u32 s0  }
0xb1: {  	v13 =	vld [tilespmem:s31+$0x15E70]  }
0xb2: {  	v14 =	vld [tilespmem:s31+$0x15E80]  }
0xb3: {  	v15 =	vld [tilespmem:s31+$0x15E90]  }
0xb4: {  	v5 =	vld [tilespmem:s31+$0x15EA0]  }
0xb5: {  	v4 =	vld [tilespmem:s31+$0x15EB0]  }
0xb6: {  	v3 =	vld [tilespmem:s31+$0x15EC0]  }
0xb7: {  	v2 =	vld [tilespmem:s31+$0x15ED0]  }
0xb8: {  	v1 =	vld [tilespmem:s31+$0x15EE0]  }
0xb9: {  	v0 =	vld [tilespmem:s31+$0x15EF0]  }
0xba: {  	v16 =	vld [tilespmem:s31+$0xFA00]  }
0xbb: {  	v17 =	vld [tilespmem:s31+$0xFA10]  }
0xbc: {  	v18 =	vld [tilespmem:s31+$0xFA20]  }
0xbd: {  	v19 =	vld [tilespmem:s31+$0xFA30]  }
0xbe: {  	v20 =	vld [tilespmem:s31+$0xFA40]  }
0xbf: {  	v12 =	vadd.f32 v12, v16;
	v16 =	vld [tilespmem:s31+$0xFA50]  }
0xc0: {  	v6 =	vadd.f32 v6, v17;
	v17 =	vld [tilespmem:s31+$0xFA60]  }
0xc1: {  	[tilespmem:s31+$0xFA00] =	vst v12;
	v8 =	vadd.f32 v8, v18;
	v12 =	vld [tilespmem:s31+$0xFA70]  }
0xc2: {  	[tilespmem:s31+$0xFA10] =	vst v6;
	v6 =	vadd.f32 v9, v19;
	v9 =	vld [tilespmem:s31+$0xFA80]  }
0xc3: {  	[tilespmem:s31+$0xFA20] =	vst v8;
	v8 =	vadd.f32 v10, v20;
	v10 =	vld [tilespmem:s31+$0xFA90]  }
.Ltmp1:
0xc4: {  	[tilespmem:s31+$0xFA30] =	vst v6;
	v16 =	vadd.f32 v7, v16;
	v7 =	vld [tilespmem:s31+$0xFAA0];
	(pc) =	sbr.rel @p0 .LBB2_5-.Ltmp1, $4  }
0xc5: {  	[tilespmem:s31+$0xFA40] =	vst v8;
	v11 =	vadd.f32 v11, v17;
	v6 =	vld [tilespmem:s31+$0xFAB0]  }
0xc6: {  	[tilespmem:s31+$0xFA50] =	vst v16;
	v13 =	vadd.f32 v13, v12;
	v8 =	vld [tilespmem:s31+$0xFAC0]  }
0xc7: {  	[tilespmem:s31+$0xFA60] =	vst v11;
	v12 =	vadd.f32 v14, v9;
	v9 =	vld [tilespmem:s31+$0xFAD0]  }
0xc8: {  	s1 =	sadd.s32 $0x400, s1;
	[tilespmem:s31+$0xFA70] =	vst v13;
	v11 =	vadd.f32 v15, v10;
	v10 =	vld [tilespmem:s31+$0xFAE0]  }
0xc9: {  	[tilespmem:s31+$0xFA80] =	vst v12;
	v5 =	vadd.f32 v5, v7;
	v63 =	vld [tilespmem:s31+$0xFAF0]  }
0xca: {  	[tilespmem:s31+$0xFA90] =	vst v11;
	v4 =	vadd.f32 v4, v6  }
0xcb: {  	s29 =	sadd.s32 $0x1, s29;
	[tilespmem:s31+$0xFAA0] =	vst v5;
	v3 =	vadd.f32 v3, v8  }
0xcc: {  	s0 =	smul.u32 $0xC8, s30;
	p0 =	sne.s32 s29, $0xC;
	[tilespmem:s31+$0xFAB0] =	vst v4;
	v2 =	vadd.f32 v2, v9  }
.Ltmp2:
0xcd: {  	[tilespmem:s31+$0xFAC0] =	vst v3;
	v1 =	vadd.f32 v1, v10;
	(pc) =	sbr.rel @p0 .LBB2_2-.Ltmp2, $4  }
0xce: {  	s0 =	sadd.s32 s5, s0;
	[tilespmem:s31+$0xFAD0] =	vst v2;
	v0 =	vadd.f32 v0, v63  }
0xcf: {  	s0 =	sshll.u32 s0, $0x4;
	[tilespmem:s31+$0xFAE0] =	vst v1  }
0xd0: {  	s0 =	sadd.s32 s4, s0;
	[tilespmem:s31+$0xFAF0] =	vst v0  }
0xd1: {  	[hbm4b:s0+s2] =	stream.linear.scatter [tilespmem:s15], [sflag:$0x4], $0x6400, $0x38;
	[tilespmem:$0x1C200] =	vst v63  }
0xd2: {  	_ =	swait.ge [sflag:s21], $0x6400  }
0xd3: {  	[sflag:s21] =	ssyncset.done $0x0  }
0xd4: {  	[sflag:s21] =	ssyncadd.s32 $0xFFFF9C00  }
0xd5: {  	[tilespmem:s11], [sflag:$0x1] =	stream.indirect.gather [hbm4b:s3+s10], $0x80, s22, s10, $0xb8;
	[tilespmem:$0x1C200] =	vst v63  }
0xd6: {  	_ = 	snop  }
0xd7: {  	[tilespmem:s12], [sflag:$0x1] =	stream.indirect.gather [hbm4b:s3+s10], $0x80, s23, s10, $0xb8;
	[tilespmem:$0x1C200] =	vst v63  }
0xd8: {  	_ = 	snop  }
0xd9: {  	[tilespmem:s13], [sflag:$0x1] =	stream.indirect.gather [hbm4b:s3+s10], $0x80, s24, s10, $0xb8;
	[tilespmem:$0x1C200] =	vst v63  }
0xda: {  	_ = 	snop  }
0xdb: {  	[tilespmem:s14], [sflag:$0x1] =	stream.indirect.gather [hbm4b:s3+s10], $0x80, s25, s10, $0xb8;
	[tilespmem:$0x1C200] =	vst v63  }
0xdc: {  	_ =	swait.ge [sflag:s19], $0x3200  }
0xdd: {  	[sflag:s19] =	ssyncset.done $0x0  }
0xde: {  	[sflag:s19] =	ssyncadd.s32 $0xFFFFCE00  }
0xdf: {  	_ =	swait.ge [sflag:s19], $0x3200  }
0xe0: {  	[sflag:s19] =	ssyncset.done $0x0  }
0xe1: {  	[sflag:s19] =	ssyncadd.s32 $0xFFFFCE00  }
0xe2: {  	_ =	swait.ge [sflag:s19], $0x3200  }
0xe3: {  	[sflag:s19] =	ssyncset.done $0x0  }
0xe4: {  	[sflag:s19] =	ssyncadd.s32 $0xFFFFCE00  }
0xe5: {  	_ =	swait.ge [sflag:s19], $0x3200  }
0xe6: {  	[sflag:s19] =	ssyncset.done $0x0  }
0xe7: {  	s29 =	simm.s32 $0x0;
	[sflag:s19] =	ssyncadd.s32 $0xFFFFCE00  }
0xe8: {  	v6 =	vld [tilespmem:s29+$0x9600]  }
0xe9: {  	v7 =	vld [tilespmem:s29+$0x9610]  }
0xea: {  	v8 =	vld [tilespmem:s29+$0x9620]  }
0xeb: {  	v9 =	vld [tilespmem:s29+$0x9630]  }
0xec: {  	v10 =	vld [tilespmem:s29+$0x9640]  }
0xed: {  	v11 =	vld [tilespmem:s29+$0x9650]  }
0xee: {  	v12 =	vld [tilespmem:s29+$0x9660]  }
0xef: {  	v13 =	vld [tilespmem:s29+$0x9670]  }
0xf0: {  	v14 =	vld [tilespmem:s29+$0x9680]  }
0xf1: {  	v15 =	vld [tilespmem:s29+$0x9690]  }
0xf2: {  	v5 =	vld [tilespmem:s29+$0x96A0]  }
0xf3: {  	v4 =	vld [tilespmem:s29+$0x96B0]  }
0xf4: {  	v3 =	vld [tilespmem:s29+$0x96C0]  }
0xf5: {  	v2 =	vld [tilespmem:s29+$0x96D0]  }
0xf6: {  	v1 =	vld [tilespmem:s29+$0x96E0]  }
0xf7: {  	v0 =	vld [tilespmem:s29+$0x96F0]  }
0xf8: {  	v16 =	vld [tilespmem:s29+$0x3200]  }
0xf9: {  	v17 =	vld [tilespmem:s29+$0x3210]  }
0xfa: {  	v18 =	vld [tilespmem:s29+$0x3220]  }
0xfb: {  	v19 =	vld [tilespmem:s29+$0x3230]  }
0xfc: {  	v20 =	vld [tilespmem:s29+$0x3240]  }
0xfd: {  	v60 =	vld [tilespmem:s29+$0x3250];
	v6 =	vadd.f32 v6, v16  }
0xfe: {  	v21 =	vld [tilespmem:s29+$0x3260];
	v7 =	vadd.f32 v7, v17  }
0xff: {  	v61 =	vld [tilespmem:s29+$0x3270];
	[tilespmem:s29+$0x3200] =	vst v6;
	v6 =	vadd.f32 v8, v18  }
0x100: {  	v62 =	vld [tilespmem:s29+$0x3280];
	[tilespmem:s29+$0x3210] =	vst v7;
	v7 =	vadd.f32 v9, v19  }
0x101: {  	v63 =	vld [tilespmem:s29+$0x3290];
	[tilespmem:s29+$0x3220] =	vst v6;
	v6 =	vadd.f32 v10, v20  }
0x102: {  	v8 =	vadd.f32 v11, v60;
	[tilespmem:s29+$0x3230] =	vst v7;
	v7 =	vld [tilespmem:s29+$0x32A0]  }
0x103: {  	v9 =	vadd.f32 v12, v21;
	[tilespmem:s29+$0x3240] =	vst v6;
	v6 =	vld [tilespmem:s29+$0x32B0]  }
0x104: {  	[tilespmem:s29+$0x3250] =	vst v8;
	v8 =	vld [tilespmem:s29+$0x32C0];
	v10 =	vadd.f32 v13, v61  }
0x105: {  	v12 =	vadd.f32 v14, v62;
	[tilespmem:s29+$0x3260] =	vst v9;
	v9 =	vld [tilespmem:s29+$0x32D0]  }
0x106: {  	s1 =	simm.s32 $0x400;
	v11 =	vadd.f32 v15, v63;
	[tilespmem:s29+$0x3270] =	vst v10;
	v10 =	vld [tilespmem:s29+$0x32E0]  }
.LBB2_8:
0x107: {  	s0 =	sshra.s32 s1, $0x2;
	p0 =	sne.s32 s1, $0x18C00;
	[tilespmem:s29+$0x3280] =	vst v12;
	v5 =	vadd.f32 v5, v7;
	v7 =	vld [tilespmem:s29+$0x32F0]  }
0x108: {  	v12 =	vld [tilespmem:s0+$0x9600];
	[tilespmem:s29+$0x3290] =	vst v11;
	v4 =	vadd.f32 v4, v6  }
0x109: {  	v6 =	vld [tilespmem:s0+$0x9610];
	[tilespmem:s29+$0x32A0] =	vst v5;
	v3 =	vadd.f32 v3, v8  }
0x10a: {  	v8 =	vld [tilespmem:s0+$0x9620];
	[tilespmem:s29+$0x32B0] =	vst v4;
	v2 =	vadd.f32 v2, v9  }
0x10b: {  	v9 =	vld [tilespmem:s0+$0x9630];
	[tilespmem:s29+$0x32C0] =	vst v3;
	v1 =	vadd.f32 v1, v10  }
0x10c: {  	v10 =	vld [tilespmem:s0+$0x9640];
	[tilespmem:s29+$0x32D0] =	vst v2;
	v0 =	vadd.f32 v0, v7  }
0x10d: {  	v7 =	vld [tilespmem:s0+$0x9650];
	[tilespmem:s29+$0x32E0] =	vst v1  }
0x10e: {  	v11 =	vld [tilespmem:s0+$0x9660];
	[tilespmem:s29+$0x32F0] =	vst v0;
	s29 =	smov.u32 s0  }
0x10f: {  	v13 =	vld [tilespmem:s29+$0x9670]  }
0x110: {  	v14 =	vld [tilespmem:s29+$0x9680]  }
0x111: {  	v15 =	vld [tilespmem:s29+$0x9690]  }
0x112: {  	v5 =	vld [tilespmem:s29+$0x96A0]  }
0x113: {  	v4 =	vld [tilespmem:s29+$0x96B0]  }
0x114: {  	v3 =	vld [tilespmem:s29+$0x96C0]  }
0x115: {  	v2 =	vld [tilespmem:s29+$0x96D0]  }
0x116: {  	v1 =	vld [tilespmem:s29+$0x96E0]  }
0x117: {  	v0 =	vld [tilespmem:s29+$0x96F0]  }
0x118: {  	v16 =	vld [tilespmem:s29+$0x3200]  }
0x119: {  	v17 =	vld [tilespmem:s29+$0x3210]  }
0x11a: {  	v18 =	vld [tilespmem:s29+$0x3220]  }
0x11b: {  	v19 =	vld [tilespmem:s29+$0x3230]  }
0x11c: {  	v20 =	vld [tilespmem:s29+$0x3240]  }
0x11d: {  	v12 =	vadd.f32 v12, v16;
	v16 =	vld [tilespmem:s29+$0x3250]  }
0x11e: {  	v6 =	vadd.f32 v6, v17;
	v17 =	vld [tilespmem:s29+$0x3260]  }
0x11f: {  	[tilespmem:s29+$0x3200] =	vst v12;
	v8 =	vadd.f32 v8, v18;
	v12 =	vld [tilespmem:s29+$0x3270]  }
0x120: {  	[tilespmem:s29+$0x3210] =	vst v6;
	v6 =	vadd.f32 v9, v19;
	v9 =	vld [tilespmem:s29+$0x3280]  }
0x121: {  	[tilespmem:s29+$0x3220] =	vst v8;
	v8 =	vadd.f32 v10, v20;
	v10 =	vld [tilespmem:s29+$0x3290]  }
.Ltmp3:
0x122: {  	[tilespmem:s29+$0x3230] =	vst v6;
	v16 =	vadd.f32 v7, v16;
	v7 =	vld [tilespmem:s29+$0x32A0];
	(pc) =	sbr.rel @p0 .LBB2_8-.Ltmp3, $4  }
0x123: {  	[tilespmem:s29+$0x3240] =	vst v8;
	v11 =	vadd.f32 v11, v17;
	v6 =	vld [tilespmem:s29+$0x32B0]  }
0x124: {  	[tilespmem:s29+$0x3250] =	vst v16;
	v13 =	vadd.f32 v13, v12;
	v8 =	vld [tilespmem:s29+$0x32C0]  }
0x125: {  	[tilespmem:s29+$0x3260] =	vst v11;
	v12 =	vadd.f32 v14, v9;
	v9 =	vld [tilespmem:s29+$0x32D0]  }
0x126: {  	s1 =	sadd.s32 $0x400, s1;
	[tilespmem:s29+$0x3270] =	vst v13;
	v11 =	vadd.f32 v15, v10;
	v10 =	vld [tilespmem:s29+$0x32E0]  }
0x127: {  	[tilespmem:s29+$0x3280] =	vst v12;
	v5 =	vadd.f32 v5, v7;
	v63 =	vld [tilespmem:s29+$0x32F0]  }
0x128: {  	[tilespmem:s29+$0x3290] =	vst v11;
	v4 =	vadd.f32 v4, v6  }
0x129: {  	[tilespmem:s29+$0x32A0] =	vst v5;
	v3 =	vadd.f32 v3, v8  }
0x12a: {  	[tilespmem:s29+$0x32B0] =	vst v4;
	v2 =	vadd.f32 v2, v9  }
0x12b: {  	[tilespmem:s29+$0x32C0] =	vst v3;
	v1 =	vadd.f32 v1, v10  }
0x12c: {  	[tilespmem:s29+$0x32D0] =	vst v2;
	v0 =	vadd.f32 v0, v63  }
0x12d: {  	[tilespmem:s29+$0x32E0] =	vst v1  }
0x12e: {  	s28 =	sadd.s32 $0x1, s28;
	[tilespmem:s29+$0x32F0] =	vst v0  }
0x12f: {  	[hbm4b:s7+s2] =	stream.linear.scatter [tilespmem:s11], [sflag:$0x3], $0x6400, $0x38;
	[tilespmem:$0x1C200] =	vst v63  }
0x130: {  	p0 =	sne.s32 s28, s8;
	_ =	swait.ge [sflag:s26], $0x6400  }
.Ltmp4:
0x131: {  	[sflag:s26] =	ssyncset.done $0x0;
	(pc) =	sbr.rel @p0 .LBB2_1-.Ltmp4, $4  }
0x132: {  	[sflag:s26] =	ssyncadd.s32 $0xFFFF9C00  }
0x133: {  	_ =	swait.ge [sflag:s21], $0x6400  }
0x134: {  	[sflag:s21] =	ssyncset.done $0x0  }
0x135: {  	[sflag:s21] =	ssyncadd.s32 $0xFFFF9C00  }
0x136: {  	_ =	sfence.sel $0x180000  }
0x137: {  	[bflag:$0x0] =	sbarrier.arrive $0xFFFF  }
0x138: {  	_ =	strace $0x9000004A  }
0x139: {  	s0 =	stileid.u32;
	[bflag:$0x2] =	sbarrier.arrive $0xFFFF  }
0x13a: {  	p0 =	sne.s32 s0, $0x0;
	s0 =	rddreg [dreg:$0x1]  }
0x13b: {  	s0 =	sadd.s32 @!p0 $0x100000, s0  }
0x13c: {  	[sflag:s0] =	ssyncadd.tile.s32 @!p0 $0x1;
	_ =	shalt  }
.Lfunc_end2:
_tile_overlayer_lowered:
.L_overlay_start_2:
0x13d: {  	(tag) =	ssettag $0x2  }
0x13e: {  	s0 =	rddreg [dreg:$0x0];
	s2 =	stileid.u32  }
0x13f: {  	s1 =	rddreg [dreg:$0x1];
	p0 =	sne.s32 s2, $0x0  }
0x140: {  	s3 =	rddreg [dreg:$0x2];
	[bflag:$0x3] =	sbarrier.arrive $0xFFFF;
	s2 =	simm.s32 @!p0 $0x1C05  }
0x141: {  	[timem:s3], [sflag:s2] =	dma.local @!p0 [hbm:s0], s1  }
0x142: {  	s0 =	simm.s32 @!p0 $0x5  }
0x143: {  	_ =	swait.ge @!p0 [sflag:s0], s1  }
0x144: {  	s1 =	ssub.s32 @!p0 $0x0, s1;
	[sflag:s0] =	ssyncset.done @!p0 $0x0  }
0x145: {  	[sflag:s0] =	ssyncadd.s32 @!p0 s1  }
0x146: {  	[bflag:$0x3] =	sbarrier.arrive $0xFFFF  }
0x147: {  	_ =	shalt  }

// kernel: kernel.7.cloned.1.call-start
scs
__scs_entry_jumppad:
0x0: {  	(pc) =	sbr.rel $0x88, $3  }
0x1: {  	(tag) =	ssettag $0x0;
	lr =	simm.s32 $0x1  }
0x2: {  	[smem:$0x3F9A] =	sst lr;
	_ =	strace $0xD0000000  }
0x3: {  	_ = 	snop  }
0x4: {  	_ = 	snop  }
0x5: {  	_ = 	snop  }
0x6: {  	_ = 	snop  }
0x7: {  	_ = 	snop  }
__scs_overlays_trampoline_lowered:
0x8: {  	[smem:$0x3FA9] =	sst s0  }
0x9: {  	[smem:$0x3FAA] =	sst s1  }
0xa: {  	[smem:$0x3FAB] =	sst s2  }
0xb: {  	[smem:$0x3FAC] =	sst s3  }
0xc: {  	[smem:$0x3FAD] =	sst s4  }
0xd: {  	[smem:$0x3FAE] =	sst s5  }
0xe: {  	[smem:$0x3FAF] =	sst s6  }
0xf: {  	[smem:$0x3FB0] =	sst s7  }
0x10: {  	[smem:$0x3FB1] =	sst s8  }
0x11: {  	[smem:$0x3FB2] =	sst s9;
	s0 =	simm.s32 @!p0 $0x0  }
0x12: {  	s1 =	sld [smem:$0x3F98];
	s0 =	simm.s32 @p0 $0x1  }
0x13: {  	[smem:$0x3FB3] =	sst s0;
	s0 =	simm.s32 @!p1 $0x0  }
0x14: {  	s2 =	sld [smem:$0x3F97];
	s0 =	simm.s32 @p1 $0x1  }
0x15: {  	[smem:$0x3FB4] =	sst s0;
	s0 =	simm.s32 @!p2 $0x0  }
0x16: {  	s3 =	sld [smem:$0x3FDB];
	s0 =	simm.s32 @p2 $0x1  }
0x17: {  	s4 =	simm.s32 $0x1BF5;
	[smem:$0x3FB6] =	sst s0  }
0x18: {  	s0 =	sld [smem:$0x3F99];
	_ =	swait.ge [sflag:s4], $0x0  }
0x19: {  	s7 =	sld [smem:$0x3F9A]  }
0x1a: {  	s8 =	sadd.s32 $0xFFFFE003, lr  }
0x1b: {  	s9 =	sadd.s32 $0xFFFFFEF7, lr;
	s5 =	simm.s32 $0xFFFFFFFF;
	p2 =	slt.u32 s8, $0xFFFFF086  }
0x1c: {  	p1 =	slt.u32 s9, $0xF7A;
	s5 =	simm.s32 @!p2 $0x0  }
0x1d: {  	s5 =	simm.s32 @p1 $0x1;
	p0 =	seq.s32 s7, s2  }
0x1e: {  	s7 =	smul.u32 @!p0 $0xF7A, s2;
	p2 =	seq.s32 @!p0 s5, $0x0  }
0x1f: {  	s9 =	smul.u32 $0xF7A, s1;
	s8 =	simm.s32 @!p0 $0x1BF5;
	p2 =	por !p2, p0  }
0x20: {  	[sflag:s8] =	ssyncset.s32 @!p0 $0xFFFFF086;
	s6 =	sadd.s32 @!p0 s3, s7;
	s7 =	simm.s32 @!p0 $0x108  }
0x21: {  	s3 =	sadd.s32 s3, s9;
	s6 =	sadd.s32 @!p0 $0x88, s6;
	s7 =	simm.s32 @p2 $0x1082  }
0x22: {  	[simem:s7], [sflag:s8] =	dma.local @!p0 [hbm:s6], $0xF7A  }
0x23: {  	s9 =	sor.u32 $0xD0000000, s2;
	s6 =	simm.s32 $0x108;
	_ =	swait.ge @!p0 [sflag:s8], $0x0  }
0x24: {  	s3 =	sadd.s32 $0x88, s3;
	s6 =	simm.s32 @!p1 $0x1082;
	[sflag:s4] =	ssyncset.s32 $0xFFFFF086  }
0x25: {  	[simem:s6], [sflag:s4] =	dma.local [hbm:s3], $0xF7A  }
0x26: {  	[smem:$0x3F9A] =	sst s1;
	(tag) =	ssettag s2;
	_ =	strace s9  }
0x27: {  	s1 =	sld [smem:$0x3FAA]  }
0x28: {  	s2 =	sld [smem:$0x3FAB]  }
0x29: {  	s4 =	sld [smem:$0x3FAD]  }
0x2a: {  	p0 =	seq.s32 s5, $0x0;
	s5 =	sld [smem:$0x3FAE]  }
0x2b: {  	s6 =	sld [smem:$0x3FAF]  }
0x2c: {  	s7 =	sld [smem:$0x3FB0]  }
0x2d: {  	s3 =	simm.s32 $0x108;
	s8 =	sld [smem:$0x3FB1]  }
0x2e: {  	s3 =	simm.s32 @!p0 $0x1082;
	s9 =	sld [smem:$0x3FB2]  }
0x2f: {  	lr =	sadd.s32 s0, s3;
	s0 =	sld [smem:$0x3FA9]  }
0x30: {  	s3 =	sld [smem:$0x3FAC]  }
0x31: {  	[smem:$0x3FB5] =	sst s10  }
0x32: {  	s10 =	sld [smem:$0x3FB3];
	_ =	sdelay $0x3  }
0x33: {  	p0 =	seq.s32 s10, $0x1;
	s10 =	sld [smem:$0x3FB5];
	_ =	sdelay $0x3  }
0x34: {  	[smem:$0x3FB5] =	sst s10  }
0x35: {  	s10 =	sld [smem:$0x3FB4];
	_ =	sdelay $0x3  }
0x36: {  	p1 =	seq.s32 s10, $0x1;
	s10 =	sld [smem:$0x3FB5];
	_ =	sdelay $0x3  }
0x37: {  	[smem:$0x3FB5] =	sst s10  }
0x38: {  	s10 =	sld [smem:$0x3FB6]  }
0x39: {  	_ = 	snop;
	(pc) =	sbr.ind lr, $3  }
0x3a: {  	_ = 	snop  }
0x3b: {  	_ = 	snop  }
0x3c: {  	p2 =	seq.s32 s10, $0x1;
	s10 =	sld [smem:$0x3FB5]  }
0x3d: {  	_ =	shalt  }
0x3e: {  	_ =	shalt  }
0x3f: {  	_ =	shalt  }
0x40: {  	_ =	shalt  }
0x41: {  	_ =	shalt  }
0x42: {  	_ =	shalt  }
0x43: {  	_ =	shalt  }
0x44: {  	_ =	shalt  }
0x45: {  	_ =	shalt  }
0x46: {  	_ =	shalt  }
0x47: {  	_ =	shalt  }
0x48: {  	_ =	shalt  }
0x49: {  	_ =	shalt  }
0x4a: {  	_ =	shalt  }
0x4b: {  	_ =	shalt  }
0x4c: {  	_ =	shalt  }
0x4d: {  	_ =	shalt  }
0x4e: {  	_ =	shalt  }
0x4f: {  	_ =	shalt  }
0x50: {  	_ =	shalt  }
0x51: {  	_ =	shalt  }
0x52: {  	_ =	shalt  }
0x53: {  	_ =	shalt  }
0x54: {  	_ =	shalt  }
0x55: {  	_ =	shalt  }
0x56: {  	_ =	shalt  }
0x57: {  	_ =	shalt  }
0x58: {  	_ =	shalt  }
0x59: {  	_ =	shalt  }
0x5a: {  	_ =	shalt  }
0x5b: {  	_ =	shalt  }
0x5c: {  	_ =	shalt  }
0x5d: {  	_ =	shalt  }
0x5e: {  	_ =	shalt  }
0x5f: {  	_ =	shalt  }
0x60: {  	_ =	shalt  }
0x61: {  	_ =	shalt  }
0x62: {  	_ =	shalt  }
0x63: {  	_ =	shalt  }
0x64: {  	_ =	shalt  }
0x65: {  	_ =	shalt  }
0x66: {  	_ =	shalt  }
0x67: {  	_ =	shalt  }
0x68: {  	_ =	shalt  }
0x69: {  	_ =	shalt  }
0x6a: {  	_ =	shalt  }
0x6b: {  	_ =	shalt  }
0x6c: {  	_ =	shalt  }
0x6d: {  	_ =	shalt  }
0x6e: {  	_ =	shalt  }
0x6f: {  	_ =	shalt  }
0x70: {  	_ =	shalt  }
0x71: {  	_ =	shalt  }
0x72: {  	_ =	shalt  }
0x73: {  	_ =	shalt  }
0x74: {  	_ =	shalt  }
0x75: {  	_ =	shalt  }
0x76: {  	_ =	shalt  }
0x77: {  	_ =	shalt  }
0x78: {  	_ =	shalt  }
0x79: {  	_ =	shalt  }
0x7a: {  	_ =	shalt  }
0x7b: {  	_ =	shalt  }
0x7c: {  	_ =	shalt  }
0x7d: {  	_ =	shalt  }
0x7e: {  	_ =	shalt  }
0x7f: {  	_ =	shalt  }
0x80: {  	_ =	shalt  }
0x81: {  	_ =	shalt  }
0x82: {  	_ =	shalt  }
0x83: {  	_ =	shalt  }
0x84: {  	_ =	shalt  }
0x85: {  	_ =	shalt  }
0x86: {  	_ =	shalt  }
0x87: {  	_ =	shalt  }
.Lfunc_end0:
.L_simem_size_0:
called_computation_lowered:
.L_overlay_start_0:
0x88: {  	s2 =	sld [smem:$0x3FD9]  }
0x89: {  	s3 =	sld [smem:$0x3FFE];
	_ =	sdelay $0x1  }
0x8a: {  	s1 =	srdreg.scid  }
0x8b: {  	s0 =	sand.u32 $0x1, s1  }
0x8c: {  	s17 =	sshll.u32 s0, $0xA;
	s2 =	sadd.s32 s3, s2  }
0x8d: {  	s2 =	sadd.s32 s2, s17  }
0x8e: {  	[smem:$0x3FC1] =	sst s2  }
0x8f: {  	_ = 	snop  }
0x90: {  	s2 =	sld [smem:$0x3FD0];
	(tm) =	ssettm $0x1  }
0x91: {  	s18 =	sld [smem:$0x3FFB];
	_ =	sdelay $0x3  }
0x92: {  	_ =	strace s18  }
0x93: {  	s3 =	sld [smem:$0x3FFC];
	_ =	sdelay $0x3  }
0x94: {  	_ =	strace s3  }
0x95: {  	s3 =	sld [smem:$0x3FFD];
	_ =	sdelay $0x3  }
0x96: {  	_ =	strace s3  }
0x97: {  	_ =	strace $0x8FFFFFFF  }
0x98: {  	s19 =	sld [smem:$0x3FDB];
	_ =	sdelay $0x1  }
0x99: {  	s4 =	simm.s32 $_scs_section_size  }
0x9a: {  	s5 =	simm.s32 $_size__tile_overlayer_lowered;
	s6 =	simm.s32 $_tile_overlayer_lowered  }
0x9b: {  	s22 =	simm.s32 $0x1BFF;
	s21 =	sshll.u32 s6, $0x1;
	s3 =	sadd.s32 s4, s19  }
0x9c: {  	s7 =	simm.s32 $0x0;
	s20 =	sshll.u32 s5, $0x1;
	s5 =	sadd.s32 s21, s3  }
0x9d: {  	[timem:s7], [sflag:s22] =	dma.local [hbm:s5], s20  }
0x9e: {  	_ =	swait.ge [sflag:s22], s20  }
0x9f: {  	s4 =	ssub.s32 $0x0, s20;
	[sflag:s22] =	ssyncset.done $0x0  }
0xa0: {  	[sflag:s22] =	ssyncadd.s32 s4;
	_ =	sdelay $0x1  }
0xa1: {  	s23 =	simm.s32 $0x1B8B  }
0xa2: {  	_ =	swait.ge [sflag:s23], $0x1  }
0xa3: {  	[sflag:s23] =	ssyncset.done $0x0  }
0xa4: {  	s25 =	simm.s32 $0x1B8E;
	s24 =	sld [smem:$0x3FFE];
	[sflag:s23] =	ssyncadd.s32 $0xFFFFFFFF  }
0xa5: {  	s26 =	simm.s32 $execute0_lowered;
	[smem:$0x3FD2] =	sst s25  }
0xa6: {  	s5 =	sshll.u32 s26, $0x1;
	_ =	strace $0x80000046;
	[dreg:$0x1] =	wrdreg $0xFFFFFFFF  }
0xa7: {  	s28 =	simm.s32 $_size_execute0_lowered;
	s3 =	sadd.s32 s3, s5;
	[dreg:$0x0] =	wrdreg $0x0  }
0xa8: {  	s5 =	sshll.u32 s28, $0x1;
	[dreg:$0x2] =	wrdreg s3  }
0xa9: {  	[dreg:$0x3] =	wrdreg s5  }
0xaa: {  	[dreg:$0x4] =	wrdreg $0xC0  }
0xab: {  	_ =	task [dreg:s7], $0x5FFFF  }
0xac: {  	[dreg:$0x1] =	wrdreg $0xFFFFFFFF  }
0xad: {  	[dreg:$0x0] =	wrdreg $0x60  }
0xae: {  	[dreg:$0x2] =	wrdreg s24  }
0xaf: {  	[dreg:$0x3] =	wrdreg s2  }
0xb0: {  	[dreg:$0x4] =	wrdreg $0x9  }
0xb1: {  	_ =	task.clear_ibuf [dreg:s7], $0x5FFFF;
	_ =	strace $0x90000046  }
0xb2: {  	s29 =	simm.s32 $0x9;
	_ =	strace $0x80000048  }
0xb3: {  	_ =	swait.ge [sflag:s29], $0x1  }
0xb4: {  	[sflag:s29] =	ssyncadd.s32 $0xFFFFFFFF  }
0xb5: {  	_ =	strace $0x90000048  }
0xb6: {  	_ =	sfence  }
0xb7: {  	s30 =	sld [smem:$0x0];
	_ =	sdelay $0x2  }
0xb8: {  	s31 =	sshll.u32 s1, $0xD;
	s1 =	sshrl.u32 s1, $0x2  }
0xb9: {  	s3 =	sand.u32 $0x4000, s31;
	s1 =	sadd.s32 s1, s30  }
0xba: {  	s0 =	sor.u32 s3, s0;
	s1 =	sshll.u32 s1, $0x11  }
0xbb: {  	s0 =	sor.u32 s1, s0  }
0xbc: {  	s0 =	sadd.s32 $0x8F2B, s0  }
0xbd: {  	[sflag:s0] =	ssyncadd.remote.s32 $0x1  }
0xbe: {  	_ =	sfence.sel $0xFFFF  }
0xbf: {  	[dreg:$0x0] =	wrdreg $0xFFFFFFFF;
	(pc) =	sbr.abs _section_cstart, $3  }
0xc0: {  	[dreg:$0x1] =	wrdreg $0xFFFFFFFF  }
0xc1: {  	_ =	task.clear_ibuf [dreg:s7], $0x2FFFF;
	_ =	strace $0x9FFFFFFF  }
0xc2: {  	(tm) =	ssettm $0x7FFFFFFF  }
0xc3: {  	_ =	shalt  }
tec
execute0_lowered:
.L_overlay_start_1:
0x0: {  	(tag) =	ssettag $0x1  }
0x1: {  	s0 =	rddreg [dreg:$0x0]  }
0x2: {  	s6 =	rddreg [dreg:$0x1];
	s3 =	srdreg.scid  }
0x3: {  	s1 =	stileid.u32;
	s2 =	simm.s32 $0x0;
	s11 =	simm.s32 $0x3200  }
0x4: {  	s12 =	simm.s32 $0x6400;
	s13 =	simm.s32 $0x9600;
	s14 =	simm.s32 $0xC800  }
0x5: {  	s15 =	simm.s32 $0xFA00;
	s16 =	simm.s32 $0x12C00;
	s17 =	simm.s32 $0x15E00  }
0x6: {  	s18 =	simm.s32 $0x19000;
	s19 =	simm.s32 $0x1;
	s20 =	simm.s32 $0x2  }
0x7: {  	s21 =	simm.s32 $0x3;
	s22 =	simm.s32 $0x3000;
	s23 =	simm.s32 $0x3080  }
0x8: {  	s24 =	simm.s32 $0x3100;
	s25 =	simm.s32 $0x3180;
	s26 =	simm.s32 $0x4  }
0x9: {  	s3 =	sand.u32 $0x1, s3;
	s4 =	sshll.u32 s1, $0x1;
	[smem:$0x7FF] =	sst s2  }
0xa: {  	s28 =	simm.s32 $0x0;
	s5 =	sor.u32 s3, s4;
	_ =	strace $0x80000047  }
0xb: {  	s7 =	ssub.s32 $0x2, s3;
	s3 =	sadd.s32 $0x1800, s0;
	s8 =	smul.u32 $0x9C400, s5  }
0xc: {  	s4 =	sadd.s32 $0x4FA00, s0;
	s9 =	sshrl.u32 s7, $0x1;
	s10 =	smul.u32 $0x640, s5  }
0xd: {  	s5 =	smul.u32 $0x1388, s5;
	s30 =	ssub.s32 s7, s9;
	s31 =	sshrl.u32 s8, $0x3  }
0xe: {  	s9 =	simm.s32 $0x5;
	s6 =	sadd.s32 s6, s10;
	s7 =	sadd.s32 s4, s31  }
0xf: {  	s8 =	smax.u32 s30, $0x1;
	s10 =	simm.s32 $0x64;
	s7 =	sadd.s32 $0x12C00, s7  }
.LBB2_1:
0x10: {  	[tilespmem:s2], [sflag:$0x5] =	stream.linear.gather [hbm4b:s6+s2], $0x3200, $0x38;
	[tilespmem:$0x1C200] =	vst v63  }
0x11: {  	_ =	swait.ge [sflag:s9], $0x3200  }
0x12: {  	[sflag:s9] =	ssyncset.done $0x0  }
0x13: {  	s29 =	simm.s32 $0x0;
	[sflag:s9] =	ssyncadd.s32 $0xFFFFCE00  }
.LBB2_2:
0x14: {  	p0 =	seq.s32 s29, $0x0  }
0x15: {  	s0 =	simm.s32 @!p0 $0x3  }
0x16: {  	_ =	swait.ge @!p0 [sflag:s0], $0x6400  }
0x17: {  	s30 =	sshll.u32 s29, $0xA;
	[sflag:s0] =	ssyncset.done @!p0 $0x0  }
0x18: {  	s1 =	sand.u32 $0x3FFFFC00, s30;
	[sflag:s0] =	ssyncadd.s32 @!p0 $0xFFFF9C00  }
0x19: {  	[tilespmem:s11], [sflag:$0x1] =	stream.indirect.gather [hbm4b:s3+s10], $0x80, s1, s10, $0xb8;
	[tilespmem:$0x1C200] =	vst v63  }
0x1a: {  	s30 =	sor.u32 $0x80, s1  }
0x1b: {  	[tilespmem:s12], [sflag:$0x1] =	stream.indirect.gather [hbm4b:s3+s10], $0x80, s30, s10, $0xb8;
	[tilespmem:$0x1C200] =	vst v63  }
0x1c: {  	s30 =	sor.u32 $0x100, s1  }
0x1d: {  	[tilespmem:s13], [sflag:$0x1] =	stream.indirect.gather [hbm4b:s3+s10], $0x80, s30, s10, $0xb8;
	[tilespmem:$0x1C200] =	vst v63  }
0x1e: {  	s31 =	simm.s32 @!p0 $0x4;
	s0 =	sor.u32 $0x180, s1;
	s1 =	sshll.u32 s29, $0x1  }
0x1f: {  	[tilespmem:s14], [sflag:$0x1] =	stream.indirect.gather [hbm4b:s3+s10], $0x80, s0, s10, $0xb8;
	[tilespmem:$0x1C200] =	vst v63  }
0x20: {  	s30 =	sor.u32 $0x1, s1;
	_ =	swait.ge @!p0 [sflag:s31], $0x6400  }
0x21: {  	s0 =	sshll.u32 s30, $0x9;
	[sflag:s31] =	ssyncset.done @!p0 $0x0  }
0x22: {  	s0 =	sand.u32 $0x3FFFFE00, s0;
	[sflag:s31] =	ssyncadd.s32 @!p0 $0xFFFF9C00  }
0x23: {  	[tilespmem:s15], [sflag:$0x2] =	stream.indirect.gather [hbm4b:s3+s10], $0x80, s0, s10, $0xb8;
	[tilespmem:$0x1C200] =	vst v63  }
0x24: {  	s31 =	sor.u32 $0x80, s0  }
0x25: {  	[tilespmem:s16], [sflag:$0x2] =	stream.indirect.gather [hbm4b:s3+s10], $0x80, s31, s10, $0xb8;
	[tilespmem:$0x1C200] =	vst v63  }
0x26: {  	s31 =	sor.u32 $0x100, s0  }
0x27: {  	[tilespmem:s17], [sflag:$0x2] =	stream.indirect.gather [hbm4b:s3+s10], $0x80, s31, s10, $0xb8;
	[tilespmem:$0x1C200] =	vst v63  }
0x28: {  	s0 =	sor.u32 $0x180, s0  }
0x29: {  	[tilespmem:s18], [sflag:$0x2] =	stream.indirect.gather [hbm4b:s3+s10], $0x80, s0, s10, $0xb8;
	[tilespmem:$0x1C200] =	vst v63  }
0x2a: {  	_ =	swait.ge [sflag:s19], $0x3200  }
0x2b: {  	[sflag:s19] =	ssyncset.done $0x0  }
0x2c: {  	[sflag:s19] =	ssyncadd.s32 $0xFFFFCE00  }
0x2d: {  	_ =	swait.ge [sflag:s19], $0x3200  }
0x2e: {  	[sflag:s19] =	ssyncset.done $0x0  }
0x2f: {  	[sflag:s19] =	ssyncadd.s32 $0xFFFFCE00  }
0x30: {  	_ =	swait.ge [sflag:s19], $0x3200  }
0x31: {  	[sflag:s19] =	ssyncset.done $0x0  }
0x32: {  	[sflag:s19] =	ssyncadd.s32 $0xFFFFCE00  }
0x33: {  	_ =	swait.ge [sflag:s19], $0x3200  }
0x34: {  	[sflag:s19] =	ssyncset.done $0x0  }
0x35: {  	s31 =	simm.s32 $0x0;
	[sflag:s19] =	ssyncadd.s32 $0xFFFFCE00  }
0x36: {  	v6 =	vld [tilespmem:s31+$0x9600]  }
0x37: {  	v7 =	vld [tilespmem:s31+$0x9610]  }
0x38: {  	v8 =	vld [tilespmem:s31+$0x9620]  }
0x39: {  	v9 =	vld [tilespmem:s31+$0x9630]  }
0x3a: {  	v10 =	vld [tilespmem:s31+$0x9640]  }
0x3b: {  	v11 =	vld [tilespmem:s31+$0x9650]  }
0x3c: {  	v12 =	vld [tilespmem:s31+$0x9660]  }
0x3d: {  	v13 =	vld [tilespmem:s31+$0x9670]  }
0x3e: {  	v14 =	vld [tilespmem:s31+$0x9680]  }
0x3f: {  	v15 =	vld [tilespmem:s31+$0x9690]  }
0x40: {  	v5 =	vld [tilespmem:s31+$0x96A0]  }
0x41: {  	v4 =	vld [tilespmem:s31+$0x96B0]  }
0x42: {  	v3 =	vld [tilespmem:s31+$0x96C0]  }
0x43: {  	v2 =	vld [tilespmem:s31+$0x96D0]  }
0x44: {  	v1 =	vld [tilespmem:s31+$0x96E0]  }
0x45: {  	v0 =	vld [tilespmem:s31+$0x96F0]  }
0x46: {  	v16 =	vld [tilespmem:s31+$0x3200]  }
0x47: {  	v17 =	vld [tilespmem:s31+$0x3210]  }
0x48: {  	v18 =	vld [tilespmem:s31+$0x3220]  }
0x49: {  	v19 =	vld [tilespmem:s31+$0x3230]  }
0x4a: {  	v20 =	vld [tilespmem:s31+$0x3240]  }
0x4b: {  	v60 =	vld [tilespmem:s31+$0x3250];
	v6 =	vadd.f32 v6, v16  }
0x4c: {  	v21 =	vld [tilespmem:s31+$0x3260];
	v7 =	vadd.f32 v7, v17  }
0x4d: {  	v61 =	vld [tilespmem:s31+$0x3270];
	[tilespmem:s31+$0x3200] =	vst v6;
	v6 =	vadd.f32 v8, v18  }
0x4e: {  	v62 =	vld [tilespmem:s31+$0x3280];
	[tilespmem:s31+$0x3210] =	vst v7;
	v7 =	vadd.f32 v9, v19  }
0x4f: {  	v63 =	vld [tilespmem:s31+$0x3290];
	[tilespmem:s31+$0x3220] =	vst v6;
	v6 =	vadd.f32 v10, v20  }
0x50: {  	v8 =	vadd.f32 v11, v60;
	[tilespmem:s31+$0x3230] =	vst v7;
	v7 =	vld [tilespmem:s31+$0x32A0]  }
0x51: {  	v9 =	vadd.f32 v12, v21;
	[tilespmem:s31+$0x3240] =	vst v6;
	v6 =	vld [tilespmem:s31+$0x32B0]  }
0x52: {  	[tilespmem:s31+$0x3250] =	vst v8;
	v8 =	vld [tilespmem:s31+$0x32C0];
	v10 =	vadd.f32 v13, v61  }
0x53: {  	v12 =	vadd.f32 v14, v62;
	[tilespmem:s31+$0x3260] =	vst v9;
	v9 =	vld [tilespmem:s31+$0x32D0]  }
0x54: {  	s0 =	simm.s32 $0x400;
	v11 =	vadd.f32 v15, v63;
	[tilespmem:s31+$0x3270] =	vst v10;
	v10 =	vld [tilespmem:s31+$0x32E0]  }
.LBB2_3:
0x55: {  	s1 =	sshra.s32 s0, $0x2;
	p0 =	sne.s32 s0, $0x18C00;
	[tilespmem:s31+$0x3280] =	vst v12;
	v5 =	vadd.f32 v5, v7;
	v7 =	vld [tilespmem:s31+$0x32F0]  }
0x56: {  	v12 =	vld [tilespmem:s1+$0x9600];
	[tilespmem:s31+$0x3290] =	vst v11;
	v4 =	vadd.f32 v4, v6  }
0x57: {  	v6 =	vld [tilespmem:s1+$0x9610];
	[tilespmem:s31+$0x32A0] =	vst v5;
	v3 =	vadd.f32 v3, v8  }
0x58: {  	v8 =	vld [tilespmem:s1+$0x9620];
	[tilespmem:s31+$0x32B0] =	vst v4;
	v2 =	vadd.f32 v2, v9  }
0x59: {  	v9 =	vld [tilespmem:s1+$0x9630];
	[tilespmem:s31+$0x32C0] =	vst v3;
	v1 =	vadd.f32 v1, v10  }
0x5a: {  	v10 =	vld [tilespmem:s1+$0x9640];
	[tilespmem:s31+$0x32D0] =	vst v2;
	v0 =	vadd.f32 v0, v7  }
0x5b: {  	v7 =	vld [tilespmem:s1+$0x9650];
	[tilespmem:s31+$0x32E0] =	vst v1  }
0x5c: {  	v11 =	vld [tilespmem:s1+$0x9660];
	[tilespmem:s31+$0x32F0] =	vst v0;
	s31 =	smov.u32 s1  }
0x5d: {  	v13 =	vld [tilespmem:s31+$0x9670]  }
0x5e: {  	v14 =	vld [tilespmem:s31+$0x9680]  }
0x5f: {  	v15 =	vld [tilespmem:s31+$0x9690]  }
0x60: {  	v5 =	vld [tilespmem:s31+$0x96A0]  }
0x61: {  	v4 =	vld [tilespmem:s31+$0x96B0]  }
0x62: {  	v3 =	vld [tilespmem:s31+$0x96C0]  }
0x63: {  	v2 =	vld [tilespmem:s31+$0x96D0]  }
0x64: {  	v1 =	vld [tilespmem:s31+$0x96E0]  }
0x65: {  	v0 =	vld [tilespmem:s31+$0x96F0]  }
0x66: {  	v16 =	vld [tilespmem:s31+$0x3200]  }
0x67: {  	v17 =	vld [tilespmem:s31+$0x3210]  }
0x68: {  	v18 =	vld [tilespmem:s31+$0x3220]  }
0x69: {  	v19 =	vld [tilespmem:s31+$0x3230]  }
0x6a: {  	v20 =	vld [tilespmem:s31+$0x3240]  }
0x6b: {  	v12 =	vadd.f32 v12, v16;
	v16 =	vld [tilespmem:s31+$0x3250]  }
0x6c: {  	v6 =	vadd.f32 v6, v17;
	v17 =	vld [tilespmem:s31+$0x3260]  }
0x6d: {  	[tilespmem:s31+$0x3200] =	vst v12;
	v8 =	vadd.f32 v8, v18;
	v12 =	vld [tilespmem:s31+$0x3270]  }
0x6e: {  	[tilespmem:s31+$0x3210] =	vst v6;
	v6 =	vadd.f32 v9, v19;
	v9 =	vld [tilespmem:s31+$0x3280]  }
0x6f: {  	[tilespmem:s31+$0x3220] =	vst v8;
	v8 =	vadd.f32 v10, v20;
	v10 =	vld [tilespmem:s31+$0x3290]  }
.Ltmp0:
0x70: {  	[tilespmem:s31+$0x3230] =	vst v6;
	v16 =	vadd.f32 v7, v16;
	v7 =	vld [tilespmem:s31+$0x32A0];
	(pc) =	sbr.rel @p0 .LBB2_3-.Ltmp0, $4  }
0x71: {  	[tilespmem:s31+$0x3240] =	vst v8;
	v11 =	vadd.f32 v11, v17;
	v6 =	vld [tilespmem:s31+$0x32B0]  }
0x72: {  	[tilespmem:s31+$0x3250] =	vst v16;
	v13 =	vadd.f32 v13, v12;
	v8 =	vld [tilespmem:s31+$0x32C0]  }
0x73: {  	[tilespmem:s31+$0x3260] =	vst v11;
	v12 =	vadd.f32 v14, v9;
	v9 =	vld [tilespmem:s31+$0x32D0]  }
0x74: {  	s0 =	sadd.s32 $0x400, s0;
	[tilespmem:s31+$0x3270] =	vst v13;
	v11 =	vadd.f32 v15, v10;
	v10 =	vld [tilespmem:s31+$0x32E0]  }
0x75: {  	[tilespmem:s31+$0x3280] =	vst v12;
	v5 =	vadd.f32 v5, v7;
	v7 =	vld [tilespmem:s31+$0x32F0]  }
0x76: {  	[tilespmem:s31+$0x3290] =	vst v11;
	v4 =	vadd.f32 v4, v6  }
0x77: {  	[tilespmem:s31+$0x32A0] =	vst v5;
	v3 =	vadd.f32 v3, v8  }
0x78: {  	s0 =	smul.u32 $0x190, s29;
	[tilespmem:s31+$0x32B0] =	vst v4;
	v2 =	vadd.f32 v2, v9  }
0x79: {  	[tilespmem:s31+$0x32C0] =	vst v3;
	v1 =	vadd.f32 v1, v10  }
0x7a: {  	s0 =	sadd.s32 s5, s0;
	[tilespmem:s31+$0x32D0] =	vst v2;
	v0 =	vadd.f32 v0, v7  }
0x7b: {  	s0 =	sshll.u32 s0, $0x4;
	[tilespmem:s31+$0x32E0] =	vst v1  }
0x7c: {  	s1 =	simm.s32 $0x0;
	s0 =	sadd.s32 s4, s0;
	[tilespmem:s31+$0x32F0] =	vst v0  }
0x7d: {  	[hbm4b:s0+s1] =	stream.linear.scatter [tilespmem:s11], [sflag:$0x3], $0x6400, $0x38;
	[tilespmem:$0x1C200] =	vst v63  }
0x7e: {  	_ =	swait.ge [sflag:s20], $0x3200  }
0x7f: {  	[sflag:s20] =	ssyncset.done $0x0  }
0x80: {  	[sflag:s20] =	ssyncadd.s32 $0xFFFFCE00  }
0x81: {  	_ =	swait.ge [sflag:s20], $0x3200  }
0x82: {  	[sflag:s20] =	ssyncset.done $0x0  }
0x83: {  	[sflag:s20] =	ssyncadd.s32 $0xFFFFCE00  }
0x84: {  	_ =	swait.ge [sflag:s20], $0x3200  }
0x85: {  	[sflag:s20] =	ssyncset.done $0x0  }
0x86: {  	[sflag:s20] =	ssyncadd.s32 $0xFFFFCE00  }
0x87: {  	_ =	swait.ge [sflag:s20], $0x3200  }
0x88: {  	[sflag:s20] =	ssyncset.done $0x0  }
0x89: {  	s31 =	simm.s32 $0x0;
	[sflag:s20] =	ssyncadd.s32 $0xFFFFCE00  }
0x8a: {  	v6 =	vld [tilespmem:s31+$0x15E00]  }
0x8b: {  	v7 =	vld [tilespmem:s31+$0x15E10]  }
0x8c: {  	v8 =	vld [tilespmem:s31+$0x15E20]  }
0x8d: {  	v9 =	vld [tilespmem:s31+$0x15E30]  }
0x8e: {  	v10 =	vld [tilespmem:s31+$0x15E40]  }
0x8f: {  	v11 =	vld [tilespmem:s31+$0x15E50]  }
0x90: {  	v12 =	vld [tilespmem:s31+$0x15E60]  }
0x91: {  	v13 =	vld [tilespmem:s31+$0x15E70]  }
0x92: {  	v14 =	vld [tilespmem:s31+$0x15E80]  }
0x93: {  	v15 =	vld [tilespmem:s31+$0x15E90]  }
0x94: {  	v5 =	vld [tilespmem:s31+$0x15EA0]  }
0x95: {  	v4 =	vld [tilespmem:s31+$0x15EB0]  }
0x96: {  	v3 =	vld [tilespmem:s31+$0x15EC0]  }
0x97: {  	v2 =	vld [tilespmem:s31+$0x15ED0]  }
0x98: {  	v1 =	vld [tilespmem:s31+$0x15EE0]  }
0x99: {  	v0 =	vld [tilespmem:s31+$0x15EF0]  }
0x9a: {  	v16 =	vld [tilespmem:s31+$0xFA00]  }
0x9b: {  	v17 =	vld [tilespmem:s31+$0xFA10]  }
0x9c: {  	v18 =	vld [tilespmem:s31+$0xFA20]  }
0x9d: {  	v19 =	vld [tilespmem:s31+$0xFA30]  }
0x9e: {  	v20 =	vld [tilespmem:s31+$0xFA40]  }
0x9f: {  	v60 =	vld [tilespmem:s31+$0xFA50];
	v6 =	vadd.f32 v6, v16  }
0xa0: {  	v21 =	vld [tilespmem:s31+$0xFA60];
	v7 =	vadd.f32 v7, v17  }
0xa1: {  	v61 =	vld [tilespmem:s31+$0xFA70];
	[tilespmem:s31+$0xFA00] =	vst v6;
	v6 =	vadd.f32 v8, v18  }
0xa2: {  	v62 =	vld [tilespmem:s31+$0xFA80];
	[tilespmem:s31+$0xFA10] =	vst v7;
	v7 =	vadd.f32 v9, v19  }
0xa3: {  	v63 =	vld [tilespmem:s31+$0xFA90];
	[tilespmem:s31+$0xFA20] =	vst v6;
	v6 =	vadd.f32 v10, v20  }
0xa4: {  	v8 =	vadd.f32 v11, v60;
	[tilespmem:s31+$0xFA30] =	vst v7;
	v7 =	vld [tilespmem:s31+$0xFAA0]  }
0xa5: {  	v9 =	vadd.f32 v12, v21;
	[tilespmem:s31+$0xFA40] =	vst v6;
	v6 =	vld [tilespmem:s31+$0xFAB0]  }
0xa6: {  	[tilespmem:s31+$0xFA50] =	vst v8;
	v8 =	vld [tilespmem:s31+$0xFAC0];
	v10 =	vadd.f32 v13, v61  }
0xa7: {  	v12 =	vadd.f32 v14, v62;
	[tilespmem:s31+$0xFA60] =	vst v9;
	v9 =	vld [tilespmem:s31+$0xFAD0]  }
0xa8: {  	s0 =	simm.s32 $0x400;
	v11 =	vadd.f32 v15, v63;
	[tilespmem:s31+$0xFA70] =	vst v10;
	v10 =	vld [tilespmem:s31+$0xFAE0]  }
.LBB2_5:
0xa9: {  	s1 =	sshra.s32 s0, $0x2;
	p0 =	sne.s32 s0, $0x18C00;
	[tilespmem:s31+$0xFA80] =	vst v12;
	v5 =	vadd.f32 v5, v7;
	v7 =	vld [tilespmem:s31+$0xFAF0]  }
0xaa: {  	v12 =	vld [tilespmem:s1+$0x15E00];
	[tilespmem:s31+$0xFA90] =	vst v11;
	v4 =	vadd.f32 v4, v6  }
0xab: {  	v6 =	vld [tilespmem:s1+$0x15E10];
	[tilespmem:s31+$0xFAA0] =	vst v5;
	v3 =	vadd.f32 v3, v8  }
0xac: {  	v8 =	vld [tilespmem:s1+$0x15E20];
	[tilespmem:s31+$0xFAB0] =	vst v4;
	v2 =	vadd.f32 v2, v9  }
0xad: {  	v9 =	vld [tilespmem:s1+$0x15E30];
	[tilespmem:s31+$0xFAC0] =	vst v3;
	v1 =	vadd.f32 v1, v10  }
0xae: {  	v10 =	vld [tilespmem:s1+$0x15E40];
	[tilespmem:s31+$0xFAD0] =	vst v2;
	v0 =	vadd.f32 v0, v7  }
0xaf: {  	v7 =	vld [tilespmem:s1+$0x15E50];
	[tilespmem:s31+$0xFAE0] =	vst v1  }
0xb0: {  	v11 =	vld [tilespmem:s1+$0x15E60];
	[tilespmem:s31+$0xFAF0] =	vst v0;
	s31 =	smov.u32 s1  }
0xb1: {  	v13 =	vld [tilespmem:s31+$0x15E70]  }
0xb2: {  	v14 =	vld [tilespmem:s31+$0x15E80]  }
0xb3: {  	v15 =	vld [tilespmem:s31+$0x15E90]  }
0xb4: {  	v5 =	vld [tilespmem:s31+$0x15EA0]  }
0xb5: {  	v4 =	vld [tilespmem:s31+$0x15EB0]  }
0xb6: {  	v3 =	vld [tilespmem:s31+$0x15EC0]  }
0xb7: {  	v2 =	vld [tilespmem:s31+$0x15ED0]  }
0xb8: {  	v1 =	vld [tilespmem:s31+$0x15EE0]  }
0xb9: {  	v0 =	vld [tilespmem:s31+$0x15EF0]  }
0xba: {  	v16 =	vld [tilespmem:s31+$0xFA00]  }
0xbb: {  	v17 =	vld [tilespmem:s31+$0xFA10]  }
0xbc: {  	v18 =	vld [tilespmem:s31+$0xFA20]  }
0xbd: {  	v19 =	vld [tilespmem:s31+$0xFA30]  }
0xbe: {  	v20 =	vld [tilespmem:s31+$0xFA40]  }
0xbf: {  	v12 =	vadd.f32 v12, v16;
	v16 =	vld [tilespmem:s31+$0xFA50]  }
0xc0: {  	v6 =	vadd.f32 v6, v17;
	v17 =	vld [tilespmem:s31+$0xFA60]  }
0xc1: {  	[tilespmem:s31+$0xFA00] =	vst v12;
	v8 =	vadd.f32 v8, v18;
	v12 =	vld [tilespmem:s31+$0xFA70]  }
0xc2: {  	[tilespmem:s31+$0xFA10] =	vst v6;
	v6 =	vadd.f32 v9, v19;
	v9 =	vld [tilespmem:s31+$0xFA80]  }
0xc3: {  	[tilespmem:s31+$0xFA20] =	vst v8;
	v8 =	vadd.f32 v10, v20;
	v10 =	vld [tilespmem:s31+$0xFA90]  }
.Ltmp1:
0xc4: {  	[tilespmem:s31+$0xFA30] =	vst v6;
	v16 =	vadd.f32 v7, v16;
	v7 =	vld [tilespmem:s31+$0xFAA0];
	(pc) =	sbr.rel @p0 .LBB2_5-.Ltmp1, $4  }
0xc5: {  	[tilespmem:s31+$0xFA40] =	vst v8;
	v11 =	vadd.f32 v11, v17;
	v6 =	vld [tilespmem:s31+$0xFAB0]  }
0xc6: {  	[tilespmem:s31+$0xFA50] =	vst v16;
	v13 =	vadd.f32 v13, v12;
	v8 =	vld [tilespmem:s31+$0xFAC0]  }
0xc7: {  	[tilespmem:s31+$0xFA60] =	vst v11;
	v12 =	vadd.f32 v14, v9;
	v9 =	vld [tilespmem:s31+$0xFAD0]  }
0xc8: {  	s0 =	sadd.s32 $0x400, s0;
	[tilespmem:s31+$0xFA70] =	vst v13;
	v11 =	vadd.f32 v15, v10;
	v10 =	vld [tilespmem:s31+$0xFAE0]  }
0xc9: {  	[tilespmem:s31+$0xFA80] =	vst v12;
	v5 =	vadd.f32 v5, v7;
	v63 =	vld [tilespmem:s31+$0xFAF0]  }
0xca: {  	[tilespmem:s31+$0xFA90] =	vst v11;
	v4 =	vadd.f32 v4, v6  }
0xcb: {  	s29 =	sadd.s32 $0x1, s29;
	[tilespmem:s31+$0xFAA0] =	vst v5;
	v3 =	vadd.f32 v3, v8  }
0xcc: {  	s0 =	smul.u32 $0xC8, s30;
	p0 =	sne.s32 s29, $0xC;
	[tilespmem:s31+$0xFAB0] =	vst v4;
	v2 =	vadd.f32 v2, v9  }
.Ltmp2:
0xcd: {  	[tilespmem:s31+$0xFAC0] =	vst v3;
	v1 =	vadd.f32 v1, v10;
	(pc) =	sbr.rel @p0 .LBB2_2-.Ltmp2, $4  }
0xce: {  	s0 =	sadd.s32 s5, s0;
	[tilespmem:s31+$0xFAD0] =	vst v2;
	v0 =	vadd.f32 v0, v63  }
0xcf: {  	s0 =	sshll.u32 s0, $0x4;
	[tilespmem:s31+$0xFAE0] =	vst v1  }
0xd0: {  	s0 =	sadd.s32 s4, s0;
	[tilespmem:s31+$0xFAF0] =	vst v0  }
0xd1: {  	[hbm4b:s0+s2] =	stream.linear.scatter [tilespmem:s15], [sflag:$0x4], $0x6400, $0x38;
	[tilespmem:$0x1C200] =	vst v63  }
0xd2: {  	_ =	swait.ge [sflag:s21], $0x6400  }
0xd3: {  	[sflag:s21] =	ssyncset.done $0x0  }
0xd4: {  	[sflag:s21] =	ssyncadd.s32 $0xFFFF9C00  }
0xd5: {  	[tilespmem:s11], [sflag:$0x1] =	stream.indirect.gather [hbm4b:s3+s10], $0x80, s22, s10, $0xb8;
	[tilespmem:$0x1C200] =	vst v63  }
0xd6: {  	_ = 	snop  }
0xd7: {  	[tilespmem:s12], [sflag:$0x1] =	stream.indirect.gather [hbm4b:s3+s10], $0x80, s23, s10, $0xb8;
	[tilespmem:$0x1C200] =	vst v63  }
0xd8: {  	_ = 	snop  }
0xd9: {  	[tilespmem:s13], [sflag:$0x1] =	stream.indirect.gather [hbm4b:s3+s10], $0x80, s24, s10, $0xb8;
	[tilespmem:$0x1C200] =	vst v63  }
0xda: {  	_ = 	snop  }
0xdb: {  	[tilespmem:s14], [sflag:$0x1] =	stream.indirect.gather [hbm4b:s3+s10], $0x80, s25, s10, $0xb8;
	[tilespmem:$0x1C200] =	vst v63  }
0xdc: {  	_ =	swait.ge [sflag:s19], $0x3200  }
0xdd: {  	[sflag:s19] =	ssyncset.done $0x0  }
0xde: {  	[sflag:s19] =	ssyncadd.s32 $0xFFFFCE00  }
0xdf: {  	_ =	swait.ge [sflag:s19], $0x3200  }
0xe0: {  	[sflag:s19] =	ssyncset.done $0x0  }
0xe1: {  	[sflag:s19] =	ssyncadd.s32 $0xFFFFCE00  }
0xe2: {  	_ =	swait.ge [sflag:s19], $0x3200  }
0xe3: {  	[sflag:s19] =	ssyncset.done $0x0  }
0xe4: {  	[sflag:s19] =	ssyncadd.s32 $0xFFFFCE00  }
0xe5: {  	_ =	swait.ge [sflag:s19], $0x3200  }
0xe6: {  	[sflag:s19] =	ssyncset.done $0x0  }
0xe7: {  	s29 =	simm.s32 $0x0;
	[sflag:s19] =	ssyncadd.s32 $0xFFFFCE00  }
0xe8: {  	v6 =	vld [tilespmem:s29+$0x9600]  }
0xe9: {  	v7 =	vld [tilespmem:s29+$0x9610]  }
0xea: {  	v8 =	vld [tilespmem:s29+$0x9620]  }
0xeb: {  	v9 =	vld [tilespmem:s29+$0x9630]  }
0xec: {  	v10 =	vld [tilespmem:s29+$0x9640]  }
0xed: {  	v11 =	vld [tilespmem:s29+$0x9650]  }
0xee: {  	v12 =	vld [tilespmem:s29+$0x9660]  }
0xef: {  	v13 =	vld [tilespmem:s29+$0x9670]  }
0xf0: {  	v14 =	vld [tilespmem:s29+$0x9680]  }
0xf1: {  	v15 =	vld [tilespmem:s29+$0x9690]  }
0xf2: {  	v5 =	vld [tilespmem:s29+$0x96A0]  }
0xf3: {  	v4 =	vld [tilespmem:s29+$0x96B0]  }
0xf4: {  	v3 =	vld [tilespmem:s29+$0x96C0]  }
0xf5: {  	v2 =	vld [tilespmem:s29+$0x96D0]  }
0xf6: {  	v1 =	vld [tilespmem:s29+$0x96E0]  }
0xf7: {  	v0 =	vld [tilespmem:s29+$0x96F0]  }
0xf8: {  	v16 =	vld [tilespmem:s29+$0x3200]  }
0xf9: {  	v17 =	vld [tilespmem:s29+$0x3210]  }
0xfa: {  	v18 =	vld [tilespmem:s29+$0x3220]  }
0xfb: {  	v19 =	vld [tilespmem:s29+$0x3230]  }
0xfc: {  	v20 =	vld [tilespmem:s29+$0x3240]  }
0xfd: {  	v60 =	vld [tilespmem:s29+$0x3250];
	v6 =	vadd.f32 v6, v16  }
0xfe: {  	v21 =	vld [tilespmem:s29+$0x3260];
	v7 =	vadd.f32 v7, v17  }
0xff: {  	v61 =	vld [tilespmem:s29+$0x3270];
	[tilespmem:s29+$0x3200] =	vst v6;
	v6 =	vadd.f32 v8, v18  }
0x100: {  	v62 =	vld [tilespmem:s29+$0x3280];
	[tilespmem:s29+$0x3210] =	vst v7;
	v7 =	vadd.f32 v9, v19  }
0x101: {  	v63 =	vld [tilespmem:s29+$0x3290];
	[tilespmem:s29+$0x3220] =	vst v6;
	v6 =	vadd.f32 v10, v20  }
0x102: {  	v8 =	vadd.f32 v11, v60;
	[tilespmem:s29+$0x3230] =	vst v7;
	v7 =	vld [tilespmem:s29+$0x32A0]  }
0x103: {  	v9 =	vadd.f32 v12, v21;
	[tilespmem:s29+$0x3240] =	vst v6;
	v6 =	vld [tilespmem:s29+$0x32B0]  }
0x104: {  	[tilespmem:s29+$0x3250] =	vst v8;
	v8 =	vld [tilespmem:s29+$0x32C0];
	v10 =	vadd.f32 v13, v61  }
0x105: {  	v12 =	vadd.f32 v14, v62;
	[tilespmem:s29+$0x3260] =	vst v9;
	v9 =	vld [tilespmem:s29+$0x32D0]  }
0x106: {  	s0 =	simm.s32 $0x400;
	v11 =	vadd.f32 v15, v63;
	[tilespmem:s29+$0x3270] =	vst v10;
	v10 =	vld [tilespmem:s29+$0x32E0]  }
.LBB2_8:
0x107: {  	s1 =	sshra.s32 s0, $0x2;
	p0 =	sne.s32 s0, $0x18C00;
	[tilespmem:s29+$0x3280] =	vst v12;
	v5 =	vadd.f32 v5, v7;
	v7 =	vld [tilespmem:s29+$0x32F0]  }
0x108: {  	v12 =	vld [tilespmem:s1+$0x9600];
	[tilespmem:s29+$0x3290] =	vst v11;
	v4 =	vadd.f32 v4, v6  }
0x109: {  	v6 =	vld [tilespmem:s1+$0x9610];
	[tilespmem:s29+$0x32A0] =	vst v5;
	v3 =	vadd.f32 v3, v8  }
0x10a: {  	v8 =	vld [tilespmem:s1+$0x9620];
	[tilespmem:s29+$0x32B0] =	vst v4;
	v2 =	vadd.f32 v2, v9  }
0x10b: {  	v9 =	vld [tilespmem:s1+$0x9630];
	[tilespmem:s29+$0x32C0] =	vst v3;
	v1 =	vadd.f32 v1, v10  }
0x10c: {  	v10 =	vld [tilespmem:s1+$0x9640];
	[tilespmem:s29+$0x32D0] =	vst v2;
	v0 =	vadd.f32 v0, v7  }
0x10d: {  	v7 =	vld [tilespmem:s1+$0x9650];
	[tilespmem:s29+$0x32E0] =	vst v1  }
0x10e: {  	v11 =	vld [tilespmem:s1+$0x9660];
	[tilespmem:s29+$0x32F0] =	vst v0;
	s29 =	smov.u32 s1  }
0x10f: {  	v13 =	vld [tilespmem:s29+$0x9670]  }
0x110: {  	v14 =	vld [tilespmem:s29+$0x9680]  }
0x111: {  	v15 =	vld [tilespmem:s29+$0x9690]  }
0x112: {  	v5 =	vld [tilespmem:s29+$0x96A0]  }
0x113: {  	v4 =	vld [tilespmem:s29+$0x96B0]  }
0x114: {  	v3 =	vld [tilespmem:s29+$0x96C0]  }
0x115: {  	v2 =	vld [tilespmem:s29+$0x96D0]  }
0x116: {  	v1 =	vld [tilespmem:s29+$0x96E0]  }
0x117: {  	v0 =	vld [tilespmem:s29+$0x96F0]  }
0x118: {  	v16 =	vld [tilespmem:s29+$0x3200]  }
0x119: {  	v17 =	vld [tilespmem:s29+$0x3210]  }
0x11a: {  	v18 =	vld [tilespmem:s29+$0x3220]  }
0x11b: {  	v19 =	vld [tilespmem:s29+$0x3230]  }
0x11c: {  	v20 =	vld [tilespmem:s29+$0x3240]  }
0x11d: {  	v12 =	vadd.f32 v12, v16;
	v16 =	vld [tilespmem:s29+$0x3250]  }
0x11e: {  	v6 =	vadd.f32 v6, v17;
	v17 =	vld [tilespmem:s29+$0x3260]  }
0x11f: {  	[tilespmem:s29+$0x3200] =	vst v12;
	v8 =	vadd.f32 v8, v18;
	v12 =	vld [tilespmem:s29+$0x3270]  }
0x120: {  	[tilespmem:s29+$0x3210] =	vst v6;
	v6 =	vadd.f32 v9, v19;
	v9 =	vld [tilespmem:s29+$0x3280]  }
0x121: {  	[tilespmem:s29+$0x3220] =	vst v8;
	v8 =	vadd.f32 v10, v20;
	v10 =	vld [tilespmem:s29+$0x3290]  }
.Ltmp3:
0x122: {  	[tilespmem:s29+$0x3230] =	vst v6;
	v16 =	vadd.f32 v7, v16;
	v7 =	vld [tilespmem:s29+$0x32A0];
	(pc) =	sbr.rel @p0 .LBB2_8-.Ltmp3, $4  }
0x123: {  	[tilespmem:s29+$0x3240] =	vst v8;
	v11 =	vadd.f32 v11, v17;
	v6 =	vld [tilespmem:s29+$0x32B0]  }
0x124: {  	[tilespmem:s29+$0x3250] =	vst v16;
	v13 =	vadd.f32 v13, v12;
	v8 =	vld [tilespmem:s29+$0x32C0]  }
0x125: {  	[tilespmem:s29+$0x3260] =	vst v11;
	v12 =	vadd.f32 v14, v9;
	v9 =	vld [tilespmem:s29+$0x32D0]  }
0x126: {  	s0 =	sadd.s32 $0x400, s0;
	[tilespmem:s29+$0x3270] =	vst v13;
	v11 =	vadd.f32 v15, v10;
	v10 =	vld [tilespmem:s29+$0x32E0]  }
0x127: {  	[tilespmem:s29+$0x3280] =	vst v12;
	v5 =	vadd.f32 v5, v7;
	v63 =	vld [tilespmem:s29+$0x32F0]  }
0x128: {  	[tilespmem:s29+$0x3290] =	vst v11;
	v4 =	vadd.f32 v4, v6  }
0x129: {  	[tilespmem:s29+$0x32A0] =	vst v5;
	v3 =	vadd.f32 v3, v8  }
0x12a: {  	[tilespmem:s29+$0x32B0] =	vst v4;
	v2 =	vadd.f32 v2, v9  }
0x12b: {  	[tilespmem:s29+$0x32C0] =	vst v3;
	v1 =	vadd.f32 v1, v10  }
0x12c: {  	[tilespmem:s29+$0x32D0] =	vst v2;
	v0 =	vadd.f32 v0, v63  }
0x12d: {  	[tilespmem:s29+$0x32E0] =	vst v1  }
0x12e: {  	s28 =	sadd.s32 $0x1, s28;
	[tilespmem:s29+$0x32F0] =	vst v0  }
0x12f: {  	[hbm4b:s7+s2] =	stream.linear.scatter [tilespmem:s11], [sflag:$0x3], $0x6400, $0x38;
	[tilespmem:$0x1C200] =	vst v63  }
0x130: {  	p0 =	sne.s32 s28, s8;
	_ =	swait.ge [sflag:s26], $0x6400  }
.Ltmp4:
0x131: {  	[sflag:s26] =	ssyncset.done $0x0;
	(pc) =	sbr.rel @p0 .LBB2_1-.Ltmp4, $4  }
0x132: {  	[sflag:s26] =	ssyncadd.s32 $0xFFFF9C00  }
0x133: {  	_ =	swait.ge [sflag:s21], $0x6400  }
0x134: {  	[sflag:s21] =	ssyncset.done $0x0  }
0x135: {  	[sflag:s21] =	ssyncadd.s32 $0xFFFF9C00  }
0x136: {  	_ =	sfence.sel $0x180000  }
0x137: {  	[bflag:$0x0] =	sbarrier.arrive $0xFFFF  }
0x138: {  	_ =	strace $0x90000047  }
0x139: {  	s0 =	stileid.u32;
	[bflag:$0x2] =	sbarrier.arrive $0xFFFF  }
0x13a: {  	p0 =	sne.s32 s0, $0x0;
	s0 =	rddreg [dreg:$0x2]  }
0x13b: {  	s0 =	sadd.s32 @!p0 $0x100000, s0  }
0x13c: {  	[sflag:s0] =	ssyncadd.tile.s32 @!p0 $0x1;
	_ =	shalt  }
.Lfunc_end2:
_tile_overlayer_lowered:
.L_overlay_start_2:
0x13d: {  	(tag) =	ssettag $0x2  }
0x13e: {  	s0 =	rddreg [dreg:$0x0];
	s2 =	stileid.u32  }
0x13f: {  	s1 =	rddreg [dreg:$0x1];
	p0 =	sne.s32 s2, $0x0  }
0x140: {  	s3 =	rddreg [dreg:$0x2];
	[bflag:$0x3] =	sbarrier.arrive $0xFFFF;
	s2 =	simm.s32 @!p0 $0x1C05  }
0x141: {  	[timem:s3], [sflag:s2] =	dma.local @!p0 [hbm:s0], s1  }
0x142: {  	s0 =	simm.s32 @!p0 $0x5  }
0x143: {  	_ =	swait.ge @!p0 [sflag:s0], s1  }
0x144: {  	s1 =	ssub.s32 @!p0 $0x0, s1;
	[sflag:s0] =	ssyncset.done @!p0 $0x0  }
0x145: {  	[sflag:s0] =	ssyncadd.s32 @!p0 s1  }
0x146: {  	[bflag:$0x3] =	sbarrier.arrive $0xFFFF  }
0x147: {  	_ =	shalt  }

</sc_bundles>
